<compile_context>
chip_gen: v7x
topology: tpu7x:2x2x1
jax: 0.10.2.dev20260603
libtpu: 0.0.44.dev20260713+nightly
codegen_flags: <defaults>
</compile_context>

<pallas_src>
import functools

import jax
import jax.numpy as jnp
from jax import lax
from jax.experimental import pallas as pl
from jax.experimental.pallas import tpu as pltpu
from jax.experimental.pallas import tpu_sc as plsc

_N = 10000
_E = 320000
_D = 128
_DE = 16
_L = 5

_NC = 2
_NS = 16
_NW = _NC * _NS
_EPT = _E // _NW
_CH = 80
_NCHUNK = _EPT // _CH
_NP = 10240
_SPT = _NP // _NS
_LAST = _N - (_NS - 1) * _SPT

_mesh = plsc.VectorSubcoreMesh(core_axis_name="c", subcore_axis_name="s")

_f32 = jnp.float32
_i32 = jnp.int32


def _hi(a):
    return a.astype(jnp.bfloat16).astype(_f32)


def _hi_host(a):
    i = lax.bitcast_convert_type(a, _i32)
    r = (i + 0x7FFF + ((i >> 16) & 1)) & jnp.int32(-65536)
    return lax.bitcast_convert_type(r, _f32)


def _hi_vec(x):
    i = plsc.bitcast(x, _i32)
    r = (i + 0x7FFF + ((i >> 16) & 1)) & jnp.int32(-65536)
    return plsc.bitcast(r, _f32)


def _dot(a, b):
    return jnp.dot(a, b, preferred_element_type=_f32,
                   precision=lax.Precision.HIGHEST)



@functools.partial(
    pl.kernel,
    out_type=(jax.ShapeDtypeStruct((_NC, _N, _DE), _f32),
              jax.ShapeDtypeStruct((_NC, _N, _DE), _f32)),
    mesh=_mesh,
    scratch_types=[
        pltpu.VMEM((_EPT,), _i32),
        pltpu.VMEM((_EPT,), _i32),
        pltpu.VMEM((_CH, _DE), _f32),
        pltpu.VMEM((_CH, _DE), _f32),
        pltpu.VMEM((_CH, _DE), _f32),
        pltpu.VMEM((_CH, _DE), _f32),
        pltpu.VMEM((_CH, _DE), _f32),
        pltpu.VMEM((_CH, _DE), _f32),
        pltpu.VMEM((_CH, _DE), _f32),
        pltpu.VMEM_SHARED((_NP, _DE), _f32),
        pltpu.VMEM_SHARED((_NP, _DE), _f32),
        pltpu.SemaphoreType.DMA,
        pltpu.SemaphoreType.DMA,
        pltpu.SemaphoreType.DMA,
        pltpu.SemaphoreType.DMA,
        pltpu.SemaphoreType.DMA,
        pltpu.SemaphoreType.DMA,
    ],
    compiler_params=pltpu.CompilerParams(use_tc_tiling_on_sc=False,
                                         needs_layout_passes=False),
)
def _sc_precompute(p_hbm, eah_hbm, src_hbm, dst_hbm, z16_hbm,
                   outsq_hbm, outea_hbm,
                   src_v, dst_v, ps_a, ps_b, pd_a, pd_b, ea_a, ea_b, stage,
                   accsq, accea,
                   sps_a, sps_b, spd_a, spd_b, sea_a, sea_b):
    c = lax.axis_index("c")
    s = lax.axis_index("s")
    w = c * _NS + s
    ebase = pl.multiple_of(w * _EPT, 8)
    pltpu.sync_copy(src_hbm.at[pl.ds(ebase, _EPT)], src_v)
    pltpu.sync_copy(dst_hbm.at[pl.ds(ebase, _EPT)], dst_v)
    pltpu.sync_copy(z16_hbm, accsq.at[pl.ds(s * _SPT, _SPT)])
    pltpu.sync_copy(z16_hbm, accea.at[pl.ds(s * _SPT, _SPT)])
    const_row = jnp.where(lax.iota(_i32, 16) == 1, 1.0, 0.0).astype(_f32)
    for r in range(_CH):
        stage[r, :] = const_row
    plsc.subcore_barrier()

    def fetch(i, psb, pss, pdb, pds, eab, eas):
        idx = src_v.at[pl.ds(i * _CH, _CH)]
        idxd = dst_v.at[pl.ds(i * _CH, _CH)]
        pltpu.async_copy(p_hbm.at[idx], psb, pss)
        pltpu.async_copy(p_hbm.at[idxd], pdb, pds)
        base = pl.multiple_of(ebase + i * _CH, 8)
        pltpu.async_copy(eah_hbm.at[pl.ds(base, _CH)], eab, eas)

    def wait(psb, pss, pdb, pds, eab, eas):
        pltpu.make_async_copy(p_hbm.at[src_v.at[pl.ds(0, _CH)]], psb, pss).wait()
        pltpu.make_async_copy(p_hbm.at[src_v.at[pl.ds(0, _CH)]], pdb, pds).wait()
        pltpu.make_async_copy(eah_hbm.at[pl.ds(0, _CH)], eab, eas).wait()

    def compute_sq(psb, pdb):
        for g in range(_CH // 16):
            rows = lax.iota(_i32, 16) + 16 * g
            col = lambda j: jnp.zeros((16,), _i32) + j
            ld = lambda buf, j: plsc.load_gather(buf, [rows, col(j)])
            dx = ld(psb, 0) - ld(pdb, 0)
            dy = ld(psb, 1) - ld(pdb, 1)
            dz = ld(psb, 2) - ld(pdb, 2)
            sq = (dx * dx + dy * dy) + dz * dz
            plsc.store_scatter(stage, [rows, col(0)], _hi_vec(sq))

    def scatter(i, eab):
        idxd = dst_v.at[pl.ds(i * _CH, _CH)]
        pltpu.sync_copy(stage, accsq.at[idxd], add=True)
        pltpu.sync_copy(eab, accea.at[idxd], add=True)

    fetch(0, ps_a, sps_a, pd_a, spd_a, ea_a, sea_a)

    def body(j, carry):
        i0 = j * 2
        fetch(i0 + 1, ps_b, sps_b, pd_b, spd_b, ea_b, sea_b)
        wait(ps_a, sps_a, pd_a, spd_a, ea_a, sea_a)
        compute_sq(ps_a, pd_a)
        scatter(i0, ea_a)
        fetch(i0 + 2, ps_a, sps_a, pd_a, spd_a, ea_a, sea_a)
        wait(ps_b, sps_b, pd_b, spd_b, ea_b, sea_b)
        compute_sq(ps_b, pd_b)
        scatter(i0 + 1, ea_b)
        return carry

    lax.fori_loop(0, (_NCHUNK - 1) // 2, body, 0)
    wait(ps_a, sps_a, pd_a, spd_a, ea_a, sea_a)
    compute_sq(ps_a, pd_a)
    scatter(_NCHUNK - 1, ea_a)
    plsc.subcore_barrier()

    @pl.when(s < _NS - 1)
    def _():
        pltpu.sync_copy(accsq.at[pl.ds(s * _SPT, _SPT)],
                        outsq_hbm.at[c, pl.ds(s * _SPT, _SPT)])
        pltpu.sync_copy(accea.at[pl.ds(s * _SPT, _SPT)],
                        outea_hbm.at[c, pl.ds(s * _SPT, _SPT)])

    @pl.when(s == _NS - 1)
    def _():
        pltpu.sync_copy(accsq.at[pl.ds((_NS - 1) * _SPT, _LAST)],
                        outsq_hbm.at[c, pl.ds((_NS - 1) * _SPT, _LAST)])
        pltpu.sync_copy(accea.at[pl.ds((_NS - 1) * _SPT, _LAST)],
                        outea_hbm.at[c, pl.ds((_NS - 1) * _SPT, _LAST)])


@functools.partial(
    pl.kernel,
    out_type=jax.ShapeDtypeStruct((_NC, _N, _D), _f32),
    mesh=_mesh,
    scratch_types=[
        pltpu.VMEM((_EPT,), _i32),
        pltpu.VMEM((_EPT,), _i32),
        pltpu.VMEM((_CH, _D), _f32),
        pltpu.VMEM((_CH, _D), _f32),
        pltpu.VMEM_SHARED((_NP, _D), _f32),
        pltpu.SemaphoreType.DMA,
        pltpu.SemaphoreType.DMA,
    ],
)
def _sc_spmm(t_hbm, src_hbm, dst_hbm, z128_hbm, out_hbm,
             src_v, dst_v, rows_a, rows_b, acc, sem_a, sem_b):
    c = lax.axis_index("c")
    s = lax.axis_index("s")
    w = c * _NS + s
    ebase = pl.multiple_of(w * _EPT, 8)
    pltpu.sync_copy(src_hbm.at[pl.ds(ebase, _EPT)], src_v)
    pltpu.sync_copy(dst_hbm.at[pl.ds(ebase, _EPT)], dst_v)
    pltpu.sync_copy(z128_hbm, acc.at[pl.ds(s * _SPT, _SPT)])
    plsc.subcore_barrier()

    def gather(i, buf, sem):
        return pltpu.async_copy(
            t_hbm.at[src_v.at[pl.ds(i * _CH, _CH)]], buf, sem)

    def wait(buf, sem):
        pltpu.make_async_copy(
            t_hbm.at[src_v.at[pl.ds(0, _CH)]], buf, sem).wait()

    def scatter(i, buf):
        pltpu.sync_copy(buf, acc.at[dst_v.at[pl.ds(i * _CH, _CH)]], add=True)

    gather(0, rows_a, sem_a)

    def body(j, carry):
        i0 = j * 2
        gather(i0 + 1, rows_b, sem_b)
        wait(rows_a, sem_a)
        scatter(i0, rows_a)
        gather(i0 + 2, rows_a, sem_a)
        wait(rows_b, sem_b)
        scatter(i0 + 1, rows_b)
        return carry

    lax.fori_loop(0, (_NCHUNK - 1) // 2, body, 0)
    wait(rows_a, sem_a)
    scatter(_NCHUNK - 1, rows_a)
    plsc.subcore_barrier()

    @pl.when(s < _NS - 1)
    def _():
        pltpu.sync_copy(acc.at[pl.ds(s * _SPT, _SPT)],
                        out_hbm.at[c, pl.ds(s * _SPT, _SPT)])

    @pl.when(s == _NS - 1)
    def _():
        pltpu.sync_copy(acc.at[pl.ds((_NS - 1) * _SPT, _LAST)],
                        out_hbm.at[c, pl.ds((_NS - 1) * _SPT, _LAST)])



_R = 1000
_G = _N // _R


def _tc_pre_body(x_ref, pos_ref, w_ref, b_ref, h_ref, t_ref, p_ref):
    h = jnp.maximum(_dot(_hi(x_ref[...]), w_ref[...]) + b_ref[...], 0.0)
    h_ref[...] = h
    t_ref[...] = _hi(h)
    pos = pos_ref[...]
    q = jnp.sum(pos * pos, axis=1, keepdims=True)
    one = jnp.ones_like(q)
    zer = jnp.zeros((pos.shape[0], 6), _f32)
    p_ref[...] = jnp.concatenate([pos, q, one, zer], axis=1)


def _tc_pre(x, pos_pad, w_in_h, b_in):
    return pl.pallas_call(
        _tc_pre_body,
        grid=(_G,),
        in_specs=[
            pl.BlockSpec((_R, _D), lambda i: (i, 0)),
            pl.BlockSpec((_R, 8), lambda i: (i, 0)),
            pl.BlockSpec((_D, _D), lambda i: (0, 0)),
            pl.BlockSpec((1, _D), lambda i: (0, 0)),
        ],
        out_specs=[
            pl.BlockSpec((_R, _D), lambda i: (i, 0)),
            pl.BlockSpec((_R, _D), lambda i: (i, 0)),
            pl.BlockSpec((_R, _DE), lambda i: (i, 0)),
        ],
        out_shape=[jax.ShapeDtypeStruct((_N, _D), _f32),
                   jax.ShapeDtypeStruct((_N, _D), _f32),
                   jax.ShapeDtypeStruct((_N, _DE), _f32)],
    )(x, pos_pad, w_in_h, b_in)


def _tc_layer_body(h_ref, sp_ref, asq_ref, aea_ref,
                   wa_ref, wb_ref, we_ref, wd_ref, bpre_ref,
                   wpost_ref, bpost_ref, out_ref, t_ref):
    h = h_ref[...]
    s = sp_ref[0] + sp_ref[1]
    asq = asq_ref[0] + asq_ref[1]
    eah = aea_ref[0] + aea_ref[1]
    ssh = asq[:, 0:1]
    deg = asq[:, 1:2]
    m = (_dot(s, wa_ref[...])
         + _dot(deg * _hi(h), wb_ref[...])
         + _dot(eah, we_ref[...])
         + ssh * wd_ref[...]
         + deg * bpre_ref[...])
    cat = jnp.concatenate([h, m], axis=1)
    hn = h + _dot(_hi(cat), wpost_ref[...]) + bpost_ref[...]
    out_ref[...] = hn
    t_ref[...] = _hi(hn)


def _tc_layer(h, sp, accsq, accea, wa, wb, we, wd, bpre, wpost, bpost):
    full = lambda r, c: pl.BlockSpec((r, c), lambda i: (0, 0))
    return pl.pallas_call(
        _tc_layer_body,
        grid=(_G,),
        in_specs=[
            pl.BlockSpec((_R, _D), lambda i: (i, 0)),
            pl.BlockSpec((_NC, _R, _D), lambda i: (0, i, 0)),
            pl.BlockSpec((_NC, _R, _DE), lambda i: (0, i, 0)),
            pl.BlockSpec((_NC, _R, _DE), lambda i: (0, i, 0)),
            full(_D, _D), full(_D, _D), full(_DE, _D), full(1, _D), full(1, _D),
            full(2 * _D, _D), full(1, _D),
        ],
        out_specs=[pl.BlockSpec((_R, _D), lambda i: (i, 0)),
                   pl.BlockSpec((_R, _D), lambda i: (i, 0))],
        out_shape=[jax.ShapeDtypeStruct((_N, _D), _f32),
                   jax.ShapeDtypeStruct((_N, _D), _f32)],
    )(h, sp, accsq, accea, wa, wb, we, wd, bpre, wpost, bpost)


def _tc_readout_body(h_ref, w1_ref, b1_ref, w2t_ref, b2_ref, out_ref):
    h = h_ref[...]
    mean = jnp.mean(h, axis=0, keepdims=True)
    mx = jnp.max(h, axis=0, keepdims=True)
    mm = jnp.concatenate([mean, mx], axis=1)
    z = jnp.maximum(_dot(_hi(mm), w1_ref[...]) + b1_ref[...], 0.0)
    out_ref[...] = jnp.sum(_hi(z) * w2t_ref[...], axis=1, keepdims=True) + b2_ref[...]


def _tc_readout(h, w1_h, b1, w2t_h, b2):
    return pl.pallas_call(
        _tc_readout_body,
        out_shape=jax.ShapeDtypeStruct((1, 1), _f32),
    )(h, w1_h, b1, w2t_h, b2)



def kernel(x, pos, edge_index, edge_attr, W_in, b_in, W_pre, b_pre,
           W_post, b_post, W_r1, b_r1, W_r2, b_r2):
    src = edge_index[0]
    dst = edge_index[1]
    pos_pad = jnp.pad(pos, ((0, 0), (0, 5)))
    z16 = jnp.zeros((_SPT, _DE), _f32)
    z128 = jnp.zeros((_SPT, _D), _f32)
    ea_h = _hi_host(edge_attr)

    h, t, p = _tc_pre(x, pos_pad, _hi_host(W_in), b_in.reshape(1, _D))
    accsq, accea = _sc_precompute(p, ea_h, src, dst, z16)

    for l in range(_L):
        sp = _sc_spmm(t, src, dst, z128)
        h, t = _tc_layer(
            h, sp, accsq, accea,
            _hi_host(W_pre[l, :_D]), _hi_host(W_pre[l, _D:2 * _D]),
            _hi_host(W_pre[l, 2 * _D:2 * _D + _DE]),
            _hi_host(W_pre[l, 2 * _D + _DE:]),
            b_pre[l].reshape(1, _D),
            _hi_host(W_post[l]), b_post[l].reshape(1, _D))

    return _tc_readout(h, _hi_host(W_r1), b_r1.reshape(1, _D),
                       _hi_host(W_r2.reshape(1, _D)), b_r2.reshape(1, 1))

# --- scband reference (transcript-rebuilt; emitter-appended) ---
"""Pipeline reference for scband-mpnn3-d-5214090297737 (READ-ONLY COPY).

The authoritative reference and input builder live on the scoring server;
editing this copy changes nothing except your own understanding.
"""

import jax, jax.numpy as jnp
import numpy as np

N = 10000
E = 320000
D = 128
DE = 16
L = 5
T = 1


def setup_inputs(seed: int = 0) -> dict:
    key = jax.random.key(seed)
    ks = jax.random.split(key, 14)
    x = jax.random.normal(ks[0], (N, D), dtype=jnp.float32)
    pos = jax.random.normal(ks[1], (N, 3), dtype=jnp.float32)
    edge_index = jax.random.randint(ks[2], (2, E), 0, N)
    edge_attr = jax.random.normal(ks[3], (E, DE), dtype=jnp.float32)
    s = 0.05
    # node_input_net: MLP layers=1 -> single Linear(D, D)
    W_in = jax.random.normal(ks[4], (D, D), dtype=jnp.float32) * s
    b_in = jnp.zeros((D,), dtype=jnp.float32)
    # per-MP-layer pretrans: Linear(2*D + DE + 1, D); posttrans: Linear(2*D, D)
    W_pre = jax.random.normal(ks[5], (L, 2 * D + DE + 1, D), dtype=jnp.float32) * s
    b_pre = jnp.zeros((L, D), dtype=jnp.float32)
    W_post = jax.random.normal(ks[6], (L, 2 * D, D), dtype=jnp.float32) * s
    b_post = jnp.zeros((L, D), dtype=jnp.float32)
    # readout MLP: layers=2 -> Linear(2*D, 128) + relu + Linear(128, T)
    W_r1 = jax.random.normal(ks[7], (2 * D, 128), dtype=jnp.float32) * s
    b_r1 = jnp.zeros((128,), dtype=jnp.float32)
    W_r2 = jax.random.normal(ks[8], (128, T), dtype=jnp.float32) * s
    b_r2 = jnp.zeros((T,), dtype=jnp.float32)
    return {"x": x, "pos": pos, "edge_index": edge_index, "edge_attr": edge_attr,
            "W_in": W_in, "b_in": b_in, "W_pre": W_pre, "b_pre": b_pre,
            "W_post": W_post, "b_post": b_post, "W_r1": W_r1, "b_r1": b_r1,
            "W_r2": W_r2, "b_r2": b_r2}


def reference(x, pos, edge_index, edge_attr, W_in, b_in, W_pre, b_pre,
              W_post, b_post, W_r1, b_r1, W_r2, b_r2):
    src = edge_index[0]
    dst = edge_index[1]
    # input_node_func: relu(node_input_net(feat)); MLP last_activation='none'
    h = jax.nn.relu(x @ W_in + b_in)
    for l in range(L):
        h_in = h
        # message_function: squared 3D distance between src and dst positions
        sqd = jnp.sum((pos[src] - pos[dst]) ** 2, axis=-1, keepdims=True)
        msg_in = jnp.concatenate([h[src], h[dst], edge_attr, sqd], axis=-1)
        # pretrans MLP (pretrans_layers=1, last_activation='none')
        m = msg_in @ W_pre[l] + b_pre[l]
        # reduce: fn.sum over incoming edges at dst
        m_sum = jax.ops.segment_sum(m, dst, num_segments=N)
        # posttrans MLP (posttrans_layers=1, last_activation='none') + residual
        h = jnp.concatenate([h, m_sum], axis=-1) @ W_post[l] + b_post[l]
        h = h + h_in
    # single-graph readout: dgl.mean_nodes / dgl.max_nodes -> [1, D]
    mean_nodes = jnp.mean(h, axis=0)
    max_nodes = jnp.max(h, axis=0)
    mean_max = jnp.concatenate([mean_nodes, max_nodes], axis=-1)[None, :]
    out = jax.nn.relu(mean_max @ W_r1 + b_r1) @ W_r2 + b_r2
    return out

if __name__ == "__main__":
    import jax
    _d = setup_inputs()
    print(jax.jit(kernel)(*tuple(_d.values())))

</pallas_src>

<mosaic_0001>
#map = affine_map<(d0, d1) -> (0, 0)>
#map1 = affine_map<(d0, d1) -> (0)>
#map2 = affine_map<(d0, d1) -> (0, 0, 0)>
module attributes {stable_mosaic.version = 14 : i64} {
  func.func @_sc_precompute(%arg0: i32, %arg1: i32, %arg2: memref<10000x16xf32, #tpu.memory_space<hbm>>, %arg3: memref<320000x16xf32, #tpu.memory_space<hbm>>, %arg4: memref<320000xi32, #tpu.memory_space<hbm>>, %arg5: memref<320000xi32, #tpu.memory_space<hbm>>, %arg6: memref<640x16xf32, #tpu.memory_space<hbm>>, %arg7: memref<2x10000x16xf32, #tpu.memory_space<hbm>>, %arg8: memref<2x10000x16xf32, #tpu.memory_space<hbm>>, %arg9: memref<10000xi32, #tpu.memory_space<vmem>>, %arg10: memref<10000xi32, #tpu.memory_space<vmem>>, %arg11: memref<80x16xf32, #tpu.memory_space<vmem>>, %arg12: memref<80x16xf32, #tpu.memory_space<vmem>>, %arg13: memref<80x16xf32, #tpu.memory_space<vmem>>, %arg14: memref<80x16xf32, #tpu.memory_space<vmem>>, %arg15: memref<80x16xf32, #tpu.memory_space<vmem>>, %arg16: memref<80x16xf32, #tpu.memory_space<vmem>>, %arg17: memref<80x16xf32, #tpu.memory_space<vmem>>, %arg18: memref<10240x16xf32, #tpu.memory_space<vmem_shared>>, %arg19: memref<10240x16xf32, #tpu.memory_space<vmem_shared>>, %arg20: memref<!tpu.dma_semaphore, #tpu.memory_space<semaphore_mem>>, %arg21: memref<!tpu.dma_semaphore, #tpu.memory_space<semaphore_mem>>, %arg22: memref<!tpu.dma_semaphore, #tpu.memory_space<semaphore_mem>>, %arg23: memref<!tpu.dma_semaphore, #tpu.memory_space<semaphore_mem>>, %arg24: memref<!tpu.dma_semaphore, #tpu.memory_space<semaphore_mem>>, %arg25: memref<!tpu.dma_semaphore, #tpu.memory_space<semaphore_mem>>) attributes {dimension_semantics = [#tpu.dimension_semantics<core_parallel>, #tpu.dimension_semantics<subcore_parallel>], iteration_bounds = array<i64: 2, 16>, scalar_prefetch = 0 : i64, scratch_operands = 17 : i64, tpu.core_type = #tpu.core_type<sc_vector_subcore>, window_params = [{transform_indices = #map}, {transform_indices = #map}, {transform_indices = #map1}, {transform_indices = #map1}, {transform_indices = #map}, {transform_indices = #map2}, {transform_indices = #map2}]} {
    %mul3A = arith.constant 16 : i32
    %mul3A_0 = arith.muli %arg0, %mul3A : i32
    %add3A = arith.addi %mul3A_0, %arg1 : i32
    %mul3A_1 = arith.constant 10000 : i32
    %mul3A_2 = arith.muli %add3A, %mul3A_1 : i32
    %multiple_of3A = tpu.assume_multiple %mul3A_2, 8 : i32
    "tpu.region"() ({
      %run_scoped3A = tpu.sem_alloc : memref<!tpu.dma_semaphore, #tpu.memory_space<semaphore_mem>>
      %dma_start3A_709 = tpu.memref_slice %arg4[%multiple_of3A] : memref<320000xi32, #tpu.memory_space<hbm>> -> memref<10000xi32, #tpu.memory_space<hbm>>
      %dma_start3A_710 = tpu.memref_slice %arg4[%multiple_of3A] : memref<320000xi32, #tpu.memory_space<hbm>> -> memref<10000xi32, #tpu.memory_space<hbm>>
      tpu.enqueue_dma source(%dma_start3A_710 : memref<10000xi32, #tpu.memory_space<hbm>>) target(%arg9 : memref<10000xi32, #tpu.memory_space<vmem>>) target_semaphore(%run_scoped3A : memref<!tpu.dma_semaphore, #tpu.memory_space<semaphore_mem>>)
      %dma_wait3A_711 = tpu.memref_slice %arg4[%multiple_of3A] : memref<320000xi32, #tpu.memory_space<hbm>> -> memref<10000xi32, #tpu.memory_space<hbm>>
      %dma_wait3A_712 = tpu.memref_slice %arg4[%multiple_of3A] : memref<320000xi32, #tpu.memory_space<hbm>> -> memref<10000xi32, #tpu.memory_space<hbm>>
      tpu.wait_dma2 semaphore(%run_scoped3A : memref<!tpu.dma_semaphore, #tpu.memory_space<semaphore_mem>>) src(%dma_wait3A_712 : memref<10000xi32, #tpu.memory_space<hbm>>) dst(%arg9 : memref<10000xi32, #tpu.memory_space<vmem>>)
      tpu.yield
    }) : () -> ()
    "tpu.region"() ({
      %run_scoped3A = tpu.sem_alloc : memref<!tpu.dma_semaphore, #tpu.memory_space<semaphore_mem>>
      %dma_start3A_709 = tpu.memref_slice %arg5[%multiple_of3A] : memref<320000xi32, #tpu.memory_space<hbm>> -> memref<10000xi32, #tpu.memory_space<hbm>>
      %dma_start3A_710 = tpu.memref_slice %arg5[%multiple_of3A] : memref<320000xi32, #tpu.memory_space<hbm>> -> memref<10000xi32, #tpu.memory_space<hbm>>
      tpu.enqueue_dma source(%dma_start3A_710 : memref<10000xi32, #tpu.memory_space<hbm>>) target(%arg10 : memref<10000xi32, #tpu.memory_space<vmem>>) target_semaphore(%run_scoped3A : memref<!tpu.dma_semaphore, #tpu.memory_space<semaphore_mem>>)
      %dma_wait3A_711 = tpu.memref_slice %arg5[%multiple_of3A] : memref<320000xi32, #tpu.memory_space<hbm>> -> memref<10000xi32, #tpu.memory_space<hbm>>
      %dma_wait3A_712 = tpu.memref_slice %arg5[%multiple_of3A] : memref<320000xi32, #tpu.memory_space<hbm>> -> memref<10000xi32, #tpu.memory_space<hbm>>
      tpu.wait_dma2 semaphore(%run_scoped3A : memref<!tpu.dma_semaphore, #tpu.memory_space<semaphore_mem>>) src(%dma_wait3A_712 : memref<10000xi32, #tpu.memory_space<hbm>>) dst(%arg10 : memref<10000xi32, #tpu.memory_space<vmem>>)
      tpu.yield
    }) : () -> ()
    %mul3A_3 = arith.constant 640 : i32
    %mul3A_4 = arith.muli %arg1, %mul3A_3 : i32
    "tpu.region"() ({
      %run_scoped3A = tpu.sem_alloc : memref<!tpu.dma_semaphore, #tpu.memory_space<semaphore_mem>>
      %dma_start3A_709 = arith.constant 0 : i32
      %dma_start3A_710 = tpu.memref_slice %arg18[%mul3A_4, %dma_start3A_709] : memref<10240x16xf32, #tpu.memory_space<vmem_shared>> -> memref<640x16xf32, #tpu.memory_space<vmem_shared>>
      tpu.enqueue_dma source(%arg6 : memref<640x16xf32, #tpu.memory_space<hbm>>) target(%dma_start3A_710 : memref<640x16xf32, #tpu.memory_space<vmem_shared>>) target_semaphore(%run_scoped3A : memref<!tpu.dma_semaphore, #tpu.memory_space<semaphore_mem>>)
      %dma_wait3A_711 = arith.constant 0 : i32
      %dma_wait3A_712 = tpu.memref_slice %arg18[%mul3A_4, %dma_wait3A_711] : memref<10240x16xf32, #tpu.memory_space<vmem_shared>> -> memref<640x16xf32, #tpu.memory_space<vmem_shared>>
      tpu.wait_dma2 semaphore(%run_scoped3A : memref<!tpu.dma_semaphore, #tpu.memory_space<semaphore_mem>>) src(%arg6 : memref<640x16xf32, #tpu.memory_space<hbm>>) dst(%dma_wait3A_712 : memref<640x16xf32, #tpu.memory_space<vmem_shared>>)
      tpu.yield
    }) : () -> ()
    %mul3A_5 = arith.constant 640 : i32
    %mul3A_6 = arith.muli %arg1, %mul3A_5 : i32
    "tpu.region"() ({
      %run_scoped3A = tpu.sem_alloc : memref<!tpu.dma_semaphore, #tpu.memory_space<semaphore_mem>>
      %dma_start3A_709 = arith.constant 0 : i32
      %dma_start3A_710 = tpu.memref_slice %arg19[%mul3A_6, %dma_start3A_709] : memref<10240x16xf32, #tpu.memory_space<vmem_shared>> -> memref<640x16xf32, #tpu.memory_space<vmem_shared>>
      tpu.enqueue_dma source(%arg6 : memref<640x16xf32, #tpu.memory_space<hbm>>) target(%dma_start3A_710 : memref<640x16xf32, #tpu.memory_space<vmem_shared>>) target_semaphore(%run_scoped3A : memref<!tpu.dma_semaphore, #tpu.memory_space<semaphore_mem>>)
      %dma_wait3A_711 = arith.constant 0 : i32
      %dma_wait3A_712 = tpu.memref_slice %arg19[%mul3A_6, %dma_wait3A_711] : memref<10240x16xf32, #tpu.memory_space<vmem_shared>> -> memref<640x16xf32, #tpu.memory_space<vmem_shared>>
      tpu.wait_dma2 semaphore(%run_scoped3A : memref<!tpu.dma_semaphore, #tpu.memory_space<semaphore_mem>>) src(%arg6 : memref<640x16xf32, #tpu.memory_space<hbm>>) dst(%dma_wait3A_712 : memref<640x16xf32, #tpu.memory_space<vmem_shared>>)
      tpu.yield
    }) : () -> ()
    %iota3A = tpu.iota {dimensions = array<i32: 0>} : vector<16xi32>
    %eq3A = arith.constant 1 : i32
    %eq3A_7 = vector.broadcast %eq3A : i32 to vector<16xi32>
    %eq3A_8 = arith.cmpi eq, %iota3A, %eq3A_7 : vector<16xi32>
    %jit3A = arith.constant 1.000000e+00 : f32
    %jit3A_9 = arith.constant 0.000000e+00 : f32
    %broadcast_in_dim3A = vector.broadcast %jit3A : f32 to vector<16xf32>
    %broadcast_in_dim3A_10 = vector.broadcast %jit3A_9 : f32 to vector<16xf32>
    %select_n3A = arith.select %eq3A_8, %broadcast_in_dim3A, %broadcast_in_dim3A_10 : vector<16xi1>, vector<16xf32>
    %swap3A = arith.constant 0 : i32
    %swap3A_11 = arith.index_cast %swap3A : i32 to index
    %swap3A_12 = arith.constant 0 : index
    %swap3A_13 = tpu.vector_load %arg17[%swap3A_11, %swap3A_12] {strides = array<i32>} : memref<80x16xf32, #tpu.memory_space<vmem>>, vector<16xf32>,
    tpu.vector_store %arg17[%swap3A_11, %swap3A_12], %select_n3A {strides = array<i32>} : memref<80x16xf32, #tpu.memory_space<vmem>>, vector<16xf32>,
    %swap3A_14 = arith.constant 1 : i32
    %swap3A_15 = arith.index_cast %swap3A_14 : i32 to index
    %swap3A_16 = arith.constant 0 : index
    %swap3A_17 = tpu.vector_load %arg17[%swap3A_15, %swap3A_16] {strides = array<i32>} : memref<80x16xf32, #tpu.memory_space<vmem>>, vector<16xf32>,
    tpu.vector_store %arg17[%swap3A_15, %swap3A_16], %select_n3A {strides = array<i32>} : memref<80x16xf32, #tpu.memory_space<vmem>>, vector<16xf32>,
    %swap3A_18 = arith.constant 2 : i32
    %swap3A_19 = arith.index_cast %swap3A_18 : i32 to index
    %swap3A_20 = arith.constant 0 : index
    %swap3A_21 = tpu.vector_load %arg17[%swap3A_19, %swap3A_20] {strides = array<i32>} : memref<80x16xf32, #tpu.memory_space<vmem>>, vector<16xf32>,
    tpu.vector_store %arg17[%swap3A_19, %swap3A_20], %select_n3A {strides = array<i32>} : memref<80x16xf32, #tpu.memory_space<vmem>>, vector<16xf32>,
    %swap3A_22 = arith.constant 3 : i32
    %swap3A_23 = arith.index_cast %swap3A_22 : i32 to index
    %swap3A_24 = arith.constant 0 : index
    %swap3A_25 = tpu.vector_load %arg17[%swap3A_23, %swap3A_24] {strides = array<i32>} : memref<80x16xf32, #tpu.memory_space<vmem>>, vector<16xf32>,
    tpu.vector_store %arg17[%swap3A_23, %swap3A_24], %select_n3A {strides = array<i32>} : memref<80x16xf32, #tpu.memory_space<vmem>>, vector<16xf32>,
    %swap3A_26 = arith.constant 4 : i32
    %swap3A_27 = arith.index_cast %swap3A_26 : i32 to index
    %swap3A_28 = arith.constant 0 : index
    %swap3A_29 = tpu.vector_load %arg17[%swap3A_27, %swap3A_28] {strides = array<i32>} : memref<80x16xf32, #tpu.memory_space<vmem>>, vector<16xf32>,
    tpu.vector_store %arg17[%swap3A_27, %swap3A_28], %select_n3A {strides = array<i32>} : memref<80x16xf32, #tpu.memory_space<vmem>>, vector<16xf32>,
    %swap3A_30 = arith.constant 5 : i32
    %swap3A_31 = arith.index_cast %swap3A_30 : i32 to index
    %swap3A_32 = arith.constant 0 : index
    %swap3A_33 = tpu.vector_load %arg17[%swap3A_31, %swap3A_32] {strides = array<i32>} : memref<80x16xf32, #tpu.memory_space<vmem>>, vector<16xf32>,
    tpu.vector_store %arg17[%swap3A_31, %swap3A_32], %select_n3A {strides = array<i32>} : memref<80x16xf32, #tpu.memory_space<vmem>>, vector<16xf32>,
    %swap3A_34 = arith.constant 6 : i32
    %swap3A_35 = arith.index_cast %swap3A_34 : i32 to index
    %swap3A_36 = arith.constant 0 : index
    %swap3A_37 = tpu.vector_load %arg17[%swap3A_35, %swap3A_36] {strides = array<i32>} : memref<80x16xf32, #tpu.memory_space<vmem>>, vector<16xf32>,
    tpu.vector_store %arg17[%swap3A_35, %swap3A_36], %select_n3A {strides = array<i32>} : memref<80x16xf32, #tpu.memory_space<vmem>>, vector<16xf32>,
    %swap3A_38 = arith.constant 7 : i32
    %swap3A_39 = arith.index_cast %swap3A_38 : i32 to index
    %swap3A_40 = arith.constant 0 : index
    %swap3A_41 = tpu.vector_load %arg17[%swap3A_39, %swap3A_40] {strides = array<i32>} : memref<80x16xf32, #tpu.memory_space<vmem>>, vector<16xf32>,
    tpu.vector_store %arg17[%swap3A_39, %swap3A_40], %select_n3A {strides = array<i32>} : memref<80x16xf32, #tpu.memory_space<vmem>>, vector<16xf32>,
    %swap3A_42 = arith.constant 8 : i32
    %swap3A_43 = arith.index_cast %swap3A_42 : i32 to index
    %swap3A_44 = arith.constant 0 : index
    %swap3A_45 = tpu.vector_load %arg17[%swap3A_43, %swap3A_44] {strides = array<i32>} : memref<80x16xf32, #tpu.memory_space<vmem>>, vector<16xf32>,
    tpu.vector_store %arg17[%swap3A_43, %swap3A_44], %select_n3A {strides = array<i32>} : memref<80x16xf32, #tpu.memory_space<vmem>>, vector<16xf32>,
    %swap3A_46 = arith.constant 9 : i32
    %swap3A_47 = arith.index_cast %swap3A_46 : i32 to index
    %swap3A_48 = arith.constant 0 : index
    %swap3A_49 = tpu.vector_load %arg17[%swap3A_47, %swap3A_48] {strides = array<i32>} : memref<80x16xf32, #tpu.memory_space<vmem>>, vector<16xf32>,
    tpu.vector_store %arg17[%swap3A_47, %swap3A_48], %select_n3A {strides = array<i32>} : memref<80x16xf32, #tpu.memory_space<vmem>>, vector<16xf32>,
    %swap3A_50 = arith.constant 10 : i32
    %swap3A_51 = arith.index_cast %swap3A_50 : i32 to index
    %swap3A_52 = arith.constant 0 : index
    %swap3A_53 = tpu.vector_load %arg17[%swap3A_51, %swap3A_52] {strides = array<i32>} : memref<80x16xf32, #tpu.memory_space<vmem>>, vector<16xf32>,
    tpu.vector_store %arg17[%swap3A_51, %swap3A_52], %select_n3A {strides = array<i32>} : memref<80x16xf32, #tpu.memory_space<vmem>>, vector<16xf32>,
    %swap3A_54 = arith.constant 11 : i32
    %swap3A_55 = arith.index_cast %swap3A_54 : i32 to index
    %swap3A_56 = arith.constant 0 : index
    %swap3A_57 = tpu.vector_load %arg17[%swap3A_55, %swap3A_56] {strides = array<i32>} : memref<80x16xf32, #tpu.memory_space<vmem>>, vector<16xf32>,
    tpu.vector_store %arg17[%swap3A_55, %swap3A_56], %select_n3A {strides = array<i32>} : memref<80x16xf32, #tpu.memory_space<vmem>>, vector<16xf32>,
    %swap3A_58 = arith.constant 12 : i32
    %swap3A_59 = arith.index_cast %swap3A_58 : i32 to index
    %swap3A_60 = arith.constant 0 : index
    %swap3A_61 = tpu.vector_load %arg17[%swap3A_59, %swap3A_60] {strides = array<i32>} : memref<80x16xf32, #tpu.memory_space<vmem>>, vector<16xf32>,
    tpu.vector_store %arg17[%swap3A_59, %swap3A_60], %select_n3A {strides = array<i32>} : memref<80x16xf32, #tpu.memory_space<vmem>>, vector<16xf32>,
    %swap3A_62 = arith.constant 13 : i32
    %swap3A_63 = arith.index_cast %swap3A_62 : i32 to index
    %swap3A_64 = arith.constant 0 : index
    %swap3A_65 = tpu.vector_load %arg17[%swap3A_63, %swap3A_64] {strides = array<i32>} : memref<80x16xf32, #tpu.memory_space<vmem>>, vector<16xf32>,
    tpu.vector_store %arg17[%swap3A_63, %swap3A_64], %select_n3A {strides = array<i32>} : memref<80x16xf32, #tpu.memory_space<vmem>>, vector<16xf32>,
    %swap3A_66 = arith.constant 14 : i32
    %swap3A_67 = arith.index_cast %swap3A_66 : i32 to index
    %swap3A_68 = arith.constant 0 : index
    %swap3A_69 = tpu.vector_load %arg17[%swap3A_67, %swap3A_68] {strides = array<i32>} : memref<80x16xf32, #tpu.memory_space<vmem>>, vector<16xf32>,
    tpu.vector_store %arg17[%swap3A_67, %swap3A_68], %select_n3A {strides = array<i32>} : memref<80x16xf32, #tpu.memory_space<vmem>>, vector<16xf32>,
    %swap3A_70 = arith.constant 15 : i32
    %swap3A_71 = arith.index_cast %swap3A_70 : i32 to index
    %swap3A_72 = arith.constant 0 : index
    %swap3A_73 = tpu.vector_load %arg17[%swap3A_71, %swap3A_72] {strides = array<i32>} : memref<80x16xf32, #tpu.memory_space<vmem>>, vector<16xf32>,
    tpu.vector_store %arg17[%swap3A_71, %swap3A_72], %select_n3A {strides = array<i32>} : memref<80x16xf32, #tpu.memory_space<vmem>>, vector<16xf32>,
    %swap3A_74 = arith.constant 16 : i32
    %swap3A_75 = arith.index_cast %swap3A_74 : i32 to index
    %swap3A_76 = arith.constant 0 : index
    %swap3A_77 = tpu.vector_load %arg17[%swap3A_75, %swap3A_76] {strides = array<i32>} : memref<80x16xf32, #tpu.memory_space<vmem>>, vector<16xf32>,
    tpu.vector_store %arg17[%swap3A_75, %swap3A_76], %select_n3A {strides = array<i32>} : memref<80x16xf32, #tpu.memory_space<vmem>>, vector<16xf32>,
    %swap3A_78 = arith.constant 17 : i32
    %swap3A_79 = arith.index_cast %swap3A_78 : i32 to index
    %swap3A_80 = arith.constant 0 : index
    %swap3A_81 = tpu.vector_load %arg17[%swap3A_79, %swap3A_80] {strides = array<i32>} : memref<80x16xf32, #tpu.memory_space<vmem>>, vector<16xf32>,
    tpu.vector_store %arg17[%swap3A_79, %swap3A_80], %select_n3A {strides = array<i32>} : memref<80x16xf32, #tpu.memory_space<vmem>>, vector<16xf32>,
    %swap3A_82 = arith.constant 18 : i32
    %swap3A_83 = arith.index_cast %swap3A_82 : i32 to index
    %swap3A_84 = arith.constant 0 : index
    %swap3A_85 = tpu.vector_load %arg17[%swap3A_83, %swap3A_84] {strides = array<i32>} : memref<80x16xf32, #tpu.memory_space<vmem>>, vector<16xf32>,
    tpu.vector_store %arg17[%swap3A_83, %swap3A_84], %select_n3A {strides = array<i32>} : memref<80x16xf32, #tpu.memory_space<vmem>>, vector<16xf32>,
    %swap3A_86 = arith.constant 19 : i32
    %swap3A_87 = arith.index_cast %swap3A_86 : i32 to index
    %swap3A_88 = arith.constant 0 : index
    %swap3A_89 = tpu.vector_load %arg17[%swap3A_87, %swap3A_88] {strides = array<i32>} : memref<80x16xf32, #tpu.memory_space<vmem>>, vector<16xf32>,
    tpu.vector_store %arg17[%swap3A_87, %swap3A_88], %select_n3A {strides = array<i32>} : memref<80x16xf32, #tpu.memory_space<vmem>>, vector<16xf32>,
    %swap3A_90 = arith.constant 20 : i32
    %swap3A_91 = arith.index_cast %swap3A_90 : i32 to index
    %swap3A_92 = arith.constant 0 : index
    %swap3A_93 = tpu.vector_load %arg17[%swap3A_91, %swap3A_92] {strides = array<i32>} : memref<80x16xf32, #tpu.memory_space<vmem>>, vector<16xf32>,
    tpu.vector_store %arg17[%swap3A_91, %swap3A_92], %select_n3A {strides = array<i32>} : memref<80x16xf32, #tpu.memory_space<vmem>>, vector<16xf32>,
    %swap3A_94 = arith.constant 21 : i32
    %swap3A_95 = arith.index_cast %swap3A_94 : i32 to index
    %swap3A_96 = arith.constant 0 : index
    %swap3A_97 = tpu.vector_load %arg17[%swap3A_95, %swap3A_96] {strides = array<i32>} : memref<80x16xf32, #tpu.memory_space<vmem>>, vector<16xf32>,
    tpu.vector_store %arg17[%swap3A_95, %swap3A_96], %select_n3A {strides = array<i32>} : memref<80x16xf32, #tpu.memory_space<vmem>>, vector<16xf32>,
    %swap3A_98 = arith.constant 22 : i32
    %swap3A_99 = arith.index_cast %swap3A_98 : i32 to index
    %swap3A_100 = arith.constant 0 : index
    %swap3A_101 = tpu.vector_load %arg17[%swap3A_99, %swap3A_100] {strides = array<i32>} : memref<80x16xf32, #tpu.memory_space<vmem>>, vector<16xf32>,
    tpu.vector_store %arg17[%swap3A_99, %swap3A_100], %select_n3A {strides = array<i32>} : memref<80x16xf32, #tpu.memory_space<vmem>>, vector<16xf32>,
    %swap3A_102 = arith.constant 23 : i32
    %swap3A_103 = arith.index_cast %swap3A_102 : i32 to index
    %swap3A_104 = arith.constant 0 : index
    %swap3A_105 = tpu.vector_load %arg17[%swap3A_103, %swap3A_104] {strides = array<i32>} : memref<80x16xf32, #tpu.memory_space<vmem>>, vector<16xf32>,
    tpu.vector_store %arg17[%swap3A_103, %swap3A_104], %select_n3A {strides = array<i32>} : memref<80x16xf32, #tpu.memory_space<vmem>>, vector<16xf32>,
    %swap3A_106 = arith.constant 24 : i32
    %swap3A_107 = arith.index_cast %swap3A_106 : i32 to index
    %swap3A_108 = arith.constant 0 : index
    %swap3A_109 = tpu.vector_load %arg17[%swap3A_107, %swap3A_108] {strides = array<i32>} : memref<80x16xf32, #tpu.memory_space<vmem>>, vector<16xf32>,
    tpu.vector_store %arg17[%swap3A_107, %swap3A_108], %select_n3A {strides = array<i32>} : memref<80x16xf32, #tpu.memory_space<vmem>>, vector<16xf32>,
    %swap3A_110 = arith.constant 25 : i32
    %swap3A_111 = arith.index_cast %swap3A_110 : i32 to index
    %swap3A_112 = arith.constant 0 : index
    %swap3A_113 = tpu.vector_load %arg17[%swap3A_111, %swap3A_112] {strides = array<i32>} : memref<80x16xf32, #tpu.memory_space<vmem>>, vector<16xf32>,
    tpu.vector_store %arg17[%swap3A_111, %swap3A_112], %select_n3A {strides = array<i32>} : memref<80x16xf32, #tpu.memory_space<vmem>>, vector<16xf32>,
    %swap3A_114 = arith.constant 26 : i32
    %swap3A_115 = arith.index_cast %swap3A_114 : i32 to index
    %swap3A_116 = arith.constant 0 : index
    %swap3A_117 = tpu.vector_load %arg17[%swap3A_115, %swap3A_116] {strides = array<i32>} : memref<80x16xf32, #tpu.memory_space<vmem>>, vector<16xf32>,
    tpu.vector_store %arg17[%swap3A_115, %swap3A_116], %select_n3A {strides = array<i32>} : memref<80x16xf32, #tpu.memory_space<vmem>>, vector<16xf32>,
    %swap3A_118 = arith.constant 27 : i32
    %swap3A_119 = arith.index_cast %swap3A_118 : i32 to index
    %swap3A_120 = arith.constant 0 : index
    %swap3A_121 = tpu.vector_load %arg17[%swap3A_119, %swap3A_120] {strides = array<i32>} : memref<80x16xf32, #tpu.memory_space<vmem>>, vector<16xf32>,
    tpu.vector_store %arg17[%swap3A_119, %swap3A_120], %select_n3A {strides = array<i32>} : memref<80x16xf32, #tpu.memory_space<vmem>>, vector<16xf32>,
    %swap3A_122 = arith.constant 28 : i32
    %swap3A_123 = arith.index_cast %swap3A_122 : i32 to index
    %swap3A_124 = arith.constant 0 : index
    %swap3A_125 = tpu.vector_load %arg17[%swap3A_123, %swap3A_124] {strides = array<i32>} : memref<80x16xf32, #tpu.memory_space<vmem>>, vector<16xf32>,
    tpu.vector_store %arg17[%swap3A_123, %swap3A_124], %select_n3A {strides = array<i32>} : memref<80x16xf32, #tpu.memory_space<vmem>>, vector<16xf32>,
    %swap3A_126 = arith.constant 29 : i32
    %swap3A_127 = arith.index_cast %swap3A_126 : i32 to index
    %swap3A_128 = arith.constant 0 : index
    %swap3A_129 = tpu.vector_load %arg17[%swap3A_127, %swap3A_128] {strides = array<i32>} : memref<80x16xf32, #tpu.memory_space<vmem>>, vector<16xf32>,
    tpu.vector_store %arg17[%swap3A_127, %swap3A_128], %select_n3A {strides = array<i32>} : memref<80x16xf32, #tpu.memory_space<vmem>>, vector<16xf32>,
    %swap3A_130 = arith.constant 30 : i32
    %swap3A_131 = arith.index_cast %swap3A_130 : i32 to index
    %swap3A_132 = arith.constant 0 : index
    %swap3A_133 = tpu.vector_load %arg17[%swap3A_131, %swap3A_132] {strides = array<i32>} : memref<80x16xf32, #tpu.memory_space<vmem>>, vector<16xf32>,
    tpu.vector_store %arg17[%swap3A_131, %swap3A_132], %select_n3A {strides = array<i32>} : memref<80x16xf32, #tpu.memory_space<vmem>>, vector<16xf32>,
    %swap3A_134 = arith.constant 31 : i32
    %swap3A_135 = arith.index_cast %swap3A_134 : i32 to index
    %swap3A_136 = arith.constant 0 : index
    %swap3A_137 = tpu.vector_load %arg17[%swap3A_135, %swap3A_136] {strides = array<i32>} : memref<80x16xf32, #tpu.memory_space<vmem>>, vector<16xf32>,
    tpu.vector_store %arg17[%swap3A_135, %swap3A_136], %select_n3A {strides = array<i32>} : memref<80x16xf32, #tpu.memory_space<vmem>>, vector<16xf32>,
    %swap3A_138 = arith.constant 32 : i32
    %swap3A_139 = arith.index_cast %swap3A_138 : i32 to index
    %swap3A_140 = arith.constant 0 : index
    %swap3A_141 = tpu.vector_load %arg17[%swap3A_139, %swap3A_140] {strides = array<i32>} : memref<80x16xf32, #tpu.memory_space<vmem>>, vector<16xf32>,
    tpu.vector_store %arg17[%swap3A_139, %swap3A_140], %select_n3A {strides = array<i32>} : memref<80x16xf32, #tpu.memory_space<vmem>>, vector<16xf32>,
    %swap3A_142 = arith.constant 33 : i32
    %swap3A_143 = arith.index_cast %swap3A_142 : i32 to index
    %swap3A_144 = arith.constant 0 : index
    %swap3A_145 = tpu.vector_load %arg17[%swap3A_143, %swap3A_144] {strides = array<i32>} : memref<80x16xf32, #tpu.memory_space<vmem>>, vector<16xf32>,
    tpu.vector_store %arg17[%swap3A_143, %swap3A_144], %select_n3A {strides = array<i32>} : memref<80x16xf32, #tpu.memory_space<vmem>>, vector<16xf32>,
    %swap3A_146 = arith.constant 34 : i32
    %swap3A_147 = arith.index_cast %swap3A_146 : i32 to index
    %swap3A_148 = arith.constant 0 : index
    %swap3A_149 = tpu.vector_load %arg17[%swap3A_147, %swap3A_148] {strides = array<i32>} : memref<80x16xf32, #tpu.memory_space<vmem>>, vector<16xf32>,
    tpu.vector_store %arg17[%swap3A_147, %swap3A_148], %select_n3A {strides = array<i32>} : memref<80x16xf32, #tpu.memory_space<vmem>>, vector<16xf32>,
    %swap3A_150 = arith.constant 35 : i32
    %swap3A_151 = arith.index_cast %swap3A_150 : i32 to index
    %swap3A_152 = arith.constant 0 : index
    %swap3A_153 = tpu.vector_load %arg17[%swap3A_151, %swap3A_152] {strides = array<i32>} : memref<80x16xf32, #tpu.memory_space<vmem>>, vector<16xf32>,
    tpu.vector_store %arg17[%swap3A_151, %swap3A_152], %select_n3A {strides = array<i32>} : memref<80x16xf32, #tpu.memory_space<vmem>>, vector<16xf32>,
    %swap3A_154 = arith.constant 36 : i32
    %swap3A_155 = arith.index_cast %swap3A_154 : i32 to index
    %swap3A_156 = arith.constant 0 : index
    %swap3A_157 = tpu.vector_load %arg17[%swap3A_155, %swap3A_156] {strides = array<i32>} : memref<80x16xf32, #tpu.memory_space<vmem>>, vector<16xf32>,
    tpu.vector_store %arg17[%swap3A_155, %swap3A_156], %select_n3A {strides = array<i32>} : memref<80x16xf32, #tpu.memory_space<vmem>>, vector<16xf32>,
    %swap3A_158 = arith.constant 37 : i32
    %swap3A_159 = arith.index_cast %swap3A_158 : i32 to index
    %swap3A_160 = arith.constant 0 : index
    %swap3A_161 = tpu.vector_load %arg17[%swap3A_159, %swap3A_160] {strides = array<i32>} : memref<80x16xf32, #tpu.memory_space<vmem>>, vector<16xf32>,
    tpu.vector_store %arg17[%swap3A_159, %swap3A_160], %select_n3A {strides = array<i32>} : memref<80x16xf32, #tpu.memory_space<vmem>>, vector<16xf32>,
    %swap3A_162 = arith.constant 38 : i32
    %swap3A_163 = arith.index_cast %swap3A_162 : i32 to index
    %swap3A_164 = arith.constant 0 : index
    %swap3A_165 = tpu.vector_load %arg17[%swap3A_163, %swap3A_164] {strides = array<i32>} : memref<80x16xf32, #tpu.memory_space<vmem>>, vector<16xf32>,
    tpu.vector_store %arg17[%swap3A_163, %swap3A_164], %select_n3A {strides = array<i32>} : memref<80x16xf32, #tpu.memory_space<vmem>>, vector<16xf32>,
    %swap3A_166 = arith.constant 39 : i32
    %swap3A_167 = arith.index_cast %swap3A_166 : i32 to index
    %swap3A_168 = arith.constant 0 : index
    %swap3A_169 = tpu.vector_load %arg17[%swap3A_167, %swap3A_168] {strides = array<i32>} : memref<80x16xf32, #tpu.memory_space<vmem>>, vector<16xf32>,
    tpu.vector_store %arg17[%swap3A_167, %swap3A_168], %select_n3A {strides = array<i32>} : memref<80x16xf32, #tpu.memory_space<vmem>>, vector<16xf32>,
    %swap3A_170 = arith.constant 40 : i32
    %swap3A_171 = arith.index_cast %swap3A_170 : i32 to index
    %swap3A_172 = arith.constant 0 : index
    %swap3A_173 = tpu.vector_load %arg17[%swap3A_171, %swap3A_172] {strides = array<i32>} : memref<80x16xf32, #tpu.memory_space<vmem>>, vector<16xf32>,
    tpu.vector_store %arg17[%swap3A_171, %swap3A_172], %select_n3A {strides = array<i32>} : memref<80x16xf32, #tpu.memory_space<vmem>>, vector<16xf32>,
    %swap3A_174 = arith.constant 41 : i32
    %swap3A_175 = arith.index_cast %swap3A_174 : i32 to index
    %swap3A_176 = arith.constant 0 : index
    %swap3A_177 = tpu.vector_load %arg17[%swap3A_175, %swap3A_176] {strides = array<i32>} : memref<80x16xf32, #tpu.memory_space<vmem>>, vector<16xf32>,
    tpu.vector_store %arg17[%swap3A_175, %swap3A_176], %select_n3A {strides = array<i32>} : memref<80x16xf32, #tpu.memory_space<vmem>>, vector<16xf32>,
    %swap3A_178 = arith.constant 42 : i32
    %swap3A_179 = arith.index_cast %swap3A_178 : i32 to index
    %swap3A_180 = arith.constant 0 : index
    %swap3A_181 = tpu.vector_load %arg17[%swap3A_179, %swap3A_180] {strides = array<i32>} : memref<80x16xf32, #tpu.memory_space<vmem>>, vector<16xf32>,
    tpu.vector_store %arg17[%swap3A_179, %swap3A_180], %select_n3A {strides = array<i32>} : memref<80x16xf32, #tpu.memory_space<vmem>>, vector<16xf32>,
    %swap3A_182 = arith.constant 43 : i32
    %swap3A_183 = arith.index_cast %swap3A_182 : i32 to index
    %swap3A_184 = arith.constant 0 : index
    %swap3A_185 = tpu.vector_load %arg17[%swap3A_183, %swap3A_184] {strides = array<i32>} : memref<80x16xf32, #tpu.memory_space<vmem>>, vector<16xf32>,
    tpu.vector_store %arg17[%swap3A_183, %swap3A_184], %select_n3A {strides = array<i32>} : memref<80x16xf32, #tpu.memory_space<vmem>>, vector<16xf32>,
    %swap3A_186 = arith.constant 44 : i32
    %swap3A_187 = arith.index_cast %swap3A_186 : i32 to index
    %swap3A_188 = arith.constant 0 : index
    %swap3A_189 = tpu.vector_load %arg17[%swap3A_187, %swap3A_188] {strides = array<i32>} : memref<80x16xf32, #tpu.memory_space<vmem>>, vector<16xf32>,
    tpu.vector_store %arg17[%swap3A_187, %swap3A_188], %select_n3A {strides = array<i32>} : memref<80x16xf32, #tpu.memory_space<vmem>>, vector<16xf32>,
    %swap3A_190 = arith.constant 45 : i32
    %swap3A_191 = arith.index_cast %swap3A_190 : i32 to index
    %swap3A_192 = arith.constant 0 : index
    %swap3A_193 = tpu.vector_load %arg17[%swap3A_191, %swap3A_192] {strides = array<i32>} : memref<80x16xf32, #tpu.memory_space<vmem>>, vector<16xf32>,
    tpu.vector_store %arg17[%swap3A_191, %swap3A_192], %select_n3A {strides = array<i32>} : memref<80x16xf32, #tpu.memory_space<vmem>>, vector<16xf32>,
    %swap3A_194 = arith.constant 46 : i32
    %swap3A_195 = arith.index_cast %swap3A_194 : i32 to index
    %swap3A_196 = arith.constant 0 : index
    %swap3A_197 = tpu.vector_load %arg17[%swap3A_195, %swap3A_196] {strides = array<i32>} : memref<80x16xf32, #tpu.memory_space<vmem>>, vector<16xf32>,
    tpu.vector_store %arg17[%swap3A_195, %swap3A_196], %select_n3A {strides = array<i32>} : memref<80x16xf32, #tpu.memory_space<vmem>>, vector<16xf32>,
    %swap3A_198 = arith.constant 47 : i32
    %swap3A_199 = arith.index_cast %swap3A_198 : i32 to index
    %swap3A_200 = arith.constant 0 : index
    %swap3A_201 = tpu.vector_load %arg17[%swap3A_199, %swap3A_200] {strides = array<i32>} : memref<80x16xf32, #tpu.memory_space<vmem>>, vector<16xf32>,
    tpu.vector_store %arg17[%swap3A_199, %swap3A_200], %select_n3A {strides = array<i32>} : memref<80x16xf32, #tpu.memory_space<vmem>>, vector<16xf32>,
    %swap3A_202 = arith.constant 48 : i32
    %swap3A_203 = arith.index_cast %swap3A_202 : i32 to index
    %swap3A_204 = arith.constant 0 : index
    %swap3A_205 = tpu.vector_load %arg17[%swap3A_203, %swap3A_204] {strides = array<i32>} : memref<80x16xf32, #tpu.memory_space<vmem>>, vector<16xf32>,
    tpu.vector_store %arg17[%swap3A_203, %swap3A_204], %select_n3A {strides = array<i32>} : memref<80x16xf32, #tpu.memory_space<vmem>>, vector<16xf32>,
    %swap3A_206 = arith.constant 49 : i32
    %swap3A_207 = arith.index_cast %swap3A_206 : i32 to index
    %swap3A_208 = arith.constant 0 : index
    %swap3A_209 = tpu.vector_load %arg17[%swap3A_207, %swap3A_208] {strides = array<i32>} : memref<80x16xf32, #tpu.memory_space<vmem>>, vector<16xf32>,
    tpu.vector_store %arg17[%swap3A_207, %swap3A_208], %select_n3A {strides = array<i32>} : memref<80x16xf32, #tpu.memory_space<vmem>>, vector<16xf32>,
    %swap3A_210 = arith.constant 50 : i32
    %swap3A_211 = arith.index_cast %swap3A_210 : i32 to index
    %swap3A_212 = arith.constant 0 : index
    %swap3A_213 = tpu.vector_load %arg17[%swap3A_211, %swap3A_212] {strides = array<i32>} : memref<80x16xf32, #tpu.memory_space<vmem>>, vector<16xf32>,
    tpu.vector_store %arg17[%swap3A_211, %swap3A_212], %select_n3A {strides = array<i32>} : memref<80x16xf32, #tpu.memory_space<vmem>>, vector<16xf32>,
    %swap3A_214 = arith.constant 51 : i32
    %swap3A_215 = arith.index_cast %swap3A_214 : i32 to index
    %swap3A_216 = arith.constant 0 : index
    %swap3A_217 = tpu.vector_load %arg17[%swap3A_215, %swap3A_216] {strides = array<i32>} : memref<80x16xf32, #tpu.memory_space<vmem>>, vector<16xf32>,
    tpu.vector_store %arg17[%swap3A_215, %swap3A_216], %select_n3A {strides = array<i32>} : memref<80x16xf32, #tpu.memory_space<vmem>>, vector<16xf32>,
    %swap3A_218 = arith.constant 52 : i32
    %swap3A_219 = arith.index_cast %swap3A_218 : i32 to index
    %swap3A_220 = arith.constant 0 : index
    %swap3A_221 = tpu.vector_load %arg17[%swap3A_219, %swap3A_220] {strides = array<i32>} : memref<80x16xf32, #tpu.memory_space<vmem>>, vector<16xf32>,
    tpu.vector_store %arg17[%swap3A_219, %swap3A_220], %select_n3A {strides = array<i32>} : memref<80x16xf32, #tpu.memory_space<vmem>>, vector<16xf32>,
    %swap3A_222 = arith.constant 53 : i32
    %swap3A_223 = arith.index_cast %swap3A_222 : i32 to index
    %swap3A_224 = arith.constant 0 : index
    %swap3A_225 = tpu.vector_load %arg17[%swap3A_223, %swap3A_224] {strides = array<i32>} : memref<80x16xf32, #tpu.memory_space<vmem>>, vector<16xf32>,
    tpu.vector_store %arg17[%swap3A_223, %swap3A_224], %select_n3A {strides = array<i32>} : memref<80x16xf32, #tpu.memory_space<vmem>>, vector<16xf32>,
    %swap3A_226 = arith.constant 54 : i32
    %swap3A_227 = arith.index_cast %swap3A_226 : i32 to index
    %swap3A_228 = arith.constant 0 : index
    %swap3A_229 = tpu.vector_load %arg17[%swap3A_227, %swap3A_228] {strides = array<i32>} : memref<80x16xf32, #tpu.memory_space<vmem>>, vector<16xf32>,
    tpu.vector_store %arg17[%swap3A_227, %swap3A_228], %select_n3A {strides = array<i32>} : memref<80x16xf32, #tpu.memory_space<vmem>>, vector<16xf32>,
    %swap3A_230 = arith.constant 55 : i32
    %swap3A_231 = arith.index_cast %swap3A_230 : i32 to index
    %swap3A_232 = arith.constant 0 : index
    %swap3A_233 = tpu.vector_load %arg17[%swap3A_231, %swap3A_232] {strides = array<i32>} : memref<80x16xf32, #tpu.memory_space<vmem>>, vector<16xf32>,
    tpu.vector_store %arg17[%swap3A_231, %swap3A_232], %select_n3A {strides = array<i32>} : memref<80x16xf32, #tpu.memory_space<vmem>>, vector<16xf32>,
    %swap3A_234 = arith.constant 56 : i32
    %swap3A_235 = arith.index_cast %swap3A_234 : i32 to index
    %swap3A_236 = arith.constant 0 : index
    %swap3A_237 = tpu.vector_load %arg17[%swap3A_235, %swap3A_236] {strides = array<i32>} : memref<80x16xf32, #tpu.memory_space<vmem>>, vector<16xf32>,
    tpu.vector_store %arg17[%swap3A_235, %swap3A_236], %select_n3A {strides = array<i32>} : memref<80x16xf32, #tpu.memory_space<vmem>>, vector<16xf32>,
    %swap3A_238 = arith.constant 57 : i32
    %swap3A_239 = arith.index_cast %swap3A_238 : i32 to index
    %swap3A_240 = arith.constant 0 : index
    %swap3A_241 = tpu.vector_load %arg17[%swap3A_239, %swap3A_240] {strides = array<i32>} : memref<80x16xf32, #tpu.memory_space<vmem>>, vector<16xf32>,
    tpu.vector_store %arg17[%swap3A_239, %swap3A_240], %select_n3A {strides = array<i32>} : memref<80x16xf32, #tpu.memory_space<vmem>>, vector<16xf32>,
    %swap3A_242 = arith.constant 58 : i32
    %swap3A_243 = arith.index_cast %swap3A_242 : i32 to index
    %swap3A_244 = arith.constant 0 : index
    %swap3A_245 = tpu.vector_load %arg17[%swap3A_243, %swap3A_244] {strides = array<i32>} : memref<80x16xf32, #tpu.memory_space<vmem>>, vector<16xf32>,
    tpu.vector_store %arg17[%swap3A_243, %swap3A_244], %select_n3A {strides = array<i32>} : memref<80x16xf32, #tpu.memory_space<vmem>>, vector<16xf32>,
    %swap3A_246 = arith.constant 59 : i32
    %swap3A_247 = arith.index_cast %swap3A_246 : i32 to index
    %swap3A_248 = arith.constant 0 : index
    %swap3A_249 = tpu.vector_load %arg17[%swap3A_247, %swap3A_248] {strides = array<i32>} : memref<80x16xf32, #tpu.memory_space<vmem>>, vector<16xf32>,
    tpu.vector_store %arg17[%swap3A_247, %swap3A_248], %select_n3A {strides = array<i32>} : memref<80x16xf32, #tpu.memory_space<vmem>>, vector<16xf32>,
    %swap3A_250 = arith.constant 60 : i32
    %swap3A_251 = arith.index_cast %swap3A_250 : i32 to index
    %swap3A_252 = arith.constant 0 : index
    %swap3A_253 = tpu.vector_load %arg17[%swap3A_251, %swap3A_252] {strides = array<i32>} : memref<80x16xf32, #tpu.memory_space<vmem>>, vector<16xf32>,
    tpu.vector_store %arg17[%swap3A_251, %swap3A_252], %select_n3A {strides = array<i32>} : memref<80x16xf32, #tpu.memory_space<vmem>>, vector<16xf32>,
    %swap3A_254 = arith.constant 61 : i32
    %swap3A_255 = arith.index_cast %swap3A_254 : i32 to index
    %swap3A_256 = arith.constant 0 : index
    %swap3A_257 = tpu.vector_load %arg17[%swap3A_255, %swap3A_256] {strides = array<i32>} : memref<80x16xf32, #tpu.memory_space<vmem>>, vector<16xf32>,
    tpu.vector_store %arg17[%swap3A_255, %swap3A_256], %select_n3A {strides = array<i32>} : memref<80x16xf32, #tpu.memory_space<vmem>>, vector<16xf32>,
    %swap3A_258 = arith.constant 62 : i32
    %swap3A_259 = arith.index_cast %swap3A_258 : i32 to index
    %swap3A_260 = arith.constant 0 : index
    %swap3A_261 = tpu.vector_load %arg17[%swap3A_259, %swap3A_260] {strides = array<i32>} : memref<80x16xf32, #tpu.memory_space<vmem>>, vector<16xf32>,
    tpu.vector_store %arg17[%swap3A_259, %swap3A_260], %select_n3A {strides = array<i32>} : memref<80x16xf32, #tpu.memory_space<vmem>>, vector<16xf32>,
    %swap3A_262 = arith.constant 63 : i32
    %swap3A_263 = arith.index_cast %swap3A_262 : i32 to index
    %swap3A_264 = arith.constant 0 : index
    %swap3A_265 = tpu.vector_load %arg17[%swap3A_263, %swap3A_264] {strides = array<i32>} : memref<80x16xf32, #tpu.memory_space<vmem>>, vector<16xf32>,
    tpu.vector_store %arg17[%swap3A_263, %swap3A_264], %select_n3A {strides = array<i32>} : memref<80x16xf32, #tpu.memory_space<vmem>>, vector<16xf32>,
    %swap3A_266 = arith.constant 64 : i32
    %swap3A_267 = arith.index_cast %swap3A_266 : i32 to index
    %swap3A_268 = arith.constant 0 : index
    %swap3A_269 = tpu.vector_load %arg17[%swap3A_267, %swap3A_268] {strides = array<i32>} : memref<80x16xf32, #tpu.memory_space<vmem>>, vector<16xf32>,
    tpu.vector_store %arg17[%swap3A_267, %swap3A_268], %select_n3A {strides = array<i32>} : memref<80x16xf32, #tpu.memory_space<vmem>>, vector<16xf32>,
    %swap3A_270 = arith.constant 65 : i32
    %swap3A_271 = arith.index_cast %swap3A_270 : i32 to index
    %swap3A_272 = arith.constant 0 : index
    %swap3A_273 = tpu.vector_load %arg17[%swap3A_271, %swap3A_272] {strides = array<i32>} : memref<80x16xf32, #tpu.memory_space<vmem>>, vector<16xf32>,
    tpu.vector_store %arg17[%swap3A_271, %swap3A_272], %select_n3A {strides = array<i32>} : memref<80x16xf32, #tpu.memory_space<vmem>>, vector<16xf32>,
    %swap3A_274 = arith.constant 66 : i32
    %swap3A_275 = arith.index_cast %swap3A_274 : i32 to index
    %swap3A_276 = arith.constant 0 : index
    %swap3A_277 = tpu.vector_load %arg17[%swap3A_275, %swap3A_276] {strides = array<i32>} : memref<80x16xf32, #tpu.memory_space<vmem>>, vector<16xf32>,
    tpu.vector_store %arg17[%swap3A_275, %swap3A_276], %select_n3A {strides = array<i32>} : memref<80x16xf32, #tpu.memory_space<vmem>>, vector<16xf32>,
    %swap3A_278 = arith.constant 67 : i32
    %swap3A_279 = arith.index_cast %swap3A_278 : i32 to index
    %swap3A_280 = arith.constant 0 : index
    %swap3A_281 = tpu.vector_load %arg17[%swap3A_279, %swap3A_280] {strides = array<i32>} : memref<80x16xf32, #tpu.memory_space<vmem>>, vector<16xf32>,
    tpu.vector_store %arg17[%swap3A_279, %swap3A_280], %select_n3A {strides = array<i32>} : memref<80x16xf32, #tpu.memory_space<vmem>>, vector<16xf32>,
    %swap3A_282 = arith.constant 68 : i32
    %swap3A_283 = arith.index_cast %swap3A_282 : i32 to index
    %swap3A_284 = arith.constant 0 : index
    %swap3A_285 = tpu.vector_load %arg17[%swap3A_283, %swap3A_284] {strides = array<i32>} : memref<80x16xf32, #tpu.memory_space<vmem>>, vector<16xf32>,
    tpu.vector_store %arg17[%swap3A_283, %swap3A_284], %select_n3A {strides = array<i32>} : memref<80x16xf32, #tpu.memory_space<vmem>>, vector<16xf32>,
    %swap3A_286 = arith.constant 69 : i32
    %swap3A_287 = arith.index_cast %swap3A_286 : i32 to index
    %swap3A_288 = arith.constant 0 : index
    %swap3A_289 = tpu.vector_load %arg17[%swap3A_287, %swap3A_288] {strides = array<i32>} : memref<80x16xf32, #tpu.memory_space<vmem>>, vector<16xf32>,
    tpu.vector_store %arg17[%swap3A_287, %swap3A_288], %select_n3A {strides = array<i32>} : memref<80x16xf32, #tpu.memory_space<vmem>>, vector<16xf32>,
    %swap3A_290 = arith.constant 70 : i32
    %swap3A_291 = arith.index_cast %swap3A_290 : i32 to index
    %swap3A_292 = arith.constant 0 : index
    %swap3A_293 = tpu.vector_load %arg17[%swap3A_291, %swap3A_292] {strides = array<i32>} : memref<80x16xf32, #tpu.memory_space<vmem>>, vector<16xf32>,
    tpu.vector_store %arg17[%swap3A_291, %swap3A_292], %select_n3A {strides = array<i32>} : memref<80x16xf32, #tpu.memory_space<vmem>>, vector<16xf32>,
    %swap3A_294 = arith.constant 71 : i32
    %swap3A_295 = arith.index_cast %swap3A_294 : i32 to index
    %swap3A_296 = arith.constant 0 : index
    %swap3A_297 = tpu.vector_load %arg17[%swap3A_295, %swap3A_296] {strides = array<i32>} : memref<80x16xf32, #tpu.memory_space<vmem>>, vector<16xf32>,
    tpu.vector_store %arg17[%swap3A_295, %swap3A_296], %select_n3A {strides = array<i32>} : memref<80x16xf32, #tpu.memory_space<vmem>>, vector<16xf32>,
    %swap3A_298 = arith.constant 72 : i32
    %swap3A_299 = arith.index_cast %swap3A_298 : i32 to index
    %swap3A_300 = arith.constant 0 : index
    %swap3A_301 = tpu.vector_load %arg17[%swap3A_299, %swap3A_300] {strides = array<i32>} : memref<80x16xf32, #tpu.memory_space<vmem>>, vector<16xf32>,
    tpu.vector_store %arg17[%swap3A_299, %swap3A_300], %select_n3A {strides = array<i32>} : memref<80x16xf32, #tpu.memory_space<vmem>>, vector<16xf32>,
    %swap3A_302 = arith.constant 73 : i32
    %swap3A_303 = arith.index_cast %swap3A_302 : i32 to index
    %swap3A_304 = arith.constant 0 : index
    %swap3A_305 = tpu.vector_load %arg17[%swap3A_303, %swap3A_304] {strides = array<i32>} : memref<80x16xf32, #tpu.memory_space<vmem>>, vector<16xf32>,
    tpu.vector_store %arg17[%swap3A_303, %swap3A_304], %select_n3A {strides = array<i32>} : memref<80x16xf32, #tpu.memory_space<vmem>>, vector<16xf32>,
    %swap3A_306 = arith.constant 74 : i32
    %swap3A_307 = arith.index_cast %swap3A_306 : i32 to index
    %swap3A_308 = arith.constant 0 : index
    %swap3A_309 = tpu.vector_load %arg17[%swap3A_307, %swap3A_308] {strides = array<i32>} : memref<80x16xf32, #tpu.memory_space<vmem>>, vector<16xf32>,
    tpu.vector_store %arg17[%swap3A_307, %swap3A_308], %select_n3A {strides = array<i32>} : memref<80x16xf32, #tpu.memory_space<vmem>>, vector<16xf32>,
    %swap3A_310 = arith.constant 75 : i32
    %swap3A_311 = arith.index_cast %swap3A_310 : i32 to index
    %swap3A_312 = arith.constant 0 : index
    %swap3A_313 = tpu.vector_load %arg17[%swap3A_311, %swap3A_312] {strides = array<i32>} : memref<80x16xf32, #tpu.memory_space<vmem>>, vector<16xf32>,
    tpu.vector_store %arg17[%swap3A_311, %swap3A_312], %select_n3A {strides = array<i32>} : memref<80x16xf32, #tpu.memory_space<vmem>>, vector<16xf32>,
    %swap3A_314 = arith.constant 76 : i32
    %swap3A_315 = arith.index_cast %swap3A_314 : i32 to index
    %swap3A_316 = arith.constant 0 : index
    %swap3A_317 = tpu.vector_load %arg17[%swap3A_315, %swap3A_316] {strides = array<i32>} : memref<80x16xf32, #tpu.memory_space<vmem>>, vector<16xf32>,
    tpu.vector_store %arg17[%swap3A_315, %swap3A_316], %select_n3A {strides = array<i32>} : memref<80x16xf32, #tpu.memory_space<vmem>>, vector<16xf32>,
    %swap3A_318 = arith.constant 77 : i32
    %swap3A_319 = arith.index_cast %swap3A_318 : i32 to index
    %swap3A_320 = arith.constant 0 : index
    %swap3A_321 = tpu.vector_load %arg17[%swap3A_319, %swap3A_320] {strides = array<i32>} : memref<80x16xf32, #tpu.memory_space<vmem>>, vector<16xf32>,
    tpu.vector_store %arg17[%swap3A_319, %swap3A_320], %select_n3A {strides = array<i32>} : memref<80x16xf32, #tpu.memory_space<vmem>>, vector<16xf32>,
    %swap3A_322 = arith.constant 78 : i32
    %swap3A_323 = arith.index_cast %swap3A_322 : i32 to index
    %swap3A_324 = arith.constant 0 : index
    %swap3A_325 = tpu.vector_load %arg17[%swap3A_323, %swap3A_324] {strides = array<i32>} : memref<80x16xf32, #tpu.memory_space<vmem>>, vector<16xf32>,
    tpu.vector_store %arg17[%swap3A_323, %swap3A_324], %select_n3A {strides = array<i32>} : memref<80x16xf32, #tpu.memory_space<vmem>>, vector<16xf32>,
    %swap3A_326 = arith.constant 79 : i32
    %swap3A_327 = arith.index_cast %swap3A_326 : i32 to index
    %swap3A_328 = arith.constant 0 : index
    %swap3A_329 = tpu.vector_load %arg17[%swap3A_327, %swap3A_328] {strides = array<i32>} : memref<80x16xf32, #tpu.memory_space<vmem>>, vector<16xf32>,
    tpu.vector_store %arg17[%swap3A_327, %swap3A_328], %select_n3A {strides = array<i32>} : memref<80x16xf32, #tpu.memory_space<vmem>>, vector<16xf32>,
    %barrier3A = arith.constant 0 : index
    tpu.barrier barrier_id(%barrier3A)
    %dma_start3A = arith.constant 0 : i32
    %dma_start3A_330 = tpu.memref_slice %arg9[%dma_start3A] : memref<10000xi32, #tpu.memory_space<vmem>> -> memref<80xi32, #tpu.memory_space<vmem>>
    %dma_start3A_331 = arith.constant 0 : i32
    %dma_start3A_332 = arith.constant 0 : i32
    %dma_start3A_333 = tpu.memref_slice %arg2[%dma_start3A_331, %dma_start3A_332] : memref<10000x16xf32, #tpu.memory_space<hbm>> -> memref<10000x16xf32, #tpu.memory_space<hbm>>
    tpu.enqueue_indirect_dma source(%dma_start3A_333 : memref<10000x16xf32, #tpu.memory_space<hbm>>) target(%arg11 : memref<80x16xf32, #tpu.memory_space<vmem>>) offsets(%dma_start3A_330 : memref<80xi32, #tpu.memory_space<vmem>>) semaphore(%arg20 : memref<!tpu.dma_semaphore, #tpu.memory_space<semaphore_mem>>)
    %dma_start3A_334 = arith.constant 0 : i32
    %dma_start3A_335 = tpu.memref_slice %arg10[%dma_start3A_334] : memref<10000xi32, #tpu.memory_space<vmem>> -> memref<80xi32, #tpu.memory_space<vmem>>
    %dma_start3A_336 = arith.constant 0 : i32
    %dma_start3A_337 = arith.constant 0 : i32
    %dma_start3A_338 = tpu.memref_slice %arg2[%dma_start3A_336, %dma_start3A_337] : memref<10000x16xf32, #tpu.memory_space<hbm>> -> memref<10000x16xf32, #tpu.memory_space<hbm>>
    tpu.enqueue_indirect_dma source(%dma_start3A_338 : memref<10000x16xf32, #tpu.memory_space<hbm>>) target(%arg13 : memref<80x16xf32, #tpu.memory_space<vmem>>) offsets(%dma_start3A_335 : memref<80xi32, #tpu.memory_space<vmem>>) semaphore(%arg22 : memref<!tpu.dma_semaphore, #tpu.memory_space<semaphore_mem>>)
    %add3A_339 = arith.constant 0 : i32
    %add3A_340 = arith.addi %multiple_of3A, %add3A_339 : i32
    %multiple_of3A_341 = tpu.assume_multiple %add3A_340, 8 : i32
    %dma_start3A_342 = arith.constant 0 : i32
    %dma_start3A_343 = tpu.memref_slice %arg3[%multiple_of3A_341, %dma_start3A_342] : memref<320000x16xf32, #tpu.memory_space<hbm>> -> memref<80x16xf32, #tpu.memory_space<hbm>>
    %dma_start3A_344 = arith.constant 0 : i32
    %dma_start3A_345 = tpu.memref_slice %arg3[%multiple_of3A_341, %dma_start3A_344] : memref<320000x16xf32, #tpu.memory_space<hbm>> -> memref<80x16xf32, #tpu.memory_space<hbm>>
    tpu.enqueue_dma source(%dma_start3A_345 : memref<80x16xf32, #tpu.memory_space<hbm>>) target(%arg15 : memref<80x16xf32, #tpu.memory_space<vmem>>) target_semaphore(%arg24 : memref<!tpu.dma_semaphore, #tpu.memory_space<semaphore_mem>>)
    %scan3A = arith.constant 0 : i32
    %scan3A_346 = arith.constant 0 : i32
    %scan3A_347 = arith.constant 62 : i32
    %scan3A_348 = arith.addi %scan3A_346, %scan3A_347 : i32
    %scan3A_349 = arith.constant 1 : i32
    scf.for %scan3A_709 = %scan3A_346 to %scan3A_348 step %scan3A_349  : i32 {
      %mul3A_710 = arith.constant 2 : i32
      %mul3A_711 = arith.muli %scan3A_709, %mul3A_710 : i32
      %add3A_712 = arith.constant 1 : i32
      %add3A_713 = arith.addi %mul3A_711, %add3A_712 : i32
      %mul3A_714 = arith.constant 80 : i32
      %mul3A_715 = arith.muli %add3A_713, %mul3A_714 : i32
      %mul3A_716 = arith.constant 80 : i32
      %mul3A_717 = arith.muli %add3A_713, %mul3A_716 : i32
      %dma_start3A_718 = tpu.memref_slice %arg9[%mul3A_715] : memref<10000xi32, #tpu.memory_space<vmem>> -> memref<80xi32, #tpu.memory_space<vmem>>
      %dma_start3A_719 = arith.constant 0 : i32
      %dma_start3A_720 = arith.constant 0 : i32
      %dma_start3A_721 = tpu.memref_slice %arg2[%dma_start3A_719, %dma_start3A_720] : memref<10000x16xf32, #tpu.memory_space<hbm>> -> memref<10000x16xf32, #tpu.memory_space<hbm>>
      tpu.enqueue_indirect_dma source(%dma_start3A_721 : memref<10000x16xf32, #tpu.memory_space<hbm>>) target(%arg12 : memref<80x16xf32, #tpu.memory_space<vmem>>) offsets(%dma_start3A_718 : memref<80xi32, #tpu.memory_space<vmem>>) semaphore(%arg21 : memref<!tpu.dma_semaphore, #tpu.memory_space<semaphore_mem>>)
      %dma_start3A_722 = tpu.memref_slice %arg10[%mul3A_717] : memref<10000xi32, #tpu.memory_space<vmem>> -> memref<80xi32, #tpu.memory_space<vmem>>
      %dma_start3A_723 = arith.constant 0 : i32
      %dma_start3A_724 = arith.constant 0 : i32
      %dma_start3A_725 = tpu.memref_slice %arg2[%dma_start3A_723, %dma_start3A_724] : memref<10000x16xf32, #tpu.memory_space<hbm>> -> memref<10000x16xf32, #tpu.memory_space<hbm>>
      tpu.enqueue_indirect_dma source(%dma_start3A_725 : memref<10000x16xf32, #tpu.memory_space<hbm>>) target(%arg14 : memref<80x16xf32, #tpu.memory_space<vmem>>) offsets(%dma_start3A_722 : memref<80xi32, #tpu.memory_space<vmem>>) semaphore(%arg23 : memref<!tpu.dma_semaphore, #tpu.memory_space<semaphore_mem>>)
      %mul3A_726 = arith.constant 80 : i32
      %mul3A_727 = arith.muli %add3A_713, %mul3A_726 : i32
      %add3A_728 = arith.addi %multiple_of3A, %mul3A_727 : i32
      %multiple_of3A_729 = tpu.assume_multiple %add3A_728, 8 : i32
      %dma_start3A_730 = arith.constant 0 : i32
      %dma_start3A_731 = tpu.memref_slice %arg3[%multiple_of3A_729, %dma_start3A_730] : memref<320000x16xf32, #tpu.memory_space<hbm>> -> memref<80x16xf32, #tpu.memory_space<hbm>>
      %dma_start3A_732 = arith.constant 0 : i32
      %dma_start3A_733 = tpu.memref_slice %arg3[%multiple_of3A_729, %dma_start3A_732] : memref<320000x16xf32, #tpu.memory_space<hbm>> -> memref<80x16xf32, #tpu.memory_space<hbm>>
      tpu.enqueue_dma source(%dma_start3A_733 : memref<80x16xf32, #tpu.memory_space<hbm>>) target(%arg16 : memref<80x16xf32, #tpu.memory_space<vmem>>) target_semaphore(%arg25 : memref<!tpu.dma_semaphore, #tpu.memory_space<semaphore_mem>>)
      %dma_wait3A_734 = arith.constant 0 : i32
      %dma_wait3A_735 = tpu.memref_slice %arg9[%dma_wait3A_734] : memref<10000xi32, #tpu.memory_space<vmem>> -> memref<80xi32, #tpu.memory_space<vmem>>
      %dma_wait3A_736 = arith.constant 0 : i32
      %dma_wait3A_737 = arith.constant 0 : i32
      %dma_wait3A_738 = tpu.memref_slice %arg2[%dma_wait3A_736, %dma_wait3A_737] : memref<10000x16xf32, #tpu.memory_space<hbm>> -> memref<10000x16xf32, #tpu.memory_space<hbm>>
      tpu.wait_indirect_dma semaphore(%arg20 : memref<!tpu.dma_semaphore, #tpu.memory_space<semaphore_mem>>) src(%dma_wait3A_738 : memref<10000x16xf32, #tpu.memory_space<hbm>>) dst(%arg11 : memref<80x16xf32, #tpu.memory_space<vmem>>)
      %dma_wait3A_739 = arith.constant 0 : i32
      %dma_wait3A_740 = tpu.memref_slice %arg9[%dma_wait3A_739] : memref<10000xi32, #tpu.memory_space<vmem>> -> memref<80xi32, #tpu.memory_space<vmem>>
      %dma_wait3A_741 = arith.constant 0 : i32
      %dma_wait3A_742 = arith.constant 0 : i32
      %dma_wait3A_743 = tpu.memref_slice %arg2[%dma_wait3A_741, %dma_wait3A_742] : memref<10000x16xf32, #tpu.memory_space<hbm>> -> memref<10000x16xf32, #tpu.memory_space<hbm>>
      tpu.wait_indirect_dma semaphore(%arg22 : memref<!tpu.dma_semaphore, #tpu.memory_space<semaphore_mem>>) src(%dma_wait3A_743 : memref<10000x16xf32, #tpu.memory_space<hbm>>) dst(%arg13 : memref<80x16xf32, #tpu.memory_space<vmem>>)
      %dma_wait3A_744 = arith.constant 0 : i32
      %dma_wait3A_745 = arith.constant 0 : i32
      %dma_wait3A_746 = tpu.memref_slice %arg3[%dma_wait3A_744, %dma_wait3A_745] : memref<320000x16xf32, #tpu.memory_space<hbm>> -> memref<80x16xf32, #tpu.memory_space<hbm>>
      %dma_wait3A_747 = arith.constant 0 : i32
      %dma_wait3A_748 = arith.constant 0 : i32
      %dma_wait3A_749 = tpu.memref_slice %arg3[%dma_wait3A_747, %dma_wait3A_748] : memref<320000x16xf32, #tpu.memory_space<hbm>> -> memref<80x16xf32, #tpu.memory_space<hbm>>
      tpu.wait_dma2 semaphore(%arg24 : memref<!tpu.dma_semaphore, #tpu.memory_space<semaphore_mem>>) src(%dma_wait3A_749 : memref<80x16xf32, #tpu.memory_space<hbm>>) dst(%arg15 : memref<80x16xf32, #tpu.memory_space<vmem>>)
      %iota3A_750 = tpu.iota {dimensions = array<i32: 0>} : vector<16xi32>
      %add3A_751 = arith.constant 0 : i32
      %add3A_752 = vector.broadcast %add3A_751 : i32 to vector<16xi32>
      %add3A_753 = arith.addi %iota3A_750, %add3A_752 : vector<16xi32>
      %broadcast_in_dim3A_754 = arith.constant 0 : i32
      %broadcast_in_dim3A_755 = vector.broadcast %broadcast_in_dim3A_754 : i32 to vector<16xi32>
      %add3A_756 = arith.constant 0 : i32
      %add3A_757 = vector.broadcast %add3A_756 : i32 to vector<16xi32>
      %add3A_758 = arith.addi %broadcast_in_dim3A_755, %add3A_757 : vector<16xi32>
      %gather3A_759 = tpu.vector_load_idx %arg11[%add3A_753, %add3A_758] : memref<80x16xf32, #tpu.memory_space<vmem>>[vector<16xi32>, vector<16xi32>], vector<16xf32>,
      %broadcast_in_dim3A_760 = arith.constant 0 : i32
      %broadcast_in_dim3A_761 = vector.broadcast %broadcast_in_dim3A_760 : i32 to vector<16xi32>
      %add3A_762 = arith.constant 0 : i32
      %add3A_763 = vector.broadcast %add3A_762 : i32 to vector<16xi32>
      %add3A_764 = arith.addi %broadcast_in_dim3A_761, %add3A_763 : vector<16xi32>
      %gather3A_765 = tpu.vector_load_idx %arg13[%add3A_753, %add3A_764] : memref<80x16xf32, #tpu.memory_space<vmem>>[vector<16xi32>, vector<16xi32>], vector<16xf32>,
      %sub3A_766 = arith.subf %gather3A_759, %gather3A_765 : vector<16xf32>
      %broadcast_in_dim3A_767 = arith.constant 0 : i32
      %broadcast_in_dim3A_768 = vector.broadcast %broadcast_in_dim3A_767 : i32 to vector<16xi32>
      %add3A_769 = arith.constant 1 : i32
      %add3A_770 = vector.broadcast %add3A_769 : i32 to vector<16xi32>
      %add3A_771 = arith.addi %broadcast_in_dim3A_768, %add3A_770 : vector<16xi32>
      %gather3A_772 = tpu.vector_load_idx %arg11[%add3A_753, %add3A_771] : memref<80x16xf32, #tpu.memory_space<vmem>>[vector<16xi32>, vector<16xi32>], vector<16xf32>,
      %broadcast_in_dim3A_773 = arith.constant 0 : i32
      %broadcast_in_dim3A_774 = vector.broadcast %broadcast_in_dim3A_773 : i32 to vector<16xi32>
      %add3A_775 = arith.constant 1 : i32
      %add3A_776 = vector.broadcast %add3A_775 : i32 to vector<16xi32>
      %add3A_777 = arith.addi %broadcast_in_dim3A_774, %add3A_776 : vector<16xi32>
      %gather3A_778 = tpu.vector_load_idx %arg13[%add3A_753, %add3A_777] : memref<80x16xf32, #tpu.memory_space<vmem>>[vector<16xi32>, vector<16xi32>], vector<16xf32>,
      %sub3A_779 = arith.subf %gather3A_772, %gather3A_778 : vector<16xf32>
      %broadcast_in_dim3A_780 = arith.constant 0 : i32
      %broadcast_in_dim3A_781 = vector.broadcast %broadcast_in_dim3A_780 : i32 to vector<16xi32>
      %add3A_782 = arith.constant 2 : i32
      %add3A_783 = vector.broadcast %add3A_782 : i32 to vector<16xi32>
      %add3A_784 = arith.addi %broadcast_in_dim3A_781, %add3A_783 : vector<16xi32>
      %gather3A_785 = tpu.vector_load_idx %arg11[%add3A_753, %add3A_784] : memref<80x16xf32, #tpu.memory_space<vmem>>[vector<16xi32>, vector<16xi32>], vector<16xf32>,
      %broadcast_in_dim3A_786 = arith.constant 0 : i32
      %broadcast_in_dim3A_787 = vector.broadcast %broadcast_in_dim3A_786 : i32 to vector<16xi32>
      %add3A_788 = arith.constant 2 : i32
      %add3A_789 = vector.broadcast %add3A_788 : i32 to vector<16xi32>
      %add3A_790 = arith.addi %broadcast_in_dim3A_787, %add3A_789 : vector<16xi32>
      %gather3A_791 = tpu.vector_load_idx %arg13[%add3A_753, %add3A_790] : memref<80x16xf32, #tpu.memory_space<vmem>>[vector<16xi32>, vector<16xi32>], vector<16xf32>,
      %sub3A_792 = arith.subf %gather3A_785, %gather3A_791 : vector<16xf32>
      %mul3A_793 = arith.mulf %sub3A_766, %sub3A_766 : vector<16xf32>
      %mul3A_794 = arith.mulf %sub3A_779, %sub3A_779 : vector<16xf32>
      %add3A_795 = arith.addf %mul3A_793, %mul3A_794 : vector<16xf32>
      %mul3A_796 = arith.mulf %sub3A_792, %sub3A_792 : vector<16xf32>
      %add3A_797 = arith.addf %add3A_795, %mul3A_796 : vector<16xf32>
      %broadcast_in_dim3A_798 = arith.constant 0 : i32
      %broadcast_in_dim3A_799 = vector.broadcast %broadcast_in_dim3A_798 : i32 to vector<16xi32>
      %add3A_800 = arith.constant 0 : i32
      %add3A_801 = vector.broadcast %add3A_800 : i32 to vector<16xi32>
      %add3A_802 = arith.addi %broadcast_in_dim3A_799, %add3A_801 : vector<16xi32>
      %bitcast3A_803 = vector.bitcast %add3A_797 : vector<16xf32> to vector<16xi32>
      %add3A_804 = arith.constant 32767 : i32
      %add3A_805 = vector.broadcast %add3A_804 : i32 to vector<16xi32>
      %add3A_806 = arith.addi %bitcast3A_803, %add3A_805 : vector<16xi32>
      %shift_right_arithmetic3A_807 = arith.constant 16 : i32
      %shift_right_arithmetic3A_808 = vector.broadcast %shift_right_arithmetic3A_807 : i32 to vector<16xi32>
      %shift_right_arithmetic3A_809 = arith.shrsi %bitcast3A_803, %shift_right_arithmetic3A_808 : vector<16xi32>
      %and3A_810 = arith.constant 1 : i32
      %and3A_811 = vector.broadcast %and3A_810 : i32 to vector<16xi32>
      %and3A_812 = arith.andi %shift_right_arithmetic3A_809, %and3A_811 : vector<16xi32>
      %add3A_813 = arith.addi %add3A_806, %and3A_812 : vector<16xi32>
      %and3A_814 = arith.constant -65536 : i32
      %and3A_815 = vector.broadcast %and3A_814 : i32 to vector<16xi32>
      %and3A_816 = arith.andi %add3A_813, %and3A_815 : vector<16xi32>
      %bitcast3A_817 = vector.bitcast %and3A_816 : vector<16xi32> to vector<16xf32>
      tpu.vector_store_idx %arg17[%add3A_753, %add3A_802], %bitcast3A_817 : memref<80x16xf32, #tpu.memory_space<vmem>>[vector<16xi32>, vector<16xi32>], vector<16xf32>,
      %iota3A_818 = tpu.iota {dimensions = array<i32: 0>} : vector<16xi32>
      %add3A_819 = arith.constant 16 : i32
      %add3A_820 = vector.broadcast %add3A_819 : i32 to vector<16xi32>
      %add3A_821 = arith.addi %iota3A_818, %add3A_820 : vector<16xi32>
      %broadcast_in_dim3A_822 = arith.constant 0 : i32
      %broadcast_in_dim3A_823 = vector.broadcast %broadcast_in_dim3A_822 : i32 to vector<16xi32>
      %add3A_824 = arith.constant 0 : i32
      %add3A_825 = vector.broadcast %add3A_824 : i32 to vector<16xi32>
      %add3A_826 = arith.addi %broadcast_in_dim3A_823, %add3A_825 : vector<16xi32>
      %gather3A_827 = tpu.vector_load_idx %arg11[%add3A_821, %add3A_826] : memref<80x16xf32, #tpu.memory_space<vmem>>[vector<16xi32>, vector<16xi32>], vector<16xf32>,
      %broadcast_in_dim3A_828 = arith.constant 0 : i32
      %broadcast_in_dim3A_829 = vector.broadcast %broadcast_in_dim3A_828 : i32 to vector<16xi32>
      %add3A_830 = arith.constant 0 : i32
      %add3A_831 = vector.broadcast %add3A_830 : i32 to vector<16xi32>
      %add3A_832 = arith.addi %broadcast_in_dim3A_829, %add3A_831 : vector<16xi32>
      %gather3A_833 = tpu.vector_load_idx %arg13[%add3A_821, %add3A_832] : memref<80x16xf32, #tpu.memory_space<vmem>>[vector<16xi32>, vector<16xi32>], vector<16xf32>,
      %sub3A_834 = arith.subf %gather3A_827, %gather3A_833 : vector<16xf32>
      %broadcast_in_dim3A_835 = arith.constant 0 : i32
      %broadcast_in_dim3A_836 = vector.broadcast %broadcast_in_dim3A_835 : i32 to vector<16xi32>
      %add3A_837 = arith.constant 1 : i32
      %add3A_838 = vector.broadcast %add3A_837 : i32 to vector<16xi32>
      %add3A_839 = arith.addi %broadcast_in_dim3A_836, %add3A_838 : vector<16xi32>
      %gather3A_840 = tpu.vector_load_idx %arg11[%add3A_821, %add3A_839] : memref<80x16xf32, #tpu.memory_space<vmem>>[vector<16xi32>, vector<16xi32>], vector<16xf32>,
      %broadcast_in_dim3A_841 = arith.constant 0 : i32
      %broadcast_in_dim3A_842 = vector.broadcast %broadcast_in_dim3A_841 : i32 to vector<16xi32>
      %add3A_843 = arith.constant 1 : i32
      %add3A_844 = vector.broadcast %add3A_843 : i32 to vector<16xi32>
      %add3A_845 = arith.addi %broadcast_in_dim3A_842, %add3A_844 : vector<16xi32>
      %gather3A_846 = tpu.vector_load_idx %arg13[%add3A_821, %add3A_845] : memref<80x16xf32, #tpu.memory_space<vmem>>[vector<16xi32>, vector<16xi32>], vector<16xf32>,
      %sub3A_847 = arith.subf %gather3A_840, %gather3A_846 : vector<16xf32>
      %broadcast_in_dim3A_848 = arith.constant 0 : i32
      %broadcast_in_dim3A_849 = vector.broadcast %broadcast_in_dim3A_848 : i32 to vector<16xi32>
      %add3A_850 = arith.constant 2 : i32
      %add3A_851 = vector.broadcast %add3A_850 : i32 to vector<16xi32>
      %add3A_852 = arith.addi %broadcast_in_dim3A_849, %add3A_851 : vector<16xi32>
      %gather3A_853 = tpu.vector_load_idx %arg11[%add3A_821, %add3A_852] : memref<80x16xf32, #tpu.memory_space<vmem>>[vector<16xi32>, vector<16xi32>], vector<16xf32>,
      %broadcast_in_dim3A_854 = arith.constant 0 : i32
      %broadcast_in_dim3A_855 = vector.broadcast %broadcast_in_dim3A_854 : i32 to vector<16xi32>
      %add3A_856 = arith.constant 2 : i32
      %add3A_857 = vector.broadcast %add3A_856 : i32 to vector<16xi32>
      %add3A_858 = arith.addi %broadcast_in_dim3A_855, %add3A_857 : vector<16xi32>
      %gather3A_859 = tpu.vector_load_idx %arg13[%add3A_821, %add3A_858] : memref<80x16xf32, #tpu.memory_space<vmem>>[vector<16xi32>, vector<16xi32>], vector<16xf32>,
      %sub3A_860 = arith.subf %gather3A_853, %gather3A_859 : vector<16xf32>
      %mul3A_861 = arith.mulf %sub3A_834, %sub3A_834 : vector<16xf32>
      %mul3A_862 = arith.mulf %sub3A_847, %sub3A_847 : vector<16xf32>
      %add3A_863 = arith.addf %mul3A_861, %mul3A_862 : vector<16xf32>
      %mul3A_864 = arith.mulf %sub3A_860, %sub3A_860 : vector<16xf32>
      %add3A_865 = arith.addf %add3A_863, %mul3A_864 : vector<16xf32>
      %broadcast_in_dim3A_866 = arith.constant 0 : i32
      %broadcast_in_dim3A_867 = vector.broadcast %broadcast_in_dim3A_866 : i32 to vector<16xi32>
      %add3A_868 = arith.constant 0 : i32
      %add3A_869 = vector.broadcast %add3A_868 : i32 to vector<16xi32>
      %add3A_870 = arith.addi %broadcast_in_dim3A_867, %add3A_869 : vector<16xi32>
      %bitcast3A_871 = vector.bitcast %add3A_865 : vector<16xf32> to vector<16xi32>
      %add3A_872 = arith.constant 32767 : i32
      %add3A_873 = vector.broadcast %add3A_872 : i32 to vector<16xi32>
      %add3A_874 = arith.addi %bitcast3A_871, %add3A_873 : vector<16xi32>
      %shift_right_arithmetic3A_875 = arith.constant 16 : i32
      %shift_right_arithmetic3A_876 = vector.broadcast %shift_right_arithmetic3A_875 : i32 to vector<16xi32>
      %shift_right_arithmetic3A_877 = arith.shrsi %bitcast3A_871, %shift_right_arithmetic3A_876 : vector<16xi32>
      %and3A_878 = arith.constant 1 : i32
      %and3A_879 = vector.broadcast %and3A_878 : i32 to vector<16xi32>
      %and3A_880 = arith.andi %shift_right_arithmetic3A_877, %and3A_879 : vector<16xi32>
      %add3A_881 = arith.addi %add3A_874, %and3A_880 : vector<16xi32>
      %and3A_882 = arith.constant -65536 : i32
      %and3A_883 = vector.broadcast %and3A_882 : i32 to vector<16xi32>
      %and3A_884 = arith.andi %add3A_881, %and3A_883 : vector<16xi32>
      %bitcast3A_885 = vector.bitcast %and3A_884 : vector<16xi32> to vector<16xf32>
      tpu.vector_store_idx %arg17[%add3A_821, %add3A_870], %bitcast3A_885 : memref<80x16xf32, #tpu.memory_space<vmem>>[vector<16xi32>, vector<16xi32>], vector<16xf32>,
      %iota3A_886 = tpu.iota {dimensions = array<i32: 0>} : vector<16xi32>
      %add3A_887 = arith.constant 32 : i32
      %add3A_888 = vector.broadcast %add3A_887 : i32 to vector<16xi32>
      %add3A_889 = arith.addi %iota3A_886, %add3A_888 : vector<16xi32>
      %broadcast_in_dim3A_890 = arith.constant 0 : i32
      %broadcast_in_dim3A_891 = vector.broadcast %broadcast_in_dim3A_890 : i32 to vector<16xi32>
      %add3A_892 = arith.constant 0 : i32
      %add3A_893 = vector.broadcast %add3A_892 : i32 to vector<16xi32>
      %add3A_894 = arith.addi %broadcast_in_dim3A_891, %add3A_893 : vector<16xi32>
      %gather3A_895 = tpu.vector_load_idx %arg11[%add3A_889, %add3A_894] : memref<80x16xf32, #tpu.memory_space<vmem>>[vector<16xi32>, vector<16xi32>], vector<16xf32>,
      %broadcast_in_dim3A_896 = arith.constant 0 : i32
      %broadcast_in_dim3A_897 = vector.broadcast %broadcast_in_dim3A_896 : i32 to vector<16xi32>
      %add3A_898 = arith.constant 0 : i32
      %add3A_899 = vector.broadcast %add3A_898 : i32 to vector<16xi32>
      %add3A_900 = arith.addi %broadcast_in_dim3A_897, %add3A_899 : vector<16xi32>
      %gather3A_901 = tpu.vector_load_idx %arg13[%add3A_889, %add3A_900] : memref<80x16xf32, #tpu.memory_space<vmem>>[vector<16xi32>, vector<16xi32>], vector<16xf32>,
      %sub3A_902 = arith.subf %gather3A_895, %gather3A_901 : vector<16xf32>
      %broadcast_in_dim3A_903 = arith.constant 0 : i32
      %broadcast_in_dim3A_904 = vector.broadcast %broadcast_in_dim3A_903 : i32 to vector<16xi32>
      %add3A_905 = arith.constant 1 : i32
      %add3A_906 = vector.broadcast %add3A_905 : i32 to vector<16xi32>
      %add3A_907 = arith.addi %broadcast_in_dim3A_904, %add3A_906 : vector<16xi32>
      %gather3A_908 = tpu.vector_load_idx %arg11[%add3A_889, %add3A_907] : memref<80x16xf32, #tpu.memory_space<vmem>>[vector<16xi32>, vector<16xi32>], vector<16xf32>,
      %broadcast_in_dim3A_909 = arith.constant 0 : i32
      %broadcast_in_dim3A_910 = vector.broadcast %broadcast_in_dim3A_909 : i32 to vector<16xi32>
      %add3A_911 = arith.constant 1 : i32
      %add3A_912 = vector.broadcast %add3A_911 : i32 to vector<16xi32>
      %add3A_913 = arith.addi %broadcast_in_dim3A_910, %add3A_912 : vector<16xi32>
      %gather3A_914 = tpu.vector_load_idx %arg13[%add3A_889, %add3A_913] : memref<80x16xf32, #tpu.memory_space<vmem>>[vector<16xi32>, vector<16xi32>], vector<16xf32>,
      %sub3A_915 = arith.subf %gather3A_908, %gather3A_914 : vector<16xf32>
      %broadcast_in_dim3A_916 = arith.constant 0 : i32
      %broadcast_in_dim3A_917 = vector.broadcast %broadcast_in_dim3A_916 : i32 to vector<16xi32>
      %add3A_918 = arith.constant 2 : i32
      %add3A_919 = vector.broadcast %add3A_918 : i32 to vector<16xi32>
      %add3A_920 = arith.addi %broadcast_in_dim3A_917, %add3A_919 : vector<16xi32>
      %gather3A_921 = tpu.vector_load_idx %arg11[%add3A_889, %add3A_920] : memref<80x16xf32, #tpu.memory_space<vmem>>[vector<16xi32>, vector<16xi32>], vector<16xf32>,
      %broadcast_in_dim3A_922 = arith.constant 0 : i32
      %broadcast_in_dim3A_923 = vector.broadcast %broadcast_in_dim3A_922 : i32 to vector<16xi32>
      %add3A_924 = arith.constant 2 : i32
      %add3A_925 = vector.broadcast %add3A_924 : i32 to vector<16xi32>
      %add3A_926 = arith.addi %broadcast_in_dim3A_923, %add3A_925 : vector<16xi32>
      %gather3A_927 = tpu.vector_load_idx %arg13[%add3A_889, %add3A_926] : memref<80x16xf32, #tpu.memory_space<vmem>>[vector<16xi32>, vector<16xi32>], vector<16xf32>,
      %sub3A_928 = arith.subf %gather3A_921, %gather3A_927 : vector<16xf32>
      %mul3A_929 = arith.mulf %sub3A_902, %sub3A_902 : vector<16xf32>
      %mul3A_930 = arith.mulf %sub3A_915, %sub3A_915 : vector<16xf32>
      %add3A_931 = arith.addf %mul3A_929, %mul3A_930 : vector<16xf32>
      %mul3A_932 = arith.mulf %sub3A_928, %sub3A_928 : vector<16xf32>
      %add3A_933 = arith.addf %add3A_931, %mul3A_932 : vector<16xf32>
      %broadcast_in_dim3A_934 = arith.constant 0 : i32
      %broadcast_in_dim3A_935 = vector.broadcast %broadcast_in_dim3A_934 : i32 to vector<16xi32>
      %add3A_936 = arith.constant 0 : i32
      %add3A_937 = vector.broadcast %add3A_936 : i32 to vector<16xi32>
      %add3A_938 = arith.addi %broadcast_in_dim3A_935, %add3A_937 : vector<16xi32>
      %bitcast3A_939 = vector.bitcast %add3A_933 : vector<16xf32> to vector<16xi32>
      %add3A_940 = arith.constant 32767 : i32
      %add3A_941 = vector.broadcast %add3A_940 : i32 to vector<16xi32>
      %add3A_942 = arith.addi %bitcast3A_939, %add3A_941 : vector<16xi32>
      %shift_right_arithmetic3A_943 = arith.constant 16 : i32
      %shift_right_arithmetic3A_944 = vector.broadcast %shift_right_arithmetic3A_943 : i32 to vector<16xi32>
      %shift_right_arithmetic3A_945 = arith.shrsi %bitcast3A_939, %shift_right_arithmetic3A_944 : vector<16xi32>
      %and3A_946 = arith.constant 1 : i32
      %and3A_947 = vector.broadcast %and3A_946 : i32 to vector<16xi32>
      %and3A_948 = arith.andi %shift_right_arithmetic3A_945, %and3A_947 : vector<16xi32>
      %add3A_949 = arith.addi %add3A_942, %and3A_948 : vector<16xi32>
      %and3A_950 = arith.constant -65536 : i32
      %and3A_951 = vector.broadcast %and3A_950 : i32 to vector<16xi32>
      %and3A_952 = arith.andi %add3A_949, %and3A_951 : vector<16xi32>
      %bitcast3A_953 = vector.bitcast %and3A_952 : vector<16xi32> to vector<16xf32>
      tpu.vector_store_idx %arg17[%add3A_889, %add3A_938], %bitcast3A_953 : memref<80x16xf32, #tpu.memory_space<vmem>>[vector<16xi32>, vector<16xi32>], vector<16xf32>,
      %iota3A_954 = tpu.iota {dimensions = array<i32: 0>} : vector<16xi32>
      %add3A_955 = arith.constant 48 : i32
      %add3A_956 = vector.broadcast %add3A_955 : i32 to vector<16xi32>
      %add3A_957 = arith.addi %iota3A_954, %add3A_956 : vector<16xi32>
      %broadcast_in_dim3A_958 = arith.constant 0 : i32
      %broadcast_in_dim3A_959 = vector.broadcast %broadcast_in_dim3A_958 : i32 to vector<16xi32>
      %add3A_960 = arith.constant 0 : i32
      %add3A_961 = vector.broadcast %add3A_960 : i32 to vector<16xi32>
      %add3A_962 = arith.addi %broadcast_in_dim3A_959, %add3A_961 : vector<16xi32>
      %gather3A_963 = tpu.vector_load_idx %arg11[%add3A_957, %add3A_962] : memref<80x16xf32, #tpu.memory_space<vmem>>[vector<16xi32>, vector<16xi32>], vector<16xf32>,
      %broadcast_in_dim3A_964 = arith.constant 0 : i32
      %broadcast_in_dim3A_965 = vector.broadcast %broadcast_in_dim3A_964 : i32 to vector<16xi32>
      %add3A_966 = arith.constant 0 : i32
      %add3A_967 = vector.broadcast %add3A_966 : i32 to vector<16xi32>
      %add3A_968 = arith.addi %broadcast_in_dim3A_965, %add3A_967 : vector<16xi32>
      %gather3A_969 = tpu.vector_load_idx %arg13[%add3A_957, %add3A_968] : memref<80x16xf32, #tpu.memory_space<vmem>>[vector<16xi32>, vector<16xi32>], vector<16xf32>,
      %sub3A_970 = arith.subf %gather3A_963, %gather3A_969 : vector<16xf32>
      %broadcast_in_dim3A_971 = arith.constant 0 : i32
      %broadcast_in_dim3A_972 = vector.broadcast %broadcast_in_dim3A_971 : i32 to vector<16xi32>
      %add3A_973 = arith.constant 1 : i32
      %add3A_974 = vector.broadcast %add3A_973 : i32 to vector<16xi32>
      %add3A_975 = arith.addi %broadcast_in_dim3A_972, %add3A_974 : vector<16xi32>
      %gather3A_976 = tpu.vector_load_idx %arg11[%add3A_957, %add3A_975] : memref<80x16xf32, #tpu.memory_space<vmem>>[vector<16xi32>, vector<16xi32>], vector<16xf32>,
      %broadcast_in_dim3A_977 = arith.constant 0 : i32
      %broadcast_in_dim3A_978 = vector.broadcast %broadcast_in_dim3A_977 : i32 to vector<16xi32>
      %add3A_979 = arith.constant 1 : i32
      %add3A_980 = vector.broadcast %add3A_979 : i32 to vector<16xi32>
      %add3A_981 = arith.addi %broadcast_in_dim3A_978, %add3A_980 : vector<16xi32>
      %gather3A_982 = tpu.vector_load_idx %arg13[%add3A_957, %add3A_981] : memref<80x16xf32, #tpu.memory_space<vmem>>[vector<16xi32>, vector<16xi32>], vector<16xf32>,
      %sub3A_983 = arith.subf %gather3A_976, %gather3A_982 : vector<16xf32>
      %broadcast_in_dim3A_984 = arith.constant 0 : i32
      %broadcast_in_dim3A_985 = vector.broadcast %broadcast_in_dim3A_984 : i32 to vector<16xi32>
      %add3A_986 = arith.constant 2 : i32
      %add3A_987 = vector.broadcast %add3A_986 : i32 to vector<16xi32>
      %add3A_988 = arith.addi %broadcast_in_dim3A_985, %add3A_987 : vector<16xi32>
      %gather3A_989 = tpu.vector_load_idx %arg11[%add3A_957, %add3A_988] : memref<80x16xf32, #tpu.memory_space<vmem>>[vector<16xi32>, vector<16xi32>], vector<16xf32>,
      %broadcast_in_dim3A_990 = arith.constant 0 : i32
      %broadcast_in_dim3A_991 = vector.broadcast %broadcast_in_dim3A_990 : i32 to vector<16xi32>
      %add3A_992 = arith.constant 2 : i32
      %add3A_993 = vector.broadcast %add3A_992 : i32 to vector<16xi32>
      %add3A_994 = arith.addi %broadcast_in_dim3A_991, %add3A_993 : vector<16xi32>
      %gather3A_995 = tpu.vector_load_idx %arg13[%add3A_957, %add3A_994] : memref<80x16xf32, #tpu.memory_space<vmem>>[vector<16xi32>, vector<16xi32>], vector<16xf32>,
      %sub3A_996 = arith.subf %gather3A_989, %gather3A_995 : vector<16xf32>
      %mul3A_997 = arith.mulf %sub3A_970, %sub3A_970 : vector<16xf32>
      %mul3A_998 = arith.mulf %sub3A_983, %sub3A_983 : vector<16xf32>
      %add3A_999 = arith.addf %mul3A_997, %mul3A_998 : vector<16xf32>
      %mul3A_1000 = arith.mulf %sub3A_996, %sub3A_996 : vector<16xf32>
      %add3A_1001 = arith.addf %add3A_999, %mul3A_1000 : vector<16xf32>
      %broadcast_in_dim3A_1002 = arith.constant 0 : i32
      %broadcast_in_dim3A_1003 = vector.broadcast %broadcast_in_dim3A_1002 : i32 to vector<16xi32>
      %add3A_1004 = arith.constant 0 : i32
      %add3A_1005 = vector.broadcast %add3A_1004 : i32 to vector<16xi32>
      %add3A_1006 = arith.addi %broadcast_in_dim3A_1003, %add3A_1005 : vector<16xi32>
      %bitcast3A_1007 = vector.bitcast %add3A_1001 : vector<16xf32> to vector<16xi32>
      %add3A_1008 = arith.constant 32767 : i32
      %add3A_1009 = vector.broadcast %add3A_1008 : i32 to vector<16xi32>
      %add3A_1010 = arith.addi %bitcast3A_1007, %add3A_1009 : vector<16xi32>
      %shift_right_arithmetic3A_1011 = arith.constant 16 : i32
      %shift_right_arithmetic3A_1012 = vector.broadcast %shift_right_arithmetic3A_1011 : i32 to vector<16xi32>
      %shift_right_arithmetic3A_1013 = arith.shrsi %bitcast3A_1007, %shift_right_arithmetic3A_1012 : vector<16xi32>
      %and3A_1014 = arith.constant 1 : i32
      %and3A_1015 = vector.broadcast %and3A_1014 : i32 to vector<16xi32>
      %and3A_1016 = arith.andi %shift_right_arithmetic3A_1013, %and3A_1015 : vector<16xi32>
      %add3A_1017 = arith.addi %add3A_1010, %and3A_1016 : vector<16xi32>
      %and3A_1018 = arith.constant -65536 : i32
      %and3A_1019 = vector.broadcast %and3A_1018 : i32 to vector<16xi32>
      %and3A_1020 = arith.andi %add3A_1017, %and3A_1019 : vector<16xi32>
      %bitcast3A_1021 = vector.bitcast %and3A_1020 : vector<16xi32> to vector<16xf32>
      tpu.vector_store_idx %arg17[%add3A_957, %add3A_1006], %bitcast3A_1021 : memref<80x16xf32, #tpu.memory_space<vmem>>[vector<16xi32>, vector<16xi32>], vector<16xf32>,
      %iota3A_1022 = tpu.iota {dimensions = array<i32: 0>} : vector<16xi32>
      %add3A_1023 = arith.constant 64 : i32
      %add3A_1024 = vector.broadcast %add3A_1023 : i32 to vector<16xi32>
      %add3A_1025 = arith.addi %iota3A_1022, %add3A_1024 : vector<16xi32>
      %broadcast_in_dim3A_1026 = arith.constant 0 : i32
      %broadcast_in_dim3A_1027 = vector.broadcast %broadcast_in_dim3A_1026 : i32 to vector<16xi32>
      %add3A_1028 = arith.constant 0 : i32
      %add3A_1029 = vector.broadcast %add3A_1028 : i32 to vector<16xi32>
      %add3A_1030 = arith.addi %broadcast_in_dim3A_1027, %add3A_1029 : vector<16xi32>
      %gather3A_1031 = tpu.vector_load_idx %arg11[%add3A_1025, %add3A_1030] : memref<80x16xf32, #tpu.memory_space<vmem>>[vector<16xi32>, vector<16xi32>], vector<16xf32>,
      %broadcast_in_dim3A_1032 = arith.constant 0 : i32
      %broadcast_in_dim3A_1033 = vector.broadcast %broadcast_in_dim3A_1032 : i32 to vector<16xi32>
      %add3A_1034 = arith.constant 0 : i32
      %add3A_1035 = vector.broadcast %add3A_1034 : i32 to vector<16xi32>
      %add3A_1036 = arith.addi %broadcast_in_dim3A_1033, %add3A_1035 : vector<16xi32>
      %gather3A_1037 = tpu.vector_load_idx %arg13[%add3A_1025, %add3A_1036] : memref<80x16xf32, #tpu.memory_space<vmem>>[vector<16xi32>, vector<16xi32>], vector<16xf32>,
      %sub3A_1038 = arith.subf %gather3A_1031, %gather3A_1037 : vector<16xf32>
      %broadcast_in_dim3A_1039 = arith.constant 0 : i32
      %broadcast_in_dim3A_1040 = vector.broadcast %broadcast_in_dim3A_1039 : i32 to vector<16xi32>
      %add3A_1041 = arith.constant 1 : i32
      %add3A_1042 = vector.broadcast %add3A_1041 : i32 to vector<16xi32>
      %add3A_1043 = arith.addi %broadcast_in_dim3A_1040, %add3A_1042 : vector<16xi32>
      %gather3A_1044 = tpu.vector_load_idx %arg11[%add3A_1025, %add3A_1043] : memref<80x16xf32, #tpu.memory_space<vmem>>[vector<16xi32>, vector<16xi32>], vector<16xf32>,
      %broadcast_in_dim3A_1045 = arith.constant 0 : i32
      %broadcast_in_dim3A_1046 = vector.broadcast %broadcast_in_dim3A_1045 : i32 to vector<16xi32>
      %add3A_1047 = arith.constant 1 : i32
      %add3A_1048 = vector.broadcast %add3A_1047 : i32 to vector<16xi32>
      %add3A_1049 = arith.addi %broadcast_in_dim3A_1046, %add3A_1048 : vector<16xi32>
      %gather3A_1050 = tpu.vector_load_idx %arg13[%add3A_1025, %add3A_1049] : memref<80x16xf32, #tpu.memory_space<vmem>>[vector<16xi32>, vector<16xi32>], vector<16xf32>,
      %sub3A_1051 = arith.subf %gather3A_1044, %gather3A_1050 : vector<16xf32>
      %broadcast_in_dim3A_1052 = arith.constant 0 : i32
      %broadcast_in_dim3A_1053 = vector.broadcast %broadcast_in_dim3A_1052 : i32 to vector<16xi32>
      %add3A_1054 = arith.constant 2 : i32
      %add3A_1055 = vector.broadcast %add3A_1054 : i32 to vector<16xi32>
      %add3A_1056 = arith.addi %broadcast_in_dim3A_1053, %add3A_1055 : vector<16xi32>
      %gather3A_1057 = tpu.vector_load_idx %arg11[%add3A_1025, %add3A_1056] : memref<80x16xf32, #tpu.memory_space<vmem>>[vector<16xi32>, vector<16xi32>], vector<16xf32>,
      %broadcast_in_dim3A_1058 = arith.constant 0 : i32
      %broadcast_in_dim3A_1059 = vector.broadcast %broadcast_in_dim3A_1058 : i32 to vector<16xi32>
      %add3A_1060 = arith.constant 2 : i32
      %add3A_1061 = vector.broadcast %add3A_1060 : i32 to vector<16xi32>
      %add3A_1062 = arith.addi %broadcast_in_dim3A_1059, %add3A_1061 : vector<16xi32>
      %gather3A_1063 = tpu.vector_load_idx %arg13[%add3A_1025, %add3A_1062] : memref<80x16xf32, #tpu.memory_space<vmem>>[vector<16xi32>, vector<16xi32>], vector<16xf32>,
      %sub3A_1064 = arith.subf %gather3A_1057, %gather3A_1063 : vector<16xf32>
      %mul3A_1065 = arith.mulf %sub3A_1038, %sub3A_1038 : vector<16xf32>
      %mul3A_1066 = arith.mulf %sub3A_1051, %sub3A_1051 : vector<16xf32>
      %add3A_1067 = arith.addf %mul3A_1065, %mul3A_1066 : vector<16xf32>
      %mul3A_1068 = arith.mulf %sub3A_1064, %sub3A_1064 : vector<16xf32>
      %add3A_1069 = arith.addf %add3A_1067, %mul3A_1068 : vector<16xf32>
      %broadcast_in_dim3A_1070 = arith.constant 0 : i32
      %broadcast_in_dim3A_1071 = vector.broadcast %broadcast_in_dim3A_1070 : i32 to vector<16xi32>
      %add3A_1072 = arith.constant 0 : i32
      %add3A_1073 = vector.broadcast %add3A_1072 : i32 to vector<16xi32>
      %add3A_1074 = arith.addi %broadcast_in_dim3A_1071, %add3A_1073 : vector<16xi32>
      %bitcast3A_1075 = vector.bitcast %add3A_1069 : vector<16xf32> to vector<16xi32>
      %add3A_1076 = arith.constant 32767 : i32
      %add3A_1077 = vector.broadcast %add3A_1076 : i32 to vector<16xi32>
      %add3A_1078 = arith.addi %bitcast3A_1075, %add3A_1077 : vector<16xi32>
      %shift_right_arithmetic3A_1079 = arith.constant 16 : i32
      %shift_right_arithmetic3A_1080 = vector.broadcast %shift_right_arithmetic3A_1079 : i32 to vector<16xi32>
      %shift_right_arithmetic3A_1081 = arith.shrsi %bitcast3A_1075, %shift_right_arithmetic3A_1080 : vector<16xi32>
      %and3A_1082 = arith.constant 1 : i32
      %and3A_1083 = vector.broadcast %and3A_1082 : i32 to vector<16xi32>
      %and3A_1084 = arith.andi %shift_right_arithmetic3A_1081, %and3A_1083 : vector<16xi32>
      %add3A_1085 = arith.addi %add3A_1078, %and3A_1084 : vector<16xi32>
      %and3A_1086 = arith.constant -65536 : i32
      %and3A_1087 = vector.broadcast %and3A_1086 : i32 to vector<16xi32>
      %and3A_1088 = arith.andi %add3A_1085, %and3A_1087 : vector<16xi32>
      %bitcast3A_1089 = vector.bitcast %and3A_1088 : vector<16xi32> to vector<16xf32>
      tpu.vector_store_idx %arg17[%add3A_1025, %add3A_1074], %bitcast3A_1089 : memref<80x16xf32, #tpu.memory_space<vmem>>[vector<16xi32>, vector<16xi32>], vector<16xf32>,
      %mul3A_1090 = arith.constant 80 : i32
      %mul3A_1091 = arith.muli %mul3A_711, %mul3A_1090 : i32
      "tpu.region"() ({
        %run_scoped3A = tpu.sem_alloc : memref<!tpu.dma_semaphore, #tpu.memory_space<semaphore_mem>>
        %dma_start3A_1474 = tpu.memref_slice %arg10[%mul3A_1091] : memref<10000xi32, #tpu.memory_space<vmem>> -> memref<80xi32, #tpu.memory_space<vmem>>
        %dma_start3A_1475 = arith.constant 0 : i32
        %dma_start3A_1476 = arith.constant 0 : i32
        %dma_start3A_1477 = tpu.memref_slice %arg18[%dma_start3A_1475, %dma_start3A_1476] : memref<10240x16xf32, #tpu.memory_space<vmem_shared>> -> memref<10240x16xf32, #tpu.memory_space<vmem_shared>>
        tpu.enqueue_indirect_dma source(%arg17 : memref<80x16xf32, #tpu.memory_space<vmem>>) target(%dma_start3A_1477 : memref<10240x16xf32, #tpu.memory_space<vmem_shared>>) offsets(%dma_start3A_1474 : memref<80xi32, #tpu.memory_space<vmem>>) semaphore(%run_scoped3A : memref<!tpu.dma_semaphore, #tpu.memory_space<semaphore_mem>>) {add = true}
        %dma_wait3A_1478 = tpu.memref_slice %arg10[%mul3A_1091] : memref<10000xi32, #tpu.memory_space<vmem>> -> memref<80xi32, #tpu.memory_space<vmem>>
        %dma_wait3A_1479 = arith.constant 0 : i32
        %dma_wait3A_1480 = arith.constant 0 : i32
        %dma_wait3A_1481 = tpu.memref_slice %arg18[%dma_wait3A_1479, %dma_wait3A_1480] : memref<10240x16xf32, #tpu.memory_space<vmem_shared>> -> memref<10240x16xf32, #tpu.memory_space<vmem_shared>>
        tpu.wait_indirect_dma semaphore(%run_scoped3A : memref<!tpu.dma_semaphore, #tpu.memory_space<semaphore_mem>>) src(%arg17 : memref<80x16xf32, #tpu.memory_space<vmem>>) dst(%dma_wait3A_1481 : memref<10240x16xf32, #tpu.memory_space<vmem_shared>>)
        tpu.yield
      }) : () -> ()
      "tpu.region"() ({
        %run_scoped3A = tpu.sem_alloc : memref<!tpu.dma_semaphore, #tpu.memory_space<semaphore_mem>>
        %dma_start3A_1474 = tpu.memref_slice %arg10[%mul3A_1091] : memref<10000xi32, #tpu.memory_space<vmem>> -> memref<80xi32, #tpu.memory_space<vmem>>
        %dma_start3A_1475 = arith.constant 0 : i32
        %dma_start3A_1476 = arith.constant 0 : i32
        %dma_start3A_1477 = tpu.memref_slice %arg19[%dma_start3A_1475, %dma_start3A_1476] : memref<10240x16xf32, #tpu.memory_space<vmem_shared>> -> memref<10240x16xf32, #tpu.memory_space<vmem_shared>>
        tpu.enqueue_indirect_dma source(%arg15 : memref<80x16xf32, #tpu.memory_space<vmem>>) target(%dma_start3A_1477 : memref<10240x16xf32, #tpu.memory_space<vmem_shared>>) offsets(%dma_start3A_1474 : memref<80xi32, #tpu.memory_space<vmem>>) semaphore(%run_scoped3A : memref<!tpu.dma_semaphore, #tpu.memory_space<semaphore_mem>>) {add = true}
        %dma_wait3A_1478 = tpu.memref_slice %arg10[%mul3A_1091] : memref<10000xi32, #tpu.memory_space<vmem>> -> memref<80xi32, #tpu.memory_space<vmem>>
        %dma_wait3A_1479 = arith.constant 0 : i32
        %dma_wait3A_1480 = arith.constant 0 : i32
        %dma_wait3A_1481 = tpu.memref_slice %arg19[%dma_wait3A_1479, %dma_wait3A_1480] : memref<10240x16xf32, #tpu.memory_space<vmem_shared>> -> memref<10240x16xf32, #tpu.memory_space<vmem_shared>>
        tpu.wait_indirect_dma semaphore(%run_scoped3A : memref<!tpu.dma_semaphore, #tpu.memory_space<semaphore_mem>>) src(%arg15 : memref<80x16xf32, #tpu.memory_space<vmem>>) dst(%dma_wait3A_1481 : memref<10240x16xf32, #tpu.memory_space<vmem_shared>>)
        tpu.yield
      }) : () -> ()
      %add3A_1092 = arith.constant 2 : i32
      %add3A_1093 = arith.addi %mul3A_711, %add3A_1092 : i32
      %mul3A_1094 = arith.constant 80 : i32
      %mul3A_1095 = arith.muli %add3A_1093, %mul3A_1094 : i32
      %mul3A_1096 = arith.constant 80 : i32
      %mul3A_1097 = arith.muli %add3A_1093, %mul3A_1096 : i32
      %dma_start3A_1098 = tpu.memref_slice %arg9[%mul3A_1095] : memref<10000xi32, #tpu.memory_space<vmem>> -> memref<80xi32, #tpu.memory_space<vmem>>
      %dma_start3A_1099 = arith.constant 0 : i32
      %dma_start3A_1100 = arith.constant 0 : i32
      %dma_start3A_1101 = tpu.memref_slice %arg2[%dma_start3A_1099, %dma_start3A_1100] : memref<10000x16xf32, #tpu.memory_space<hbm>> -> memref<10000x16xf32, #tpu.memory_space<hbm>>
      tpu.enqueue_indirect_dma source(%dma_start3A_1101 : memref<10000x16xf32, #tpu.memory_space<hbm>>) target(%arg11 : memref<80x16xf32, #tpu.memory_space<vmem>>) offsets(%dma_start3A_1098 : memref<80xi32, #tpu.memory_space<vmem>>) semaphore(%arg20 : memref<!tpu.dma_semaphore, #tpu.memory_space<semaphore_mem>>)
      %dma_start3A_1102 = tpu.memref_slice %arg10[%mul3A_1097] : memref<10000xi32, #tpu.memory_space<vmem>> -> memref<80xi32, #tpu.memory_space<vmem>>
      %dma_start3A_1103 = arith.constant 0 : i32
      %dma_start3A_1104 = arith.constant 0 : i32
      %dma_start3A_1105 = tpu.memref_slice %arg2[%dma_start3A_1103, %dma_start3A_1104] : memref<10000x16xf32, #tpu.memory_space<hbm>> -> memref<10000x16xf32, #tpu.memory_space<hbm>>
      tpu.enqueue_indirect_dma source(%dma_start3A_1105 : memref<10000x16xf32, #tpu.memory_space<hbm>>) target(%arg13 : memref<80x16xf32, #tpu.memory_space<vmem>>) offsets(%dma_start3A_1102 : memref<80xi32, #tpu.memory_space<vmem>>) semaphore(%arg22 : memref<!tpu.dma_semaphore, #tpu.memory_space<semaphore_mem>>)
      %mul3A_1106 = arith.constant 80 : i32
      %mul3A_1107 = arith.muli %add3A_1093, %mul3A_1106 : i32
      %add3A_1108 = arith.addi %multiple_of3A, %mul3A_1107 : i32
      %multiple_of3A_1109 = tpu.assume_multiple %add3A_1108, 8 : i32
      %dma_start3A_1110 = arith.constant 0 : i32
      %dma_start3A_1111 = tpu.memref_slice %arg3[%multiple_of3A_1109, %dma_start3A_1110] : memref<320000x16xf32, #tpu.memory_space<hbm>> -> memref<80x16xf32, #tpu.memory_space<hbm>>
      %dma_start3A_1112 = arith.constant 0 : i32
      %dma_start3A_1113 = tpu.memref_slice %arg3[%multiple_of3A_1109, %dma_start3A_1112] : memref<320000x16xf32, #tpu.memory_space<hbm>> -> memref<80x16xf32, #tpu.memory_space<hbm>>
      tpu.enqueue_dma source(%dma_start3A_1113 : memref<80x16xf32, #tpu.memory_space<hbm>>) target(%arg15 : memref<80x16xf32, #tpu.memory_space<vmem>>) target_semaphore(%arg24 : memref<!tpu.dma_semaphore, #tpu.memory_space<semaphore_mem>>)
      %dma_wait3A_1114 = arith.constant 0 : i32
      %dma_wait3A_1115 = tpu.memref_slice %arg9[%dma_wait3A_1114] : memref<10000xi32, #tpu.memory_space<vmem>> -> memref<80xi32, #tpu.memory_space<vmem>>
      %dma_wait3A_1116 = arith.constant 0 : i32
      %dma_wait3A_1117 = arith.constant 0 : i32
      %dma_wait3A_1118 = tpu.memref_slice %arg2[%dma_wait3A_1116, %dma_wait3A_1117] : memref<10000x16xf32, #tpu.memory_space<hbm>> -> memref<10000x16xf32, #tpu.memory_space<hbm>>
      tpu.wait_indirect_dma semaphore(%arg21 : memref<!tpu.dma_semaphore, #tpu.memory_space<semaphore_mem>>) src(%dma_wait3A_1118 : memref<10000x16xf32, #tpu.memory_space<hbm>>) dst(%arg12 : memref<80x16xf32, #tpu.memory_space<vmem>>)
      %dma_wait3A_1119 = arith.constant 0 : i32
      %dma_wait3A_1120 = tpu.memref_slice %arg9[%dma_wait3A_1119] : memref<10000xi32, #tpu.memory_space<vmem>> -> memref<80xi32, #tpu.memory_space<vmem>>
      %dma_wait3A_1121 = arith.constant 0 : i32
      %dma_wait3A_1122 = arith.constant 0 : i32
      %dma_wait3A_1123 = tpu.memref_slice %arg2[%dma_wait3A_1121, %dma_wait3A_1122] : memref<10000x16xf32, #tpu.memory_space<hbm>> -> memref<10000x16xf32, #tpu.memory_space<hbm>>
      tpu.wait_indirect_dma semaphore(%arg23 : memref<!tpu.dma_semaphore, #tpu.memory_space<semaphore_mem>>) src(%dma_wait3A_1123 : memref<10000x16xf32, #tpu.memory_space<hbm>>) dst(%arg14 : memref<80x16xf32, #tpu.memory_space<vmem>>)
      %dma_wait3A_1124 = arith.constant 0 : i32
      %dma_wait3A_1125 = arith.constant 0 : i32
      %dma_wait3A_1126 = tpu.memref_slice %arg3[%dma_wait3A_1124, %dma_wait3A_1125] : memref<320000x16xf32, #tpu.memory_space<hbm>> -> memref<80x16xf32, #tpu.memory_space<hbm>>
      %dma_wait3A_1127 = arith.constant 0 : i32
      %dma_wait3A_1128 = arith.constant 0 : i32
      %dma_wait3A_1129 = tpu.memref_slice %arg3[%dma_wait3A_1127, %dma_wait3A_1128] : memref<320000x16xf32, #tpu.memory_space<hbm>> -> memref<80x16xf32, #tpu.memory_space<hbm>>
      tpu.wait_dma2 semaphore(%arg25 : memref<!tpu.dma_semaphore, #tpu.memory_space<semaphore_mem>>) src(%dma_wait3A_1129 : memref<80x16xf32, #tpu.memory_space<hbm>>) dst(%arg16 : memref<80x16xf32, #tpu.memory_space<vmem>>)
      %iota3A_1130 = tpu.iota {dimensions = array<i32: 0>} : vector<16xi32>
      %add3A_1131 = arith.constant 0 : i32
      %add3A_1132 = vector.broadcast %add3A_1131 : i32 to vector<16xi32>
      %add3A_1133 = arith.addi %iota3A_1130, %add3A_1132 : vector<16xi32>
      %broadcast_in_dim3A_1134 = arith.constant 0 : i32
      %broadcast_in_dim3A_1135 = vector.broadcast %broadcast_in_dim3A_1134 : i32 to vector<16xi32>
      %add3A_1136 = arith.constant 0 : i32
      %add3A_1137 = vector.broadcast %add3A_1136 : i32 to vector<16xi32>
      %add3A_1138 = arith.addi %broadcast_in_dim3A_1135, %add3A_1137 : vector<16xi32>
      %gather3A_1139 = tpu.vector_load_idx %arg12[%add3A_1133, %add3A_1138] : memref<80x16xf32, #tpu.memory_space<vmem>>[vector<16xi32>, vector<16xi32>], vector<16xf32>,
      %broadcast_in_dim3A_1140 = arith.constant 0 : i32
      %broadcast_in_dim3A_1141 = vector.broadcast %broadcast_in_dim3A_1140 : i32 to vector<16xi32>
      %add3A_1142 = arith.constant 0 : i32
      %add3A_1143 = vector.broadcast %add3A_1142 : i32 to vector<16xi32>
      %add3A_1144 = arith.addi %broadcast_in_dim3A_1141, %add3A_1143 : vector<16xi32>
      %gather3A_1145 = tpu.vector_load_idx %arg14[%add3A_1133, %add3A_1144] : memref<80x16xf32, #tpu.memory_space<vmem>>[vector<16xi32>, vector<16xi32>], vector<16xf32>,
      %sub3A_1146 = arith.subf %gather3A_1139, %gather3A_1145 : vector<16xf32>
      %broadcast_in_dim3A_1147 = arith.constant 0 : i32
      %broadcast_in_dim3A_1148 = vector.broadcast %broadcast_in_dim3A_1147 : i32 to vector<16xi32>
      %add3A_1149 = arith.constant 1 : i32
      %add3A_1150 = vector.broadcast %add3A_1149 : i32 to vector<16xi32>
      %add3A_1151 = arith.addi %broadcast_in_dim3A_1148, %add3A_1150 : vector<16xi32>
      %gather3A_1152 = tpu.vector_load_idx %arg12[%add3A_1133, %add3A_1151] : memref<80x16xf32, #tpu.memory_space<vmem>>[vector<16xi32>, vector<16xi32>], vector<16xf32>,
      %broadcast_in_dim3A_1153 = arith.constant 0 : i32
      %broadcast_in_dim3A_1154 = vector.broadcast %broadcast_in_dim3A_1153 : i32 to vector<16xi32>
      %add3A_1155 = arith.constant 1 : i32
      %add3A_1156 = vector.broadcast %add3A_1155 : i32 to vector<16xi32>
      %add3A_1157 = arith.addi %broadcast_in_dim3A_1154, %add3A_1156 : vector<16xi32>
      %gather3A_1158 = tpu.vector_load_idx %arg14[%add3A_1133, %add3A_1157] : memref<80x16xf32, #tpu.memory_space<vmem>>[vector<16xi32>, vector<16xi32>], vector<16xf32>,
      %sub3A_1159 = arith.subf %gather3A_1152, %gather3A_1158 : vector<16xf32>
      %broadcast_in_dim3A_1160 = arith.constant 0 : i32
      %broadcast_in_dim3A_1161 = vector.broadcast %broadcast_in_dim3A_1160 : i32 to vector<16xi32>
      %add3A_1162 = arith.constant 2 : i32
      %add3A_1163 = vector.broadcast %add3A_1162 : i32 to vector<16xi32>
      %add3A_1164 = arith.addi %broadcast_in_dim3A_1161, %add3A_1163 : vector<16xi32>
      %gather3A_1165 = tpu.vector_load_idx %arg12[%add3A_1133, %add3A_1164] : memref<80x16xf32, #tpu.memory_space<vmem>>[vector<16xi32>, vector<16xi32>], vector<16xf32>,
      %broadcast_in_dim3A_1166 = arith.constant 0 : i32
      %broadcast_in_dim3A_1167 = vector.broadcast %broadcast_in_dim3A_1166 : i32 to vector<16xi32>
      %add3A_1168 = arith.constant 2 : i32
      %add3A_1169 = vector.broadcast %add3A_1168 : i32 to vector<16xi32>
      %add3A_1170 = arith.addi %broadcast_in_dim3A_1167, %add3A_1169 : vector<16xi32>
      %gather3A_1171 = tpu.vector_load_idx %arg14[%add3A_1133, %add3A_1170] : memref<80x16xf32, #tpu.memory_space<vmem>>[vector<16xi32>, vector<16xi32>], vector<16xf32>,
      %sub3A_1172 = arith.subf %gather3A_1165, %gather3A_1171 : vector<16xf32>
      %mul3A_1173 = arith.mulf %sub3A_1146, %sub3A_1146 : vector<16xf32>
      %mul3A_1174 = arith.mulf %sub3A_1159, %sub3A_1159 : vector<16xf32>
      %add3A_1175 = arith.addf %mul3A_1173, %mul3A_1174 : vector<16xf32>
      %mul3A_1176 = arith.mulf %sub3A_1172, %sub3A_1172 : vector<16xf32>
      %add3A_1177 = arith.addf %add3A_1175, %mul3A_1176 : vector<16xf32>
      %broadcast_in_dim3A_1178 = arith.constant 0 : i32
      %broadcast_in_dim3A_1179 = vector.broadcast %broadcast_in_dim3A_1178 : i32 to vector<16xi32>
      %add3A_1180 = arith.constant 0 : i32
      %add3A_1181 = vector.broadcast %add3A_1180 : i32 to vector<16xi32>
      %add3A_1182 = arith.addi %broadcast_in_dim3A_1179, %add3A_1181 : vector<16xi32>
      %bitcast3A_1183 = vector.bitcast %add3A_1177 : vector<16xf32> to vector<16xi32>
      %add3A_1184 = arith.constant 32767 : i32
      %add3A_1185 = vector.broadcast %add3A_1184 : i32 to vector<16xi32>
      %add3A_1186 = arith.addi %bitcast3A_1183, %add3A_1185 : vector<16xi32>
      %shift_right_arithmetic3A_1187 = arith.constant 16 : i32
      %shift_right_arithmetic3A_1188 = vector.broadcast %shift_right_arithmetic3A_1187 : i32 to vector<16xi32>
      %shift_right_arithmetic3A_1189 = arith.shrsi %bitcast3A_1183, %shift_right_arithmetic3A_1188 : vector<16xi32>
      %and3A_1190 = arith.constant 1 : i32
      %and3A_1191 = vector.broadcast %and3A_1190 : i32 to vector<16xi32>
      %and3A_1192 = arith.andi %shift_right_arithmetic3A_1189, %and3A_1191 : vector<16xi32>
      %add3A_1193 = arith.addi %add3A_1186, %and3A_1192 : vector<16xi32>
      %and3A_1194 = arith.constant -65536 : i32
      %and3A_1195 = vector.broadcast %and3A_1194 : i32 to vector<16xi32>
      %and3A_1196 = arith.andi %add3A_1193, %and3A_1195 : vector<16xi32>
      %bitcast3A_1197 = vector.bitcast %and3A_1196 : vector<16xi32> to vector<16xf32>
      tpu.vector_store_idx %arg17[%add3A_1133, %add3A_1182], %bitcast3A_1197 : memref<80x16xf32, #tpu.memory_space<vmem>>[vector<16xi32>, vector<16xi32>], vector<16xf32>,
      %iota3A_1198 = tpu.iota {dimensions = array<i32: 0>} : vector<16xi32>
      %add3A_1199 = arith.constant 16 : i32
      %add3A_1200 = vector.broadcast %add3A_1199 : i32 to vector<16xi32>
      %add3A_1201 = arith.addi %iota3A_1198, %add3A_1200 : vector<16xi32>
      %broadcast_in_dim3A_1202 = arith.constant 0 : i32
      %broadcast_in_dim3A_1203 = vector.broadcast %broadcast_in_dim3A_1202 : i32 to vector<16xi32>
      %add3A_1204 = arith.constant 0 : i32
      %add3A_1205 = vector.broadcast %add3A_1204 : i32 to vector<16xi32>
      %add3A_1206 = arith.addi %broadcast_in_dim3A_1203, %add3A_1205 : vector<16xi32>
      %gather3A_1207 = tpu.vector_load_idx %arg12[%add3A_1201, %add3A_1206] : memref<80x16xf32, #tpu.memory_space<vmem>>[vector<16xi32>, vector<16xi32>], vector<16xf32>,
      %broadcast_in_dim3A_1208 = arith.constant 0 : i32
      %broadcast_in_dim3A_1209 = vector.broadcast %broadcast_in_dim3A_1208 : i32 to vector<16xi32>
      %add3A_1210 = arith.constant 0 : i32
      %add3A_1211 = vector.broadcast %add3A_1210 : i32 to vector<16xi32>
      %add3A_1212 = arith.addi %broadcast_in_dim3A_1209, %add3A_1211 : vector<16xi32>
      %gather3A_1213 = tpu.vector_load_idx %arg14[%add3A_1201, %add3A_1212] : memref<80x16xf32, #tpu.memory_space<vmem>>[vector<16xi32>, vector<16xi32>], vector<16xf32>,
      %sub3A_1214 = arith.subf %gather3A_1207, %gather3A_1213 : vector<16xf32>
      %broadcast_in_dim3A_1215 = arith.constant 0 : i32
      %broadcast_in_dim3A_1216 = vector.broadcast %broadcast_in_dim3A_1215 : i32 to vector<16xi32>
      %add3A_1217 = arith.constant 1 : i32
      %add3A_1218 = vector.broadcast %add3A_1217 : i32 to vector<16xi32>
      %add3A_1219 = arith.addi %broadcast_in_dim3A_1216, %add3A_1218 : vector<16xi32>
      %gather3A_1220 = tpu.vector_load_idx %arg12[%add3A_1201, %add3A_1219] : memref<80x16xf32, #tpu.memory_space<vmem>>[vector<16xi32>, vector<16xi32>], vector<16xf32>,
      %broadcast_in_dim3A_1221 = arith.constant 0 : i32
      %broadcast_in_dim3A_1222 = vector.broadcast %broadcast_in_dim3A_1221 : i32 to vector<16xi32>
      %add3A_1223 = arith.constant 1 : i32
      %add3A_1224 = vector.broadcast %add3A_1223 : i32 to vector<16xi32>
      %add3A_1225 = arith.addi %broadcast_in_dim3A_1222, %add3A_1224 : vector<16xi32>
      %gather3A_1226 = tpu.vector_load_idx %arg14[%add3A_1201, %add3A_1225] : memref<80x16xf32, #tpu.memory_space<vmem>>[vector<16xi32>, vector<16xi32>], vector<16xf32>,
      %sub3A_1227 = arith.subf %gather3A_1220, %gather3A_1226 : vector<16xf32>
      %broadcast_in_dim3A_1228 = arith.constant 0 : i32
      %broadcast_in_dim3A_1229 = vector.broadcast %broadcast_in_dim3A_1228 : i32 to vector<16xi32>
      %add3A_1230 = arith.constant 2 : i32
      %add3A_1231 = vector.broadcast %add3A_1230 : i32 to vector<16xi32>
      %add3A_1232 = arith.addi %broadcast_in_dim3A_1229, %add3A_1231 : vector<16xi32>
      %gather3A_1233 = tpu.vector_load_idx %arg12[%add3A_1201, %add3A_1232] : memref<80x16xf32, #tpu.memory_space<vmem>>[vector<16xi32>, vector<16xi32>], vector<16xf32>,
      %broadcast_in_dim3A_1234 = arith.constant 0 : i32
      %broadcast_in_dim3A_1235 = vector.broadcast %broadcast_in_dim3A_1234 : i32 to vector<16xi32>
      %add3A_1236 = arith.constant 2 : i32
      %add3A_1237 = vector.broadcast %add3A_1236 : i32 to vector<16xi32>
      %add3A_1238 = arith.addi %broadcast_in_dim3A_1235, %add3A_1237 : vector<16xi32>
      %gather3A_1239 = tpu.vector_load_idx %arg14[%add3A_1201, %add3A_1238] : memref<80x16xf32, #tpu.memory_space<vmem>>[vector<16xi32>, vector<16xi32>], vector<16xf32>,
      %sub3A_1240 = arith.subf %gather3A_1233, %gather3A_1239 : vector<16xf32>
      %mul3A_1241 = arith.mulf %sub3A_1214, %sub3A_1214 : vector<16xf32>
      %mul3A_1242 = arith.mulf %sub3A_1227, %sub3A_1227 : vector<16xf32>
      %add3A_1243 = arith.addf %mul3A_1241, %mul3A_1242 : vector<16xf32>
      %mul3A_1244 = arith.mulf %sub3A_1240, %sub3A_1240 : vector<16xf32>
      %add3A_1245 = arith.addf %add3A_1243, %mul3A_1244 : vector<16xf32>
      %broadcast_in_dim3A_1246 = arith.constant 0 : i32
      %broadcast_in_dim3A_1247 = vector.broadcast %broadcast_in_dim3A_1246 : i32 to vector<16xi32>
      %add3A_1248 = arith.constant 0 : i32
      %add3A_1249 = vector.broadcast %add3A_1248 : i32 to vector<16xi32>
      %add3A_1250 = arith.addi %broadcast_in_dim3A_1247, %add3A_1249 : vector<16xi32>
      %bitcast3A_1251 = vector.bitcast %add3A_1245 : vector<16xf32> to vector<16xi32>
      %add3A_1252 = arith.constant 32767 : i32
      %add3A_1253 = vector.broadcast %add3A_1252 : i32 to vector<16xi32>
      %add3A_1254 = arith.addi %bitcast3A_1251, %add3A_1253 : vector<16xi32>
      %shift_right_arithmetic3A_1255 = arith.constant 16 : i32
      %shift_right_arithmetic3A_1256 = vector.broadcast %shift_right_arithmetic3A_1255 : i32 to vector<16xi32>
      %shift_right_arithmetic3A_1257 = arith.shrsi %bitcast3A_1251, %shift_right_arithmetic3A_1256 : vector<16xi32>
      %and3A_1258 = arith.constant 1 : i32
      %and3A_1259 = vector.broadcast %and3A_1258 : i32 to vector<16xi32>
      %and3A_1260 = arith.andi %shift_right_arithmetic3A_1257, %and3A_1259 : vector<16xi32>
      %add3A_1261 = arith.addi %add3A_1254, %and3A_1260 : vector<16xi32>
      %and3A_1262 = arith.constant -65536 : i32
      %and3A_1263 = vector.broadcast %and3A_1262 : i32 to vector<16xi32>
      %and3A_1264 = arith.andi %add3A_1261, %and3A_1263 : vector<16xi32>
      %bitcast3A_1265 = vector.bitcast %and3A_1264 : vector<16xi32> to vector<16xf32>
      tpu.vector_store_idx %arg17[%add3A_1201, %add3A_1250], %bitcast3A_1265 : memref<80x16xf32, #tpu.memory_space<vmem>>[vector<16xi32>, vector<16xi32>], vector<16xf32>,
      %iota3A_1266 = tpu.iota {dimensions = array<i32: 0>} : vector<16xi32>
      %add3A_1267 = arith.constant 32 : i32
      %add3A_1268 = vector.broadcast %add3A_1267 : i32 to vector<16xi32>
      %add3A_1269 = arith.addi %iota3A_1266, %add3A_1268 : vector<16xi32>
      %broadcast_in_dim3A_1270 = arith.constant 0 : i32
      %broadcast_in_dim3A_1271 = vector.broadcast %broadcast_in_dim3A_1270 : i32 to vector<16xi32>
      %add3A_1272 = arith.constant 0 : i32
      %add3A_1273 = vector.broadcast %add3A_1272 : i32 to vector<16xi32>
      %add3A_1274 = arith.addi %broadcast_in_dim3A_1271, %add3A_1273 : vector<16xi32>
      %gather3A_1275 = tpu.vector_load_idx %arg12[%add3A_1269, %add3A_1274] : memref<80x16xf32, #tpu.memory_space<vmem>>[vector<16xi32>, vector<16xi32>], vector<16xf32>,
      %broadcast_in_dim3A_1276 = arith.constant 0 : i32
      %broadcast_in_dim3A_1277 = vector.broadcast %broadcast_in_dim3A_1276 : i32 to vector<16xi32>
      %add3A_1278 = arith.constant 0 : i32
      %add3A_1279 = vector.broadcast %add3A_1278 : i32 to vector<16xi32>
      %add3A_1280 = arith.addi %broadcast_in_dim3A_1277, %add3A_1279 : vector<16xi32>
      %gather3A_1281 = tpu.vector_load_idx %arg14[%add3A_1269, %add3A_1280] : memref<80x16xf32, #tpu.memory_space<vmem>>[vector<16xi32>, vector<16xi32>], vector<16xf32>,
      %sub3A_1282 = arith.subf %gather3A_1275, %gather3A_1281 : vector<16xf32>
      %broadcast_in_dim3A_1283 = arith.constant 0 : i32
      %broadcast_in_dim3A_1284 = vector.broadcast %broadcast_in_dim3A_1283 : i32 to vector<16xi32>
      %add3A_1285 = arith.constant 1 : i32
      %add3A_1286 = vector.broadcast %add3A_1285 : i32 to vector<16xi32>
      %add3A_1287 = arith.addi %broadcast_in_dim3A_1284, %add3A_1286 : vector<16xi32>
      %gather3A_1288 = tpu.vector_load_idx %arg12[%add3A_1269, %add3A_1287] : memref<80x16xf32, #tpu.memory_space<vmem>>[vector<16xi32>, vector<16xi32>], vector<16xf32>,
      %broadcast_in_dim3A_1289 = arith.constant 0 : i32
      %broadcast_in_dim3A_1290 = vector.broadcast %broadcast_in_dim3A_1289 : i32 to vector<16xi32>
      %add3A_1291 = arith.constant 1 : i32
      %add3A_1292 = vector.broadcast %add3A_1291 : i32 to vector<16xi32>
      %add3A_1293 = arith.addi %broadcast_in_dim3A_1290, %add3A_1292 : vector<16xi32>
      %gather3A_1294 = tpu.vector_load_idx %arg14[%add3A_1269, %add3A_1293] : memref<80x16xf32, #tpu.memory_space<vmem>>[vector<16xi32>, vector<16xi32>], vector<16xf32>,
      %sub3A_1295 = arith.subf %gather3A_1288, %gather3A_1294 : vector<16xf32>
      %broadcast_in_dim3A_1296 = arith.constant 0 : i32
      %broadcast_in_dim3A_1297 = vector.broadcast %broadcast_in_dim3A_1296 : i32 to vector<16xi32>
      %add3A_1298 = arith.constant 2 : i32
      %add3A_1299 = vector.broadcast %add3A_1298 : i32 to vector<16xi32>
      %add3A_1300 = arith.addi %broadcast_in_dim3A_1297, %add3A_1299 : vector<16xi32>
      %gather3A_1301 = tpu.vector_load_idx %arg12[%add3A_1269, %add3A_1300] : memref<80x16xf32, #tpu.memory_space<vmem>>[vector<16xi32>, vector<16xi32>], vector<16xf32>,
      %broadcast_in_dim3A_1302 = arith.constant 0 : i32
      %broadcast_in_dim3A_1303 = vector.broadcast %broadcast_in_dim3A_1302 : i32 to vector<16xi32>
      %add3A_1304 = arith.constant 2 : i32
      %add3A_1305 = vector.broadcast %add3A_1304 : i32 to vector<16xi32>
      %add3A_1306 = arith.addi %broadcast_in_dim3A_1303, %add3A_1305 : vector<16xi32>
      %gather3A_1307 = tpu.vector_load_idx %arg14[%add3A_1269, %add3A_1306] : memref<80x16xf32, #tpu.memory_space<vmem>>[vector<16xi32>, vector<16xi32>], vector<16xf32>,
      %sub3A_1308 = arith.subf %gather3A_1301, %gather3A_1307 : vector<16xf32>
      %mul3A_1309 = arith.mulf %sub3A_1282, %sub3A_1282 : vector<16xf32>
      %mul3A_1310 = arith.mulf %sub3A_1295, %sub3A_1295 : vector<16xf32>
      %add3A_1311 = arith.addf %mul3A_1309, %mul3A_1310 : vector<16xf32>
      %mul3A_1312 = arith.mulf %sub3A_1308, %sub3A_1308 : vector<16xf32>
      %add3A_1313 = arith.addf %add3A_1311, %mul3A_1312 : vector<16xf32>
      %broadcast_in_dim3A_1314 = arith.constant 0 : i32
      %broadcast_in_dim3A_1315 = vector.broadcast %broadcast_in_dim3A_1314 : i32 to vector<16xi32>
      %add3A_1316 = arith.constant 0 : i32
      %add3A_1317 = vector.broadcast %add3A_1316 : i32 to vector<16xi32>
      %add3A_1318 = arith.addi %broadcast_in_dim3A_1315, %add3A_1317 : vector<16xi32>
      %bitcast3A_1319 = vector.bitcast %add3A_1313 : vector<16xf32> to vector<16xi32>
      %add3A_1320 = arith.constant 32767 : i32
      %add3A_1321 = vector.broadcast %add3A_1320 : i32 to vector<16xi32>
      %add3A_1322 = arith.addi %bitcast3A_1319, %add3A_1321 : vector<16xi32>
      %shift_right_arithmetic3A_1323 = arith.constant 16 : i32
      %shift_right_arithmetic3A_1324 = vector.broadcast %shift_right_arithmetic3A_1323 : i32 to vector<16xi32>
      %shift_right_arithmetic3A_1325 = arith.shrsi %bitcast3A_1319, %shift_right_arithmetic3A_1324 : vector<16xi32>
      %and3A_1326 = arith.constant 1 : i32
      %and3A_1327 = vector.broadcast %and3A_1326 : i32 to vector<16xi32>
      %and3A_1328 = arith.andi %shift_right_arithmetic3A_1325, %and3A_1327 : vector<16xi32>
      %add3A_1329 = arith.addi %add3A_1322, %and3A_1328 : vector<16xi32>
      %and3A_1330 = arith.constant -65536 : i32
      %and3A_1331 = vector.broadcast %and3A_1330 : i32 to vector<16xi32>
      %and3A_1332 = arith.andi %add3A_1329, %and3A_1331 : vector<16xi32>
      %bitcast3A_1333 = vector.bitcast %and3A_1332 : vector<16xi32> to vector<16xf32>
      tpu.vector_store_idx %arg17[%add3A_1269, %add3A_1318], %bitcast3A_1333 : memref<80x16xf32, #tpu.memory_space<vmem>>[vector<16xi32>, vector<16xi32>], vector<16xf32>,
      %iota3A_1334 = tpu.iota {dimensions = array<i32: 0>} : vector<16xi32>
      %add3A_1335 = arith.constant 48 : i32
      %add3A_1336 = vector.broadcast %add3A_1335 : i32 to vector<16xi32>
      %add3A_1337 = arith.addi %iota3A_1334, %add3A_1336 : vector<16xi32>
      %broadcast_in_dim3A_1338 = arith.constant 0 : i32
      %broadcast_in_dim3A_1339 = vector.broadcast %broadcast_in_dim3A_1338 : i32 to vector<16xi32>
      %add3A_1340 = arith.constant 0 : i32
      %add3A_1341 = vector.broadcast %add3A_1340 : i32 to vector<16xi32>
      %add3A_1342 = arith.addi %broadcast_in_dim3A_1339, %add3A_1341 : vector<16xi32>
      %gather3A_1343 = tpu.vector_load_idx %arg12[%add3A_1337, %add3A_1342] : memref<80x16xf32, #tpu.memory_space<vmem>>[vector<16xi32>, vector<16xi32>], vector<16xf32>,
      %broadcast_in_dim3A_1344 = arith.constant 0 : i32
      %broadcast_in_dim3A_1345 = vector.broadcast %broadcast_in_dim3A_1344 : i32 to vector<16xi32>
      %add3A_1346 = arith.constant 0 : i32
      %add3A_1347 = vector.broadcast %add3A_1346 : i32 to vector<16xi32>
      %add3A_1348 = arith.addi %broadcast_in_dim3A_1345, %add3A_1347 : vector<16xi32>
      %gather3A_1349 = tpu.vector_load_idx %arg14[%add3A_1337, %add3A_1348] : memref<80x16xf32, #tpu.memory_space<vmem>>[vector<16xi32>, vector<16xi32>], vector<16xf32>,
      %sub3A_1350 = arith.subf %gather3A_1343, %gather3A_1349 : vector<16xf32>
      %broadcast_in_dim3A_1351 = arith.constant 0 : i32
      %broadcast_in_dim3A_1352 = vector.broadcast %broadcast_in_dim3A_1351 : i32 to vector<16xi32>
      %add3A_1353 = arith.constant 1 : i32
      %add3A_1354 = vector.broadcast %add3A_1353 : i32 to vector<16xi32>
      %add3A_1355 = arith.addi %broadcast_in_dim3A_1352, %add3A_1354 : vector<16xi32>
      %gather3A_1356 = tpu.vector_load_idx %arg12[%add3A_1337, %add3A_1355] : memref<80x16xf32, #tpu.memory_space<vmem>>[vector<16xi32>, vector<16xi32>], vector<16xf32>,
      %broadcast_in_dim3A_1357 = arith.constant 0 : i32
      %broadcast_in_dim3A_1358 = vector.broadcast %broadcast_in_dim3A_1357 : i32 to vector<16xi32>
      %add3A_1359 = arith.constant 1 : i32
      %add3A_1360 = vector.broadcast %add3A_1359 : i32 to vector<16xi32>
      %add3A_1361 = arith.addi %broadcast_in_dim3A_1358, %add3A_1360 : vector<16xi32>
      %gather3A_1362 = tpu.vector_load_idx %arg14[%add3A_1337, %add3A_1361] : memref<80x16xf32, #tpu.memory_space<vmem>>[vector<16xi32>, vector<16xi32>], vector<16xf32>,
      %sub3A_1363 = arith.subf %gather3A_1356, %gather3A_1362 : vector<16xf32>
      %broadcast_in_dim3A_1364 = arith.constant 0 : i32
      %broadcast_in_dim3A_1365 = vector.broadcast %broadcast_in_dim3A_1364 : i32 to vector<16xi32>
      %add3A_1366 = arith.constant 2 : i32
      %add3A_1367 = vector.broadcast %add3A_1366 : i32 to vector<16xi32>
      %add3A_1368 = arith.addi %broadcast_in_dim3A_1365, %add3A_1367 : vector<16xi32>
      %gather3A_1369 = tpu.vector_load_idx %arg12[%add3A_1337, %add3A_1368] : memref<80x16xf32, #tpu.memory_space<vmem>>[vector<16xi32>, vector<16xi32>], vector<16xf32>,
      %broadcast_in_dim3A_1370 = arith.constant 0 : i32
      %broadcast_in_dim3A_1371 = vector.broadcast %broadcast_in_dim3A_1370 : i32 to vector<16xi32>
      %add3A_1372 = arith.constant 2 : i32
      %add3A_1373 = vector.broadcast %add3A_1372 : i32 to vector<16xi32>
      %add3A_1374 = arith.addi %broadcast_in_dim3A_1371, %add3A_1373 : vector<16xi32>
      %gather3A_1375 = tpu.vector_load_idx %arg14[%add3A_1337, %add3A_1374] : memref<80x16xf32, #tpu.memory_space<vmem>>[vector<16xi32>, vector<16xi32>], vector<16xf32>,
      %sub3A_1376 = arith.subf %gather3A_1369, %gather3A_1375 : vector<16xf32>
      %mul3A_1377 = arith.mulf %sub3A_1350, %sub3A_1350 : vector<16xf32>
      %mul3A_1378 = arith.mulf %sub3A_1363, %sub3A_1363 : vector<16xf32>
      %add3A_1379 = arith.addf %mul3A_1377, %mul3A_1378 : vector<16xf32>
      %mul3A_1380 = arith.mulf %sub3A_1376, %sub3A_1376 : vector<16xf32>
      %add3A_1381 = arith.addf %add3A_1379, %mul3A_1380 : vector<16xf32>
      %broadcast_in_dim3A_1382 = arith.constant 0 : i32
      %broadcast_in_dim3A_1383 = vector.broadcast %broadcast_in_dim3A_1382 : i32 to vector<16xi32>
      %add3A_1384 = arith.constant 0 : i32
      %add3A_1385 = vector.broadcast %add3A_1384 : i32 to vector<16xi32>
      %add3A_1386 = arith.addi %broadcast_in_dim3A_1383, %add3A_1385 : vector<16xi32>
      %bitcast3A_1387 = vector.bitcast %add3A_1381 : vector<16xf32> to vector<16xi32>
      %add3A_1388 = arith.constant 32767 : i32
      %add3A_1389 = vector.broadcast %add3A_1388 : i32 to vector<16xi32>
      %add3A_1390 = arith.addi %bitcast3A_1387, %add3A_1389 : vector<16xi32>
      %shift_right_arithmetic3A_1391 = arith.constant 16 : i32
      %shift_right_arithmetic3A_1392 = vector.broadcast %shift_right_arithmetic3A_1391 : i32 to vector<16xi32>
      %shift_right_arithmetic3A_1393 = arith.shrsi %bitcast3A_1387, %shift_right_arithmetic3A_1392 : vector<16xi32>
      %and3A_1394 = arith.constant 1 : i32
      %and3A_1395 = vector.broadcast %and3A_1394 : i32 to vector<16xi32>
      %and3A_1396 = arith.andi %shift_right_arithmetic3A_1393, %and3A_1395 : vector<16xi32>
      %add3A_1397 = arith.addi %add3A_1390, %and3A_1396 : vector<16xi32>
      %and3A_1398 = arith.constant -65536 : i32
      %and3A_1399 = vector.broadcast %and3A_1398 : i32 to vector<16xi32>
      %and3A_1400 = arith.andi %add3A_1397, %and3A_1399 : vector<16xi32>
      %bitcast3A_1401 = vector.bitcast %and3A_1400 : vector<16xi32> to vector<16xf32>
      tpu.vector_store_idx %arg17[%add3A_1337, %add3A_1386], %bitcast3A_1401 : memref<80x16xf32, #tpu.memory_space<vmem>>[vector<16xi32>, vector<16xi32>], vector<16xf32>,
      %iota3A_1402 = tpu.iota {dimensions = array<i32: 0>} : vector<16xi32>
      %add3A_1403 = arith.constant 64 : i32
      %add3A_1404 = vector.broadcast %add3A_1403 : i32 to vector<16xi32>
      %add3A_1405 = arith.addi %iota3A_1402, %add3A_1404 : vector<16xi32>
      %broadcast_in_dim3A_1406 = arith.constant 0 : i32
      %broadcast_in_dim3A_1407 = vector.broadcast %broadcast_in_dim3A_1406 : i32 to vector<16xi32>
      %add3A_1408 = arith.constant 0 : i32
      %add3A_1409 = vector.broadcast %add3A_1408 : i32 to vector<16xi32>
      %add3A_1410 = arith.addi %broadcast_in_dim3A_1407, %add3A_1409 : vector<16xi32>
      %gather3A_1411 = tpu.vector_load_idx %arg12[%add3A_1405, %add3A_1410] : memref<80x16xf32, #tpu.memory_space<vmem>>[vector<16xi32>, vector<16xi32>], vector<16xf32>,
      %broadcast_in_dim3A_1412 = arith.constant 0 : i32
      %broadcast_in_dim3A_1413 = vector.broadcast %broadcast_in_dim3A_1412 : i32 to vector<16xi32>
      %add3A_1414 = arith.constant 0 : i32
      %add3A_1415 = vector.broadcast %add3A_1414 : i32 to vector<16xi32>
      %add3A_1416 = arith.addi %broadcast_in_dim3A_1413, %add3A_1415 : vector<16xi32>
      %gather3A_1417 = tpu.vector_load_idx %arg14[%add3A_1405, %add3A_1416] : memref<80x16xf32, #tpu.memory_space<vmem>>[vector<16xi32>, vector<16xi32>], vector<16xf32>,
      %sub3A_1418 = arith.subf %gather3A_1411, %gather3A_1417 : vector<16xf32>
      %broadcast_in_dim3A_1419 = arith.constant 0 : i32
      %broadcast_in_dim3A_1420 = vector.broadcast %broadcast_in_dim3A_1419 : i32 to vector<16xi32>
      %add3A_1421 = arith.constant 1 : i32
      %add3A_1422 = vector.broadcast %add3A_1421 : i32 to vector<16xi32>
      %add3A_1423 = arith.addi %broadcast_in_dim3A_1420, %add3A_1422 : vector<16xi32>
      %gather3A_1424 = tpu.vector_load_idx %arg12[%add3A_1405, %add3A_1423] : memref<80x16xf32, #tpu.memory_space<vmem>>[vector<16xi32>, vector<16xi32>], vector<16xf32>,
      %broadcast_in_dim3A_1425 = arith.constant 0 : i32
      %broadcast_in_dim3A_1426 = vector.broadcast %broadcast_in_dim3A_1425 : i32 to vector<16xi32>
      %add3A_1427 = arith.constant 1 : i32
      %add3A_1428 = vector.broadcast %add3A_1427 : i32 to vector<16xi32>
      %add3A_1429 = arith.addi %broadcast_in_dim3A_1426, %add3A_1428 : vector<16xi32>
      %gather3A_1430 = tpu.vector_load_idx %arg14[%add3A_1405, %add3A_1429] : memref<80x16xf32, #tpu.memory_space<vmem>>[vector<16xi32>, vector<16xi32>], vector<16xf32>,
      %sub3A_1431 = arith.subf %gather3A_1424, %gather3A_1430 : vector<16xf32>
      %broadcast_in_dim3A_1432 = arith.constant 0 : i32
      %broadcast_in_dim3A_1433 = vector.broadcast %broadcast_in_dim3A_1432 : i32 to vector<16xi32>
      %add3A_1434 = arith.constant 2 : i32
      %add3A_1435 = vector.broadcast %add3A_1434 : i32 to vector<16xi32>
      %add3A_1436 = arith.addi %broadcast_in_dim3A_1433, %add3A_1435 : vector<16xi32>
      %gather3A_1437 = tpu.vector_load_idx %arg12[%add3A_1405, %add3A_1436] : memref<80x16xf32, #tpu.memory_space<vmem>>[vector<16xi32>, vector<16xi32>], vector<16xf32>,
      %broadcast_in_dim3A_1438 = arith.constant 0 : i32
      %broadcast_in_dim3A_1439 = vector.broadcast %broadcast_in_dim3A_1438 : i32 to vector<16xi32>
      %add3A_1440 = arith.constant 2 : i32
      %add3A_1441 = vector.broadcast %add3A_1440 : i32 to vector<16xi32>
      %add3A_1442 = arith.addi %broadcast_in_dim3A_1439, %add3A_1441 : vector<16xi32>
      %gather3A_1443 = tpu.vector_load_idx %arg14[%add3A_1405, %add3A_1442] : memref<80x16xf32, #tpu.memory_space<vmem>>[vector<16xi32>, vector<16xi32>], vector<16xf32>,
      %sub3A_1444 = arith.subf %gather3A_1437, %gather3A_1443 : vector<16xf32>
      %mul3A_1445 = arith.mulf %sub3A_1418, %sub3A_1418 : vector<16xf32>
      %mul3A_1446 = arith.mulf %sub3A_1431, %sub3A_1431 : vector<16xf32>
      %add3A_1447 = arith.addf %mul3A_1445, %mul3A_1446 : vector<16xf32>
      %mul3A_1448 = arith.mulf %sub3A_1444, %sub3A_1444 : vector<16xf32>
      %add3A_1449 = arith.addf %add3A_1447, %mul3A_1448 : vector<16xf32>
      %broadcast_in_dim3A_1450 = arith.constant 0 : i32
      %broadcast_in_dim3A_1451 = vector.broadcast %broadcast_in_dim3A_1450 : i32 to vector<16xi32>
      %add3A_1452 = arith.constant 0 : i32
      %add3A_1453 = vector.broadcast %add3A_1452 : i32 to vector<16xi32>
      %add3A_1454 = arith.addi %broadcast_in_dim3A_1451, %add3A_1453 : vector<16xi32>
      %bitcast3A_1455 = vector.bitcast %add3A_1449 : vector<16xf32> to vector<16xi32>
      %add3A_1456 = arith.constant 32767 : i32
      %add3A_1457 = vector.broadcast %add3A_1456 : i32 to vector<16xi32>
      %add3A_1458 = arith.addi %bitcast3A_1455, %add3A_1457 : vector<16xi32>
      %shift_right_arithmetic3A_1459 = arith.constant 16 : i32
      %shift_right_arithmetic3A_1460 = vector.broadcast %shift_right_arithmetic3A_1459 : i32 to vector<16xi32>
      %shift_right_arithmetic3A_1461 = arith.shrsi %bitcast3A_1455, %shift_right_arithmetic3A_1460 : vector<16xi32>
      %and3A_1462 = arith.constant 1 : i32
      %and3A_1463 = vector.broadcast %and3A_1462 : i32 to vector<16xi32>
      %and3A_1464 = arith.andi %shift_right_arithmetic3A_1461, %and3A_1463 : vector<16xi32>
      %add3A_1465 = arith.addi %add3A_1458, %and3A_1464 : vector<16xi32>
      %and3A_1466 = arith.constant -65536 : i32
      %and3A_1467 = vector.broadcast %and3A_1466 : i32 to vector<16xi32>
      %and3A_1468 = arith.andi %add3A_1465, %and3A_1467 : vector<16xi32>
      %bitcast3A_1469 = vector.bitcast %and3A_1468 : vector<16xi32> to vector<16xf32>
      tpu.vector_store_idx %arg17[%add3A_1405, %add3A_1454], %bitcast3A_1469 : memref<80x16xf32, #tpu.memory_space<vmem>>[vector<16xi32>, vector<16xi32>], vector<16xf32>,
      %add3A_1470 = arith.constant 1 : i32
      %add3A_1471 = arith.addi %mul3A_711, %add3A_1470 : i32
      %mul3A_1472 = arith.constant 80 : i32
      %mul3A_1473 = arith.muli %add3A_1471, %mul3A_1472 : i32
      "tpu.region"() ({
        %run_scoped3A = tpu.sem_alloc : memref<!tpu.dma_semaphore, #tpu.memory_space<semaphore_mem>>
        %dma_start3A_1474 = tpu.memref_slice %arg10[%mul3A_1473] : memref<10000xi32, #tpu.memory_space<vmem>> -> memref<80xi32, #tpu.memory_space<vmem>>
        %dma_start3A_1475 = arith.constant 0 : i32
        %dma_start3A_1476 = arith.constant 0 : i32
        %dma_start3A_1477 = tpu.memref_slice %arg18[%dma_start3A_1475, %dma_start3A_1476] : memref<10240x16xf32, #tpu.memory_space<vmem_shared>> -> memref<10240x16xf32, #tpu.memory_space<vmem_shared>>
        tpu.enqueue_indirect_dma source(%arg17 : memref<80x16xf32, #tpu.memory_space<vmem>>) target(%dma_start3A_1477 : memref<10240x16xf32, #tpu.memory_space<vmem_shared>>) offsets(%dma_start3A_1474 : memref<80xi32, #tpu.memory_space<vmem>>) semaphore(%run_scoped3A : memref<!tpu.dma_semaphore, #tpu.memory_space<semaphore_mem>>) {add = true}
        %dma_wait3A_1478 = tpu.memref_slice %arg10[%mul3A_1473] : memref<10000xi32, #tpu.memory_space<vmem>> -> memref<80xi32, #tpu.memory_space<vmem>>
        %dma_wait3A_1479 = arith.constant 0 : i32
        %dma_wait3A_1480 = arith.constant 0 : i32
        %dma_wait3A_1481 = tpu.memref_slice %arg18[%dma_wait3A_1479, %dma_wait3A_1480] : memref<10240x16xf32, #tpu.memory_space<vmem_shared>> -> memref<10240x16xf32, #tpu.memory_space<vmem_shared>>
        tpu.wait_indirect_dma semaphore(%run_scoped3A : memref<!tpu.dma_semaphore, #tpu.memory_space<semaphore_mem>>) src(%arg17 : memref<80x16xf32, #tpu.memory_space<vmem>>) dst(%dma_wait3A_1481 : memref<10240x16xf32, #tpu.memory_space<vmem_shared>>)
        tpu.yield
      }) : () -> ()
      "tpu.region"() ({
        %run_scoped3A = tpu.sem_alloc : memref<!tpu.dma_semaphore, #tpu.memory_space<semaphore_mem>>
        %dma_start3A_1474 = tpu.memref_slice %arg10[%mul3A_1473] : memref<10000xi32, #tpu.memory_space<vmem>> -> memref<80xi32, #tpu.memory_space<vmem>>
        %dma_start3A_1475 = arith.constant 0 : i32
        %dma_start3A_1476 = arith.constant 0 : i32
        %dma_start3A_1477 = tpu.memref_slice %arg19[%dma_start3A_1475, %dma_start3A_1476] : memref<10240x16xf32, #tpu.memory_space<vmem_shared>> -> memref<10240x16xf32, #tpu.memory_space<vmem_shared>>
        tpu.enqueue_indirect_dma source(%arg16 : memref<80x16xf32, #tpu.memory_space<vmem>>) target(%dma_start3A_1477 : memref<10240x16xf32, #tpu.memory_space<vmem_shared>>) offsets(%dma_start3A_1474 : memref<80xi32, #tpu.memory_space<vmem>>) semaphore(%run_scoped3A : memref<!tpu.dma_semaphore, #tpu.memory_space<semaphore_mem>>) {add = true}
        %dma_wait3A_1478 = tpu.memref_slice %arg10[%mul3A_1473] : memref<10000xi32, #tpu.memory_space<vmem>> -> memref<80xi32, #tpu.memory_space<vmem>>
        %dma_wait3A_1479 = arith.constant 0 : i32
        %dma_wait3A_1480 = arith.constant 0 : i32
        %dma_wait3A_1481 = tpu.memref_slice %arg19[%dma_wait3A_1479, %dma_wait3A_1480] : memref<10240x16xf32, #tpu.memory_space<vmem_shared>> -> memref<10240x16xf32, #tpu.memory_space<vmem_shared>>
        tpu.wait_indirect_dma semaphore(%run_scoped3A : memref<!tpu.dma_semaphore, #tpu.memory_space<semaphore_mem>>) src(%arg16 : memref<80x16xf32, #tpu.memory_space<vmem>>) dst(%dma_wait3A_1481 : memref<10240x16xf32, #tpu.memory_space<vmem_shared>>)
        tpu.yield
      }) : () -> ()
    }
    %scan3A_350 = arith.constant 62 : i32
    %dma_wait3A = arith.constant 0 : i32
    %dma_wait3A_351 = tpu.memref_slice %arg9[%dma_wait3A] : memref<10000xi32, #tpu.memory_space<vmem>> -> memref<80xi32, #tpu.memory_space<vmem>>
    %dma_wait3A_352 = arith.constant 0 : i32
    %dma_wait3A_353 = arith.constant 0 : i32
    %dma_wait3A_354 = tpu.memref_slice %arg2[%dma_wait3A_352, %dma_wait3A_353] : memref<10000x16xf32, #tpu.memory_space<hbm>> -> memref<10000x16xf32, #tpu.memory_space<hbm>>
    tpu.wait_indirect_dma semaphore(%arg20 : memref<!tpu.dma_semaphore, #tpu.memory_space<semaphore_mem>>) src(%dma_wait3A_354 : memref<10000x16xf32, #tpu.memory_space<hbm>>) dst(%arg11 : memref<80x16xf32, #tpu.memory_space<vmem>>)
    %dma_wait3A_355 = arith.constant 0 : i32
    %dma_wait3A_356 = tpu.memref_slice %arg9[%dma_wait3A_355] : memref<10000xi32, #tpu.memory_space<vmem>> -> memref<80xi32, #tpu.memory_space<vmem>>
    %dma_wait3A_357 = arith.constant 0 : i32
    %dma_wait3A_358 = arith.constant 0 : i32
    %dma_wait3A_359 = tpu.memref_slice %arg2[%dma_wait3A_357, %dma_wait3A_358] : memref<10000x16xf32, #tpu.memory_space<hbm>> -> memref<10000x16xf32, #tpu.memory_space<hbm>>
    tpu.wait_indirect_dma semaphore(%arg22 : memref<!tpu.dma_semaphore, #tpu.memory_space<semaphore_mem>>) src(%dma_wait3A_359 : memref<10000x16xf32, #tpu.memory_space<hbm>>) dst(%arg13 : memref<80x16xf32, #tpu.memory_space<vmem>>)
    %dma_wait3A_360 = arith.constant 0 : i32
    %dma_wait3A_361 = arith.constant 0 : i32
    %dma_wait3A_362 = tpu.memref_slice %arg3[%dma_wait3A_360, %dma_wait3A_361] : memref<320000x16xf32, #tpu.memory_space<hbm>> -> memref<80x16xf32, #tpu.memory_space<hbm>>
    %dma_wait3A_363 = arith.constant 0 : i32
    %dma_wait3A_364 = arith.constant 0 : i32
    %dma_wait3A_365 = tpu.memref_slice %arg3[%dma_wait3A_363, %dma_wait3A_364] : memref<320000x16xf32, #tpu.memory_space<hbm>> -> memref<80x16xf32, #tpu.memory_space<hbm>>
    tpu.wait_dma2 semaphore(%arg24 : memref<!tpu.dma_semaphore, #tpu.memory_space<semaphore_mem>>) src(%dma_wait3A_365 : memref<80x16xf32, #tpu.memory_space<hbm>>) dst(%arg15 : memref<80x16xf32, #tpu.memory_space<vmem>>)
    %iota3A_366 = tpu.iota {dimensions = array<i32: 0>} : vector<16xi32>
    %add3A_367 = arith.constant 0 : i32
    %add3A_368 = vector.broadcast %add3A_367 : i32 to vector<16xi32>
    %add3A_369 = arith.addi %iota3A_366, %add3A_368 : vector<16xi32>
    %broadcast_in_dim3A_370 = arith.constant 0 : i32
    %broadcast_in_dim3A_371 = vector.broadcast %broadcast_in_dim3A_370 : i32 to vector<16xi32>
    %add3A_372 = arith.constant 0 : i32
    %add3A_373 = vector.broadcast %add3A_372 : i32 to vector<16xi32>
    %add3A_374 = arith.addi %broadcast_in_dim3A_371, %add3A_373 : vector<16xi32>
    %gather3A = tpu.vector_load_idx %arg11[%add3A_369, %add3A_374] : memref<80x16xf32, #tpu.memory_space<vmem>>[vector<16xi32>, vector<16xi32>], vector<16xf32>,
    %broadcast_in_dim3A_375 = arith.constant 0 : i32
    %broadcast_in_dim3A_376 = vector.broadcast %broadcast_in_dim3A_375 : i32 to vector<16xi32>
    %add3A_377 = arith.constant 0 : i32
    %add3A_378 = vector.broadcast %add3A_377 : i32 to vector<16xi32>
    %add3A_379 = arith.addi %broadcast_in_dim3A_376, %add3A_378 : vector<16xi32>
    %gather3A_380 = tpu.vector_load_idx %arg13[%add3A_369, %add3A_379] : memref<80x16xf32, #tpu.memory_space<vmem>>[vector<16xi32>, vector<16xi32>], vector<16xf32>,
    %sub3A = arith.subf %gather3A, %gather3A_380 : vector<16xf32>
    %broadcast_in_dim3A_381 = arith.constant 0 : i32
    %broadcast_in_dim3A_382 = vector.broadcast %broadcast_in_dim3A_381 : i32 to vector<16xi32>
    %add3A_383 = arith.constant 1 : i32
    %add3A_384 = vector.broadcast %add3A_383 : i32 to vector<16xi32>
    %add3A_385 = arith.addi %broadcast_in_dim3A_382, %add3A_384 : vector<16xi32>
    %gather3A_386 = tpu.vector_load_idx %arg11[%add3A_369, %add3A_385] : memref<80x16xf32, #tpu.memory_space<vmem>>[vector<16xi32>, vector<16xi32>], vector<16xf32>,
    %broadcast_in_dim3A_387 = arith.constant 0 : i32
    %broadcast_in_dim3A_388 = vector.broadcast %broadcast_in_dim3A_387 : i32 to vector<16xi32>
    %add3A_389 = arith.constant 1 : i32
    %add3A_390 = vector.broadcast %add3A_389 : i32 to vector<16xi32>
    %add3A_391 = arith.addi %broadcast_in_dim3A_388, %add3A_390 : vector<16xi32>
    %gather3A_392 = tpu.vector_load_idx %arg13[%add3A_369, %add3A_391] : memref<80x16xf32, #tpu.memory_space<vmem>>[vector<16xi32>, vector<16xi32>], vector<16xf32>,
    %sub3A_393 = arith.subf %gather3A_386, %gather3A_392 : vector<16xf32>
    %broadcast_in_dim3A_394 = arith.constant 0 : i32
    %broadcast_in_dim3A_395 = vector.broadcast %broadcast_in_dim3A_394 : i32 to vector<16xi32>
    %add3A_396 = arith.constant 2 : i32
    %add3A_397 = vector.broadcast %add3A_396 : i32 to vector<16xi32>
    %add3A_398 = arith.addi %broadcast_in_dim3A_395, %add3A_397 : vector<16xi32>
    %gather3A_399 = tpu.vector_load_idx %arg11[%add3A_369, %add3A_398] : memref<80x16xf32, #tpu.memory_space<vmem>>[vector<16xi32>, vector<16xi32>], vector<16xf32>,
    %broadcast_in_dim3A_400 = arith.constant 0 : i32
    %broadcast_in_dim3A_401 = vector.broadcast %broadcast_in_dim3A_400 : i32 to vector<16xi32>
    %add3A_402 = arith.constant 2 : i32
    %add3A_403 = vector.broadcast %add3A_402 : i32 to vector<16xi32>
    %add3A_404 = arith.addi %broadcast_in_dim3A_401, %add3A_403 : vector<16xi32>
    %gather3A_405 = tpu.vector_load_idx %arg13[%add3A_369, %add3A_404] : memref<80x16xf32, #tpu.memory_space<vmem>>[vector<16xi32>, vector<16xi32>], vector<16xf32>,
    %sub3A_406 = arith.subf %gather3A_399, %gather3A_405 : vector<16xf32>
    %mul3A_407 = arith.mulf %sub3A, %sub3A : vector<16xf32>
    %mul3A_408 = arith.mulf %sub3A_393, %sub3A_393 : vector<16xf32>
    %add3A_409 = arith.addf %mul3A_407, %mul3A_408 : vector<16xf32>
    %mul3A_410 = arith.mulf %sub3A_406, %sub3A_406 : vector<16xf32>
    %add3A_411 = arith.addf %add3A_409, %mul3A_410 : vector<16xf32>
    %broadcast_in_dim3A_412 = arith.constant 0 : i32
    %broadcast_in_dim3A_413 = vector.broadcast %broadcast_in_dim3A_412 : i32 to vector<16xi32>
    %add3A_414 = arith.constant 0 : i32
    %add3A_415 = vector.broadcast %add3A_414 : i32 to vector<16xi32>
    %add3A_416 = arith.addi %broadcast_in_dim3A_413, %add3A_415 : vector<16xi32>
    %bitcast3A = vector.bitcast %add3A_411 : vector<16xf32> to vector<16xi32>
    %add3A_417 = arith.constant 32767 : i32
    %add3A_418 = vector.broadcast %add3A_417 : i32 to vector<16xi32>
    %add3A_419 = arith.addi %bitcast3A, %add3A_418 : vector<16xi32>
    %shift_right_arithmetic3A = arith.constant 16 : i32
    %shift_right_arithmetic3A_420 = vector.broadcast %shift_right_arithmetic3A : i32 to vector<16xi32>
    %shift_right_arithmetic3A_421 = arith.shrsi %bitcast3A, %shift_right_arithmetic3A_420 : vector<16xi32>
    %and3A = arith.constant 1 : i32
    %and3A_422 = vector.broadcast %and3A : i32 to vector<16xi32>
    %and3A_423 = arith.andi %shift_right_arithmetic3A_421, %and3A_422 : vector<16xi32>
    %add3A_424 = arith.addi %add3A_419, %and3A_423 : vector<16xi32>
    %and3A_425 = arith.constant -65536 : i32
    %and3A_426 = vector.broadcast %and3A_425 : i32 to vector<16xi32>
    %and3A_427 = arith.andi %add3A_424, %and3A_426 : vector<16xi32>
    %bitcast3A_428 = vector.bitcast %and3A_427 : vector<16xi32> to vector<16xf32>
    tpu.vector_store_idx %arg17[%add3A_369, %add3A_416], %bitcast3A_428 : memref<80x16xf32, #tpu.memory_space<vmem>>[vector<16xi32>, vector<16xi32>], vector<16xf32>,
    %iota3A_429 = tpu.iota {dimensions = array<i32: 0>} : vector<16xi32>
    %add3A_430 = arith.constant 16 : i32
    %add3A_431 = vector.broadcast %add3A_430 : i32 to vector<16xi32>
    %add3A_432 = arith.addi %iota3A_429, %add3A_431 : vector<16xi32>
    %broadcast_in_dim3A_433 = arith.constant 0 : i32
    %broadcast_in_dim3A_434 = vector.broadcast %broadcast_in_dim3A_433 : i32 to vector<16xi32>
    %add3A_435 = arith.constant 0 : i32
    %add3A_436 = vector.broadcast %add3A_435 : i32 to vector<16xi32>
    %add3A_437 = arith.addi %broadcast_in_dim3A_434, %add3A_436 : vector<16xi32>
    %gather3A_438 = tpu.vector_load_idx %arg11[%add3A_432, %add3A_437] : memref<80x16xf32, #tpu.memory_space<vmem>>[vector<16xi32>, vector<16xi32>], vector<16xf32>,
    %broadcast_in_dim3A_439 = arith.constant 0 : i32
    %broadcast_in_dim3A_440 = vector.broadcast %broadcast_in_dim3A_439 : i32 to vector<16xi32>
    %add3A_441 = arith.constant 0 : i32
    %add3A_442 = vector.broadcast %add3A_441 : i32 to vector<16xi32>
    %add3A_443 = arith.addi %broadcast_in_dim3A_440, %add3A_442 : vector<16xi32>
    %gather3A_444 = tpu.vector_load_idx %arg13[%add3A_432, %add3A_443] : memref<80x16xf32, #tpu.memory_space<vmem>>[vector<16xi32>, vector<16xi32>], vector<16xf32>,
    %sub3A_445 = arith.subf %gather3A_438, %gather3A_444 : vector<16xf32>
    %broadcast_in_dim3A_446 = arith.constant 0 : i32
    %broadcast_in_dim3A_447 = vector.broadcast %broadcast_in_dim3A_446 : i32 to vector<16xi32>
    %add3A_448 = arith.constant 1 : i32
    %add3A_449 = vector.broadcast %add3A_448 : i32 to vector<16xi32>
    %add3A_450 = arith.addi %broadcast_in_dim3A_447, %add3A_449 : vector<16xi32>
    %gather3A_451 = tpu.vector_load_idx %arg11[%add3A_432, %add3A_450] : memref<80x16xf32, #tpu.memory_space<vmem>>[vector<16xi32>, vector<16xi32>], vector<16xf32>,
    %broadcast_in_dim3A_452 = arith.constant 0 : i32
    %broadcast_in_dim3A_453 = vector.broadcast %broadcast_in_dim3A_452 : i32 to vector<16xi32>
    %add3A_454 = arith.constant 1 : i32
    %add3A_455 = vector.broadcast %add3A_454 : i32 to vector<16xi32>
    %add3A_456 = arith.addi %broadcast_in_dim3A_453, %add3A_455 : vector<16xi32>
    %gather3A_457 = tpu.vector_load_idx %arg13[%add3A_432, %add3A_456] : memref<80x16xf32, #tpu.memory_space<vmem>>[vector<16xi32>, vector<16xi32>], vector<16xf32>,
    %sub3A_458 = arith.subf %gather3A_451, %gather3A_457 : vector<16xf32>
    %broadcast_in_dim3A_459 = arith.constant 0 : i32
    %broadcast_in_dim3A_460 = vector.broadcast %broadcast_in_dim3A_459 : i32 to vector<16xi32>
    %add3A_461 = arith.constant 2 : i32
    %add3A_462 = vector.broadcast %add3A_461 : i32 to vector<16xi32>
    %add3A_463 = arith.addi %broadcast_in_dim3A_460, %add3A_462 : vector<16xi32>
    %gather3A_464 = tpu.vector_load_idx %arg11[%add3A_432, %add3A_463] : memref<80x16xf32, #tpu.memory_space<vmem>>[vector<16xi32>, vector<16xi32>], vector<16xf32>,
    %broadcast_in_dim3A_465 = arith.constant 0 : i32
    %broadcast_in_dim3A_466 = vector.broadcast %broadcast_in_dim3A_465 : i32 to vector<16xi32>
    %add3A_467 = arith.constant 2 : i32
    %add3A_468 = vector.broadcast %add3A_467 : i32 to vector<16xi32>
    %add3A_469 = arith.addi %broadcast_in_dim3A_466, %add3A_468 : vector<16xi32>
    %gather3A_470 = tpu.vector_load_idx %arg13[%add3A_432, %add3A_469] : memref<80x16xf32, #tpu.memory_space<vmem>>[vector<16xi32>, vector<16xi32>], vector<16xf32>,
    %sub3A_471 = arith.subf %gather3A_464, %gather3A_470 : vector<16xf32>
    %mul3A_472 = arith.mulf %sub3A_445, %sub3A_445 : vector<16xf32>
    %mul3A_473 = arith.mulf %sub3A_458, %sub3A_458 : vector<16xf32>
    %add3A_474 = arith.addf %mul3A_472, %mul3A_473 : vector<16xf32>
    %mul3A_475 = arith.mulf %sub3A_471, %sub3A_471 : vector<16xf32>
    %add3A_476 = arith.addf %add3A_474, %mul3A_475 : vector<16xf32>
    %broadcast_in_dim3A_477 = arith.constant 0 : i32
    %broadcast_in_dim3A_478 = vector.broadcast %broadcast_in_dim3A_477 : i32 to vector<16xi32>
    %add3A_479 = arith.constant 0 : i32
    %add3A_480 = vector.broadcast %add3A_479 : i32 to vector<16xi32>
    %add3A_481 = arith.addi %broadcast_in_dim3A_478, %add3A_480 : vector<16xi32>
    %bitcast3A_482 = vector.bitcast %add3A_476 : vector<16xf32> to vector<16xi32>
    %add3A_483 = arith.constant 32767 : i32
    %add3A_484 = vector.broadcast %add3A_483 : i32 to vector<16xi32>
    %add3A_485 = arith.addi %bitcast3A_482, %add3A_484 : vector<16xi32>
    %shift_right_arithmetic3A_486 = arith.constant 16 : i32
    %shift_right_arithmetic3A_487 = vector.broadcast %shift_right_arithmetic3A_486 : i32 to vector<16xi32>
    %shift_right_arithmetic3A_488 = arith.shrsi %bitcast3A_482, %shift_right_arithmetic3A_487 : vector<16xi32>
    %and3A_489 = arith.constant 1 : i32
    %and3A_490 = vector.broadcast %and3A_489 : i32 to vector<16xi32>
    %and3A_491 = arith.andi %shift_right_arithmetic3A_488, %and3A_490 : vector<16xi32>
    %add3A_492 = arith.addi %add3A_485, %and3A_491 : vector<16xi32>
    %and3A_493 = arith.constant -65536 : i32
    %and3A_494 = vector.broadcast %and3A_493 : i32 to vector<16xi32>
    %and3A_495 = arith.andi %add3A_492, %and3A_494 : vector<16xi32>
    %bitcast3A_496 = vector.bitcast %and3A_495 : vector<16xi32> to vector<16xf32>
    tpu.vector_store_idx %arg17[%add3A_432, %add3A_481], %bitcast3A_496 : memref<80x16xf32, #tpu.memory_space<vmem>>[vector<16xi32>, vector<16xi32>], vector<16xf32>,
    %iota3A_497 = tpu.iota {dimensions = array<i32: 0>} : vector<16xi32>
    %add3A_498 = arith.constant 32 : i32
    %add3A_499 = vector.broadcast %add3A_498 : i32 to vector<16xi32>
    %add3A_500 = arith.addi %iota3A_497, %add3A_499 : vector<16xi32>
    %broadcast_in_dim3A_501 = arith.constant 0 : i32
    %broadcast_in_dim3A_502 = vector.broadcast %broadcast_in_dim3A_501 : i32 to vector<16xi32>
    %add3A_503 = arith.constant 0 : i32
    %add3A_504 = vector.broadcast %add3A_503 : i32 to vector<16xi32>
    %add3A_505 = arith.addi %broadcast_in_dim3A_502, %add3A_504 : vector<16xi32>
    %gather3A_506 = tpu.vector_load_idx %arg11[%add3A_500, %add3A_505] : memref<80x16xf32, #tpu.memory_space<vmem>>[vector<16xi32>, vector<16xi32>], vector<16xf32>,
    %broadcast_in_dim3A_507 = arith.constant 0 : i32
    %broadcast_in_dim3A_508 = vector.broadcast %broadcast_in_dim3A_507 : i32 to vector<16xi32>
    %add3A_509 = arith.constant 0 : i32
    %add3A_510 = vector.broadcast %add3A_509 : i32 to vector<16xi32>
    %add3A_511 = arith.addi %broadcast_in_dim3A_508, %add3A_510 : vector<16xi32>
    %gather3A_512 = tpu.vector_load_idx %arg13[%add3A_500, %add3A_511] : memref<80x16xf32, #tpu.memory_space<vmem>>[vector<16xi32>, vector<16xi32>], vector<16xf32>,
    %sub3A_513 = arith.subf %gather3A_506, %gather3A_512 : vector<16xf32>
    %broadcast_in_dim3A_514 = arith.constant 0 : i32
    %broadcast_in_dim3A_515 = vector.broadcast %broadcast_in_dim3A_514 : i32 to vector<16xi32>
    %add3A_516 = arith.constant 1 : i32
    %add3A_517 = vector.broadcast %add3A_516 : i32 to vector<16xi32>
    %add3A_518 = arith.addi %broadcast_in_dim3A_515, %add3A_517 : vector<16xi32>
    %gather3A_519 = tpu.vector_load_idx %arg11[%add3A_500, %add3A_518] : memref<80x16xf32, #tpu.memory_space<vmem>>[vector<16xi32>, vector<16xi32>], vector<16xf32>,
    %broadcast_in_dim3A_520 = arith.constant 0 : i32
    %broadcast_in_dim3A_521 = vector.broadcast %broadcast_in_dim3A_520 : i32 to vector<16xi32>
    %add3A_522 = arith.constant 1 : i32
    %add3A_523 = vector.broadcast %add3A_522 : i32 to vector<16xi32>
    %add3A_524 = arith.addi %broadcast_in_dim3A_521, %add3A_523 : vector<16xi32>
    %gather3A_525 = tpu.vector_load_idx %arg13[%add3A_500, %add3A_524] : memref<80x16xf32, #tpu.memory_space<vmem>>[vector<16xi32>, vector<16xi32>], vector<16xf32>,
    %sub3A_526 = arith.subf %gather3A_519, %gather3A_525 : vector<16xf32>
    %broadcast_in_dim3A_527 = arith.constant 0 : i32
    %broadcast_in_dim3A_528 = vector.broadcast %broadcast_in_dim3A_527 : i32 to vector<16xi32>
    %add3A_529 = arith.constant 2 : i32
    %add3A_530 = vector.broadcast %add3A_529 : i32 to vector<16xi32>
    %add3A_531 = arith.addi %broadcast_in_dim3A_528, %add3A_530 : vector<16xi32>
    %gather3A_532 = tpu.vector_load_idx %arg11[%add3A_500, %add3A_531] : memref<80x16xf32, #tpu.memory_space<vmem>>[vector<16xi32>, vector<16xi32>], vector<16xf32>,
    %broadcast_in_dim3A_533 = arith.constant 0 : i32
    %broadcast_in_dim3A_534 = vector.broadcast %broadcast_in_dim3A_533 : i32 to vector<16xi32>
    %add3A_535 = arith.constant 2 : i32
    %add3A_536 = vector.broadcast %add3A_535 : i32 to vector<16xi32>
    %add3A_537 = arith.addi %broadcast_in_dim3A_534, %add3A_536 : vector<16xi32>
    %gather3A_538 = tpu.vector_load_idx %arg13[%add3A_500, %add3A_537] : memref<80x16xf32, #tpu.memory_space<vmem>>[vector<16xi32>, vector<16xi32>], vector<16xf32>,
    %sub3A_539 = arith.subf %gather3A_532, %gather3A_538 : vector<16xf32>
    %mul3A_540 = arith.mulf %sub3A_513, %sub3A_513 : vector<16xf32>
    %mul3A_541 = arith.mulf %sub3A_526, %sub3A_526 : vector<16xf32>
    %add3A_542 = arith.addf %mul3A_540, %mul3A_541 : vector<16xf32>
    %mul3A_543 = arith.mulf %sub3A_539, %sub3A_539 : vector<16xf32>
    %add3A_544 = arith.addf %add3A_542, %mul3A_543 : vector<16xf32>
    %broadcast_in_dim3A_545 = arith.constant 0 : i32
    %broadcast_in_dim3A_546 = vector.broadcast %broadcast_in_dim3A_545 : i32 to vector<16xi32>
    %add3A_547 = arith.constant 0 : i32
    %add3A_548 = vector.broadcast %add3A_547 : i32 to vector<16xi32>
    %add3A_549 = arith.addi %broadcast_in_dim3A_546, %add3A_548 : vector<16xi32>
    %bitcast3A_550 = vector.bitcast %add3A_544 : vector<16xf32> to vector<16xi32>
    %add3A_551 = arith.constant 32767 : i32
    %add3A_552 = vector.broadcast %add3A_551 : i32 to vector<16xi32>
    %add3A_553 = arith.addi %bitcast3A_550, %add3A_552 : vector<16xi32>
    %shift_right_arithmetic3A_554 = arith.constant 16 : i32
    %shift_right_arithmetic3A_555 = vector.broadcast %shift_right_arithmetic3A_554 : i32 to vector<16xi32>
    %shift_right_arithmetic3A_556 = arith.shrsi %bitcast3A_550, %shift_right_arithmetic3A_555 : vector<16xi32>
    %and3A_557 = arith.constant 1 : i32
    %and3A_558 = vector.broadcast %and3A_557 : i32 to vector<16xi32>
    %and3A_559 = arith.andi %shift_right_arithmetic3A_556, %and3A_558 : vector<16xi32>
    %add3A_560 = arith.addi %add3A_553, %and3A_559 : vector<16xi32>
    %and3A_561 = arith.constant -65536 : i32
    %and3A_562 = vector.broadcast %and3A_561 : i32 to vector<16xi32>
    %and3A_563 = arith.andi %add3A_560, %and3A_562 : vector<16xi32>
    %bitcast3A_564 = vector.bitcast %and3A_563 : vector<16xi32> to vector<16xf32>
    tpu.vector_store_idx %arg17[%add3A_500, %add3A_549], %bitcast3A_564 : memref<80x16xf32, #tpu.memory_space<vmem>>[vector<16xi32>, vector<16xi32>], vector<16xf32>,
    %iota3A_565 = tpu.iota {dimensions = array<i32: 0>} : vector<16xi32>
    %add3A_566 = arith.constant 48 : i32
    %add3A_567 = vector.broadcast %add3A_566 : i32 to vector<16xi32>
    %add3A_568 = arith.addi %iota3A_565, %add3A_567 : vector<16xi32>
    %broadcast_in_dim3A_569 = arith.constant 0 : i32
    %broadcast_in_dim3A_570 = vector.broadcast %broadcast_in_dim3A_569 : i32 to vector<16xi32>
    %add3A_571 = arith.constant 0 : i32
    %add3A_572 = vector.broadcast %add3A_571 : i32 to vector<16xi32>
    %add3A_573 = arith.addi %broadcast_in_dim3A_570, %add3A_572 : vector<16xi32>
    %gather3A_574 = tpu.vector_load_idx %arg11[%add3A_568, %add3A_573] : memref<80x16xf32, #tpu.memory_space<vmem>>[vector<16xi32>, vector<16xi32>], vector<16xf32>,
    %broadcast_in_dim3A_575 = arith.constant 0 : i32
    %broadcast_in_dim3A_576 = vector.broadcast %broadcast_in_dim3A_575 : i32 to vector<16xi32>
    %add3A_577 = arith.constant 0 : i32
    %add3A_578 = vector.broadcast %add3A_577 : i32 to vector<16xi32>
    %add3A_579 = arith.addi %broadcast_in_dim3A_576, %add3A_578 : vector<16xi32>
    %gather3A_580 = tpu.vector_load_idx %arg13[%add3A_568, %add3A_579] : memref<80x16xf32, #tpu.memory_space<vmem>>[vector<16xi32>, vector<16xi32>], vector<16xf32>,
    %sub3A_581 = arith.subf %gather3A_574, %gather3A_580 : vector<16xf32>
    %broadcast_in_dim3A_582 = arith.constant 0 : i32
    %broadcast_in_dim3A_583 = vector.broadcast %broadcast_in_dim3A_582 : i32 to vector<16xi32>
    %add3A_584 = arith.constant 1 : i32
    %add3A_585 = vector.broadcast %add3A_584 : i32 to vector<16xi32>
    %add3A_586 = arith.addi %broadcast_in_dim3A_583, %add3A_585 : vector<16xi32>
    %gather3A_587 = tpu.vector_load_idx %arg11[%add3A_568, %add3A_586] : memref<80x16xf32, #tpu.memory_space<vmem>>[vector<16xi32>, vector<16xi32>], vector<16xf32>,
    %broadcast_in_dim3A_588 = arith.constant 0 : i32
    %broadcast_in_dim3A_589 = vector.broadcast %broadcast_in_dim3A_588 : i32 to vector<16xi32>
    %add3A_590 = arith.constant 1 : i32
    %add3A_591 = vector.broadcast %add3A_590 : i32 to vector<16xi32>
    %add3A_592 = arith.addi %broadcast_in_dim3A_589, %add3A_591 : vector<16xi32>
    %gather3A_593 = tpu.vector_load_idx %arg13[%add3A_568, %add3A_592] : memref<80x16xf32, #tpu.memory_space<vmem>>[vector<16xi32>, vector<16xi32>], vector<16xf32>,
    %sub3A_594 = arith.subf %gather3A_587, %gather3A_593 : vector<16xf32>
    %broadcast_in_dim3A_595 = arith.constant 0 : i32
    %broadcast_in_dim3A_596 = vector.broadcast %broadcast_in_dim3A_595 : i32 to vector<16xi32>
    %add3A_597 = arith.constant 2 : i32
    %add3A_598 = vector.broadcast %add3A_597 : i32 to vector<16xi32>
    %add3A_599 = arith.addi %broadcast_in_dim3A_596, %add3A_598 : vector<16xi32>
    %gather3A_600 = tpu.vector_load_idx %arg11[%add3A_568, %add3A_599] : memref<80x16xf32, #tpu.memory_space<vmem>>[vector<16xi32>, vector<16xi32>], vector<16xf32>,
    %broadcast_in_dim3A_601 = arith.constant 0 : i32
    %broadcast_in_dim3A_602 = vector.broadcast %broadcast_in_dim3A_601 : i32 to vector<16xi32>
    %add3A_603 = arith.constant 2 : i32
    %add3A_604 = vector.broadcast %add3A_603 : i32 to vector<16xi32>
    %add3A_605 = arith.addi %broadcast_in_dim3A_602, %add3A_604 : vector<16xi32>
    %gather3A_606 = tpu.vector_load_idx %arg13[%add3A_568, %add3A_605] : memref<80x16xf32, #tpu.memory_space<vmem>>[vector<16xi32>, vector<16xi32>], vector<16xf32>,
    %sub3A_607 = arith.subf %gather3A_600, %gather3A_606 : vector<16xf32>
    %mul3A_608 = arith.mulf %sub3A_581, %sub3A_581 : vector<16xf32>
    %mul3A_609 = arith.mulf %sub3A_594, %sub3A_594 : vector<16xf32>
    %add3A_610 = arith.addf %mul3A_608, %mul3A_609 : vector<16xf32>
    %mul3A_611 = arith.mulf %sub3A_607, %sub3A_607 : vector<16xf32>
    %add3A_612 = arith.addf %add3A_610, %mul3A_611 : vector<16xf32>
    %broadcast_in_dim3A_613 = arith.constant 0 : i32
    %broadcast_in_dim3A_614 = vector.broadcast %broadcast_in_dim3A_613 : i32 to vector<16xi32>
    %add3A_615 = arith.constant 0 : i32
    %add3A_616 = vector.broadcast %add3A_615 : i32 to vector<16xi32>
    %add3A_617 = arith.addi %broadcast_in_dim3A_614, %add3A_616 : vector<16xi32>
    %bitcast3A_618 = vector.bitcast %add3A_612 : vector<16xf32> to vector<16xi32>
    %add3A_619 = arith.constant 32767 : i32
    %add3A_620 = vector.broadcast %add3A_619 : i32 to vector<16xi32>
    %add3A_621 = arith.addi %bitcast3A_618, %add3A_620 : vector<16xi32>
    %shift_right_arithmetic3A_622 = arith.constant 16 : i32
    %shift_right_arithmetic3A_623 = vector.broadcast %shift_right_arithmetic3A_622 : i32 to vector<16xi32>
    %shift_right_arithmetic3A_624 = arith.shrsi %bitcast3A_618, %shift_right_arithmetic3A_623 : vector<16xi32>
    %and3A_625 = arith.constant 1 : i32
    %and3A_626 = vector.broadcast %and3A_625 : i32 to vector<16xi32>
    %and3A_627 = arith.andi %shift_right_arithmetic3A_624, %and3A_626 : vector<16xi32>
    %add3A_628 = arith.addi %add3A_621, %and3A_627 : vector<16xi32>
    %and3A_629 = arith.constant -65536 : i32
    %and3A_630 = vector.broadcast %and3A_629 : i32 to vector<16xi32>
    %and3A_631 = arith.andi %add3A_628, %and3A_630 : vector<16xi32>
    %bitcast3A_632 = vector.bitcast %and3A_631 : vector<16xi32> to vector<16xf32>
    tpu.vector_store_idx %arg17[%add3A_568, %add3A_617], %bitcast3A_632 : memref<80x16xf32, #tpu.memory_space<vmem>>[vector<16xi32>, vector<16xi32>], vector<16xf32>,
    %iota3A_633 = tpu.iota {dimensions = array<i32: 0>} : vector<16xi32>
    %add3A_634 = arith.constant 64 : i32
    %add3A_635 = vector.broadcast %add3A_634 : i32 to vector<16xi32>
    %add3A_636 = arith.addi %iota3A_633, %add3A_635 : vector<16xi32>
    %broadcast_in_dim3A_637 = arith.constant 0 : i32
    %broadcast_in_dim3A_638 = vector.broadcast %broadcast_in_dim3A_637 : i32 to vector<16xi32>
    %add3A_639 = arith.constant 0 : i32
    %add3A_640 = vector.broadcast %add3A_639 : i32 to vector<16xi32>
    %add3A_641 = arith.addi %broadcast_in_dim3A_638, %add3A_640 : vector<16xi32>
    %gather3A_642 = tpu.vector_load_idx %arg11[%add3A_636, %add3A_641] : memref<80x16xf32, #tpu.memory_space<vmem>>[vector<16xi32>, vector<16xi32>], vector<16xf32>,
    %broadcast_in_dim3A_643 = arith.constant 0 : i32
    %broadcast_in_dim3A_644 = vector.broadcast %broadcast_in_dim3A_643 : i32 to vector<16xi32>
    %add3A_645 = arith.constant 0 : i32
    %add3A_646 = vector.broadcast %add3A_645 : i32 to vector<16xi32>
    %add3A_647 = arith.addi %broadcast_in_dim3A_644, %add3A_646 : vector<16xi32>
    %gather3A_648 = tpu.vector_load_idx %arg13[%add3A_636, %add3A_647] : memref<80x16xf32, #tpu.memory_space<vmem>>[vector<16xi32>, vector<16xi32>], vector<16xf32>,
    %sub3A_649 = arith.subf %gather3A_642, %gather3A_648 : vector<16xf32>
    %broadcast_in_dim3A_650 = arith.constant 0 : i32
    %broadcast_in_dim3A_651 = vector.broadcast %broadcast_in_dim3A_650 : i32 to vector<16xi32>
    %add3A_652 = arith.constant 1 : i32
    %add3A_653 = vector.broadcast %add3A_652 : i32 to vector<16xi32>
    %add3A_654 = arith.addi %broadcast_in_dim3A_651, %add3A_653 : vector<16xi32>
    %gather3A_655 = tpu.vector_load_idx %arg11[%add3A_636, %add3A_654] : memref<80x16xf32, #tpu.memory_space<vmem>>[vector<16xi32>, vector<16xi32>], vector<16xf32>,
    %broadcast_in_dim3A_656 = arith.constant 0 : i32
    %broadcast_in_dim3A_657 = vector.broadcast %broadcast_in_dim3A_656 : i32 to vector<16xi32>
    %add3A_658 = arith.constant 1 : i32
    %add3A_659 = vector.broadcast %add3A_658 : i32 to vector<16xi32>
    %add3A_660 = arith.addi %broadcast_in_dim3A_657, %add3A_659 : vector<16xi32>
    %gather3A_661 = tpu.vector_load_idx %arg13[%add3A_636, %add3A_660] : memref<80x16xf32, #tpu.memory_space<vmem>>[vector<16xi32>, vector<16xi32>], vector<16xf32>,
    %sub3A_662 = arith.subf %gather3A_655, %gather3A_661 : vector<16xf32>
    %broadcast_in_dim3A_663 = arith.constant 0 : i32
    %broadcast_in_dim3A_664 = vector.broadcast %broadcast_in_dim3A_663 : i32 to vector<16xi32>
    %add3A_665 = arith.constant 2 : i32
    %add3A_666 = vector.broadcast %add3A_665 : i32 to vector<16xi32>
    %add3A_667 = arith.addi %broadcast_in_dim3A_664, %add3A_666 : vector<16xi32>
    %gather3A_668 = tpu.vector_load_idx %arg11[%add3A_636, %add3A_667] : memref<80x16xf32, #tpu.memory_space<vmem>>[vector<16xi32>, vector<16xi32>], vector<16xf32>,
    %broadcast_in_dim3A_669 = arith.constant 0 : i32
    %broadcast_in_dim3A_670 = vector.broadcast %broadcast_in_dim3A_669 : i32 to vector<16xi32>
    %add3A_671 = arith.constant 2 : i32
    %add3A_672 = vector.broadcast %add3A_671 : i32 to vector<16xi32>
    %add3A_673 = arith.addi %broadcast_in_dim3A_670, %add3A_672 : vector<16xi32>
    %gather3A_674 = tpu.vector_load_idx %arg13[%add3A_636, %add3A_673] : memref<80x16xf32, #tpu.memory_space<vmem>>[vector<16xi32>, vector<16xi32>], vector<16xf32>,
    %sub3A_675 = arith.subf %gather3A_668, %gather3A_674 : vector<16xf32>
    %mul3A_676 = arith.mulf %sub3A_649, %sub3A_649 : vector<16xf32>
    %mul3A_677 = arith.mulf %sub3A_662, %sub3A_662 : vector<16xf32>
    %add3A_678 = arith.addf %mul3A_676, %mul3A_677 : vector<16xf32>
    %mul3A_679 = arith.mulf %sub3A_675, %sub3A_675 : vector<16xf32>
    %add3A_680 = arith.addf %add3A_678, %mul3A_679 : vector<16xf32>
    %broadcast_in_dim3A_681 = arith.constant 0 : i32
    %broadcast_in_dim3A_682 = vector.broadcast %broadcast_in_dim3A_681 : i32 to vector<16xi32>
    %add3A_683 = arith.constant 0 : i32
    %add3A_684 = vector.broadcast %add3A_683 : i32 to vector<16xi32>
    %add3A_685 = arith.addi %broadcast_in_dim3A_682, %add3A_684 : vector<16xi32>
    %bitcast3A_686 = vector.bitcast %add3A_680 : vector<16xf32> to vector<16xi32>
    %add3A_687 = arith.constant 32767 : i32
    %add3A_688 = vector.broadcast %add3A_687 : i32 to vector<16xi32>
    %add3A_689 = arith.addi %bitcast3A_686, %add3A_688 : vector<16xi32>
    %shift_right_arithmetic3A_690 = arith.constant 16 : i32
    %shift_right_arithmetic3A_691 = vector.broadcast %shift_right_arithmetic3A_690 : i32 to vector<16xi32>
    %shift_right_arithmetic3A_692 = arith.shrsi %bitcast3A_686, %shift_right_arithmetic3A_691 : vector<16xi32>
    %and3A_693 = arith.constant 1 : i32
    %and3A_694 = vector.broadcast %and3A_693 : i32 to vector<16xi32>
    %and3A_695 = arith.andi %shift_right_arithmetic3A_692, %and3A_694 : vector<16xi32>
    %add3A_696 = arith.addi %add3A_689, %and3A_695 : vector<16xi32>
    %and3A_697 = arith.constant -65536 : i32
    %and3A_698 = vector.broadcast %and3A_697 : i32 to vector<16xi32>
    %and3A_699 = arith.andi %add3A_696, %and3A_698 : vector<16xi32>
    %bitcast3A_700 = vector.bitcast %and3A_699 : vector<16xi32> to vector<16xf32>
    tpu.vector_store_idx %arg17[%add3A_636, %add3A_685], %bitcast3A_700 : memref<80x16xf32, #tpu.memory_space<vmem>>[vector<16xi32>, vector<16xi32>], vector<16xf32>,
    "tpu.region"() ({
      %run_scoped3A = tpu.sem_alloc : memref<!tpu.dma_semaphore, #tpu.memory_space<semaphore_mem>>
      %dma_start3A_709 = arith.constant 9920 : i32
      %dma_start3A_710 = tpu.memref_slice %arg10[%dma_start3A_709] : memref<10000xi32, #tpu.memory_space<vmem>> -> memref<80xi32, #tpu.memory_space<vmem>>
      %dma_start3A_711 = arith.constant 0 : i32
      %dma_start3A_712 = arith.constant 0 : i32
      %dma_start3A_713 = tpu.memref_slice %arg18[%dma_start3A_711, %dma_start3A_712] : memref<10240x16xf32, #tpu.memory_space<vmem_shared>> -> memref<10240x16xf32, #tpu.memory_space<vmem_shared>>
      tpu.enqueue_indirect_dma source(%arg17 : memref<80x16xf32, #tpu.memory_space<vmem>>) target(%dma_start3A_713 : memref<10240x16xf32, #tpu.memory_space<vmem_shared>>) offsets(%dma_start3A_710 : memref<80xi32, #tpu.memory_space<vmem>>) semaphore(%run_scoped3A : memref<!tpu.dma_semaphore, #tpu.memory_space<semaphore_mem>>) {add = true}
      %dma_wait3A_714 = arith.constant 9920 : i32
      %dma_wait3A_715 = tpu.memref_slice %arg10[%dma_wait3A_714] : memref<10000xi32, #tpu.memory_space<vmem>> -> memref<80xi32, #tpu.memory_space<vmem>>
      %dma_wait3A_716 = arith.constant 0 : i32
      %dma_wait3A_717 = arith.constant 0 : i32
      %dma_wait3A_718 = tpu.memref_slice %arg18[%dma_wait3A_716, %dma_wait3A_717] : memref<10240x16xf32, #tpu.memory_space<vmem_shared>> -> memref<10240x16xf32, #tpu.memory_space<vmem_shared>>
      tpu.wait_indirect_dma semaphore(%run_scoped3A : memref<!tpu.dma_semaphore, #tpu.memory_space<semaphore_mem>>) src(%arg17 : memref<80x16xf32, #tpu.memory_space<vmem>>) dst(%dma_wait3A_718 : memref<10240x16xf32, #tpu.memory_space<vmem_shared>>)
      tpu.yield
    }) : () -> ()
    "tpu.region"() ({
      %run_scoped3A = tpu.sem_alloc : memref<!tpu.dma_semaphore, #tpu.memory_space<semaphore_mem>>
      %dma_start3A_709 = arith.constant 9920 : i32
      %dma_start3A_710 = tpu.memref_slice %arg10[%dma_start3A_709] : memref<10000xi32, #tpu.memory_space<vmem>> -> memref<80xi32, #tpu.memory_space<vmem>>
      %dma_start3A_711 = arith.constant 0 : i32
      %dma_start3A_712 = arith.constant 0 : i32
      %dma_start3A_713 = tpu.memref_slice %arg19[%dma_start3A_711, %dma_start3A_712] : memref<10240x16xf32, #tpu.memory_space<vmem_shared>> -> memref<10240x16xf32, #tpu.memory_space<vmem_shared>>
      tpu.enqueue_indirect_dma source(%arg15 : memref<80x16xf32, #tpu.memory_space<vmem>>) target(%dma_start3A_713 : memref<10240x16xf32, #tpu.memory_space<vmem_shared>>) offsets(%dma_start3A_710 : memref<80xi32, #tpu.memory_space<vmem>>) semaphore(%run_scoped3A : memref<!tpu.dma_semaphore, #tpu.memory_space<semaphore_mem>>) {add = true}
      %dma_wait3A_714 = arith.constant 9920 : i32
      %dma_wait3A_715 = tpu.memref_slice %arg10[%dma_wait3A_714] : memref<10000xi32, #tpu.memory_space<vmem>> -> memref<80xi32, #tpu.memory_space<vmem>>
      %dma_wait3A_716 = arith.constant 0 : i32
      %dma_wait3A_717 = arith.constant 0 : i32
      %dma_wait3A_718 = tpu.memref_slice %arg19[%dma_wait3A_716, %dma_wait3A_717] : memref<10240x16xf32, #tpu.memory_space<vmem_shared>> -> memref<10240x16xf32, #tpu.memory_space<vmem_shared>>
      tpu.wait_indirect_dma semaphore(%run_scoped3A : memref<!tpu.dma_semaphore, #tpu.memory_space<semaphore_mem>>) src(%arg15 : memref<80x16xf32, #tpu.memory_space<vmem>>) dst(%dma_wait3A_718 : memref<10240x16xf32, #tpu.memory_space<vmem_shared>>)
      tpu.yield
    }) : () -> ()
    %barrier3A_701 = arith.constant 0 : index
    tpu.barrier barrier_id(%barrier3A_701)
    %lt3A = arith.constant 15 : i32
    %lt3A_702 = arith.cmpi slt, %arg1, %lt3A : i32
    %convert_element_type3A = arith.extui %lt3A_702 : i1 to i32
    %cond3A = arith.constant 0 : i32
    %cond3A_703 = arith.cmpi ne, %convert_element_type3A, %cond3A : i32
    scf.if %cond3A_703 {
      %mul3A_709 = arith.constant 640 : i32
      %mul3A_710 = arith.muli %arg1, %mul3A_709 : i32
      %mul3A_711 = arith.constant 640 : i32
      %mul3A_712 = arith.muli %arg1, %mul3A_711 : i32
      "tpu.region"() ({
        %run_scoped3A = tpu.sem_alloc : memref<!tpu.dma_semaphore, #tpu.memory_space<semaphore_mem>>
        %dma_start3A_717 = arith.constant 0 : i32
        %dma_start3A_718 = tpu.memref_slice %arg7[%arg0, %mul3A_712, %dma_start3A_717] : memref<2x10000x16xf32, #tpu.memory_space<hbm>> -> memref<1x640x16xf32, #tpu.memory_space<hbm>>
        %dma_start3A_719 = tpu.memref_squeeze %dma_start3A_718 : memref<1x640x16xf32, #tpu.memory_space<hbm>> -> memref<640x16xf32, #tpu.memory_space<hbm>>
        %dma_start3A_720 = arith.constant 0 : i32
        %dma_start3A_721 = tpu.memref_slice %arg18[%mul3A_710, %dma_start3A_720] : memref<10240x16xf32, #tpu.memory_space<vmem_shared>> -> memref<640x16xf32, #tpu.memory_space<vmem_shared>>
        tpu.enqueue_dma source(%dma_start3A_721 : memref<640x16xf32, #tpu.memory_space<vmem_shared>>) target(%dma_start3A_719 : memref<640x16xf32, #tpu.memory_space<hbm>>) target_semaphore(%run_scoped3A : memref<!tpu.dma_semaphore, #tpu.memory_space<semaphore_mem>>)
        %dma_wait3A_722 = arith.constant 0 : i32
        %dma_wait3A_723 = tpu.memref_slice %arg7[%arg0, %mul3A_712, %dma_wait3A_722] : memref<2x10000x16xf32, #tpu.memory_space<hbm>> -> memref<1x640x16xf32, #tpu.memory_space<hbm>>
        %dma_wait3A_724 = tpu.memref_squeeze %dma_wait3A_723 : memref<1x640x16xf32, #tpu.memory_space<hbm>> -> memref<640x16xf32, #tpu.memory_space<hbm>>
        %dma_wait3A_725 = arith.constant 0 : i32
        %dma_wait3A_726 = tpu.memref_slice %arg18[%mul3A_710, %dma_wait3A_725] : memref<10240x16xf32, #tpu.memory_space<vmem_shared>> -> memref<640x16xf32, #tpu.memory_space<vmem_shared>>
        tpu.wait_dma2 semaphore(%run_scoped3A : memref<!tpu.dma_semaphore, #tpu.memory_space<semaphore_mem>>) src(%dma_wait3A_726 : memref<640x16xf32, #tpu.memory_space<vmem_shared>>) dst(%dma_wait3A_724 : memref<640x16xf32, #tpu.memory_space<hbm>>)
        tpu.yield
      }) : () -> ()
      %mul3A_713 = arith.constant 640 : i32
      %mul3A_714 = arith.muli %arg1, %mul3A_713 : i32
      %mul3A_715 = arith.constant 640 : i32
      %mul3A_716 = arith.muli %arg1, %mul3A_715 : i32
      "tpu.region"() ({
        %run_scoped3A = tpu.sem_alloc : memref<!tpu.dma_semaphore, #tpu.memory_space<semaphore_mem>>
        %dma_start3A_717 = arith.constant 0 : i32
        %dma_start3A_718 = tpu.memref_slice %arg8[%arg0, %mul3A_716, %dma_start3A_717] : memref<2x10000x16xf32, #tpu.memory_space<hbm>> -> memref<1x640x16xf32, #tpu.memory_space<hbm>>
        %dma_start3A_719 = tpu.memref_squeeze %dma_start3A_718 : memref<1x640x16xf32, #tpu.memory_space<hbm>> -> memref<640x16xf32, #tpu.memory_space<hbm>>
        %dma_start3A_720 = arith.constant 0 : i32
        %dma_start3A_721 = tpu.memref_slice %arg19[%mul3A_714, %dma_start3A_720] : memref<10240x16xf32, #tpu.memory_space<vmem_shared>> -> memref<640x16xf32, #tpu.memory_space<vmem_shared>>
        tpu.enqueue_dma source(%dma_start3A_721 : memref<640x16xf32, #tpu.memory_space<vmem_shared>>) target(%dma_start3A_719 : memref<640x16xf32, #tpu.memory_space<hbm>>) target_semaphore(%run_scoped3A : memref<!tpu.dma_semaphore, #tpu.memory_space<semaphore_mem>>)
        %dma_wait3A_722 = arith.constant 0 : i32
        %dma_wait3A_723 = tpu.memref_slice %arg8[%arg0, %mul3A_716, %dma_wait3A_722] : memref<2x10000x16xf32, #tpu.memory_space<hbm>> -> memref<1x640x16xf32, #tpu.memory_space<hbm>>
        %dma_wait3A_724 = tpu.memref_squeeze %dma_wait3A_723 : memref<1x640x16xf32, #tpu.memory_space<hbm>> -> memref<640x16xf32, #tpu.memory_space<hbm>>
        %dma_wait3A_725 = arith.constant 0 : i32
        %dma_wait3A_726 = tpu.memref_slice %arg19[%mul3A_714, %dma_wait3A_725] : memref<10240x16xf32, #tpu.memory_space<vmem_shared>> -> memref<640x16xf32, #tpu.memory_space<vmem_shared>>
        tpu.wait_dma2 semaphore(%run_scoped3A : memref<!tpu.dma_semaphore, #tpu.memory_space<semaphore_mem>>) src(%dma_wait3A_726 : memref<640x16xf32, #tpu.memory_space<vmem_shared>>) dst(%dma_wait3A_724 : memref<640x16xf32, #tpu.memory_space<hbm>>)
        tpu.yield
      }) : () -> ()
    } else {
    }
    %eq3A_704 = arith.constant 15 : i32
    %eq3A_705 = arith.cmpi eq, %arg1, %eq3A_704 : i32
    %convert_element_type3A_706 = arith.extui %eq3A_705 : i1 to i32
    %cond3A_707 = arith.constant 0 : i32
    %cond3A_708 = arith.cmpi ne, %convert_element_type3A_706, %cond3A_707 : i32
    scf.if %cond3A_708 {
      "tpu.region"() ({
        %run_scoped3A = tpu.sem_alloc : memref<!tpu.dma_semaphore, #tpu.memory_space<semaphore_mem>>
        %dma_start3A_709 = arith.constant 9600 : i32
        %dma_start3A_710 = arith.constant 0 : i32
        %dma_start3A_711 = tpu.memref_slice %arg7[%arg0, %dma_start3A_709, %dma_start3A_710] : memref<2x10000x16xf32, #tpu.memory_space<hbm>> -> memref<1x400x16xf32, #tpu.memory_space<hbm>>
        %dma_start3A_712 = tpu.memref_squeeze %dma_start3A_711 : memref<1x400x16xf32, #tpu.memory_space<hbm>> -> memref<400x16xf32, #tpu.memory_space<hbm>>
        %dma_start3A_713 = arith.constant 9600 : i32
        %dma_start3A_714 = arith.constant 0 : i32
        %dma_start3A_715 = tpu.memref_slice %arg18[%dma_start3A_713, %dma_start3A_714] : memref<10240x16xf32, #tpu.memory_space<vmem_shared>> -> memref<400x16xf32, #tpu.memory_space<vmem_shared>>
        tpu.enqueue_dma source(%dma_start3A_715 : memref<400x16xf32, #tpu.memory_space<vmem_shared>>) target(%dma_start3A_712 : memref<400x16xf32, #tpu.memory_space<hbm>>) target_semaphore(%run_scoped3A : memref<!tpu.dma_semaphore, #tpu.memory_space<semaphore_mem>>)
        %dma_wait3A_716 = arith.constant 9600 : i32
        %dma_wait3A_717 = arith.constant 0 : i32
        %dma_wait3A_718 = tpu.memref_slice %arg7[%arg0, %dma_wait3A_716, %dma_wait3A_717] : memref<2x10000x16xf32, #tpu.memory_space<hbm>> -> memref<1x400x16xf32, #tpu.memory_space<hbm>>
        %dma_wait3A_719 = tpu.memref_squeeze %dma_wait3A_718 : memref<1x400x16xf32, #tpu.memory_space<hbm>> -> memref<400x16xf32, #tpu.memory_space<hbm>>
        %dma_wait3A_720 = arith.constant 9600 : i32
        %dma_wait3A_721 = arith.constant 0 : i32
        %dma_wait3A_722 = tpu.memref_slice %arg18[%dma_wait3A_720, %dma_wait3A_721] : memref<10240x16xf32, #tpu.memory_space<vmem_shared>> -> memref<400x16xf32, #tpu.memory_space<vmem_shared>>
        tpu.wait_dma2 semaphore(%run_scoped3A : memref<!tpu.dma_semaphore, #tpu.memory_space<semaphore_mem>>) src(%dma_wait3A_722 : memref<400x16xf32, #tpu.memory_space<vmem_shared>>) dst(%dma_wait3A_719 : memref<400x16xf32, #tpu.memory_space<hbm>>)
        tpu.yield
      }) : () -> ()
      "tpu.region"() ({
        %run_scoped3A = tpu.sem_alloc : memref<!tpu.dma_semaphore, #tpu.memory_space<semaphore_mem>>
        %dma_start3A_709 = arith.constant 9600 : i32
        %dma_start3A_710 = arith.constant 0 : i32
        %dma_start3A_711 = tpu.memref_slice %arg8[%arg0, %dma_start3A_709, %dma_start3A_710] : memref<2x10000x16xf32, #tpu.memory_space<hbm>> -> memref<1x400x16xf32, #tpu.memory_space<hbm>>
        %dma_start3A_712 = tpu.memref_squeeze %dma_start3A_711 : memref<1x400x16xf32, #tpu.memory_space<hbm>> -> memref<400x16xf32, #tpu.memory_space<hbm>>
        %dma_start3A_713 = arith.constant 9600 : i32
        %dma_start3A_714 = arith.constant 0 : i32
        %dma_start3A_715 = tpu.memref_slice %arg19[%dma_start3A_713, %dma_start3A_714] : memref<10240x16xf32, #tpu.memory_space<vmem_shared>> -> memref<400x16xf32, #tpu.memory_space<vmem_shared>>
        tpu.enqueue_dma source(%dma_start3A_715 : memref<400x16xf32, #tpu.memory_space<vmem_shared>>) target(%dma_start3A_712 : memref<400x16xf32, #tpu.memory_space<hbm>>) target_semaphore(%run_scoped3A : memref<!tpu.dma_semaphore, #tpu.memory_space<semaphore_mem>>)
        %dma_wait3A_716 = arith.constant 9600 : i32
        %dma_wait3A_717 = arith.constant 0 : i32
        %dma_wait3A_718 = tpu.memref_slice %arg8[%arg0, %dma_wait3A_716, %dma_wait3A_717] : memref<2x10000x16xf32, #tpu.memory_space<hbm>> -> memref<1x400x16xf32, #tpu.memory_space<hbm>>
        %dma_wait3A_719 = tpu.memref_squeeze %dma_wait3A_718 : memref<1x400x16xf32, #tpu.memory_space<hbm>> -> memref<400x16xf32, #tpu.memory_space<hbm>>
        %dma_wait3A_720 = arith.constant 9600 : i32
        %dma_wait3A_721 = arith.constant 0 : i32
        %dma_wait3A_722 = tpu.memref_slice %arg19[%dma_wait3A_720, %dma_wait3A_721] : memref<10240x16xf32, #tpu.memory_space<vmem_shared>> -> memref<400x16xf32, #tpu.memory_space<vmem_shared>>
        tpu.wait_dma2 semaphore(%run_scoped3A : memref<!tpu.dma_semaphore, #tpu.memory_space<semaphore_mem>>) src(%dma_wait3A_722 : memref<400x16xf32, #tpu.memory_space<vmem_shared>>) dst(%dma_wait3A_719 : memref<400x16xf32, #tpu.memory_space<hbm>>)
        tpu.yield
      }) : () -> ()
    } else {
    }
    return
  }
}

#map = affine_map<(d0, d1) -> (0, 0)>
#map1 = affine_map<(d0, d1) -> (0)>
#map2 = affine_map<(d0, d1) -> (0, 0, 0)>
module attributes {stable_mosaic.version = 14 : i64} {
  func.func @_sc_spmm(%arg0: i32, %arg1: i32, %arg2: memref<10000x128xf32, #tpu.memory_space<hbm>>, %arg3: memref<320000xi32, #tpu.memory_space<hbm>>, %arg4: memref<320000xi32, #tpu.memory_space<hbm>>, %arg5: memref<640x128xf32, #tpu.memory_space<hbm>>, %arg6: memref<2x10000x128xf32, #tpu.memory_space<hbm>>, %arg7: memref<10000xi32, #tpu.memory_space<vmem>>, %arg8: memref<10000xi32, #tpu.memory_space<vmem>>, %arg9: memref<80x128xf32, #tpu.memory_space<vmem>>, %arg10: memref<80x128xf32, #tpu.memory_space<vmem>>, %arg11: memref<10240x128xf32, #tpu.memory_space<vmem_shared>>, %arg12: memref<!tpu.dma_semaphore, #tpu.memory_space<semaphore_mem>>, %arg13: memref<!tpu.dma_semaphore, #tpu.memory_space<semaphore_mem>>) attributes {dimension_semantics = [#tpu.dimension_semantics<core_parallel>, #tpu.dimension_semantics<subcore_parallel>], iteration_bounds = array<i64: 2, 16>, scalar_prefetch = 0 : i64, scratch_operands = 7 : i64, tpu.core_type = #tpu.core_type<sc_vector_subcore>, window_params = [{transform_indices = #map}, {transform_indices = #map1}, {transform_indices = #map1}, {transform_indices = #map}, {transform_indices = #map2}]} {
    %mul3A = arith.constant 16 : i32
    %mul3A_0 = arith.muli %arg0, %mul3A : i32
    %add3A = arith.addi %mul3A_0, %arg1 : i32
    %mul3A_1 = arith.constant 10000 : i32
    %mul3A_2 = arith.muli %add3A, %mul3A_1 : i32
    %multiple_of3A = tpu.assume_multiple %mul3A_2, 8 : i32
    "tpu.region"() ({
      %run_scoped3A = tpu.sem_alloc : memref<!tpu.dma_semaphore, #tpu.memory_space<semaphore_mem>>
      %dma_start3A_25 = tpu.memref_slice %arg3[%multiple_of3A] : memref<320000xi32, #tpu.memory_space<hbm>> -> memref<10000xi32, #tpu.memory_space<hbm>>
      %dma_start3A_26 = tpu.memref_slice %arg3[%multiple_of3A] : memref<320000xi32, #tpu.memory_space<hbm>> -> memref<10000xi32, #tpu.memory_space<hbm>>
      tpu.enqueue_dma source(%dma_start3A_26 : memref<10000xi32, #tpu.memory_space<hbm>>) target(%arg7 : memref<10000xi32, #tpu.memory_space<vmem>>) target_semaphore(%run_scoped3A : memref<!tpu.dma_semaphore, #tpu.memory_space<semaphore_mem>>)
      %dma_wait3A_27 = tpu.memref_slice %arg3[%multiple_of3A] : memref<320000xi32, #tpu.memory_space<hbm>> -> memref<10000xi32, #tpu.memory_space<hbm>>
      %dma_wait3A_28 = tpu.memref_slice %arg3[%multiple_of3A] : memref<320000xi32, #tpu.memory_space<hbm>> -> memref<10000xi32, #tpu.memory_space<hbm>>
      tpu.wait_dma2 semaphore(%run_scoped3A : memref<!tpu.dma_semaphore, #tpu.memory_space<semaphore_mem>>) src(%dma_wait3A_28 : memref<10000xi32, #tpu.memory_space<hbm>>) dst(%arg7 : memref<10000xi32, #tpu.memory_space<vmem>>)
      tpu.yield
    }) : () -> ()
    "tpu.region"() ({
      %run_scoped3A = tpu.sem_alloc : memref<!tpu.dma_semaphore, #tpu.memory_space<semaphore_mem>>
      %dma_start3A_25 = tpu.memref_slice %arg4[%multiple_of3A] : memref<320000xi32, #tpu.memory_space<hbm>> -> memref<10000xi32, #tpu.memory_space<hbm>>
      %dma_start3A_26 = tpu.memref_slice %arg4[%multiple_of3A] : memref<320000xi32, #tpu.memory_space<hbm>> -> memref<10000xi32, #tpu.memory_space<hbm>>
      tpu.enqueue_dma source(%dma_start3A_26 : memref<10000xi32, #tpu.memory_space<hbm>>) target(%arg8 : memref<10000xi32, #tpu.memory_space<vmem>>) target_semaphore(%run_scoped3A : memref<!tpu.dma_semaphore, #tpu.memory_space<semaphore_mem>>)
      %dma_wait3A_27 = tpu.memref_slice %arg4[%multiple_of3A] : memref<320000xi32, #tpu.memory_space<hbm>> -> memref<10000xi32, #tpu.memory_space<hbm>>
      %dma_wait3A_28 = tpu.memref_slice %arg4[%multiple_of3A] : memref<320000xi32, #tpu.memory_space<hbm>> -> memref<10000xi32, #tpu.memory_space<hbm>>
      tpu.wait_dma2 semaphore(%run_scoped3A : memref<!tpu.dma_semaphore, #tpu.memory_space<semaphore_mem>>) src(%dma_wait3A_28 : memref<10000xi32, #tpu.memory_space<hbm>>) dst(%arg8 : memref<10000xi32, #tpu.memory_space<vmem>>)
      tpu.yield
    }) : () -> ()
    %mul3A_3 = arith.constant 640 : i32
    %mul3A_4 = arith.muli %arg1, %mul3A_3 : i32
    "tpu.region"() ({
      %run_scoped3A = tpu.sem_alloc : memref<!tpu.dma_semaphore, #tpu.memory_space<semaphore_mem>>
      %dma_start3A_25 = arith.constant 0 : i32
      %dma_start3A_26 = tpu.memref_slice %arg11[%mul3A_4, %dma_start3A_25] : memref<10240x128xf32, #tpu.memory_space<vmem_shared>> -> memref<640x128xf32, #tpu.memory_space<vmem_shared>>
      tpu.enqueue_dma source(%arg5 : memref<640x128xf32, #tpu.memory_space<hbm>>) target(%dma_start3A_26 : memref<640x128xf32, #tpu.memory_space<vmem_shared>>) target_semaphore(%run_scoped3A : memref<!tpu.dma_semaphore, #tpu.memory_space<semaphore_mem>>)
      %dma_wait3A_27 = arith.constant 0 : i32
      %dma_wait3A_28 = tpu.memref_slice %arg11[%mul3A_4, %dma_wait3A_27] : memref<10240x128xf32, #tpu.memory_space<vmem_shared>> -> memref<640x128xf32, #tpu.memory_space<vmem_shared>>
      tpu.wait_dma2 semaphore(%run_scoped3A : memref<!tpu.dma_semaphore, #tpu.memory_space<semaphore_mem>>) src(%arg5 : memref<640x128xf32, #tpu.memory_space<hbm>>) dst(%dma_wait3A_28 : memref<640x128xf32, #tpu.memory_space<vmem_shared>>)
      tpu.yield
    }) : () -> ()
    %barrier3A = arith.constant 0 : index
    tpu.barrier barrier_id(%barrier3A)
    %dma_start3A = arith.constant 0 : i32
    %dma_start3A_5 = tpu.memref_slice %arg7[%dma_start3A] : memref<10000xi32, #tpu.memory_space<vmem>> -> memref<80xi32, #tpu.memory_space<vmem>>
    %dma_start3A_6 = arith.constant 0 : i32
    %dma_start3A_7 = arith.constant 0 : i32
    %dma_start3A_8 = tpu.memref_slice %arg2[%dma_start3A_6, %dma_start3A_7] : memref<10000x128xf32, #tpu.memory_space<hbm>> -> memref<10000x128xf32, #tpu.memory_space<hbm>>
    tpu.enqueue_indirect_dma source(%dma_start3A_8 : memref<10000x128xf32, #tpu.memory_space<hbm>>) target(%arg9 : memref<80x128xf32, #tpu.memory_space<vmem>>) offsets(%dma_start3A_5 : memref<80xi32, #tpu.memory_space<vmem>>) semaphore(%arg12 : memref<!tpu.dma_semaphore, #tpu.memory_space<semaphore_mem>>)
    %scan3A = arith.constant 0 : i32
    %scan3A_9 = arith.constant 0 : i32
    %scan3A_10 = arith.constant 62 : i32
    %scan3A_11 = arith.addi %scan3A_9, %scan3A_10 : i32
    %scan3A_12 = arith.constant 1 : i32
    scf.for %scan3A_25 = %scan3A_9 to %scan3A_11 step %scan3A_12  : i32 {
      %mul3A_26 = arith.constant 2 : i32
      %mul3A_27 = arith.muli %scan3A_25, %mul3A_26 : i32
      %add3A_28 = arith.constant 1 : i32
      %add3A_29 = arith.addi %mul3A_27, %add3A_28 : i32
      %mul3A_30 = arith.constant 80 : i32
      %mul3A_31 = arith.muli %add3A_29, %mul3A_30 : i32
      %dma_start3A_32 = tpu.memref_slice %arg7[%mul3A_31] : memref<10000xi32, #tpu.memory_space<vmem>> -> memref<80xi32, #tpu.memory_space<vmem>>
      %dma_start3A_33 = arith.constant 0 : i32
      %dma_start3A_34 = arith.constant 0 : i32
      %dma_start3A_35 = tpu.memref_slice %arg2[%dma_start3A_33, %dma_start3A_34] : memref<10000x128xf32, #tpu.memory_space<hbm>> -> memref<10000x128xf32, #tpu.memory_space<hbm>>
      tpu.enqueue_indirect_dma source(%dma_start3A_35 : memref<10000x128xf32, #tpu.memory_space<hbm>>) target(%arg10 : memref<80x128xf32, #tpu.memory_space<vmem>>) offsets(%dma_start3A_32 : memref<80xi32, #tpu.memory_space<vmem>>) semaphore(%arg13 : memref<!tpu.dma_semaphore, #tpu.memory_space<semaphore_mem>>)
      %dma_wait3A_36 = arith.constant 0 : i32
      %dma_wait3A_37 = tpu.memref_slice %arg7[%dma_wait3A_36] : memref<10000xi32, #tpu.memory_space<vmem>> -> memref<80xi32, #tpu.memory_space<vmem>>
      %dma_wait3A_38 = arith.constant 0 : i32
      %dma_wait3A_39 = arith.constant 0 : i32
      %dma_wait3A_40 = tpu.memref_slice %arg2[%dma_wait3A_38, %dma_wait3A_39] : memref<10000x128xf32, #tpu.memory_space<hbm>> -> memref<10000x128xf32, #tpu.memory_space<hbm>>
      tpu.wait_indirect_dma semaphore(%arg12 : memref<!tpu.dma_semaphore, #tpu.memory_space<semaphore_mem>>) src(%dma_wait3A_40 : memref<10000x128xf32, #tpu.memory_space<hbm>>) dst(%arg9 : memref<80x128xf32, #tpu.memory_space<vmem>>)
      %mul3A_41 = arith.constant 80 : i32
      %mul3A_42 = arith.muli %mul3A_27, %mul3A_41 : i32
      "tpu.region"() ({
        %run_scoped3A = tpu.sem_alloc : memref<!tpu.dma_semaphore, #tpu.memory_space<semaphore_mem>>
        %dma_start3A_60 = tpu.memref_slice %arg8[%mul3A_42] : memref<10000xi32, #tpu.memory_space<vmem>> -> memref<80xi32, #tpu.memory_space<vmem>>
        %dma_start3A_61 = arith.constant 0 : i32
        %dma_start3A_62 = arith.constant 0 : i32
        %dma_start3A_63 = tpu.memref_slice %arg11[%dma_start3A_61, %dma_start3A_62] : memref<10240x128xf32, #tpu.memory_space<vmem_shared>> -> memref<10240x128xf32, #tpu.memory_space<vmem_shared>>
        tpu.enqueue_indirect_dma source(%arg9 : memref<80x128xf32, #tpu.memory_space<vmem>>) target(%dma_start3A_63 : memref<10240x128xf32, #tpu.memory_space<vmem_shared>>) offsets(%dma_start3A_60 : memref<80xi32, #tpu.memory_space<vmem>>) semaphore(%run_scoped3A : memref<!tpu.dma_semaphore, #tpu.memory_space<semaphore_mem>>) {add = true}
        %dma_wait3A_64 = tpu.memref_slice %arg8[%mul3A_42] : memref<10000xi32, #tpu.memory_space<vmem>> -> memref<80xi32, #tpu.memory_space<vmem>>
        %dma_wait3A_65 = arith.constant 0 : i32
        %dma_wait3A_66 = arith.constant 0 : i32
        %dma_wait3A_67 = tpu.memref_slice %arg11[%dma_wait3A_65, %dma_wait3A_66] : memref<10240x128xf32, #tpu.memory_space<vmem_shared>> -> memref<10240x128xf32, #tpu.memory_space<vmem_shared>>
        tpu.wait_indirect_dma semaphore(%run_scoped3A : memref<!tpu.dma_semaphore, #tpu.memory_space<semaphore_mem>>) src(%arg9 : memref<80x128xf32, #tpu.memory_space<vmem>>) dst(%dma_wait3A_67 : memref<10240x128xf32, #tpu.memory_space<vmem_shared>>)
        tpu.yield
      }) : () -> ()
      %add3A_43 = arith.constant 2 : i32
      %add3A_44 = arith.addi %mul3A_27, %add3A_43 : i32
      %mul3A_45 = arith.constant 80 : i32
      %mul3A_46 = arith.muli %add3A_44, %mul3A_45 : i32
      %dma_start3A_47 = tpu.memref_slice %arg7[%mul3A_46] : memref<10000xi32, #tpu.memory_space<vmem>> -> memref<80xi32, #tpu.memory_space<vmem>>
      %dma_start3A_48 = arith.constant 0 : i32
      %dma_start3A_49 = arith.constant 0 : i32
      %dma_start3A_50 = tpu.memref_slice %arg2[%dma_start3A_48, %dma_start3A_49] : memref<10000x128xf32, #tpu.memory_space<hbm>> -> memref<10000x128xf32, #tpu.memory_space<hbm>>
      tpu.enqueue_indirect_dma source(%dma_start3A_50 : memref<10000x128xf32, #tpu.memory_space<hbm>>) target(%arg9 : memref<80x128xf32, #tpu.memory_space<vmem>>) offsets(%dma_start3A_47 : memref<80xi32, #tpu.memory_space<vmem>>) semaphore(%arg12 : memref<!tpu.dma_semaphore, #tpu.memory_space<semaphore_mem>>)
      %dma_wait3A_51 = arith.constant 0 : i32
      %dma_wait3A_52 = tpu.memref_slice %arg7[%dma_wait3A_51] : memref<10000xi32, #tpu.memory_space<vmem>> -> memref<80xi32, #tpu.memory_space<vmem>>
      %dma_wait3A_53 = arith.constant 0 : i32
      %dma_wait3A_54 = arith.constant 0 : i32
      %dma_wait3A_55 = tpu.memref_slice %arg2[%dma_wait3A_53, %dma_wait3A_54] : memref<10000x128xf32, #tpu.memory_space<hbm>> -> memref<10000x128xf32, #tpu.memory_space<hbm>>
      tpu.wait_indirect_dma semaphore(%arg13 : memref<!tpu.dma_semaphore, #tpu.memory_space<semaphore_mem>>) src(%dma_wait3A_55 : memref<10000x128xf32, #tpu.memory_space<hbm>>) dst(%arg10 : memref<80x128xf32, #tpu.memory_space<vmem>>)
      %add3A_56 = arith.constant 1 : i32
      %add3A_57 = arith.addi %mul3A_27, %add3A_56 : i32
      %mul3A_58 = arith.constant 80 : i32
      %mul3A_59 = arith.muli %add3A_57, %mul3A_58 : i32
      "tpu.region"() ({
        %run_scoped3A = tpu.sem_alloc : memref<!tpu.dma_semaphore, #tpu.memory_space<semaphore_mem>>
        %dma_start3A_60 = tpu.memref_slice %arg8[%mul3A_59] : memref<10000xi32, #tpu.memory_space<vmem>> -> memref<80xi32, #tpu.memory_space<vmem>>
        %dma_start3A_61 = arith.constant 0 : i32
        %dma_start3A_62 = arith.constant 0 : i32
        %dma_start3A_63 = tpu.memref_slice %arg11[%dma_start3A_61, %dma_start3A_62] : memref<10240x128xf32, #tpu.memory_space<vmem_shared>> -> memref<10240x128xf32, #tpu.memory_space<vmem_shared>>
        tpu.enqueue_indirect_dma source(%arg10 : memref<80x128xf32, #tpu.memory_space<vmem>>) target(%dma_start3A_63 : memref<10240x128xf32, #tpu.memory_space<vmem_shared>>) offsets(%dma_start3A_60 : memref<80xi32, #tpu.memory_space<vmem>>) semaphore(%run_scoped3A : memref<!tpu.dma_semaphore, #tpu.memory_space<semaphore_mem>>) {add = true}
        %dma_wait3A_64 = tpu.memref_slice %arg8[%mul3A_59] : memref<10000xi32, #tpu.memory_space<vmem>> -> memref<80xi32, #tpu.memory_space<vmem>>
        %dma_wait3A_65 = arith.constant 0 : i32
        %dma_wait3A_66 = arith.constant 0 : i32
        %dma_wait3A_67 = tpu.memref_slice %arg11[%dma_wait3A_65, %dma_wait3A_66] : memref<10240x128xf32, #tpu.memory_space<vmem_shared>> -> memref<10240x128xf32, #tpu.memory_space<vmem_shared>>
        tpu.wait_indirect_dma semaphore(%run_scoped3A : memref<!tpu.dma_semaphore, #tpu.memory_space<semaphore_mem>>) src(%arg10 : memref<80x128xf32, #tpu.memory_space<vmem>>) dst(%dma_wait3A_67 : memref<10240x128xf32, #tpu.memory_space<vmem_shared>>)
        tpu.yield
      }) : () -> ()
    }
    %scan3A_13 = arith.constant 62 : i32
    %dma_wait3A = arith.constant 0 : i32
    %dma_wait3A_14 = tpu.memref_slice %arg7[%dma_wait3A] : memref<10000xi32, #tpu.memory_space<vmem>> -> memref<80xi32, #tpu.memory_space<vmem>>
    %dma_wait3A_15 = arith.constant 0 : i32
    %dma_wait3A_16 = arith.constant 0 : i32
    %dma_wait3A_17 = tpu.memref_slice %arg2[%dma_wait3A_15, %dma_wait3A_16] : memref<10000x128xf32, #tpu.memory_space<hbm>> -> memref<10000x128xf32, #tpu.memory_space<hbm>>
    tpu.wait_indirect_dma semaphore(%arg12 : memref<!tpu.dma_semaphore, #tpu.memory_space<semaphore_mem>>) src(%dma_wait3A_17 : memref<10000x128xf32, #tpu.memory_space<hbm>>) dst(%arg9 : memref<80x128xf32, #tpu.memory_space<vmem>>)
    "tpu.region"() ({
      %run_scoped3A = tpu.sem_alloc : memref<!tpu.dma_semaphore, #tpu.memory_space<semaphore_mem>>
      %dma_start3A_25 = arith.constant 9920 : i32
      %dma_start3A_26 = tpu.memref_slice %arg8[%dma_start3A_25] : memref<10000xi32, #tpu.memory_space<vmem>> -> memref<80xi32, #tpu.memory_space<vmem>>
      %dma_start3A_27 = arith.constant 0 : i32
      %dma_start3A_28 = arith.constant 0 : i32
      %dma_start3A_29 = tpu.memref_slice %arg11[%dma_start3A_27, %dma_start3A_28] : memref<10240x128xf32, #tpu.memory_space<vmem_shared>> -> memref<10240x128xf32, #tpu.memory_space<vmem_shared>>
      tpu.enqueue_indirect_dma source(%arg9 : memref<80x128xf32, #tpu.memory_space<vmem>>) target(%dma_start3A_29 : memref<10240x128xf32, #tpu.memory_space<vmem_shared>>) offsets(%dma_start3A_26 : memref<80xi32, #tpu.memory_space<vmem>>) semaphore(%run_scoped3A : memref<!tpu.dma_semaphore, #tpu.memory_space<semaphore_mem>>) {add = true}
      %dma_wait3A_30 = arith.constant 9920 : i32
      %dma_wait3A_31 = tpu.memref_slice %arg8[%dma_wait3A_30] : memref<10000xi32, #tpu.memory_space<vmem>> -> memref<80xi32, #tpu.memory_space<vmem>>
      %dma_wait3A_32 = arith.constant 0 : i32
      %dma_wait3A_33 = arith.constant 0 : i32
      %dma_wait3A_34 = tpu.memref_slice %arg11[%dma_wait3A_32, %dma_wait3A_33] : memref<10240x128xf32, #tpu.memory_space<vmem_shared>> -> memref<10240x128xf32, #tpu.memory_space<vmem_shared>>
      tpu.wait_indirect_dma semaphore(%run_scoped3A : memref<!tpu.dma_semaphore, #tpu.memory_space<semaphore_mem>>) src(%arg9 : memref<80x128xf32, #tpu.memory_space<vmem>>) dst(%dma_wait3A_34 : memref<10240x128xf32, #tpu.memory_space<vmem_shared>>)
      tpu.yield
    }) : () -> ()
    %barrier3A_18 = arith.constant 0 : index
    tpu.barrier barrier_id(%barrier3A_18)
    %lt3A = arith.constant 15 : i32
    %lt3A_19 = arith.cmpi slt, %arg1, %lt3A : i32
    %convert_element_type3A = arith.extui %lt3A_19 : i1 to i32
    %cond3A = arith.constant 0 : i32
    %cond3A_20 = arith.cmpi ne, %convert_element_type3A, %cond3A : i32
    scf.if %cond3A_20 {
      %mul3A_25 = arith.constant 640 : i32
      %mul3A_26 = arith.muli %arg1, %mul3A_25 : i32
      %mul3A_27 = arith.constant 640 : i32
      %mul3A_28 = arith.muli %arg1, %mul3A_27 : i32
      "tpu.region"() ({
        %run_scoped3A = tpu.sem_alloc : memref<!tpu.dma_semaphore, #tpu.memory_space<semaphore_mem>>
        %dma_start3A_29 = arith.constant 0 : i32
        %dma_start3A_30 = tpu.memref_slice %arg6[%arg0, %mul3A_28, %dma_start3A_29] : memref<2x10000x128xf32, #tpu.memory_space<hbm>> -> memref<1x640x128xf32, #tpu.memory_space<hbm>>
        %dma_start3A_31 = tpu.memref_squeeze %dma_start3A_30 : memref<1x640x128xf32, #tpu.memory_space<hbm>> -> memref<640x128xf32, #tpu.memory_space<hbm>>
        %dma_start3A_32 = arith.constant 0 : i32
        %dma_start3A_33 = tpu.memref_slice %arg11[%mul3A_26, %dma_start3A_32] : memref<10240x128xf32, #tpu.memory_space<vmem_shared>> -> memref<640x128xf32, #tpu.memory_space<vmem_shared>>
        tpu.enqueue_dma source(%dma_start3A_33 : memref<640x128xf32, #tpu.memory_space<vmem_shared>>) target(%dma_start3A_31 : memref<640x128xf32, #tpu.memory_space<hbm>>) target_semaphore(%run_scoped3A : memref<!tpu.dma_semaphore, #tpu.memory_space<semaphore_mem>>)
        %dma_wait3A_34 = arith.constant 0 : i32
        %dma_wait3A_35 = tpu.memref_slice %arg6[%arg0, %mul3A_28, %dma_wait3A_34] : memref<2x10000x128xf32, #tpu.memory_space<hbm>> -> memref<1x640x128xf32, #tpu.memory_space<hbm>>
        %dma_wait3A_36 = tpu.memref_squeeze %dma_wait3A_35 : memref<1x640x128xf32, #tpu.memory_space<hbm>> -> memref<640x128xf32, #tpu.memory_space<hbm>>
        %dma_wait3A_37 = arith.constant 0 : i32
        %dma_wait3A_38 = tpu.memref_slice %arg11[%mul3A_26, %dma_wait3A_37] : memref<10240x128xf32, #tpu.memory_space<vmem_shared>> -> memref<640x128xf32, #tpu.memory_space<vmem_shared>>
        tpu.wait_dma2 semaphore(%run_scoped3A : memref<!tpu.dma_semaphore, #tpu.memory_space<semaphore_mem>>) src(%dma_wait3A_38 : memref<640x128xf32, #tpu.memory_space<vmem_shared>>) dst(%dma_wait3A_36 : memref<640x128xf32, #tpu.memory_space<hbm>>)
        tpu.yield
      }) : () -> ()
    } else {
    }
    %eq3A = arith.constant 15 : i32
    %eq3A_21 = arith.cmpi eq, %arg1, %eq3A : i32
    %convert_element_type3A_22 = arith.extui %eq3A_21 : i1 to i32
    %cond3A_23 = arith.constant 0 : i32
    %cond3A_24 = arith.cmpi ne, %convert_element_type3A_22, %cond3A_23 : i32
    scf.if %cond3A_24 {
      "tpu.region"() ({
        %run_scoped3A = tpu.sem_alloc : memref<!tpu.dma_semaphore, #tpu.memory_space<semaphore_mem>>
        %dma_start3A_25 = arith.constant 9600 : i32
        %dma_start3A_26 = arith.constant 0 : i32
        %dma_start3A_27 = tpu.memref_slice %arg6[%arg0, %dma_start3A_25, %dma_start3A_26] : memref<2x10000x128xf32, #tpu.memory_space<hbm>> -> memref<1x400x128xf32, #tpu.memory_space<hbm>>
        %dma_start3A_28 = tpu.memref_squeeze %dma_start3A_27 : memref<1x400x128xf32, #tpu.memory_space<hbm>> -> memref<400x128xf32, #tpu.memory_space<hbm>>
        %dma_start3A_29 = arith.constant 9600 : i32
        %dma_start3A_30 = arith.constant 0 : i32
        %dma_start3A_31 = tpu.memref_slice %arg11[%dma_start3A_29, %dma_start3A_30] : memref<10240x128xf32, #tpu.memory_space<vmem_shared>> -> memref<400x128xf32, #tpu.memory_space<vmem_shared>>
        tpu.enqueue_dma source(%dma_start3A_31 : memref<400x128xf32, #tpu.memory_space<vmem_shared>>) target(%dma_start3A_28 : memref<400x128xf32, #tpu.memory_space<hbm>>) target_semaphore(%run_scoped3A : memref<!tpu.dma_semaphore, #tpu.memory_space<semaphore_mem>>)
        %dma_wait3A_32 = arith.constant 9600 : i32
        %dma_wait3A_33 = arith.constant 0 : i32
        %dma_wait3A_34 = tpu.memref_slice %arg6[%arg0, %dma_wait3A_32, %dma_wait3A_33] : memref<2x10000x128xf32, #tpu.memory_space<hbm>> -> memref<1x400x128xf32, #tpu.memory_space<hbm>>
        %dma_wait3A_35 = tpu.memref_squeeze %dma_wait3A_34 : memref<1x400x128xf32, #tpu.memory_space<hbm>> -> memref<400x128xf32, #tpu.memory_space<hbm>>
        %dma_wait3A_36 = arith.constant 9600 : i32
        %dma_wait3A_37 = arith.constant 0 : i32
        %dma_wait3A_38 = tpu.memref_slice %arg11[%dma_wait3A_36, %dma_wait3A_37] : memref<10240x128xf32, #tpu.memory_space<vmem_shared>> -> memref<400x128xf32, #tpu.memory_space<vmem_shared>>
        tpu.wait_dma2 semaphore(%run_scoped3A : memref<!tpu.dma_semaphore, #tpu.memory_space<semaphore_mem>>) src(%dma_wait3A_38 : memref<400x128xf32, #tpu.memory_space<vmem_shared>>) dst(%dma_wait3A_35 : memref<400x128xf32, #tpu.memory_space<hbm>>)
        tpu.yield
      }) : () -> ()
    } else {
    }
    return
  }
}

#map = affine_map<(d0, d1) -> (0, 0)>
#map1 = affine_map<(d0, d1) -> (0)>
#map2 = affine_map<(d0, d1) -> (0, 0, 0)>
module attributes {stable_mosaic.version = 14 : i64} {
  func.func @_sc_spmm(%arg0: i32, %arg1: i32, %arg2: memref<10000x128xf32, #tpu.memory_space<hbm>>, %arg3: memref<320000xi32, #tpu.memory_space<hbm>>, %arg4: memref<320000xi32, #tpu.memory_space<hbm>>, %arg5: memref<640x128xf32, #tpu.memory_space<hbm>>, %arg6: memref<2x10000x128xf32, #tpu.memory_space<hbm>>, %arg7: memref<10000xi32, #tpu.memory_space<vmem>>, %arg8: memref<10000xi32, #tpu.memory_space<vmem>>, %arg9: memref<80x128xf32, #tpu.memory_space<vmem>>, %arg10: memref<80x128xf32, #tpu.memory_space<vmem>>, %arg11: memref<10240x128xf32, #tpu.memory_space<vmem_shared>>, %arg12: memref<!tpu.dma_semaphore, #tpu.memory_space<semaphore_mem>>, %arg13: memref<!tpu.dma_semaphore, #tpu.memory_space<semaphore_mem>>) attributes {dimension_semantics = [#tpu.dimension_semantics<core_parallel>, #tpu.dimension_semantics<subcore_parallel>], iteration_bounds = array<i64: 2, 16>, scalar_prefetch = 0 : i64, scratch_operands = 7 : i64, tpu.core_type = #tpu.core_type<sc_vector_subcore>, window_params = [{transform_indices = #map}, {transform_indices = #map1}, {transform_indices = #map1}, {transform_indices = #map}, {transform_indices = #map2}]} {
    %mul3A = arith.constant 16 : i32
    %mul3A_0 = arith.muli %arg0, %mul3A : i32
    %add3A = arith.addi %mul3A_0, %arg1 : i32
    %mul3A_1 = arith.constant 10000 : i32
    %mul3A_2 = arith.muli %add3A, %mul3A_1 : i32
    %multiple_of3A = tpu.assume_multiple %mul3A_2, 8 : i32
    "tpu.region"() ({
      %run_scoped3A = tpu.sem_alloc : memref<!tpu.dma_semaphore, #tpu.memory_space<semaphore_mem>>
      %dma_start3A_25 = tpu.memref_slice %arg3[%multiple_of3A] : memref<320000xi32, #tpu.memory_space<hbm>> -> memref<10000xi32, #tpu.memory_space<hbm>>
      %dma_start3A_26 = tpu.memref_slice %arg3[%multiple_of3A] : memref<320000xi32, #tpu.memory_space<hbm>> -> memref<10000xi32, #tpu.memory_space<hbm>>
      tpu.enqueue_dma source(%dma_start3A_26 : memref<10000xi32, #tpu.memory_space<hbm>>) target(%arg7 : memref<10000xi32, #tpu.memory_space<vmem>>) target_semaphore(%run_scoped3A : memref<!tpu.dma_semaphore, #tpu.memory_space<semaphore_mem>>)
      %dma_wait3A_27 = tpu.memref_slice %arg3[%multiple_of3A] : memref<320000xi32, #tpu.memory_space<hbm>> -> memref<10000xi32, #tpu.memory_space<hbm>>
      %dma_wait3A_28 = tpu.memref_slice %arg3[%multiple_of3A] : memref<320000xi32, #tpu.memory_space<hbm>> -> memref<10000xi32, #tpu.memory_space<hbm>>
      tpu.wait_dma2 semaphore(%run_scoped3A : memref<!tpu.dma_semaphore, #tpu.memory_space<semaphore_mem>>) src(%dma_wait3A_28 : memref<10000xi32, #tpu.memory_space<hbm>>) dst(%arg7 : memref<10000xi32, #tpu.memory_space<vmem>>)
      tpu.yield
    }) : () -> ()
    "tpu.region"() ({
      %run_scoped3A = tpu.sem_alloc : memref<!tpu.dma_semaphore, #tpu.memory_space<semaphore_mem>>
      %dma_start3A_25 = tpu.memref_slice %arg4[%multiple_of3A] : memref<320000xi32, #tpu.memory_space<hbm>> -> memref<10000xi32, #tpu.memory_space<hbm>>
      %dma_start3A_26 = tpu.memref_slice %arg4[%multiple_of3A] : memref<320000xi32, #tpu.memory_space<hbm>> -> memref<10000xi32, #tpu.memory_space<hbm>>
      tpu.enqueue_dma source(%dma_start3A_26 : memref<10000xi32, #tpu.memory_space<hbm>>) target(%arg8 : memref<10000xi32, #tpu.memory_space<vmem>>) target_semaphore(%run_scoped3A : memref<!tpu.dma_semaphore, #tpu.memory_space<semaphore_mem>>)
      %dma_wait3A_27 = tpu.memref_slice %arg4[%multiple_of3A] : memref<320000xi32, #tpu.memory_space<hbm>> -> memref<10000xi32, #tpu.memory_space<hbm>>
      %dma_wait3A_28 = tpu.memref_slice %arg4[%multiple_of3A] : memref<320000xi32, #tpu.memory_space<hbm>> -> memref<10000xi32, #tpu.memory_space<hbm>>
      tpu.wait_dma2 semaphore(%run_scoped3A : memref<!tpu.dma_semaphore, #tpu.memory_space<semaphore_mem>>) src(%dma_wait3A_28 : memref<10000xi32, #tpu.memory_space<hbm>>) dst(%arg8 : memref<10000xi32, #tpu.memory_space<vmem>>)
      tpu.yield
    }) : () -> ()
    %mul3A_3 = arith.constant 640 : i32
    %mul3A_4 = arith.muli %arg1, %mul3A_3 : i32
    "tpu.region"() ({
      %run_scoped3A = tpu.sem_alloc : memref<!tpu.dma_semaphore, #tpu.memory_space<semaphore_mem>>
      %dma_start3A_25 = arith.constant 0 : i32
      %dma_start3A_26 = tpu.memref_slice %arg11[%mul3A_4, %dma_start3A_25] : memref<10240x128xf32, #tpu.memory_space<vmem_shared>> -> memref<640x128xf32, #tpu.memory_space<vmem_shared>>
      tpu.enqueue_dma source(%arg5 : memref<640x128xf32, #tpu.memory_space<hbm>>) target(%dma_start3A_26 : memref<640x128xf32, #tpu.memory_space<vmem_shared>>) target_semaphore(%run_scoped3A : memref<!tpu.dma_semaphore, #tpu.memory_space<semaphore_mem>>)
      %dma_wait3A_27 = arith.constant 0 : i32
      %dma_wait3A_28 = tpu.memref_slice %arg11[%mul3A_4, %dma_wait3A_27] : memref<10240x128xf32, #tpu.memory_space<vmem_shared>> -> memref<640x128xf32, #tpu.memory_space<vmem_shared>>
      tpu.wait_dma2 semaphore(%run_scoped3A : memref<!tpu.dma_semaphore, #tpu.memory_space<semaphore_mem>>) src(%arg5 : memref<640x128xf32, #tpu.memory_space<hbm>>) dst(%dma_wait3A_28 : memref<640x128xf32, #tpu.memory_space<vmem_shared>>)
      tpu.yield
    }) : () -> ()
    %barrier3A = arith.constant 0 : index
    tpu.barrier barrier_id(%barrier3A)
    %dma_start3A = arith.constant 0 : i32
    %dma_start3A_5 = tpu.memref_slice %arg7[%dma_start3A] : memref<10000xi32, #tpu.memory_space<vmem>> -> memref<80xi32, #tpu.memory_space<vmem>>
    %dma_start3A_6 = arith.constant 0 : i32
    %dma_start3A_7 = arith.constant 0 : i32
    %dma_start3A_8 = tpu.memref_slice %arg2[%dma_start3A_6, %dma_start3A_7] : memref<10000x128xf32, #tpu.memory_space<hbm>> -> memref<10000x128xf32, #tpu.memory_space<hbm>>
    tpu.enqueue_indirect_dma source(%dma_start3A_8 : memref<10000x128xf32, #tpu.memory_space<hbm>>) target(%arg9 : memref<80x128xf32, #tpu.memory_space<vmem>>) offsets(%dma_start3A_5 : memref<80xi32, #tpu.memory_space<vmem>>) semaphore(%arg12 : memref<!tpu.dma_semaphore, #tpu.memory_space<semaphore_mem>>)
    %scan3A = arith.constant 0 : i32
    %scan3A_9 = arith.constant 0 : i32
    %scan3A_10 = arith.constant 62 : i32
    %scan3A_11 = arith.addi %scan3A_9, %scan3A_10 : i32
    %scan3A_12 = arith.constant 1 : i32
    scf.for %scan3A_25 = %scan3A_9 to %scan3A_11 step %scan3A_12  : i32 {
      %mul3A_26 = arith.constant 2 : i32
      %mul3A_27 = arith.muli %scan3A_25, %mul3A_26 : i32
      %add3A_28 = arith.constant 1 : i32
      %add3A_29 = arith.addi %mul3A_27, %add3A_28 : i32
      %mul3A_30 = arith.constant 80 : i32
      %mul3A_31 = arith.muli %add3A_29, %mul3A_30 : i32
      %dma_start3A_32 = tpu.memref_slice %arg7[%mul3A_31] : memref<10000xi32, #tpu.memory_space<vmem>> -> memref<80xi32, #tpu.memory_space<vmem>>
      %dma_start3A_33 = arith.constant 0 : i32
      %dma_start3A_34 = arith.constant 0 : i32
      %dma_start3A_35 = tpu.memref_slice %arg2[%dma_start3A_33, %dma_start3A_34] : memref<10000x128xf32, #tpu.memory_space<hbm>> -> memref<10000x128xf32, #tpu.memory_space<hbm>>
      tpu.enqueue_indirect_dma source(%dma_start3A_35 : memref<10000x128xf32, #tpu.memory_space<hbm>>) target(%arg10 : memref<80x128xf32, #tpu.memory_space<vmem>>) offsets(%dma_start3A_32 : memref<80xi32, #tpu.memory_space<vmem>>) semaphore(%arg13 : memref<!tpu.dma_semaphore, #tpu.memory_space<semaphore_mem>>)
      %dma_wait3A_36 = arith.constant 0 : i32
      %dma_wait3A_37 = tpu.memref_slice %arg7[%dma_wait3A_36] : memref<10000xi32, #tpu.memory_space<vmem>> -> memref<80xi32, #tpu.memory_space<vmem>>
      %dma_wait3A_38 = arith.constant 0 : i32
      %dma_wait3A_39 = arith.constant 0 : i32
      %dma_wait3A_40 = tpu.memref_slice %arg2[%dma_wait3A_38, %dma_wait3A_39] : memref<10000x128xf32, #tpu.memory_space<hbm>> -> memref<10000x128xf32, #tpu.memory_space<hbm>>
      tpu.wait_indirect_dma semaphore(%arg12 : memref<!tpu.dma_semaphore, #tpu.memory_space<semaphore_mem>>) src(%dma_wait3A_40 : memref<10000x128xf32, #tpu.memory_space<hbm>>) dst(%arg9 : memref<80x128xf32, #tpu.memory_space<vmem>>)
      %mul3A_41 = arith.constant 80 : i32
      %mul3A_42 = arith.muli %mul3A_27, %mul3A_41 : i32
      "tpu.region"() ({
        %run_scoped3A = tpu.sem_alloc : memref<!tpu.dma_semaphore, #tpu.memory_space<semaphore_mem>>
        %dma_start3A_60 = tpu.memref_slice %arg8[%mul3A_42] : memref<10000xi32, #tpu.memory_space<vmem>> -> memref<80xi32, #tpu.memory_space<vmem>>
        %dma_start3A_61 = arith.constant 0 : i32
        %dma_start3A_62 = arith.constant 0 : i32
        %dma_start3A_63 = tpu.memref_slice %arg11[%dma_start3A_61, %dma_start3A_62] : memref<10240x128xf32, #tpu.memory_space<vmem_shared>> -> memref<10240x128xf32, #tpu.memory_space<vmem_shared>>
        tpu.enqueue_indirect_dma source(%arg9 : memref<80x128xf32, #tpu.memory_space<vmem>>) target(%dma_start3A_63 : memref<10240x128xf32, #tpu.memory_space<vmem_shared>>) offsets(%dma_start3A_60 : memref<80xi32, #tpu.memory_space<vmem>>) semaphore(%run_scoped3A : memref<!tpu.dma_semaphore, #tpu.memory_space<semaphore_mem>>) {add = true}
        %dma_wait3A_64 = tpu.memref_slice %arg8[%mul3A_42] : memref<10000xi32, #tpu.memory_space<vmem>> -> memref<80xi32, #tpu.memory_space<vmem>>
        %dma_wait3A_65 = arith.constant 0 : i32
        %dma_wait3A_66 = arith.constant 0 : i32
        %dma_wait3A_67 = tpu.memref_slice %arg11[%dma_wait3A_65, %dma_wait3A_66] : memref<10240x128xf32, #tpu.memory_space<vmem_shared>> -> memref<10240x128xf32, #tpu.memory_space<vmem_shared>>
        tpu.wait_indirect_dma semaphore(%run_scoped3A : memref<!tpu.dma_semaphore, #tpu.memory_space<semaphore_mem>>) src(%arg9 : memref<80x128xf32, #tpu.memory_space<vmem>>) dst(%dma_wait3A_67 : memref<10240x128xf32, #tpu.memory_space<vmem_shared>>)
        tpu.yield
      }) : () -> ()
      %add3A_43 = arith.constant 2 : i32
      %add3A_44 = arith.addi %mul3A_27, %add3A_43 : i32
      %mul3A_45 = arith.constant 80 : i32
      %mul3A_46 = arith.muli %add3A_44, %mul3A_45 : i32
      %dma_start3A_47 = tpu.memref_slice %arg7[%mul3A_46] : memref<10000xi32, #tpu.memory_space<vmem>> -> memref<80xi32, #tpu.memory_space<vmem>>
      %dma_start3A_48 = arith.constant 0 : i32
      %dma_start3A_49 = arith.constant 0 : i32
      %dma_start3A_50 = tpu.memref_slice %arg2[%dma_start3A_48, %dma_start3A_49] : memref<10000x128xf32, #tpu.memory_space<hbm>> -> memref<10000x128xf32, #tpu.memory_space<hbm>>
      tpu.enqueue_indirect_dma source(%dma_start3A_50 : memref<10000x128xf32, #tpu.memory_space<hbm>>) target(%arg9 : memref<80x128xf32, #tpu.memory_space<vmem>>) offsets(%dma_start3A_47 : memref<80xi32, #tpu.memory_space<vmem>>) semaphore(%arg12 : memref<!tpu.dma_semaphore, #tpu.memory_space<semaphore_mem>>)
      %dma_wait3A_51 = arith.constant 0 : i32
      %dma_wait3A_52 = tpu.memref_slice %arg7[%dma_wait3A_51] : memref<10000xi32, #tpu.memory_space<vmem>> -> memref<80xi32, #tpu.memory_space<vmem>>
      %dma_wait3A_53 = arith.constant 0 : i32
      %dma_wait3A_54 = arith.constant 0 : i32
      %dma_wait3A_55 = tpu.memref_slice %arg2[%dma_wait3A_53, %dma_wait3A_54] : memref<10000x128xf32, #tpu.memory_space<hbm>> -> memref<10000x128xf32, #tpu.memory_space<hbm>>
      tpu.wait_indirect_dma semaphore(%arg13 : memref<!tpu.dma_semaphore, #tpu.memory_space<semaphore_mem>>) src(%dma_wait3A_55 : memref<10000x128xf32, #tpu.memory_space<hbm>>) dst(%arg10 : memref<80x128xf32, #tpu.memory_space<vmem>>)
      %add3A_56 = arith.constant 1 : i32
      %add3A_57 = arith.addi %mul3A_27, %add3A_56 : i32
      %mul3A_58 = arith.constant 80 : i32
      %mul3A_59 = arith.muli %add3A_57, %mul3A_58 : i32
      "tpu.region"() ({
        %run_scoped3A = tpu.sem_alloc : memref<!tpu.dma_semaphore, #tpu.memory_space<semaphore_mem>>
        %dma_start3A_60 = tpu.memref_slice %arg8[%mul3A_59] : memref<10000xi32, #tpu.memory_space<vmem>> -> memref<80xi32, #tpu.memory_space<vmem>>
        %dma_start3A_61 = arith.constant 0 : i32
        %dma_start3A_62 = arith.constant 0 : i32
        %dma_start3A_63 = tpu.memref_slice %arg11[%dma_start3A_61, %dma_start3A_62] : memref<10240x128xf32, #tpu.memory_space<vmem_shared>> -> memref<10240x128xf32, #tpu.memory_space<vmem_shared>>
        tpu.enqueue_indirect_dma source(%arg10 : memref<80x128xf32, #tpu.memory_space<vmem>>) target(%dma_start3A_63 : memref<10240x128xf32, #tpu.memory_space<vmem_shared>>) offsets(%dma_start3A_60 : memref<80xi32, #tpu.memory_space<vmem>>) semaphore(%run_scoped3A : memref<!tpu.dma_semaphore, #tpu.memory_space<semaphore_mem>>) {add = true}
        %dma_wait3A_64 = tpu.memref_slice %arg8[%mul3A_59] : memref<10000xi32, #tpu.memory_space<vmem>> -> memref<80xi32, #tpu.memory_space<vmem>>
        %dma_wait3A_65 = arith.constant 0 : i32
        %dma_wait3A_66 = arith.constant 0 : i32
        %dma_wait3A_67 = tpu.memref_slice %arg11[%dma_wait3A_65, %dma_wait3A_66] : memref<10240x128xf32, #tpu.memory_space<vmem_shared>> -> memref<10240x128xf32, #tpu.memory_space<vmem_shared>>
        tpu.wait_indirect_dma semaphore(%run_scoped3A : memref<!tpu.dma_semaphore, #tpu.memory_space<semaphore_mem>>) src(%arg10 : memref<80x128xf32, #tpu.memory_space<vmem>>) dst(%dma_wait3A_67 : memref<10240x128xf32, #tpu.memory_space<vmem_shared>>)
        tpu.yield
      }) : () -> ()
    }
    %scan3A_13 = arith.constant 62 : i32
    %dma_wait3A = arith.constant 0 : i32
    %dma_wait3A_14 = tpu.memref_slice %arg7[%dma_wait3A] : memref<10000xi32, #tpu.memory_space<vmem>> -> memref<80xi32, #tpu.memory_space<vmem>>
    %dma_wait3A_15 = arith.constant 0 : i32
    %dma_wait3A_16 = arith.constant 0 : i32
    %dma_wait3A_17 = tpu.memref_slice %arg2[%dma_wait3A_15, %dma_wait3A_16] : memref<10000x128xf32, #tpu.memory_space<hbm>> -> memref<10000x128xf32, #tpu.memory_space<hbm>>
    tpu.wait_indirect_dma semaphore(%arg12 : memref<!tpu.dma_semaphore, #tpu.memory_space<semaphore_mem>>) src(%dma_wait3A_17 : memref<10000x128xf32, #tpu.memory_space<hbm>>) dst(%arg9 : memref<80x128xf32, #tpu.memory_space<vmem>>)
    "tpu.region"() ({
      %run_scoped3A = tpu.sem_alloc : memref<!tpu.dma_semaphore, #tpu.memory_space<semaphore_mem>>
      %dma_start3A_25 = arith.constant 9920 : i32
      %dma_start3A_26 = tpu.memref_slice %arg8[%dma_start3A_25] : memref<10000xi32, #tpu.memory_space<vmem>> -> memref<80xi32, #tpu.memory_space<vmem>>
      %dma_start3A_27 = arith.constant 0 : i32
      %dma_start3A_28 = arith.constant 0 : i32
      %dma_start3A_29 = tpu.memref_slice %arg11[%dma_start3A_27, %dma_start3A_28] : memref<10240x128xf32, #tpu.memory_space<vmem_shared>> -> memref<10240x128xf32, #tpu.memory_space<vmem_shared>>
      tpu.enqueue_indirect_dma source(%arg9 : memref<80x128xf32, #tpu.memory_space<vmem>>) target(%dma_start3A_29 : memref<10240x128xf32, #tpu.memory_space<vmem_shared>>) offsets(%dma_start3A_26 : memref<80xi32, #tpu.memory_space<vmem>>) semaphore(%run_scoped3A : memref<!tpu.dma_semaphore, #tpu.memory_space<semaphore_mem>>) {add = true}
      %dma_wait3A_30 = arith.constant 9920 : i32
      %dma_wait3A_31 = tpu.memref_slice %arg8[%dma_wait3A_30] : memref<10000xi32, #tpu.memory_space<vmem>> -> memref<80xi32, #tpu.memory_space<vmem>>
      %dma_wait3A_32 = arith.constant 0 : i32
      %dma_wait3A_33 = arith.constant 0 : i32
      %dma_wait3A_34 = tpu.memref_slice %arg11[%dma_wait3A_32, %dma_wait3A_33] : memref<10240x128xf32, #tpu.memory_space<vmem_shared>> -> memref<10240x128xf32, #tpu.memory_space<vmem_shared>>
      tpu.wait_indirect_dma semaphore(%run_scoped3A : memref<!tpu.dma_semaphore, #tpu.memory_space<semaphore_mem>>) src(%arg9 : memref<80x128xf32, #tpu.memory_space<vmem>>) dst(%dma_wait3A_34 : memref<10240x128xf32, #tpu.memory_space<vmem_shared>>)
      tpu.yield
    }) : () -> ()
    %barrier3A_18 = arith.constant 0 : index
    tpu.barrier barrier_id(%barrier3A_18)
    %lt3A = arith.constant 15 : i32
    %lt3A_19 = arith.cmpi slt, %arg1, %lt3A : i32
    %convert_element_type3A = arith.extui %lt3A_19 : i1 to i32
    %cond3A = arith.constant 0 : i32
    %cond3A_20 = arith.cmpi ne, %convert_element_type3A, %cond3A : i32
    scf.if %cond3A_20 {
      %mul3A_25 = arith.constant 640 : i32
      %mul3A_26 = arith.muli %arg1, %mul3A_25 : i32
      %mul3A_27 = arith.constant 640 : i32
      %mul3A_28 = arith.muli %arg1, %mul3A_27 : i32
      "tpu.region"() ({
        %run_scoped3A = tpu.sem_alloc : memref<!tpu.dma_semaphore, #tpu.memory_space<semaphore_mem>>
        %dma_start3A_29 = arith.constant 0 : i32
        %dma_start3A_30 = tpu.memref_slice %arg6[%arg0, %mul3A_28, %dma_start3A_29] : memref<2x10000x128xf32, #tpu.memory_space<hbm>> -> memref<1x640x128xf32, #tpu.memory_space<hbm>>
        %dma_start3A_31 = tpu.memref_squeeze %dma_start3A_30 : memref<1x640x128xf32, #tpu.memory_space<hbm>> -> memref<640x128xf32, #tpu.memory_space<hbm>>
        %dma_start3A_32 = arith.constant 0 : i32
        %dma_start3A_33 = tpu.memref_slice %arg11[%mul3A_26, %dma_start3A_32] : memref<10240x128xf32, #tpu.memory_space<vmem_shared>> -> memref<640x128xf32, #tpu.memory_space<vmem_shared>>
        tpu.enqueue_dma source(%dma_start3A_33 : memref<640x128xf32, #tpu.memory_space<vmem_shared>>) target(%dma_start3A_31 : memref<640x128xf32, #tpu.memory_space<hbm>>) target_semaphore(%run_scoped3A : memref<!tpu.dma_semaphore, #tpu.memory_space<semaphore_mem>>)
        %dma_wait3A_34 = arith.constant 0 : i32
        %dma_wait3A_35 = tpu.memref_slice %arg6[%arg0, %mul3A_28, %dma_wait3A_34] : memref<2x10000x128xf32, #tpu.memory_space<hbm>> -> memref<1x640x128xf32, #tpu.memory_space<hbm>>
        %dma_wait3A_36 = tpu.memref_squeeze %dma_wait3A_35 : memref<1x640x128xf32, #tpu.memory_space<hbm>> -> memref<640x128xf32, #tpu.memory_space<hbm>>
        %dma_wait3A_37 = arith.constant 0 : i32
        %dma_wait3A_38 = tpu.memref_slice %arg11[%mul3A_26, %dma_wait3A_37] : memref<10240x128xf32, #tpu.memory_space<vmem_shared>> -> memref<640x128xf32, #tpu.memory_space<vmem_shared>>
        tpu.wait_dma2 semaphore(%run_scoped3A : memref<!tpu.dma_semaphore, #tpu.memory_space<semaphore_mem>>) src(%dma_wait3A_38 : memref<640x128xf32, #tpu.memory_space<vmem_shared>>) dst(%dma_wait3A_36 : memref<640x128xf32, #tpu.memory_space<hbm>>)
        tpu.yield
      }) : () -> ()
    } else {
    }
    %eq3A = arith.constant 15 : i32
    %eq3A_21 = arith.cmpi eq, %arg1, %eq3A : i32
    %convert_element_type3A_22 = arith.extui %eq3A_21 : i1 to i32
    %cond3A_23 = arith.constant 0 : i32
    %cond3A_24 = arith.cmpi ne, %convert_element_type3A_22, %cond3A_23 : i32
    scf.if %cond3A_24 {
      "tpu.region"() ({
        %run_scoped3A = tpu.sem_alloc : memref<!tpu.dma_semaphore, #tpu.memory_space<semaphore_mem>>
        %dma_start3A_25 = arith.constant 9600 : i32
        %dma_start3A_26 = arith.constant 0 : i32
        %dma_start3A_27 = tpu.memref_slice %arg6[%arg0, %dma_start3A_25, %dma_start3A_26] : memref<2x10000x128xf32, #tpu.memory_space<hbm>> -> memref<1x400x128xf32, #tpu.memory_space<hbm>>
        %dma_start3A_28 = tpu.memref_squeeze %dma_start3A_27 : memref<1x400x128xf32, #tpu.memory_space<hbm>> -> memref<400x128xf32, #tpu.memory_space<hbm>>
        %dma_start3A_29 = arith.constant 9600 : i32
        %dma_start3A_30 = arith.constant 0 : i32
        %dma_start3A_31 = tpu.memref_slice %arg11[%dma_start3A_29, %dma_start3A_30] : memref<10240x128xf32, #tpu.memory_space<vmem_shared>> -> memref<400x128xf32, #tpu.memory_space<vmem_shared>>
        tpu.enqueue_dma source(%dma_start3A_31 : memref<400x128xf32, #tpu.memory_space<vmem_shared>>) target(%dma_start3A_28 : memref<400x128xf32, #tpu.memory_space<hbm>>) target_semaphore(%run_scoped3A : memref<!tpu.dma_semaphore, #tpu.memory_space<semaphore_mem>>)
        %dma_wait3A_32 = arith.constant 9600 : i32
        %dma_wait3A_33 = arith.constant 0 : i32
        %dma_wait3A_34 = tpu.memref_slice %arg6[%arg0, %dma_wait3A_32, %dma_wait3A_33] : memref<2x10000x128xf32, #tpu.memory_space<hbm>> -> memref<1x400x128xf32, #tpu.memory_space<hbm>>
        %dma_wait3A_35 = tpu.memref_squeeze %dma_wait3A_34 : memref<1x400x128xf32, #tpu.memory_space<hbm>> -> memref<400x128xf32, #tpu.memory_space<hbm>>
        %dma_wait3A_36 = arith.constant 9600 : i32
        %dma_wait3A_37 = arith.constant 0 : i32
        %dma_wait3A_38 = tpu.memref_slice %arg11[%dma_wait3A_36, %dma_wait3A_37] : memref<10240x128xf32, #tpu.memory_space<vmem_shared>> -> memref<400x128xf32, #tpu.memory_space<vmem_shared>>
        tpu.wait_dma2 semaphore(%run_scoped3A : memref<!tpu.dma_semaphore, #tpu.memory_space<semaphore_mem>>) src(%dma_wait3A_38 : memref<400x128xf32, #tpu.memory_space<vmem_shared>>) dst(%dma_wait3A_35 : memref<400x128xf32, #tpu.memory_space<hbm>>)
        tpu.yield
      }) : () -> ()
    } else {
    }
    return
  }
}

#map = affine_map<(d0, d1) -> (0, 0)>
#map1 = affine_map<(d0, d1) -> (0)>
#map2 = affine_map<(d0, d1) -> (0, 0, 0)>
module attributes {stable_mosaic.version = 14 : i64} {
  func.func @_sc_spmm(%arg0: i32, %arg1: i32, %arg2: memref<10000x128xf32, #tpu.memory_space<hbm>>, %arg3: memref<320000xi32, #tpu.memory_space<hbm>>, %arg4: memref<320000xi32, #tpu.memory_space<hbm>>, %arg5: memref<640x128xf32, #tpu.memory_space<hbm>>, %arg6: memref<2x10000x128xf32, #tpu.memory_space<hbm>>, %arg7: memref<10000xi32, #tpu.memory_space<vmem>>, %arg8: memref<10000xi32, #tpu.memory_space<vmem>>, %arg9: memref<80x128xf32, #tpu.memory_space<vmem>>, %arg10: memref<80x128xf32, #tpu.memory_space<vmem>>, %arg11: memref<10240x128xf32, #tpu.memory_space<vmem_shared>>, %arg12: memref<!tpu.dma_semaphore, #tpu.memory_space<semaphore_mem>>, %arg13: memref<!tpu.dma_semaphore, #tpu.memory_space<semaphore_mem>>) attributes {dimension_semantics = [#tpu.dimension_semantics<core_parallel>, #tpu.dimension_semantics<subcore_parallel>], iteration_bounds = array<i64: 2, 16>, scalar_prefetch = 0 : i64, scratch_operands = 7 : i64, tpu.core_type = #tpu.core_type<sc_vector_subcore>, window_params = [{transform_indices = #map}, {transform_indices = #map1}, {transform_indices = #map1}, {transform_indices = #map}, {transform_indices = #map2}]} {
    %mul3A = arith.constant 16 : i32
    %mul3A_0 = arith.muli %arg0, %mul3A : i32
    %add3A = arith.addi %mul3A_0, %arg1 : i32
    %mul3A_1 = arith.constant 10000 : i32
    %mul3A_2 = arith.muli %add3A, %mul3A_1 : i32
    %multiple_of3A = tpu.assume_multiple %mul3A_2, 8 : i32
    "tpu.region"() ({
      %run_scoped3A = tpu.sem_alloc : memref<!tpu.dma_semaphore, #tpu.memory_space<semaphore_mem>>
      %dma_start3A_25 = tpu.memref_slice %arg3[%multiple_of3A] : memref<320000xi32, #tpu.memory_space<hbm>> -> memref<10000xi32, #tpu.memory_space<hbm>>
      %dma_start3A_26 = tpu.memref_slice %arg3[%multiple_of3A] : memref<320000xi32, #tpu.memory_space<hbm>> -> memref<10000xi32, #tpu.memory_space<hbm>>
      tpu.enqueue_dma source(%dma_start3A_26 : memref<10000xi32, #tpu.memory_space<hbm>>) target(%arg7 : memref<10000xi32, #tpu.memory_space<vmem>>) target_semaphore(%run_scoped3A : memref<!tpu.dma_semaphore, #tpu.memory_space<semaphore_mem>>)
      %dma_wait3A_27 = tpu.memref_slice %arg3[%multiple_of3A] : memref<320000xi32, #tpu.memory_space<hbm>> -> memref<10000xi32, #tpu.memory_space<hbm>>
      %dma_wait3A_28 = tpu.memref_slice %arg3[%multiple_of3A] : memref<320000xi32, #tpu.memory_space<hbm>> -> memref<10000xi32, #tpu.memory_space<hbm>>
      tpu.wait_dma2 semaphore(%run_scoped3A : memref<!tpu.dma_semaphore, #tpu.memory_space<semaphore_mem>>) src(%dma_wait3A_28 : memref<10000xi32, #tpu.memory_space<hbm>>) dst(%arg7 : memref<10000xi32, #tpu.memory_space<vmem>>)
      tpu.yield
    }) : () -> ()
    "tpu.region"() ({
      %run_scoped3A = tpu.sem_alloc : memref<!tpu.dma_semaphore, #tpu.memory_space<semaphore_mem>>
      %dma_start3A_25 = tpu.memref_slice %arg4[%multiple_of3A] : memref<320000xi32, #tpu.memory_space<hbm>> -> memref<10000xi32, #tpu.memory_space<hbm>>
      %dma_start3A_26 = tpu.memref_slice %arg4[%multiple_of3A] : memref<320000xi32, #tpu.memory_space<hbm>> -> memref<10000xi32, #tpu.memory_space<hbm>>
      tpu.enqueue_dma source(%dma_start3A_26 : memref<10000xi32, #tpu.memory_space<hbm>>) target(%arg8 : memref<10000xi32, #tpu.memory_space<vmem>>) target_semaphore(%run_scoped3A : memref<!tpu.dma_semaphore, #tpu.memory_space<semaphore_mem>>)
      %dma_wait3A_27 = tpu.memref_slice %arg4[%multiple_of3A] : memref<320000xi32, #tpu.memory_space<hbm>> -> memref<10000xi32, #tpu.memory_space<hbm>>
      %dma_wait3A_28 = tpu.memref_slice %arg4[%multiple_of3A] : memref<320000xi32, #tpu.memory_space<hbm>> -> memref<10000xi32, #tpu.memory_space<hbm>>
      tpu.wait_dma2 semaphore(%run_scoped3A : memref<!tpu.dma_semaphore, #tpu.memory_space<semaphore_mem>>) src(%dma_wait3A_28 : memref<10000xi32, #tpu.memory_space<hbm>>) dst(%arg8 : memref<10000xi32, #tpu.memory_space<vmem>>)
      tpu.yield
    }) : () -> ()
    %mul3A_3 = arith.constant 640 : i32
    %mul3A_4 = arith.muli %arg1, %mul3A_3 : i32
    "tpu.region"() ({
      %run_scoped3A = tpu.sem_alloc : memref<!tpu.dma_semaphore, #tpu.memory_space<semaphore_mem>>
      %dma_start3A_25 = arith.constant 0 : i32
      %dma_start3A_26 = tpu.memref_slice %arg11[%mul3A_4, %dma_start3A_25] : memref<10240x128xf32, #tpu.memory_space<vmem_shared>> -> memref<640x128xf32, #tpu.memory_space<vmem_shared>>
      tpu.enqueue_dma source(%arg5 : memref<640x128xf32, #tpu.memory_space<hbm>>) target(%dma_start3A_26 : memref<640x128xf32, #tpu.memory_space<vmem_shared>>) target_semaphore(%run_scoped3A : memref<!tpu.dma_semaphore, #tpu.memory_space<semaphore_mem>>)
      %dma_wait3A_27 = arith.constant 0 : i32
      %dma_wait3A_28 = tpu.memref_slice %arg11[%mul3A_4, %dma_wait3A_27] : memref<10240x128xf32, #tpu.memory_space<vmem_shared>> -> memref<640x128xf32, #tpu.memory_space<vmem_shared>>
      tpu.wait_dma2 semaphore(%run_scoped3A : memref<!tpu.dma_semaphore, #tpu.memory_space<semaphore_mem>>) src(%arg5 : memref<640x128xf32, #tpu.memory_space<hbm>>) dst(%dma_wait3A_28 : memref<640x128xf32, #tpu.memory_space<vmem_shared>>)
      tpu.yield
    }) : () -> ()
    %barrier3A = arith.constant 0 : index
    tpu.barrier barrier_id(%barrier3A)
    %dma_start3A = arith.constant 0 : i32
    %dma_start3A_5 = tpu.memref_slice %arg7[%dma_start3A] : memref<10000xi32, #tpu.memory_space<vmem>> -> memref<80xi32, #tpu.memory_space<vmem>>
    %dma_start3A_6 = arith.constant 0 : i32
    %dma_start3A_7 = arith.constant 0 : i32
    %dma_start3A_8 = tpu.memref_slice %arg2[%dma_start3A_6, %dma_start3A_7] : memref<10000x128xf32, #tpu.memory_space<hbm>> -> memref<10000x128xf32, #tpu.memory_space<hbm>>
    tpu.enqueue_indirect_dma source(%dma_start3A_8 : memref<10000x128xf32, #tpu.memory_space<hbm>>) target(%arg9 : memref<80x128xf32, #tpu.memory_space<vmem>>) offsets(%dma_start3A_5 : memref<80xi32, #tpu.memory_space<vmem>>) semaphore(%arg12 : memref<!tpu.dma_semaphore, #tpu.memory_space<semaphore_mem>>)
    %scan3A = arith.constant 0 : i32
    %scan3A_9 = arith.constant 0 : i32
    %scan3A_10 = arith.constant 62 : i32
    %scan3A_11 = arith.addi %scan3A_9, %scan3A_10 : i32
    %scan3A_12 = arith.constant 1 : i32
    scf.for %scan3A_25 = %scan3A_9 to %scan3A_11 step %scan3A_12  : i32 {
      %mul3A_26 = arith.constant 2 : i32
      %mul3A_27 = arith.muli %scan3A_25, %mul3A_26 : i32
      %add3A_28 = arith.constant 1 : i32
      %add3A_29 = arith.addi %mul3A_27, %add3A_28 : i32
      %mul3A_30 = arith.constant 80 : i32
      %mul3A_31 = arith.muli %add3A_29, %mul3A_30 : i32
      %dma_start3A_32 = tpu.memref_slice %arg7[%mul3A_31] : memref<10000xi32, #tpu.memory_space<vmem>> -> memref<80xi32, #tpu.memory_space<vmem>>
      %dma_start3A_33 = arith.constant 0 : i32
      %dma_start3A_34 = arith.constant 0 : i32
      %dma_start3A_35 = tpu.memref_slice %arg2[%dma_start3A_33, %dma_start3A_34] : memref<10000x128xf32, #tpu.memory_space<hbm>> -> memref<10000x128xf32, #tpu.memory_space<hbm>>
      tpu.enqueue_indirect_dma source(%dma_start3A_35 : memref<10000x128xf32, #tpu.memory_space<hbm>>) target(%arg10 : memref<80x128xf32, #tpu.memory_space<vmem>>) offsets(%dma_start3A_32 : memref<80xi32, #tpu.memory_space<vmem>>) semaphore(%arg13 : memref<!tpu.dma_semaphore, #tpu.memory_space<semaphore_mem>>)
      %dma_wait3A_36 = arith.constant 0 : i32
      %dma_wait3A_37 = tpu.memref_slice %arg7[%dma_wait3A_36] : memref<10000xi32, #tpu.memory_space<vmem>> -> memref<80xi32, #tpu.memory_space<vmem>>
      %dma_wait3A_38 = arith.constant 0 : i32
      %dma_wait3A_39 = arith.constant 0 : i32
      %dma_wait3A_40 = tpu.memref_slice %arg2[%dma_wait3A_38, %dma_wait3A_39] : memref<10000x128xf32, #tpu.memory_space<hbm>> -> memref<10000x128xf32, #tpu.memory_space<hbm>>
      tpu.wait_indirect_dma semaphore(%arg12 : memref<!tpu.dma_semaphore, #tpu.memory_space<semaphore_mem>>) src(%dma_wait3A_40 : memref<10000x128xf32, #tpu.memory_space<hbm>>) dst(%arg9 : memref<80x128xf32, #tpu.memory_space<vmem>>)
      %mul3A_41 = arith.constant 80 : i32
      %mul3A_42 = arith.muli %mul3A_27, %mul3A_41 : i32
      "tpu.region"() ({
        %run_scoped3A = tpu.sem_alloc : memref<!tpu.dma_semaphore, #tpu.memory_space<semaphore_mem>>
        %dma_start3A_60 = tpu.memref_slice %arg8[%mul3A_42] : memref<10000xi32, #tpu.memory_space<vmem>> -> memref<80xi32, #tpu.memory_space<vmem>>
        %dma_start3A_61 = arith.constant 0 : i32
        %dma_start3A_62 = arith.constant 0 : i32
        %dma_start3A_63 = tpu.memref_slice %arg11[%dma_start3A_61, %dma_start3A_62] : memref<10240x128xf32, #tpu.memory_space<vmem_shared>> -> memref<10240x128xf32, #tpu.memory_space<vmem_shared>>
        tpu.enqueue_indirect_dma source(%arg9 : memref<80x128xf32, #tpu.memory_space<vmem>>) target(%dma_start3A_63 : memref<10240x128xf32, #tpu.memory_space<vmem_shared>>) offsets(%dma_start3A_60 : memref<80xi32, #tpu.memory_space<vmem>>) semaphore(%run_scoped3A : memref<!tpu.dma_semaphore, #tpu.memory_space<semaphore_mem>>) {add = true}
        %dma_wait3A_64 = tpu.memref_slice %arg8[%mul3A_42] : memref<10000xi32, #tpu.memory_space<vmem>> -> memref<80xi32, #tpu.memory_space<vmem>>
        %dma_wait3A_65 = arith.constant 0 : i32
        %dma_wait3A_66 = arith.constant 0 : i32
        %dma_wait3A_67 = tpu.memref_slice %arg11[%dma_wait3A_65, %dma_wait3A_66] : memref<10240x128xf32, #tpu.memory_space<vmem_shared>> -> memref<10240x128xf32, #tpu.memory_space<vmem_shared>>
        tpu.wait_indirect_dma semaphore(%run_scoped3A : memref<!tpu.dma_semaphore, #tpu.memory_space<semaphore_mem>>) src(%arg9 : memref<80x128xf32, #tpu.memory_space<vmem>>) dst(%dma_wait3A_67 : memref<10240x128xf32, #tpu.memory_space<vmem_shared>>)
        tpu.yield
      }) : () -> ()
      %add3A_43 = arith.constant 2 : i32
      %add3A_44 = arith.addi %mul3A_27, %add3A_43 : i32
      %mul3A_45 = arith.constant 80 : i32
      %mul3A_46 = arith.muli %add3A_44, %mul3A_45 : i32
      %dma_start3A_47 = tpu.memref_slice %arg7[%mul3A_46] : memref<10000xi32, #tpu.memory_space<vmem>> -> memref<80xi32, #tpu.memory_space<vmem>>
      %dma_start3A_48 = arith.constant 0 : i32
      %dma_start3A_49 = arith.constant 0 : i32
      %dma_start3A_50 = tpu.memref_slice %arg2[%dma_start3A_48, %dma_start3A_49] : memref<10000x128xf32, #tpu.memory_space<hbm>> -> memref<10000x128xf32, #tpu.memory_space<hbm>>
      tpu.enqueue_indirect_dma source(%dma_start3A_50 : memref<10000x128xf32, #tpu.memory_space<hbm>>) target(%arg9 : memref<80x128xf32, #tpu.memory_space<vmem>>) offsets(%dma_start3A_47 : memref<80xi32, #tpu.memory_space<vmem>>) semaphore(%arg12 : memref<!tpu.dma_semaphore, #tpu.memory_space<semaphore_mem>>)
      %dma_wait3A_51 = arith.constant 0 : i32
      %dma_wait3A_52 = tpu.memref_slice %arg7[%dma_wait3A_51] : memref<10000xi32, #tpu.memory_space<vmem>> -> memref<80xi32, #tpu.memory_space<vmem>>
      %dma_wait3A_53 = arith.constant 0 : i32
      %dma_wait3A_54 = arith.constant 0 : i32
      %dma_wait3A_55 = tpu.memref_slice %arg2[%dma_wait3A_53, %dma_wait3A_54] : memref<10000x128xf32, #tpu.memory_space<hbm>> -> memref<10000x128xf32, #tpu.memory_space<hbm>>
      tpu.wait_indirect_dma semaphore(%arg13 : memref<!tpu.dma_semaphore, #tpu.memory_space<semaphore_mem>>) src(%dma_wait3A_55 : memref<10000x128xf32, #tpu.memory_space<hbm>>) dst(%arg10 : memref<80x128xf32, #tpu.memory_space<vmem>>)
      %add3A_56 = arith.constant 1 : i32
      %add3A_57 = arith.addi %mul3A_27, %add3A_56 : i32
      %mul3A_58 = arith.constant 80 : i32
      %mul3A_59 = arith.muli %add3A_57, %mul3A_58 : i32
      "tpu.region"() ({
        %run_scoped3A = tpu.sem_alloc : memref<!tpu.dma_semaphore, #tpu.memory_space<semaphore_mem>>
        %dma_start3A_60 = tpu.memref_slice %arg8[%mul3A_59] : memref<10000xi32, #tpu.memory_space<vmem>> -> memref<80xi32, #tpu.memory_space<vmem>>
        %dma_start3A_61 = arith.constant 0 : i32
        %dma_start3A_62 = arith.constant 0 : i32
        %dma_start3A_63 = tpu.memref_slice %arg11[%dma_start3A_61, %dma_start3A_62] : memref<10240x128xf32, #tpu.memory_space<vmem_shared>> -> memref<10240x128xf32, #tpu.memory_space<vmem_shared>>
        tpu.enqueue_indirect_dma source(%arg10 : memref<80x128xf32, #tpu.memory_space<vmem>>) target(%dma_start3A_63 : memref<10240x128xf32, #tpu.memory_space<vmem_shared>>) offsets(%dma_start3A_60 : memref<80xi32, #tpu.memory_space<vmem>>) semaphore(%run_scoped3A : memref<!tpu.dma_semaphore, #tpu.memory_space<semaphore_mem>>) {add = true}
        %dma_wait3A_64 = tpu.memref_slice %arg8[%mul3A_59] : memref<10000xi32, #tpu.memory_space<vmem>> -> memref<80xi32, #tpu.memory_space<vmem>>
        %dma_wait3A_65 = arith.constant 0 : i32
        %dma_wait3A_66 = arith.constant 0 : i32
        %dma_wait3A_67 = tpu.memref_slice %arg11[%dma_wait3A_65, %dma_wait3A_66] : memref<10240x128xf32, #tpu.memory_space<vmem_shared>> -> memref<10240x128xf32, #tpu.memory_space<vmem_shared>>
        tpu.wait_indirect_dma semaphore(%run_scoped3A : memref<!tpu.dma_semaphore, #tpu.memory_space<semaphore_mem>>) src(%arg10 : memref<80x128xf32, #tpu.memory_space<vmem>>) dst(%dma_wait3A_67 : memref<10240x128xf32, #tpu.memory_space<vmem_shared>>)
        tpu.yield
      }) : () -> ()
    }
    %scan3A_13 = arith.constant 62 : i32
    %dma_wait3A = arith.constant 0 : i32
    %dma_wait3A_14 = tpu.memref_slice %arg7[%dma_wait3A] : memref<10000xi32, #tpu.memory_space<vmem>> -> memref<80xi32, #tpu.memory_space<vmem>>
    %dma_wait3A_15 = arith.constant 0 : i32
    %dma_wait3A_16 = arith.constant 0 : i32
    %dma_wait3A_17 = tpu.memref_slice %arg2[%dma_wait3A_15, %dma_wait3A_16] : memref<10000x128xf32, #tpu.memory_space<hbm>> -> memref<10000x128xf32, #tpu.memory_space<hbm>>
    tpu.wait_indirect_dma semaphore(%arg12 : memref<!tpu.dma_semaphore, #tpu.memory_space<semaphore_mem>>) src(%dma_wait3A_17 : memref<10000x128xf32, #tpu.memory_space<hbm>>) dst(%arg9 : memref<80x128xf32, #tpu.memory_space<vmem>>)
    "tpu.region"() ({
      %run_scoped3A = tpu.sem_alloc : memref<!tpu.dma_semaphore, #tpu.memory_space<semaphore_mem>>
      %dma_start3A_25 = arith.constant 9920 : i32
      %dma_start3A_26 = tpu.memref_slice %arg8[%dma_start3A_25] : memref<10000xi32, #tpu.memory_space<vmem>> -> memref<80xi32, #tpu.memory_space<vmem>>
      %dma_start3A_27 = arith.constant 0 : i32
      %dma_start3A_28 = arith.constant 0 : i32
      %dma_start3A_29 = tpu.memref_slice %arg11[%dma_start3A_27, %dma_start3A_28] : memref<10240x128xf32, #tpu.memory_space<vmem_shared>> -> memref<10240x128xf32, #tpu.memory_space<vmem_shared>>
      tpu.enqueue_indirect_dma source(%arg9 : memref<80x128xf32, #tpu.memory_space<vmem>>) target(%dma_start3A_29 : memref<10240x128xf32, #tpu.memory_space<vmem_shared>>) offsets(%dma_start3A_26 : memref<80xi32, #tpu.memory_space<vmem>>) semaphore(%run_scoped3A : memref<!tpu.dma_semaphore, #tpu.memory_space<semaphore_mem>>) {add = true}
      %dma_wait3A_30 = arith.constant 9920 : i32
      %dma_wait3A_31 = tpu.memref_slice %arg8[%dma_wait3A_30] : memref<10000xi32, #tpu.memory_space<vmem>> -> memref<80xi32, #tpu.memory_space<vmem>>
      %dma_wait3A_32 = arith.constant 0 : i32
      %dma_wait3A_33 = arith.constant 0 : i32
      %dma_wait3A_34 = tpu.memref_slice %arg11[%dma_wait3A_32, %dma_wait3A_33] : memref<10240x128xf32, #tpu.memory_space<vmem_shared>> -> memref<10240x128xf32, #tpu.memory_space<vmem_shared>>
      tpu.wait_indirect_dma semaphore(%run_scoped3A : memref<!tpu.dma_semaphore, #tpu.memory_space<semaphore_mem>>) src(%arg9 : memref<80x128xf32, #tpu.memory_space<vmem>>) dst(%dma_wait3A_34 : memref<10240x128xf32, #tpu.memory_space<vmem_shared>>)
      tpu.yield
    }) : () -> ()
    %barrier3A_18 = arith.constant 0 : index
    tpu.barrier barrier_id(%barrier3A_18)
    %lt3A = arith.constant 15 : i32
    %lt3A_19 = arith.cmpi slt, %arg1, %lt3A : i32
    %convert_element_type3A = arith.extui %lt3A_19 : i1 to i32
    %cond3A = arith.constant 0 : i32
    %cond3A_20 = arith.cmpi ne, %convert_element_type3A, %cond3A : i32
    scf.if %cond3A_20 {
      %mul3A_25 = arith.constant 640 : i32
      %mul3A_26 = arith.muli %arg1, %mul3A_25 : i32
      %mul3A_27 = arith.constant 640 : i32
      %mul3A_28 = arith.muli %arg1, %mul3A_27 : i32
      "tpu.region"() ({
        %run_scoped3A = tpu.sem_alloc : memref<!tpu.dma_semaphore, #tpu.memory_space<semaphore_mem>>
        %dma_start3A_29 = arith.constant 0 : i32
        %dma_start3A_30 = tpu.memref_slice %arg6[%arg0, %mul3A_28, %dma_start3A_29] : memref<2x10000x128xf32, #tpu.memory_space<hbm>> -> memref<1x640x128xf32, #tpu.memory_space<hbm>>
        %dma_start3A_31 = tpu.memref_squeeze %dma_start3A_30 : memref<1x640x128xf32, #tpu.memory_space<hbm>> -> memref<640x128xf32, #tpu.memory_space<hbm>>
        %dma_start3A_32 = arith.constant 0 : i32
        %dma_start3A_33 = tpu.memref_slice %arg11[%mul3A_26, %dma_start3A_32] : memref<10240x128xf32, #tpu.memory_space<vmem_shared>> -> memref<640x128xf32, #tpu.memory_space<vmem_shared>>
        tpu.enqueue_dma source(%dma_start3A_33 : memref<640x128xf32, #tpu.memory_space<vmem_shared>>) target(%dma_start3A_31 : memref<640x128xf32, #tpu.memory_space<hbm>>) target_semaphore(%run_scoped3A : memref<!tpu.dma_semaphore, #tpu.memory_space<semaphore_mem>>)
        %dma_wait3A_34 = arith.constant 0 : i32
        %dma_wait3A_35 = tpu.memref_slice %arg6[%arg0, %mul3A_28, %dma_wait3A_34] : memref<2x10000x128xf32, #tpu.memory_space<hbm>> -> memref<1x640x128xf32, #tpu.memory_space<hbm>>
        %dma_wait3A_36 = tpu.memref_squeeze %dma_wait3A_35 : memref<1x640x128xf32, #tpu.memory_space<hbm>> -> memref<640x128xf32, #tpu.memory_space<hbm>>
        %dma_wait3A_37 = arith.constant 0 : i32
        %dma_wait3A_38 = tpu.memref_slice %arg11[%mul3A_26, %dma_wait3A_37] : memref<10240x128xf32, #tpu.memory_space<vmem_shared>> -> memref<640x128xf32, #tpu.memory_space<vmem_shared>>
        tpu.wait_dma2 semaphore(%run_scoped3A : memref<!tpu.dma_semaphore, #tpu.memory_space<semaphore_mem>>) src(%dma_wait3A_38 : memref<640x128xf32, #tpu.memory_space<vmem_shared>>) dst(%dma_wait3A_36 : memref<640x128xf32, #tpu.memory_space<hbm>>)
        tpu.yield
      }) : () -> ()
    } else {
    }
    %eq3A = arith.constant 15 : i32
    %eq3A_21 = arith.cmpi eq, %arg1, %eq3A : i32
    %convert_element_type3A_22 = arith.extui %eq3A_21 : i1 to i32
    %cond3A_23 = arith.constant 0 : i32
    %cond3A_24 = arith.cmpi ne, %convert_element_type3A_22, %cond3A_23 : i32
    scf.if %cond3A_24 {
      "tpu.region"() ({
        %run_scoped3A = tpu.sem_alloc : memref<!tpu.dma_semaphore, #tpu.memory_space<semaphore_mem>>
        %dma_start3A_25 = arith.constant 9600 : i32
        %dma_start3A_26 = arith.constant 0 : i32
        %dma_start3A_27 = tpu.memref_slice %arg6[%arg0, %dma_start3A_25, %dma_start3A_26] : memref<2x10000x128xf32, #tpu.memory_space<hbm>> -> memref<1x400x128xf32, #tpu.memory_space<hbm>>
        %dma_start3A_28 = tpu.memref_squeeze %dma_start3A_27 : memref<1x400x128xf32, #tpu.memory_space<hbm>> -> memref<400x128xf32, #tpu.memory_space<hbm>>
        %dma_start3A_29 = arith.constant 9600 : i32
        %dma_start3A_30 = arith.constant 0 : i32
        %dma_start3A_31 = tpu.memref_slice %arg11[%dma_start3A_29, %dma_start3A_30] : memref<10240x128xf32, #tpu.memory_space<vmem_shared>> -> memref<400x128xf32, #tpu.memory_space<vmem_shared>>
        tpu.enqueue_dma source(%dma_start3A_31 : memref<400x128xf32, #tpu.memory_space<vmem_shared>>) target(%dma_start3A_28 : memref<400x128xf32, #tpu.memory_space<hbm>>) target_semaphore(%run_scoped3A : memref<!tpu.dma_semaphore, #tpu.memory_space<semaphore_mem>>)
        %dma_wait3A_32 = arith.constant 9600 : i32
        %dma_wait3A_33 = arith.constant 0 : i32
        %dma_wait3A_34 = tpu.memref_slice %arg6[%arg0, %dma_wait3A_32, %dma_wait3A_33] : memref<2x10000x128xf32, #tpu.memory_space<hbm>> -> memref<1x400x128xf32, #tpu.memory_space<hbm>>
        %dma_wait3A_35 = tpu.memref_squeeze %dma_wait3A_34 : memref<1x400x128xf32, #tpu.memory_space<hbm>> -> memref<400x128xf32, #tpu.memory_space<hbm>>
        %dma_wait3A_36 = arith.constant 9600 : i32
        %dma_wait3A_37 = arith.constant 0 : i32
        %dma_wait3A_38 = tpu.memref_slice %arg11[%dma_wait3A_36, %dma_wait3A_37] : memref<10240x128xf32, #tpu.memory_space<vmem_shared>> -> memref<400x128xf32, #tpu.memory_space<vmem_shared>>
        tpu.wait_dma2 semaphore(%run_scoped3A : memref<!tpu.dma_semaphore, #tpu.memory_space<semaphore_mem>>) src(%dma_wait3A_38 : memref<400x128xf32, #tpu.memory_space<vmem_shared>>) dst(%dma_wait3A_35 : memref<400x128xf32, #tpu.memory_space<hbm>>)
        tpu.yield
      }) : () -> ()
    } else {
    }
    return
  }
}

#map = affine_map<(d0, d1) -> (0, 0)>
#map1 = affine_map<(d0, d1) -> (0)>
#map2 = affine_map<(d0, d1) -> (0, 0, 0)>
module attributes {stable_mosaic.version = 14 : i64} {
  func.func @_sc_spmm(%arg0: i32, %arg1: i32, %arg2: memref<10000x128xf32, #tpu.memory_space<hbm>>, %arg3: memref<320000xi32, #tpu.memory_space<hbm>>, %arg4: memref<320000xi32, #tpu.memory_space<hbm>>, %arg5: memref<640x128xf32, #tpu.memory_space<hbm>>, %arg6: memref<2x10000x128xf32, #tpu.memory_space<hbm>>, %arg7: memref<10000xi32, #tpu.memory_space<vmem>>, %arg8: memref<10000xi32, #tpu.memory_space<vmem>>, %arg9: memref<80x128xf32, #tpu.memory_space<vmem>>, %arg10: memref<80x128xf32, #tpu.memory_space<vmem>>, %arg11: memref<10240x128xf32, #tpu.memory_space<vmem_shared>>, %arg12: memref<!tpu.dma_semaphore, #tpu.memory_space<semaphore_mem>>, %arg13: memref<!tpu.dma_semaphore, #tpu.memory_space<semaphore_mem>>) attributes {dimension_semantics = [#tpu.dimension_semantics<core_parallel>, #tpu.dimension_semantics<subcore_parallel>], iteration_bounds = array<i64: 2, 16>, scalar_prefetch = 0 : i64, scratch_operands = 7 : i64, tpu.core_type = #tpu.core_type<sc_vector_subcore>, window_params = [{transform_indices = #map}, {transform_indices = #map1}, {transform_indices = #map1}, {transform_indices = #map}, {transform_indices = #map2}]} {
    %mul3A = arith.constant 16 : i32
    %mul3A_0 = arith.muli %arg0, %mul3A : i32
    %add3A = arith.addi %mul3A_0, %arg1 : i32
    %mul3A_1 = arith.constant 10000 : i32
    %mul3A_2 = arith.muli %add3A, %mul3A_1 : i32
    %multiple_of3A = tpu.assume_multiple %mul3A_2, 8 : i32
    "tpu.region"() ({
      %run_scoped3A = tpu.sem_alloc : memref<!tpu.dma_semaphore, #tpu.memory_space<semaphore_mem>>
      %dma_start3A_25 = tpu.memref_slice %arg3[%multiple_of3A] : memref<320000xi32, #tpu.memory_space<hbm>> -> memref<10000xi32, #tpu.memory_space<hbm>>
      %dma_start3A_26 = tpu.memref_slice %arg3[%multiple_of3A] : memref<320000xi32, #tpu.memory_space<hbm>> -> memref<10000xi32, #tpu.memory_space<hbm>>
      tpu.enqueue_dma source(%dma_start3A_26 : memref<10000xi32, #tpu.memory_space<hbm>>) target(%arg7 : memref<10000xi32, #tpu.memory_space<vmem>>) target_semaphore(%run_scoped3A : memref<!tpu.dma_semaphore, #tpu.memory_space<semaphore_mem>>)
      %dma_wait3A_27 = tpu.memref_slice %arg3[%multiple_of3A] : memref<320000xi32, #tpu.memory_space<hbm>> -> memref<10000xi32, #tpu.memory_space<hbm>>
      %dma_wait3A_28 = tpu.memref_slice %arg3[%multiple_of3A] : memref<320000xi32, #tpu.memory_space<hbm>> -> memref<10000xi32, #tpu.memory_space<hbm>>
      tpu.wait_dma2 semaphore(%run_scoped3A : memref<!tpu.dma_semaphore, #tpu.memory_space<semaphore_mem>>) src(%dma_wait3A_28 : memref<10000xi32, #tpu.memory_space<hbm>>) dst(%arg7 : memref<10000xi32, #tpu.memory_space<vmem>>)
      tpu.yield
    }) : () -> ()
    "tpu.region"() ({
      %run_scoped3A = tpu.sem_alloc : memref<!tpu.dma_semaphore, #tpu.memory_space<semaphore_mem>>
      %dma_start3A_25 = tpu.memref_slice %arg4[%multiple_of3A] : memref<320000xi32, #tpu.memory_space<hbm>> -> memref<10000xi32, #tpu.memory_space<hbm>>
      %dma_start3A_26 = tpu.memref_slice %arg4[%multiple_of3A] : memref<320000xi32, #tpu.memory_space<hbm>> -> memref<10000xi32, #tpu.memory_space<hbm>>
      tpu.enqueue_dma source(%dma_start3A_26 : memref<10000xi32, #tpu.memory_space<hbm>>) target(%arg8 : memref<10000xi32, #tpu.memory_space<vmem>>) target_semaphore(%run_scoped3A : memref<!tpu.dma_semaphore, #tpu.memory_space<semaphore_mem>>)
      %dma_wait3A_27 = tpu.memref_slice %arg4[%multiple_of3A] : memref<320000xi32, #tpu.memory_space<hbm>> -> memref<10000xi32, #tpu.memory_space<hbm>>
      %dma_wait3A_28 = tpu.memref_slice %arg4[%multiple_of3A] : memref<320000xi32, #tpu.memory_space<hbm>> -> memref<10000xi32, #tpu.memory_space<hbm>>
      tpu.wait_dma2 semaphore(%run_scoped3A : memref<!tpu.dma_semaphore, #tpu.memory_space<semaphore_mem>>) src(%dma_wait3A_28 : memref<10000xi32, #tpu.memory_space<hbm>>) dst(%arg8 : memref<10000xi32, #tpu.memory_space<vmem>>)
      tpu.yield
    }) : () -> ()
    %mul3A_3 = arith.constant 640 : i32
    %mul3A_4 = arith.muli %arg1, %mul3A_3 : i32
    "tpu.region"() ({
      %run_scoped3A = tpu.sem_alloc : memref<!tpu.dma_semaphore, #tpu.memory_space<semaphore_mem>>
      %dma_start3A_25 = arith.constant 0 : i32
      %dma_start3A_26 = tpu.memref_slice %arg11[%mul3A_4, %dma_start3A_25] : memref<10240x128xf32, #tpu.memory_space<vmem_shared>> -> memref<640x128xf32, #tpu.memory_space<vmem_shared>>
      tpu.enqueue_dma source(%arg5 : memref<640x128xf32, #tpu.memory_space<hbm>>) target(%dma_start3A_26 : memref<640x128xf32, #tpu.memory_space<vmem_shared>>) target_semaphore(%run_scoped3A : memref<!tpu.dma_semaphore, #tpu.memory_space<semaphore_mem>>)
      %dma_wait3A_27 = arith.constant 0 : i32
      %dma_wait3A_28 = tpu.memref_slice %arg11[%mul3A_4, %dma_wait3A_27] : memref<10240x128xf32, #tpu.memory_space<vmem_shared>> -> memref<640x128xf32, #tpu.memory_space<vmem_shared>>
      tpu.wait_dma2 semaphore(%run_scoped3A : memref<!tpu.dma_semaphore, #tpu.memory_space<semaphore_mem>>) src(%arg5 : memref<640x128xf32, #tpu.memory_space<hbm>>) dst(%dma_wait3A_28 : memref<640x128xf32, #tpu.memory_space<vmem_shared>>)
      tpu.yield
    }) : () -> ()
    %barrier3A = arith.constant 0 : index
    tpu.barrier barrier_id(%barrier3A)
    %dma_start3A = arith.constant 0 : i32
    %dma_start3A_5 = tpu.memref_slice %arg7[%dma_start3A] : memref<10000xi32, #tpu.memory_space<vmem>> -> memref<80xi32, #tpu.memory_space<vmem>>
    %dma_start3A_6 = arith.constant 0 : i32
    %dma_start3A_7 = arith.constant 0 : i32
    %dma_start3A_8 = tpu.memref_slice %arg2[%dma_start3A_6, %dma_start3A_7] : memref<10000x128xf32, #tpu.memory_space<hbm>> -> memref<10000x128xf32, #tpu.memory_space<hbm>>
    tpu.enqueue_indirect_dma source(%dma_start3A_8 : memref<10000x128xf32, #tpu.memory_space<hbm>>) target(%arg9 : memref<80x128xf32, #tpu.memory_space<vmem>>) offsets(%dma_start3A_5 : memref<80xi32, #tpu.memory_space<vmem>>) semaphore(%arg12 : memref<!tpu.dma_semaphore, #tpu.memory_space<semaphore_mem>>)
    %scan3A = arith.constant 0 : i32
    %scan3A_9 = arith.constant 0 : i32
    %scan3A_10 = arith.constant 62 : i32
    %scan3A_11 = arith.addi %scan3A_9, %scan3A_10 : i32
    %scan3A_12 = arith.constant 1 : i32
    scf.for %scan3A_25 = %scan3A_9 to %scan3A_11 step %scan3A_12  : i32 {
      %mul3A_26 = arith.constant 2 : i32
      %mul3A_27 = arith.muli %scan3A_25, %mul3A_26 : i32
      %add3A_28 = arith.constant 1 : i32
      %add3A_29 = arith.addi %mul3A_27, %add3A_28 : i32
      %mul3A_30 = arith.constant 80 : i32
      %mul3A_31 = arith.muli %add3A_29, %mul3A_30 : i32
      %dma_start3A_32 = tpu.memref_slice %arg7[%mul3A_31] : memref<10000xi32, #tpu.memory_space<vmem>> -> memref<80xi32, #tpu.memory_space<vmem>>
      %dma_start3A_33 = arith.constant 0 : i32
      %dma_start3A_34 = arith.constant 0 : i32
      %dma_start3A_35 = tpu.memref_slice %arg2[%dma_start3A_33, %dma_start3A_34] : memref<10000x128xf32, #tpu.memory_space<hbm>> -> memref<10000x128xf32, #tpu.memory_space<hbm>>
      tpu.enqueue_indirect_dma source(%dma_start3A_35 : memref<10000x128xf32, #tpu.memory_space<hbm>>) target(%arg10 : memref<80x128xf32, #tpu.memory_space<vmem>>) offsets(%dma_start3A_32 : memref<80xi32, #tpu.memory_space<vmem>>) semaphore(%arg13 : memref<!tpu.dma_semaphore, #tpu.memory_space<semaphore_mem>>)
      %dma_wait3A_36 = arith.constant 0 : i32
      %dma_wait3A_37 = tpu.memref_slice %arg7[%dma_wait3A_36] : memref<10000xi32, #tpu.memory_space<vmem>> -> memref<80xi32, #tpu.memory_space<vmem>>
      %dma_wait3A_38 = arith.constant 0 : i32
      %dma_wait3A_39 = arith.constant 0 : i32
      %dma_wait3A_40 = tpu.memref_slice %arg2[%dma_wait3A_38, %dma_wait3A_39] : memref<10000x128xf32, #tpu.memory_space<hbm>> -> memref<10000x128xf32, #tpu.memory_space<hbm>>
      tpu.wait_indirect_dma semaphore(%arg12 : memref<!tpu.dma_semaphore, #tpu.memory_space<semaphore_mem>>) src(%dma_wait3A_40 : memref<10000x128xf32, #tpu.memory_space<hbm>>) dst(%arg9 : memref<80x128xf32, #tpu.memory_space<vmem>>)
      %mul3A_41 = arith.constant 80 : i32
      %mul3A_42 = arith.muli %mul3A_27, %mul3A_41 : i32
      "tpu.region"() ({
        %run_scoped3A = tpu.sem_alloc : memref<!tpu.dma_semaphore, #tpu.memory_space<semaphore_mem>>
        %dma_start3A_60 = tpu.memref_slice %arg8[%mul3A_42] : memref<10000xi32, #tpu.memory_space<vmem>> -> memref<80xi32, #tpu.memory_space<vmem>>
        %dma_start3A_61 = arith.constant 0 : i32
        %dma_start3A_62 = arith.constant 0 : i32
        %dma_start3A_63 = tpu.memref_slice %arg11[%dma_start3A_61, %dma_start3A_62] : memref<10240x128xf32, #tpu.memory_space<vmem_shared>> -> memref<10240x128xf32, #tpu.memory_space<vmem_shared>>
        tpu.enqueue_indirect_dma source(%arg9 : memref<80x128xf32, #tpu.memory_space<vmem>>) target(%dma_start3A_63 : memref<10240x128xf32, #tpu.memory_space<vmem_shared>>) offsets(%dma_start3A_60 : memref<80xi32, #tpu.memory_space<vmem>>) semaphore(%run_scoped3A : memref<!tpu.dma_semaphore, #tpu.memory_space<semaphore_mem>>) {add = true}
        %dma_wait3A_64 = tpu.memref_slice %arg8[%mul3A_42] : memref<10000xi32, #tpu.memory_space<vmem>> -> memref<80xi32, #tpu.memory_space<vmem>>
        %dma_wait3A_65 = arith.constant 0 : i32
        %dma_wait3A_66 = arith.constant 0 : i32
        %dma_wait3A_67 = tpu.memref_slice %arg11[%dma_wait3A_65, %dma_wait3A_66] : memref<10240x128xf32, #tpu.memory_space<vmem_shared>> -> memref<10240x128xf32, #tpu.memory_space<vmem_shared>>
        tpu.wait_indirect_dma semaphore(%run_scoped3A : memref<!tpu.dma_semaphore, #tpu.memory_space<semaphore_mem>>) src(%arg9 : memref<80x128xf32, #tpu.memory_space<vmem>>) dst(%dma_wait3A_67 : memref<10240x128xf32, #tpu.memory_space<vmem_shared>>)
        tpu.yield
      }) : () -> ()
      %add3A_43 = arith.constant 2 : i32
      %add3A_44 = arith.addi %mul3A_27, %add3A_43 : i32
      %mul3A_45 = arith.constant 80 : i32
      %mul3A_46 = arith.muli %add3A_44, %mul3A_45 : i32
      %dma_start3A_47 = tpu.memref_slice %arg7[%mul3A_46] : memref<10000xi32, #tpu.memory_space<vmem>> -> memref<80xi32, #tpu.memory_space<vmem>>
      %dma_start3A_48 = arith.constant 0 : i32
      %dma_start3A_49 = arith.constant 0 : i32
      %dma_start3A_50 = tpu.memref_slice %arg2[%dma_start3A_48, %dma_start3A_49] : memref<10000x128xf32, #tpu.memory_space<hbm>> -> memref<10000x128xf32, #tpu.memory_space<hbm>>
      tpu.enqueue_indirect_dma source(%dma_start3A_50 : memref<10000x128xf32, #tpu.memory_space<hbm>>) target(%arg9 : memref<80x128xf32, #tpu.memory_space<vmem>>) offsets(%dma_start3A_47 : memref<80xi32, #tpu.memory_space<vmem>>) semaphore(%arg12 : memref<!tpu.dma_semaphore, #tpu.memory_space<semaphore_mem>>)
      %dma_wait3A_51 = arith.constant 0 : i32
      %dma_wait3A_52 = tpu.memref_slice %arg7[%dma_wait3A_51] : memref<10000xi32, #tpu.memory_space<vmem>> -> memref<80xi32, #tpu.memory_space<vmem>>
      %dma_wait3A_53 = arith.constant 0 : i32
      %dma_wait3A_54 = arith.constant 0 : i32
      %dma_wait3A_55 = tpu.memref_slice %arg2[%dma_wait3A_53, %dma_wait3A_54] : memref<10000x128xf32, #tpu.memory_space<hbm>> -> memref<10000x128xf32, #tpu.memory_space<hbm>>
      tpu.wait_indirect_dma semaphore(%arg13 : memref<!tpu.dma_semaphore, #tpu.memory_space<semaphore_mem>>) src(%dma_wait3A_55 : memref<10000x128xf32, #tpu.memory_space<hbm>>) dst(%arg10 : memref<80x128xf32, #tpu.memory_space<vmem>>)
      %add3A_56 = arith.constant 1 : i32
      %add3A_57 = arith.addi %mul3A_27, %add3A_56 : i32
      %mul3A_58 = arith.constant 80 : i32
      %mul3A_59 = arith.muli %add3A_57, %mul3A_58 : i32
      "tpu.region"() ({
        %run_scoped3A = tpu.sem_alloc : memref<!tpu.dma_semaphore, #tpu.memory_space<semaphore_mem>>
        %dma_start3A_60 = tpu.memref_slice %arg8[%mul3A_59] : memref<10000xi32, #tpu.memory_space<vmem>> -> memref<80xi32, #tpu.memory_space<vmem>>
        %dma_start3A_61 = arith.constant 0 : i32
        %dma_start3A_62 = arith.constant 0 : i32
        %dma_start3A_63 = tpu.memref_slice %arg11[%dma_start3A_61, %dma_start3A_62] : memref<10240x128xf32, #tpu.memory_space<vmem_shared>> -> memref<10240x128xf32, #tpu.memory_space<vmem_shared>>
        tpu.enqueue_indirect_dma source(%arg10 : memref<80x128xf32, #tpu.memory_space<vmem>>) target(%dma_start3A_63 : memref<10240x128xf32, #tpu.memory_space<vmem_shared>>) offsets(%dma_start3A_60 : memref<80xi32, #tpu.memory_space<vmem>>) semaphore(%run_scoped3A : memref<!tpu.dma_semaphore, #tpu.memory_space<semaphore_mem>>) {add = true}
        %dma_wait3A_64 = tpu.memref_slice %arg8[%mul3A_59] : memref<10000xi32, #tpu.memory_space<vmem>> -> memref<80xi32, #tpu.memory_space<vmem>>
        %dma_wait3A_65 = arith.constant 0 : i32
        %dma_wait3A_66 = arith.constant 0 : i32
        %dma_wait3A_67 = tpu.memref_slice %arg11[%dma_wait3A_65, %dma_wait3A_66] : memref<10240x128xf32, #tpu.memory_space<vmem_shared>> -> memref<10240x128xf32, #tpu.memory_space<vmem_shared>>
        tpu.wait_indirect_dma semaphore(%run_scoped3A : memref<!tpu.dma_semaphore, #tpu.memory_space<semaphore_mem>>) src(%arg10 : memref<80x128xf32, #tpu.memory_space<vmem>>) dst(%dma_wait3A_67 : memref<10240x128xf32, #tpu.memory_space<vmem_shared>>)
        tpu.yield
      }) : () -> ()
    }
    %scan3A_13 = arith.constant 62 : i32
    %dma_wait3A = arith.constant 0 : i32
    %dma_wait3A_14 = tpu.memref_slice %arg7[%dma_wait3A] : memref<10000xi32, #tpu.memory_space<vmem>> -> memref<80xi32, #tpu.memory_space<vmem>>
    %dma_wait3A_15 = arith.constant 0 : i32
    %dma_wait3A_16 = arith.constant 0 : i32
    %dma_wait3A_17 = tpu.memref_slice %arg2[%dma_wait3A_15, %dma_wait3A_16] : memref<10000x128xf32, #tpu.memory_space<hbm>> -> memref<10000x128xf32, #tpu.memory_space<hbm>>
    tpu.wait_indirect_dma semaphore(%arg12 : memref<!tpu.dma_semaphore, #tpu.memory_space<semaphore_mem>>) src(%dma_wait3A_17 : memref<10000x128xf32, #tpu.memory_space<hbm>>) dst(%arg9 : memref<80x128xf32, #tpu.memory_space<vmem>>)
    "tpu.region"() ({
      %run_scoped3A = tpu.sem_alloc : memref<!tpu.dma_semaphore, #tpu.memory_space<semaphore_mem>>
      %dma_start3A_25 = arith.constant 9920 : i32
      %dma_start3A_26 = tpu.memref_slice %arg8[%dma_start3A_25] : memref<10000xi32, #tpu.memory_space<vmem>> -> memref<80xi32, #tpu.memory_space<vmem>>
      %dma_start3A_27 = arith.constant 0 : i32
      %dma_start3A_28 = arith.constant 0 : i32
      %dma_start3A_29 = tpu.memref_slice %arg11[%dma_start3A_27, %dma_start3A_28] : memref<10240x128xf32, #tpu.memory_space<vmem_shared>> -> memref<10240x128xf32, #tpu.memory_space<vmem_shared>>
      tpu.enqueue_indirect_dma source(%arg9 : memref<80x128xf32, #tpu.memory_space<vmem>>) target(%dma_start3A_29 : memref<10240x128xf32, #tpu.memory_space<vmem_shared>>) offsets(%dma_start3A_26 : memref<80xi32, #tpu.memory_space<vmem>>) semaphore(%run_scoped3A : memref<!tpu.dma_semaphore, #tpu.memory_space<semaphore_mem>>) {add = true}
      %dma_wait3A_30 = arith.constant 9920 : i32
      %dma_wait3A_31 = tpu.memref_slice %arg8[%dma_wait3A_30] : memref<10000xi32, #tpu.memory_space<vmem>> -> memref<80xi32, #tpu.memory_space<vmem>>
      %dma_wait3A_32 = arith.constant 0 : i32
      %dma_wait3A_33 = arith.constant 0 : i32
      %dma_wait3A_34 = tpu.memref_slice %arg11[%dma_wait3A_32, %dma_wait3A_33] : memref<10240x128xf32, #tpu.memory_space<vmem_shared>> -> memref<10240x128xf32, #tpu.memory_space<vmem_shared>>
      tpu.wait_indirect_dma semaphore(%run_scoped3A : memref<!tpu.dma_semaphore, #tpu.memory_space<semaphore_mem>>) src(%arg9 : memref<80x128xf32, #tpu.memory_space<vmem>>) dst(%dma_wait3A_34 : memref<10240x128xf32, #tpu.memory_space<vmem_shared>>)
      tpu.yield
    }) : () -> ()
    %barrier3A_18 = arith.constant 0 : index
    tpu.barrier barrier_id(%barrier3A_18)
    %lt3A = arith.constant 15 : i32
    %lt3A_19 = arith.cmpi slt, %arg1, %lt3A : i32
    %convert_element_type3A = arith.extui %lt3A_19 : i1 to i32
    %cond3A = arith.constant 0 : i32
    %cond3A_20 = arith.cmpi ne, %convert_element_type3A, %cond3A : i32
    scf.if %cond3A_20 {
      %mul3A_25 = arith.constant 640 : i32
      %mul3A_26 = arith.muli %arg1, %mul3A_25 : i32
      %mul3A_27 = arith.constant 640 : i32
      %mul3A_28 = arith.muli %arg1, %mul3A_27 : i32
      "tpu.region"() ({
        %run_scoped3A = tpu.sem_alloc : memref<!tpu.dma_semaphore, #tpu.memory_space<semaphore_mem>>
        %dma_start3A_29 = arith.constant 0 : i32
        %dma_start3A_30 = tpu.memref_slice %arg6[%arg0, %mul3A_28, %dma_start3A_29] : memref<2x10000x128xf32, #tpu.memory_space<hbm>> -> memref<1x640x128xf32, #tpu.memory_space<hbm>>
        %dma_start3A_31 = tpu.memref_squeeze %dma_start3A_30 : memref<1x640x128xf32, #tpu.memory_space<hbm>> -> memref<640x128xf32, #tpu.memory_space<hbm>>
        %dma_start3A_32 = arith.constant 0 : i32
        %dma_start3A_33 = tpu.memref_slice %arg11[%mul3A_26, %dma_start3A_32] : memref<10240x128xf32, #tpu.memory_space<vmem_shared>> -> memref<640x128xf32, #tpu.memory_space<vmem_shared>>
        tpu.enqueue_dma source(%dma_start3A_33 : memref<640x128xf32, #tpu.memory_space<vmem_shared>>) target(%dma_start3A_31 : memref<640x128xf32, #tpu.memory_space<hbm>>) target_semaphore(%run_scoped3A : memref<!tpu.dma_semaphore, #tpu.memory_space<semaphore_mem>>)
        %dma_wait3A_34 = arith.constant 0 : i32
        %dma_wait3A_35 = tpu.memref_slice %arg6[%arg0, %mul3A_28, %dma_wait3A_34] : memref<2x10000x128xf32, #tpu.memory_space<hbm>> -> memref<1x640x128xf32, #tpu.memory_space<hbm>>
        %dma_wait3A_36 = tpu.memref_squeeze %dma_wait3A_35 : memref<1x640x128xf32, #tpu.memory_space<hbm>> -> memref<640x128xf32, #tpu.memory_space<hbm>>
        %dma_wait3A_37 = arith.constant 0 : i32
        %dma_wait3A_38 = tpu.memref_slice %arg11[%mul3A_26, %dma_wait3A_37] : memref<10240x128xf32, #tpu.memory_space<vmem_shared>> -> memref<640x128xf32, #tpu.memory_space<vmem_shared>>
        tpu.wait_dma2 semaphore(%run_scoped3A : memref<!tpu.dma_semaphore, #tpu.memory_space<semaphore_mem>>) src(%dma_wait3A_38 : memref<640x128xf32, #tpu.memory_space<vmem_shared>>) dst(%dma_wait3A_36 : memref<640x128xf32, #tpu.memory_space<hbm>>)
        tpu.yield
      }) : () -> ()
    } else {
    }
    %eq3A = arith.constant 15 : i32
    %eq3A_21 = arith.cmpi eq, %arg1, %eq3A : i32
    %convert_element_type3A_22 = arith.extui %eq3A_21 : i1 to i32
    %cond3A_23 = arith.constant 0 : i32
    %cond3A_24 = arith.cmpi ne, %convert_element_type3A_22, %cond3A_23 : i32
    scf.if %cond3A_24 {
      "tpu.region"() ({
        %run_scoped3A = tpu.sem_alloc : memref<!tpu.dma_semaphore, #tpu.memory_space<semaphore_mem>>
        %dma_start3A_25 = arith.constant 9600 : i32
        %dma_start3A_26 = arith.constant 0 : i32
        %dma_start3A_27 = tpu.memref_slice %arg6[%arg0, %dma_start3A_25, %dma_start3A_26] : memref<2x10000x128xf32, #tpu.memory_space<hbm>> -> memref<1x400x128xf32, #tpu.memory_space<hbm>>
        %dma_start3A_28 = tpu.memref_squeeze %dma_start3A_27 : memref<1x400x128xf32, #tpu.memory_space<hbm>> -> memref<400x128xf32, #tpu.memory_space<hbm>>
        %dma_start3A_29 = arith.constant 9600 : i32
        %dma_start3A_30 = arith.constant 0 : i32
        %dma_start3A_31 = tpu.memref_slice %arg11[%dma_start3A_29, %dma_start3A_30] : memref<10240x128xf32, #tpu.memory_space<vmem_shared>> -> memref<400x128xf32, #tpu.memory_space<vmem_shared>>
        tpu.enqueue_dma source(%dma_start3A_31 : memref<400x128xf32, #tpu.memory_space<vmem_shared>>) target(%dma_start3A_28 : memref<400x128xf32, #tpu.memory_space<hbm>>) target_semaphore(%run_scoped3A : memref<!tpu.dma_semaphore, #tpu.memory_space<semaphore_mem>>)
        %dma_wait3A_32 = arith.constant 9600 : i32
        %dma_wait3A_33 = arith.constant 0 : i32
        %dma_wait3A_34 = tpu.memref_slice %arg6[%arg0, %dma_wait3A_32, %dma_wait3A_33] : memref<2x10000x128xf32, #tpu.memory_space<hbm>> -> memref<1x400x128xf32, #tpu.memory_space<hbm>>
        %dma_wait3A_35 = tpu.memref_squeeze %dma_wait3A_34 : memref<1x400x128xf32, #tpu.memory_space<hbm>> -> memref<400x128xf32, #tpu.memory_space<hbm>>
        %dma_wait3A_36 = arith.constant 9600 : i32
        %dma_wait3A_37 = arith.constant 0 : i32
        %dma_wait3A_38 = tpu.memref_slice %arg11[%dma_wait3A_36, %dma_wait3A_37] : memref<10240x128xf32, #tpu.memory_space<vmem_shared>> -> memref<400x128xf32, #tpu.memory_space<vmem_shared>>
        tpu.wait_dma2 semaphore(%run_scoped3A : memref<!tpu.dma_semaphore, #tpu.memory_space<semaphore_mem>>) src(%dma_wait3A_38 : memref<400x128xf32, #tpu.memory_space<vmem_shared>>) dst(%dma_wait3A_35 : memref<400x128xf32, #tpu.memory_space<hbm>>)
        tpu.yield
      }) : () -> ()
    } else {
    }
    return
  }
}

#map = affine_map<(d0, d1) -> (0, 0)>
#map1 = affine_map<(d0, d1) -> (0)>
#map2 = affine_map<(d0, d1) -> (0, 0, 0)>
module attributes {stable_mosaic.version = 14 : i64} {
  func.func @_sc_spmm(%arg0: i32, %arg1: i32, %arg2: memref<10000x128xf32, #tpu.memory_space<hbm>>, %arg3: memref<320000xi32, #tpu.memory_space<hbm>>, %arg4: memref<320000xi32, #tpu.memory_space<hbm>>, %arg5: memref<640x128xf32, #tpu.memory_space<hbm>>, %arg6: memref<2x10000x128xf32, #tpu.memory_space<hbm>>, %arg7: memref<10000xi32, #tpu.memory_space<vmem>>, %arg8: memref<10000xi32, #tpu.memory_space<vmem>>, %arg9: memref<80x128xf32, #tpu.memory_space<vmem>>, %arg10: memref<80x128xf32, #tpu.memory_space<vmem>>, %arg11: memref<10240x128xf32, #tpu.memory_space<vmem_shared>>, %arg12: memref<!tpu.dma_semaphore, #tpu.memory_space<semaphore_mem>>, %arg13: memref<!tpu.dma_semaphore, #tpu.memory_space<semaphore_mem>>) attributes {dimension_semantics = [#tpu.dimension_semantics<core_parallel>, #tpu.dimension_semantics<subcore_parallel>], iteration_bounds = array<i64: 2, 16>, scalar_prefetch = 0 : i64, scratch_operands = 7 : i64, tpu.core_type = #tpu.core_type<sc_vector_subcore>, window_params = [{transform_indices = #map}, {transform_indices = #map1}, {transform_indices = #map1}, {transform_indices = #map}, {transform_indices = #map2}]} {
    %mul3A = arith.constant 16 : i32
    %mul3A_0 = arith.muli %arg0, %mul3A : i32
    %add3A = arith.addi %mul3A_0, %arg1 : i32
    %mul3A_1 = arith.constant 10000 : i32
    %mul3A_2 = arith.muli %add3A, %mul3A_1 : i32
    %multiple_of3A = tpu.assume_multiple %mul3A_2, 8 : i32
    "tpu.region"() ({
      %run_scoped3A = tpu.sem_alloc : memref<!tpu.dma_semaphore, #tpu.memory_space<semaphore_mem>>
      %dma_start3A_25 = tpu.memref_slice %arg3[%multiple_of3A] : memref<320000xi32, #tpu.memory_space<hbm>> -> memref<10000xi32, #tpu.memory_space<hbm>>
      %dma_start3A_26 = tpu.memref_slice %arg3[%multiple_of3A] : memref<320000xi32, #tpu.memory_space<hbm>> -> memref<10000xi32, #tpu.memory_space<hbm>>
      tpu.enqueue_dma source(%dma_start3A_26 : memref<10000xi32, #tpu.memory_space<hbm>>) target(%arg7 : memref<10000xi32, #tpu.memory_space<vmem>>) target_semaphore(%run_scoped3A : memref<!tpu.dma_semaphore, #tpu.memory_space<semaphore_mem>>)
      %dma_wait3A_27 = tpu.memref_slice %arg3[%multiple_of3A] : memref<320000xi32, #tpu.memory_space<hbm>> -> memref<10000xi32, #tpu.memory_space<hbm>>
      %dma_wait3A_28 = tpu.memref_slice %arg3[%multiple_of3A] : memref<320000xi32, #tpu.memory_space<hbm>> -> memref<10000xi32, #tpu.memory_space<hbm>>
      tpu.wait_dma2 semaphore(%run_scoped3A : memref<!tpu.dma_semaphore, #tpu.memory_space<semaphore_mem>>) src(%dma_wait3A_28 : memref<10000xi32, #tpu.memory_space<hbm>>) dst(%arg7 : memref<10000xi32, #tpu.memory_space<vmem>>)
      tpu.yield
    }) : () -> ()
    "tpu.region"() ({
      %run_scoped3A = tpu.sem_alloc : memref<!tpu.dma_semaphore, #tpu.memory_space<semaphore_mem>>
      %dma_start3A_25 = tpu.memref_slice %arg4[%multiple_of3A] : memref<320000xi32, #tpu.memory_space<hbm>> -> memref<10000xi32, #tpu.memory_space<hbm>>
      %dma_start3A_26 = tpu.memref_slice %arg4[%multiple_of3A] : memref<320000xi32, #tpu.memory_space<hbm>> -> memref<10000xi32, #tpu.memory_space<hbm>>
      tpu.enqueue_dma source(%dma_start3A_26 : memref<10000xi32, #tpu.memory_space<hbm>>) target(%arg8 : memref<10000xi32, #tpu.memory_space<vmem>>) target_semaphore(%run_scoped3A : memref<!tpu.dma_semaphore, #tpu.memory_space<semaphore_mem>>)
      %dma_wait3A_27 = tpu.memref_slice %arg4[%multiple_of3A] : memref<320000xi32, #tpu.memory_space<hbm>> -> memref<10000xi32, #tpu.memory_space<hbm>>
      %dma_wait3A_28 = tpu.memref_slice %arg4[%multiple_of3A] : memref<320000xi32, #tpu.memory_space<hbm>> -> memref<10000xi32, #tpu.memory_space<hbm>>
      tpu.wait_dma2 semaphore(%run_scoped3A : memref<!tpu.dma_semaphore, #tpu.memory_space<semaphore_mem>>) src(%dma_wait3A_28 : memref<10000xi32, #tpu.memory_space<hbm>>) dst(%arg8 : memref<10000xi32, #tpu.memory_space<vmem>>)
      tpu.yield
    }) : () -> ()
    %mul3A_3 = arith.constant 640 : i32
    %mul3A_4 = arith.muli %arg1, %mul3A_3 : i32
    "tpu.region"() ({
      %run_scoped3A = tpu.sem_alloc : memref<!tpu.dma_semaphore, #tpu.memory_space<semaphore_mem>>
      %dma_start3A_25 = arith.constant 0 : i32
      %dma_start3A_26 = tpu.memref_slice %arg11[%mul3A_4, %dma_start3A_25] : memref<10240x128xf32, #tpu.memory_space<vmem_shared>> -> memref<640x128xf32, #tpu.memory_space<vmem_shared>>
      tpu.enqueue_dma source(%arg5 : memref<640x128xf32, #tpu.memory_space<hbm>>) target(%dma_start3A_26 : memref<640x128xf32, #tpu.memory_space<vmem_shared>>) target_semaphore(%run_scoped3A : memref<!tpu.dma_semaphore, #tpu.memory_space<semaphore_mem>>)
      %dma_wait3A_27 = arith.constant 0 : i32
      %dma_wait3A_28 = tpu.memref_slice %arg11[%mul3A_4, %dma_wait3A_27] : memref<10240x128xf32, #tpu.memory_space<vmem_shared>> -> memref<640x128xf32, #tpu.memory_space<vmem_shared>>
      tpu.wait_dma2 semaphore(%run_scoped3A : memref<!tpu.dma_semaphore, #tpu.memory_space<semaphore_mem>>) src(%arg5 : memref<640x128xf32, #tpu.memory_space<hbm>>) dst(%dma_wait3A_28 : memref<640x128xf32, #tpu.memory_space<vmem_shared>>)
      tpu.yield
    }) : () -> ()
    %barrier3A = arith.constant 0 : index
    tpu.barrier barrier_id(%barrier3A)
    %dma_start3A = arith.constant 0 : i32
    %dma_start3A_5 = tpu.memref_slice %arg7[%dma_start3A] : memref<10000xi32, #tpu.memory_space<vmem>> -> memref<80xi32, #tpu.memory_space<vmem>>
    %dma_start3A_6 = arith.constant 0 : i32
    %dma_start3A_7 = arith.constant 0 : i32
    %dma_start3A_8 = tpu.memref_slice %arg2[%dma_start3A_6, %dma_start3A_7] : memref<10000x128xf32, #tpu.memory_space<hbm>> -> memref<10000x128xf32, #tpu.memory_space<hbm>>
    tpu.enqueue_indirect_dma source(%dma_start3A_8 : memref<10000x128xf32, #tpu.memory_space<hbm>>) target(%arg9 : memref<80x128xf32, #tpu.memory_space<vmem>>) offsets(%dma_start3A_5 : memref<80xi32, #tpu.memory_space<vmem>>) semaphore(%arg12 : memref<!tpu.dma_semaphore, #tpu.memory_space<semaphore_mem>>)
    %scan3A = arith.constant 0 : i32
    %scan3A_9 = arith.constant 0 : i32
    %scan3A_10 = arith.constant 62 : i32
    %scan3A_11 = arith.addi %scan3A_9, %scan3A_10 : i32
    %scan3A_12 = arith.constant 1 : i32
    scf.for %scan3A_25 = %scan3A_9 to %scan3A_11 step %scan3A_12  : i32 {
      %mul3A_26 = arith.constant 2 : i32
      %mul3A_27 = arith.muli %scan3A_25, %mul3A_26 : i32
      %add3A_28 = arith.constant 1 : i32
      %add3A_29 = arith.addi %mul3A_27, %add3A_28 : i32
      %mul3A_30 = arith.constant 80 : i32
      %mul3A_31 = arith.muli %add3A_29, %mul3A_30 : i32
      %dma_start3A_32 = tpu.memref_slice %arg7[%mul3A_31] : memref<10000xi32, #tpu.memory_space<vmem>> -> memref<80xi32, #tpu.memory_space<vmem>>
      %dma_start3A_33 = arith.constant 0 : i32
      %dma_start3A_34 = arith.constant 0 : i32
      %dma_start3A_35 = tpu.memref_slice %arg2[%dma_start3A_33, %dma_start3A_34] : memref<10000x128xf32, #tpu.memory_space<hbm>> -> memref<10000x128xf32, #tpu.memory_space<hbm>>
      tpu.enqueue_indirect_dma source(%dma_start3A_35 : memref<10000x128xf32, #tpu.memory_space<hbm>>) target(%arg10 : memref<80x128xf32, #tpu.memory_space<vmem>>) offsets(%dma_start3A_32 : memref<80xi32, #tpu.memory_space<vmem>>) semaphore(%arg13 : memref<!tpu.dma_semaphore, #tpu.memory_space<semaphore_mem>>)
      %dma_wait3A_36 = arith.constant 0 : i32
      %dma_wait3A_37 = tpu.memref_slice %arg7[%dma_wait3A_36] : memref<10000xi32, #tpu.memory_space<vmem>> -> memref<80xi32, #tpu.memory_space<vmem>>
      %dma_wait3A_38 = arith.constant 0 : i32
      %dma_wait3A_39 = arith.constant 0 : i32
      %dma_wait3A_40 = tpu.memref_slice %arg2[%dma_wait3A_38, %dma_wait3A_39] : memref<10000x128xf32, #tpu.memory_space<hbm>> -> memref<10000x128xf32, #tpu.memory_space<hbm>>
      tpu.wait_indirect_dma semaphore(%arg12 : memref<!tpu.dma_semaphore, #tpu.memory_space<semaphore_mem>>) src(%dma_wait3A_40 : memref<10000x128xf32, #tpu.memory_space<hbm>>) dst(%arg9 : memref<80x128xf32, #tpu.memory_space<vmem>>)
      %mul3A_41 = arith.constant 80 : i32
      %mul3A_42 = arith.muli %mul3A_27, %mul3A_41 : i32
      "tpu.region"() ({
        %run_scoped3A = tpu.sem_alloc : memref<!tpu.dma_semaphore, #tpu.memory_space<semaphore_mem>>
        %dma_start3A_60 = tpu.memref_slice %arg8[%mul3A_42] : memref<10000xi32, #tpu.memory_space<vmem>> -> memref<80xi32, #tpu.memory_space<vmem>>
        %dma_start3A_61 = arith.constant 0 : i32
        %dma_start3A_62 = arith.constant 0 : i32
        %dma_start3A_63 = tpu.memref_slice %arg11[%dma_start3A_61, %dma_start3A_62] : memref<10240x128xf32, #tpu.memory_space<vmem_shared>> -> memref<10240x128xf32, #tpu.memory_space<vmem_shared>>
        tpu.enqueue_indirect_dma source(%arg9 : memref<80x128xf32, #tpu.memory_space<vmem>>) target(%dma_start3A_63 : memref<10240x128xf32, #tpu.memory_space<vmem_shared>>) offsets(%dma_start3A_60 : memref<80xi32, #tpu.memory_space<vmem>>) semaphore(%run_scoped3A : memref<!tpu.dma_semaphore, #tpu.memory_space<semaphore_mem>>) {add = true}
        %dma_wait3A_64 = tpu.memref_slice %arg8[%mul3A_42] : memref<10000xi32, #tpu.memory_space<vmem>> -> memref<80xi32, #tpu.memory_space<vmem>>
        %dma_wait3A_65 = arith.constant 0 : i32
        %dma_wait3A_66 = arith.constant 0 : i32
        %dma_wait3A_67 = tpu.memref_slice %arg11[%dma_wait3A_65, %dma_wait3A_66] : memref<10240x128xf32, #tpu.memory_space<vmem_shared>> -> memref<10240x128xf32, #tpu.memory_space<vmem_shared>>
        tpu.wait_indirect_dma semaphore(%run_scoped3A : memref<!tpu.dma_semaphore, #tpu.memory_space<semaphore_mem>>) src(%arg9 : memref<80x128xf32, #tpu.memory_space<vmem>>) dst(%dma_wait3A_67 : memref<10240x128xf32, #tpu.memory_space<vmem_shared>>)
        tpu.yield
      }) : () -> ()
      %add3A_43 = arith.constant 2 : i32
      %add3A_44 = arith.addi %mul3A_27, %add3A_43 : i32
      %mul3A_45 = arith.constant 80 : i32
      %mul3A_46 = arith.muli %add3A_44, %mul3A_45 : i32
      %dma_start3A_47 = tpu.memref_slice %arg7[%mul3A_46] : memref<10000xi32, #tpu.memory_space<vmem>> -> memref<80xi32, #tpu.memory_space<vmem>>
      %dma_start3A_48 = arith.constant 0 : i32
      %dma_start3A_49 = arith.constant 0 : i32
      %dma_start3A_50 = tpu.memref_slice %arg2[%dma_start3A_48, %dma_start3A_49] : memref<10000x128xf32, #tpu.memory_space<hbm>> -> memref<10000x128xf32, #tpu.memory_space<hbm>>
      tpu.enqueue_indirect_dma source(%dma_start3A_50 : memref<10000x128xf32, #tpu.memory_space<hbm>>) target(%arg9 : memref<80x128xf32, #tpu.memory_space<vmem>>) offsets(%dma_start3A_47 : memref<80xi32, #tpu.memory_space<vmem>>) semaphore(%arg12 : memref<!tpu.dma_semaphore, #tpu.memory_space<semaphore_mem>>)
      %dma_wait3A_51 = arith.constant 0 : i32
      %dma_wait3A_52 = tpu.memref_slice %arg7[%dma_wait3A_51] : memref<10000xi32, #tpu.memory_space<vmem>> -> memref<80xi32, #tpu.memory_space<vmem>>
      %dma_wait3A_53 = arith.constant 0 : i32
      %dma_wait3A_54 = arith.constant 0 : i32
      %dma_wait3A_55 = tpu.memref_slice %arg2[%dma_wait3A_53, %dma_wait3A_54] : memref<10000x128xf32, #tpu.memory_space<hbm>> -> memref<10000x128xf32, #tpu.memory_space<hbm>>
      tpu.wait_indirect_dma semaphore(%arg13 : memref<!tpu.dma_semaphore, #tpu.memory_space<semaphore_mem>>) src(%dma_wait3A_55 : memref<10000x128xf32, #tpu.memory_space<hbm>>) dst(%arg10 : memref<80x128xf32, #tpu.memory_space<vmem>>)
      %add3A_56 = arith.constant 1 : i32
      %add3A_57 = arith.addi %mul3A_27, %add3A_56 : i32
      %mul3A_58 = arith.constant 80 : i32
      %mul3A_59 = arith.muli %add3A_57, %mul3A_58 : i32
      "tpu.region"() ({
        %run_scoped3A = tpu.sem_alloc : memref<!tpu.dma_semaphore, #tpu.memory_space<semaphore_mem>>
        %dma_start3A_60 = tpu.memref_slice %arg8[%mul3A_59] : memref<10000xi32, #tpu.memory_space<vmem>> -> memref<80xi32, #tpu.memory_space<vmem>>
        %dma_start3A_61 = arith.constant 0 : i32
        %dma_start3A_62 = arith.constant 0 : i32
        %dma_start3A_63 = tpu.memref_slice %arg11[%dma_start3A_61, %dma_start3A_62] : memref<10240x128xf32, #tpu.memory_space<vmem_shared>> -> memref<10240x128xf32, #tpu.memory_space<vmem_shared>>
        tpu.enqueue_indirect_dma source(%arg10 : memref<80x128xf32, #tpu.memory_space<vmem>>) target(%dma_start3A_63 : memref<10240x128xf32, #tpu.memory_space<vmem_shared>>) offsets(%dma_start3A_60 : memref<80xi32, #tpu.memory_space<vmem>>) semaphore(%run_scoped3A : memref<!tpu.dma_semaphore, #tpu.memory_space<semaphore_mem>>) {add = true}
        %dma_wait3A_64 = tpu.memref_slice %arg8[%mul3A_59] : memref<10000xi32, #tpu.memory_space<vmem>> -> memref<80xi32, #tpu.memory_space<vmem>>
        %dma_wait3A_65 = arith.constant 0 : i32
        %dma_wait3A_66 = arith.constant 0 : i32
        %dma_wait3A_67 = tpu.memref_slice %arg11[%dma_wait3A_65, %dma_wait3A_66] : memref<10240x128xf32, #tpu.memory_space<vmem_shared>> -> memref<10240x128xf32, #tpu.memory_space<vmem_shared>>
        tpu.wait_indirect_dma semaphore(%run_scoped3A : memref<!tpu.dma_semaphore, #tpu.memory_space<semaphore_mem>>) src(%arg10 : memref<80x128xf32, #tpu.memory_space<vmem>>) dst(%dma_wait3A_67 : memref<10240x128xf32, #tpu.memory_space<vmem_shared>>)
        tpu.yield
      }) : () -> ()
    }
    %scan3A_13 = arith.constant 62 : i32
    %dma_wait3A = arith.constant 0 : i32
    %dma_wait3A_14 = tpu.memref_slice %arg7[%dma_wait3A] : memref<10000xi32, #tpu.memory_space<vmem>> -> memref<80xi32, #tpu.memory_space<vmem>>
    %dma_wait3A_15 = arith.constant 0 : i32
    %dma_wait3A_16 = arith.constant 0 : i32
    %dma_wait3A_17 = tpu.memref_slice %arg2[%dma_wait3A_15, %dma_wait3A_16] : memref<10000x128xf32, #tpu.memory_space<hbm>> -> memref<10000x128xf32, #tpu.memory_space<hbm>>
    tpu.wait_indirect_dma semaphore(%arg12 : memref<!tpu.dma_semaphore, #tpu.memory_space<semaphore_mem>>) src(%dma_wait3A_17 : memref<10000x128xf32, #tpu.memory_space<hbm>>) dst(%arg9 : memref<80x128xf32, #tpu.memory_space<vmem>>)
    "tpu.region"() ({
      %run_scoped3A = tpu.sem_alloc : memref<!tpu.dma_semaphore, #tpu.memory_space<semaphore_mem>>
      %dma_start3A_25 = arith.constant 9920 : i32
      %dma_start3A_26 = tpu.memref_slice %arg8[%dma_start3A_25] : memref<10000xi32, #tpu.memory_space<vmem>> -> memref<80xi32, #tpu.memory_space<vmem>>
      %dma_start3A_27 = arith.constant 0 : i32
      %dma_start3A_28 = arith.constant 0 : i32
      %dma_start3A_29 = tpu.memref_slice %arg11[%dma_start3A_27, %dma_start3A_28] : memref<10240x128xf32, #tpu.memory_space<vmem_shared>> -> memref<10240x128xf32, #tpu.memory_space<vmem_shared>>
      tpu.enqueue_indirect_dma source(%arg9 : memref<80x128xf32, #tpu.memory_space<vmem>>) target(%dma_start3A_29 : memref<10240x128xf32, #tpu.memory_space<vmem_shared>>) offsets(%dma_start3A_26 : memref<80xi32, #tpu.memory_space<vmem>>) semaphore(%run_scoped3A : memref<!tpu.dma_semaphore, #tpu.memory_space<semaphore_mem>>) {add = true}
      %dma_wait3A_30 = arith.constant 9920 : i32
      %dma_wait3A_31 = tpu.memref_slice %arg8[%dma_wait3A_30] : memref<10000xi32, #tpu.memory_space<vmem>> -> memref<80xi32, #tpu.memory_space<vmem>>
      %dma_wait3A_32 = arith.constant 0 : i32
      %dma_wait3A_33 = arith.constant 0 : i32
      %dma_wait3A_34 = tpu.memref_slice %arg11[%dma_wait3A_32, %dma_wait3A_33] : memref<10240x128xf32, #tpu.memory_space<vmem_shared>> -> memref<10240x128xf32, #tpu.memory_space<vmem_shared>>
      tpu.wait_indirect_dma semaphore(%run_scoped3A : memref<!tpu.dma_semaphore, #tpu.memory_space<semaphore_mem>>) src(%arg9 : memref<80x128xf32, #tpu.memory_space<vmem>>) dst(%dma_wait3A_34 : memref<10240x128xf32, #tpu.memory_space<vmem_shared>>)
      tpu.yield
    }) : () -> ()
    %barrier3A_18 = arith.constant 0 : index
    tpu.barrier barrier_id(%barrier3A_18)
    %lt3A = arith.constant 15 : i32
    %lt3A_19 = arith.cmpi slt, %arg1, %lt3A : i32
    %convert_element_type3A = arith.extui %lt3A_19 : i1 to i32
    %cond3A = arith.constant 0 : i32
    %cond3A_20 = arith.cmpi ne, %convert_element_type3A, %cond3A : i32
    scf.if %cond3A_20 {
      %mul3A_25 = arith.constant 640 : i32
      %mul3A_26 = arith.muli %arg1, %mul3A_25 : i32
      %mul3A_27 = arith.constant 640 : i32
      %mul3A_28 = arith.muli %arg1, %mul3A_27 : i32
      "tpu.region"() ({
        %run_scoped3A = tpu.sem_alloc : memref<!tpu.dma_semaphore, #tpu.memory_space<semaphore_mem>>
        %dma_start3A_29 = arith.constant 0 : i32
        %dma_start3A_30 = tpu.memref_slice %arg6[%arg0, %mul3A_28, %dma_start3A_29] : memref<2x10000x128xf32, #tpu.memory_space<hbm>> -> memref<1x640x128xf32, #tpu.memory_space<hbm>>
        %dma_start3A_31 = tpu.memref_squeeze %dma_start3A_30 : memref<1x640x128xf32, #tpu.memory_space<hbm>> -> memref<640x128xf32, #tpu.memory_space<hbm>>
        %dma_start3A_32 = arith.constant 0 : i32
        %dma_start3A_33 = tpu.memref_slice %arg11[%mul3A_26, %dma_start3A_32] : memref<10240x128xf32, #tpu.memory_space<vmem_shared>> -> memref<640x128xf32, #tpu.memory_space<vmem_shared>>
        tpu.enqueue_dma source(%dma_start3A_33 : memref<640x128xf32, #tpu.memory_space<vmem_shared>>) target(%dma_start3A_31 : memref<640x128xf32, #tpu.memory_space<hbm>>) target_semaphore(%run_scoped3A : memref<!tpu.dma_semaphore, #tpu.memory_space<semaphore_mem>>)
        %dma_wait3A_34 = arith.constant 0 : i32
        %dma_wait3A_35 = tpu.memref_slice %arg6[%arg0, %mul3A_28, %dma_wait3A_34] : memref<2x10000x128xf32, #tpu.memory_space<hbm>> -> memref<1x640x128xf32, #tpu.memory_space<hbm>>
        %dma_wait3A_36 = tpu.memref_squeeze %dma_wait3A_35 : memref<1x640x128xf32, #tpu.memory_space<hbm>> -> memref<640x128xf32, #tpu.memory_space<hbm>>
        %dma_wait3A_37 = arith.constant 0 : i32
        %dma_wait3A_38 = tpu.memref_slice %arg11[%mul3A_26, %dma_wait3A_37] : memref<10240x128xf32, #tpu.memory_space<vmem_shared>> -> memref<640x128xf32, #tpu.memory_space<vmem_shared>>
        tpu.wait_dma2 semaphore(%run_scoped3A : memref<!tpu.dma_semaphore, #tpu.memory_space<semaphore_mem>>) src(%dma_wait3A_38 : memref<640x128xf32, #tpu.memory_space<vmem_shared>>) dst(%dma_wait3A_36 : memref<640x128xf32, #tpu.memory_space<hbm>>)
        tpu.yield
      }) : () -> ()
    } else {
    }
    %eq3A = arith.constant 15 : i32
    %eq3A_21 = arith.cmpi eq, %arg1, %eq3A : i32
    %convert_element_type3A_22 = arith.extui %eq3A_21 : i1 to i32
    %cond3A_23 = arith.constant 0 : i32
    %cond3A_24 = arith.cmpi ne, %convert_element_type3A_22, %cond3A_23 : i32
    scf.if %cond3A_24 {
      "tpu.region"() ({
        %run_scoped3A = tpu.sem_alloc : memref<!tpu.dma_semaphore, #tpu.memory_space<semaphore_mem>>
        %dma_start3A_25 = arith.constant 9600 : i32
        %dma_start3A_26 = arith.constant 0 : i32
        %dma_start3A_27 = tpu.memref_slice %arg6[%arg0, %dma_start3A_25, %dma_start3A_26] : memref<2x10000x128xf32, #tpu.memory_space<hbm>> -> memref<1x400x128xf32, #tpu.memory_space<hbm>>
        %dma_start3A_28 = tpu.memref_squeeze %dma_start3A_27 : memref<1x400x128xf32, #tpu.memory_space<hbm>> -> memref<400x128xf32, #tpu.memory_space<hbm>>
        %dma_start3A_29 = arith.constant 9600 : i32
        %dma_start3A_30 = arith.constant 0 : i32
        %dma_start3A_31 = tpu.memref_slice %arg11[%dma_start3A_29, %dma_start3A_30] : memref<10240x128xf32, #tpu.memory_space<vmem_shared>> -> memref<400x128xf32, #tpu.memory_space<vmem_shared>>
        tpu.enqueue_dma source(%dma_start3A_31 : memref<400x128xf32, #tpu.memory_space<vmem_shared>>) target(%dma_start3A_28 : memref<400x128xf32, #tpu.memory_space<hbm>>) target_semaphore(%run_scoped3A : memref<!tpu.dma_semaphore, #tpu.memory_space<semaphore_mem>>)
        %dma_wait3A_32 = arith.constant 9600 : i32
        %dma_wait3A_33 = arith.constant 0 : i32
        %dma_wait3A_34 = tpu.memref_slice %arg6[%arg0, %dma_wait3A_32, %dma_wait3A_33] : memref<2x10000x128xf32, #tpu.memory_space<hbm>> -> memref<1x400x128xf32, #tpu.memory_space<hbm>>
        %dma_wait3A_35 = tpu.memref_squeeze %dma_wait3A_34 : memref<1x400x128xf32, #tpu.memory_space<hbm>> -> memref<400x128xf32, #tpu.memory_space<hbm>>
        %dma_wait3A_36 = arith.constant 9600 : i32
        %dma_wait3A_37 = arith.constant 0 : i32
        %dma_wait3A_38 = tpu.memref_slice %arg11[%dma_wait3A_36, %dma_wait3A_37] : memref<10240x128xf32, #tpu.memory_space<vmem_shared>> -> memref<400x128xf32, #tpu.memory_space<vmem_shared>>
        tpu.wait_dma2 semaphore(%run_scoped3A : memref<!tpu.dma_semaphore, #tpu.memory_space<semaphore_mem>>) src(%dma_wait3A_38 : memref<400x128xf32, #tpu.memory_space<vmem_shared>>) dst(%dma_wait3A_35 : memref<400x128xf32, #tpu.memory_space<hbm>>)
        tpu.yield
      }) : () -> ()
    } else {
    }
    return
  }
}

module attributes {stable_mosaic.version = 14 : i64} {
  func.func @_tc_pre_body(%arg0: i32, %arg1: memref<1000x128xf32, #tpu.memory_space<vmem>>, %arg2: memref<1000x8xf32, #tpu.memory_space<vmem>>, %arg3: memref<128x128xf32, #tpu.memory_space<vmem>>, %arg4: memref<1x128xf32, #tpu.memory_space<vmem>>, %arg5: memref<1000x128xf32, #tpu.memory_space<vmem>>, %arg6: memref<1000x128xf32, #tpu.memory_space<vmem>>, %arg7: memref<1000x16xf32, #tpu.memory_space<vmem>>) attributes {dimension_semantics = [#tpu.dimension_semantics<arbitrary>], iteration_bounds = array<i64: 10>, scalar_prefetch = 0 : i64, scratch_operands = 0 : i64, tpu.core_type = #tpu.core_type<tc>, window_params = [{transform_indices = @transform_0, window_bounds = array<i64: 1000, 128>}, {transform_indices = @transform_1, window_bounds = array<i64: 1000, 8>}, {pipeline_mode = #tpu.pipeline_mode<synchronous>, transform_indices = @transform_2, window_bounds = array<i64: 128, 128>}, {pipeline_mode = #tpu.pipeline_mode<synchronous>, transform_indices = @transform_3, window_bounds = array<i64: 1, 128>}, {transform_indices = @transform_4, window_bounds = array<i64: 1000, 128>}, {transform_indices = @transform_5, window_bounds = array<i64: 1000, 128>}, {transform_indices = @transform_6, window_bounds = array<i64: 1000, 16>}]} {
    %get3A = arith.constant 0 : index
    %get3A_0 = arith.constant 0 : index
    %get3A_1 = vector.load %arg1[%get3A, %get3A_0] : memref<1000x128xf32, #tpu.memory_space<vmem>>, vector<1000x128xf32>
    %convert_element_type3A = arith.truncf %get3A_1 : vector<1000x128xf32> to vector<1000x128xbf16>
    %convert_element_type3A_2 = arith.extf %convert_element_type3A : vector<1000x128xbf16> to vector<1000x128xf32>
    %get3A_3 = arith.constant 0 : index
    %get3A_4 = arith.constant 0 : index
    %get3A_5 = vector.load %arg3[%get3A_3, %get3A_4] : memref<128x128xf32, #tpu.memory_space<vmem>>, vector<128x128xf32>
    %dot_general3A = arith.constant dense<0.000000e+00> : vector<1000x128xf32>
    %dot_general3A_6 = tpu.matmul %convert_element_type3A_2, %get3A_5, %dot_general3A {dimension_numbers = #tpu.dot_dimension_numbers<[1], [0], [0], [1], [0, 0, 1, 1], [], []>, precision = #tpu.contract_precision<fp32>, transpose_lhs_hint = false} : vector<1000x128xf32>, vector<128x128xf32>, vector<1000x128xf32> -> vector<1000x128xf32>
    %get3A_7 = arith.constant 0 : index
    %get3A_8 = arith.constant 0 : index
    %get3A_9 = vector.load %arg4[%get3A_7, %get3A_8] : memref<1x128xf32, #tpu.memory_space<vmem>>, vector<1x128xf32>
    %add3A = vector.broadcast %get3A_9 : vector<1x128xf32> to vector<1000x128xf32>
    %add3A_10 = arith.addf %dot_general3A_6, %add3A : vector<1000x128xf32>
    %max3A = arith.constant 0.000000e+00 : f32
    %max3A_11 = vector.broadcast %max3A : f32 to vector<1000x128xf32>
    %max3A_12 = arith.maximumf %add3A_10, %max3A_11 : vector<1000x128xf32>
    %swap3A = arith.constant 0 : index
    %swap3A_13 = arith.constant 0 : index
    %swap3A_14 = vector.load %arg5[%swap3A, %swap3A_13] : memref<1000x128xf32, #tpu.memory_space<vmem>>, vector<1000x128xf32>
    tpu.vector_store %arg5[%swap3A, %swap3A_13], %max3A_12 {strides = array<i32>} : memref<1000x128xf32, #tpu.memory_space<vmem>>, vector<1000x128xf32>,
    %convert_element_type3A_15 = arith.truncf %max3A_12 : vector<1000x128xf32> to vector<1000x128xbf16>
    %convert_element_type3A_16 = arith.extf %convert_element_type3A_15 : vector<1000x128xbf16> to vector<1000x128xf32>
    %swap3A_17 = arith.constant 0 : index
    %swap3A_18 = arith.constant 0 : index
    %swap3A_19 = vector.load %arg6[%swap3A_17, %swap3A_18] : memref<1000x128xf32, #tpu.memory_space<vmem>>, vector<1000x128xf32>
    tpu.vector_store %arg6[%swap3A_17, %swap3A_18], %convert_element_type3A_16 {strides = array<i32>} : memref<1000x128xf32, #tpu.memory_space<vmem>>, vector<1000x128xf32>,
    %get3A_20 = arith.constant 0 : index
    %get3A_21 = arith.constant 0 : index
    %get3A_22 = vector.load %arg2[%get3A_20, %get3A_21] : memref<1000x8xf32, #tpu.memory_space<vmem>>, vector<1000x8xf32>
    %mul3A = arith.mulf %get3A_22, %get3A_22 : vector<1000x8xf32>
    %reduce_sum3A = arith.constant dense<0.000000e+00> : vector<1000xf32>
    %reduce_sum3A_23 = vector.multi_reduction <add>, %mul3A, %reduce_sum3A [1] : vector<1000x8xf32> to vector<1000xf32>
    %broadcast_in_dim3A = vector.shape_cast %reduce_sum3A_23 : vector<1000xf32> to vector<1000x1xf32>
    %broadcast_in_dim3A_24 = arith.constant 1.000000e+00 : f32
    %broadcast_in_dim3A_25 = vector.broadcast %broadcast_in_dim3A_24 : f32 to vector<1000x1xf32>
    %broadcast_in_dim3A_26 = arith.constant 0.000000e+00 : f32
    %broadcast_in_dim3A_27 = vector.broadcast %broadcast_in_dim3A_26 : f32 to vector<1000x6xf32>
    %concatenate3A = tpu.concatenate %get3A_22, %broadcast_in_dim3A, %broadcast_in_dim3A_25, %broadcast_in_dim3A_27 in 1 : vector<1000x8xf32>, vector<1000x1xf32>, vector<1000x1xf32>, vector<1000x6xf32> -> vector<1000x16xf32>
    %swap3A_28 = arith.constant 0 : index
    %swap3A_29 = arith.constant 0 : index
    %swap3A_30 = vector.load %arg7[%swap3A_28, %swap3A_29] : memref<1000x16xf32, #tpu.memory_space<vmem>>, vector<1000x16xf32>
    tpu.vector_store %arg7[%swap3A_28, %swap3A_29], %concatenate3A {strides = array<i32>} : memref<1000x16xf32, #tpu.memory_space<vmem>>, vector<1000x16xf32>,
    return
  }
  func.func @transform_0(%arg0: i32) -> (i32, i32) {
    %c0_i32 = arith.constant 0 : i32
    %c0_i32_0 = arith.constant 0 : i32
    return %arg0, %c0_i32 : i32, i32
  }
  func.func @transform_1(%arg0: i32) -> (i32, i32) {
    %c0_i32 = arith.constant 0 : i32
    %c0_i32_0 = arith.constant 0 : i32
    return %arg0, %c0_i32 : i32, i32
  }
  func.func @transform_2(%arg0: i32) -> (i32, i32) {
    %c0_i32 = arith.constant 0 : i32
    %c0_i32_0 = arith.constant 0 : i32
    %c0_i32_1 = arith.constant 0 : i32
    return %c0_i32, %c0_i32_0 : i32, i32
  }
  func.func @transform_3(%arg0: i32) -> (i32, i32) {
    %c0_i32 = arith.constant 0 : i32
    %c0_i32_0 = arith.constant 0 : i32
    %c0_i32_1 = arith.constant 0 : i32
    return %c0_i32, %c0_i32_0 : i32, i32
  }
  func.func @transform_4(%arg0: i32) -> (i32, i32) {
    %c0_i32 = arith.constant 0 : i32
    %c0_i32_0 = arith.constant 0 : i32
    return %arg0, %c0_i32 : i32, i32
  }
  func.func @transform_5(%arg0: i32) -> (i32, i32) {
    %c0_i32 = arith.constant 0 : i32
    %c0_i32_0 = arith.constant 0 : i32
    return %arg0, %c0_i32 : i32, i32
  }
  func.func @transform_6(%arg0: i32) -> (i32, i32) {
    %c0_i32 = arith.constant 0 : i32
    %c0_i32_0 = arith.constant 0 : i32
    return %arg0, %c0_i32 : i32, i32
  }
}

module attributes {stable_mosaic.version = 14 : i64} {
  func.func @_tc_layer_body(%arg0: i32, %arg1: memref<1000x128xf32, #tpu.memory_space<vmem>>, %arg2: memref<2x1000x128xf32, #tpu.memory_space<vmem>>, %arg3: memref<2x1000x16xf32, #tpu.memory_space<vmem>>, %arg4: memref<2x1000x16xf32, #tpu.memory_space<vmem>>, %arg5: memref<128x128xf32, #tpu.memory_space<vmem>>, %arg6: memref<128x128xf32, #tpu.memory_space<vmem>>, %arg7: memref<16x128xf32, #tpu.memory_space<vmem>>, %arg8: memref<1x128xf32, #tpu.memory_space<vmem>>, %arg9: memref<1x128xf32, #tpu.memory_space<vmem>>, %arg10: memref<256x128xf32, #tpu.memory_space<vmem>>, %arg11: memref<1x128xf32, #tpu.memory_space<vmem>>, %arg12: memref<1000x128xf32, #tpu.memory_space<vmem>>, %arg13: memref<1000x128xf32, #tpu.memory_space<vmem>>) attributes {dimension_semantics = [#tpu.dimension_semantics<arbitrary>], iteration_bounds = array<i64: 10>, scalar_prefetch = 0 : i64, scratch_operands = 0 : i64, tpu.core_type = #tpu.core_type<tc>, window_params = [{transform_indices = @transform_0, window_bounds = array<i64: 1000, 128>}, {transform_indices = @transform_1, window_bounds = array<i64: 2, 1000, 128>}, {transform_indices = @transform_2, window_bounds = array<i64: 2, 1000, 16>}, {transform_indices = @transform_3, window_bounds = array<i64: 2, 1000, 16>}, {pipeline_mode = #tpu.pipeline_mode<synchronous>, transform_indices = @transform_4, window_bounds = array<i64: 128, 128>}, {pipeline_mode = #tpu.pipeline_mode<synchronous>, transform_indices = @transform_5, window_bounds = array<i64: 128, 128>}, {pipeline_mode = #tpu.pipeline_mode<synchronous>, transform_indices = @transform_6, window_bounds = array<i64: 16, 128>}, {pipeline_mode = #tpu.pipeline_mode<synchronous>, transform_indices = @transform_7, window_bounds = array<i64: 1, 128>}, {pipeline_mode = #tpu.pipeline_mode<synchronous>, transform_indices = @transform_8, window_bounds = array<i64: 1, 128>}, {pipeline_mode = #tpu.pipeline_mode<synchronous>, transform_indices = @transform_9, window_bounds = array<i64: 256, 128>}, {pipeline_mode = #tpu.pipeline_mode<synchronous>, transform_indices = @transform_10, window_bounds = array<i64: 1, 128>}, {transform_indices = @transform_11, window_bounds = array<i64: 1000, 128>}, {transform_indices = @transform_12, window_bounds = array<i64: 1000, 128>}]} {
    %get3A = arith.constant 0 : index
    %get3A_0 = arith.constant 0 : index
    %get3A_1 = vector.load %arg1[%get3A, %get3A_0] : memref<1000x128xf32, #tpu.memory_space<vmem>>, vector<1000x128xf32>
    %get3A_2 = arith.constant 0 : index
    %get3A_3 = arith.constant 0 : index
    %get3A_4 = arith.constant 0 : index
    %get3A_5 = vector.load %arg2[%get3A_2, %get3A_3, %get3A_4] : memref<2x1000x128xf32, #tpu.memory_space<vmem>>, vector<1x1000x128xf32>
    %get3A_6 = vector.shape_cast %get3A_5 : vector<1x1000x128xf32> to vector<1000x128xf32>
    %get3A_7 = arith.constant 1 : index
    %get3A_8 = arith.constant 0 : index
    %get3A_9 = arith.constant 0 : index
    %get3A_10 = vector.load %arg2[%get3A_7, %get3A_8, %get3A_9] : memref<2x1000x128xf32, #tpu.memory_space<vmem>>, vector<1x1000x128xf32>
    %get3A_11 = vector.shape_cast %get3A_10 : vector<1x1000x128xf32> to vector<1000x128xf32>
    %add3A = arith.addf %get3A_6, %get3A_11 : vector<1000x128xf32>
    %get3A_12 = arith.constant 0 : index
    %get3A_13 = arith.constant 0 : index
    %get3A_14 = arith.constant 0 : index
    %get3A_15 = vector.load %arg3[%get3A_12, %get3A_13, %get3A_14] : memref<2x1000x16xf32, #tpu.memory_space<vmem>>, vector<1x1000x16xf32>
    %get3A_16 = vector.shape_cast %get3A_15 : vector<1x1000x16xf32> to vector<1000x16xf32>
    %get3A_17 = arith.constant 1 : index
    %get3A_18 = arith.constant 0 : index
    %get3A_19 = arith.constant 0 : index
    %get3A_20 = vector.load %arg3[%get3A_17, %get3A_18, %get3A_19] : memref<2x1000x16xf32, #tpu.memory_space<vmem>>, vector<1x1000x16xf32>
    %get3A_21 = vector.shape_cast %get3A_20 : vector<1x1000x16xf32> to vector<1000x16xf32>
    %add3A_22 = arith.addf %get3A_16, %get3A_21 : vector<1000x16xf32>
    %get3A_23 = arith.constant 0 : index
    %get3A_24 = arith.constant 0 : index
    %get3A_25 = arith.constant 0 : index
    %get3A_26 = vector.load %arg4[%get3A_23, %get3A_24, %get3A_25] : memref<2x1000x16xf32, #tpu.memory_space<vmem>>, vector<1x1000x16xf32>
    %get3A_27 = vector.shape_cast %get3A_26 : vector<1x1000x16xf32> to vector<1000x16xf32>
    %get3A_28 = arith.constant 1 : index
    %get3A_29 = arith.constant 0 : index
    %get3A_30 = arith.constant 0 : index
    %get3A_31 = vector.load %arg4[%get3A_28, %get3A_29, %get3A_30] : memref<2x1000x16xf32, #tpu.memory_space<vmem>>, vector<1x1000x16xf32>
    %get3A_32 = vector.shape_cast %get3A_31 : vector<1x1000x16xf32> to vector<1000x16xf32>
    %add3A_33 = arith.addf %get3A_27, %get3A_32 : vector<1000x16xf32>
    %slice3A = vector.extract_strided_slice %add3A_22 {offsets = [0, 0], sizes = [1000, 1], strides = [1, 1]} : vector<1000x16xf32> to vector<1000x1xf32>
    %slice3A_34 = vector.extract_strided_slice %add3A_22 {offsets = [0, 1], sizes = [1000, 1], strides = [1, 1]} : vector<1000x16xf32> to vector<1000x1xf32>
    %get3A_35 = arith.constant 0 : index
    %get3A_36 = arith.constant 0 : index
    %get3A_37 = vector.load %arg5[%get3A_35, %get3A_36] : memref<128x128xf32, #tpu.memory_space<vmem>>, vector<128x128xf32>
    %dot_general3A = arith.constant dense<0.000000e+00> : vector<1000x128xf32>
    %dot_general3A_38 = tpu.matmul %add3A, %get3A_37, %dot_general3A {dimension_numbers = #tpu.dot_dimension_numbers<[1], [0], [0], [1], [0, 0, 1, 1], [], []>, precision = #tpu.contract_precision<fp32>, transpose_lhs_hint = false} : vector<1000x128xf32>, vector<128x128xf32>, vector<1000x128xf32> -> vector<1000x128xf32>
    %convert_element_type3A = arith.truncf %get3A_1 : vector<1000x128xf32> to vector<1000x128xbf16>
    %convert_element_type3A_39 = arith.extf %convert_element_type3A : vector<1000x128xbf16> to vector<1000x128xf32>
    %mul3A = vector.broadcast %slice3A_34 : vector<1000x1xf32> to vector<1000x128xf32>
    %mul3A_40 = arith.mulf %mul3A, %convert_element_type3A_39 : vector<1000x128xf32>
    %get3A_41 = arith.constant 0 : index
    %get3A_42 = arith.constant 0 : index
    %get3A_43 = vector.load %arg6[%get3A_41, %get3A_42] : memref<128x128xf32, #tpu.memory_space<vmem>>, vector<128x128xf32>
    %dot_general3A_44 = arith.constant dense<0.000000e+00> : vector<1000x128xf32>
    %dot_general3A_45 = tpu.matmul %mul3A_40, %get3A_43, %dot_general3A_44 {dimension_numbers = #tpu.dot_dimension_numbers<[1], [0], [0], [1], [0, 0, 1, 1], [], []>, precision = #tpu.contract_precision<fp32>, transpose_lhs_hint = false} : vector<1000x128xf32>, vector<128x128xf32>, vector<1000x128xf32> -> vector<1000x128xf32>
    %add3A_46 = arith.addf %dot_general3A_38, %dot_general3A_45 : vector<1000x128xf32>
    %get3A_47 = arith.constant 0 : index
    %get3A_48 = arith.constant 0 : index
    %get3A_49 = vector.load %arg7[%get3A_47, %get3A_48] : memref<16x128xf32, #tpu.memory_space<vmem>>, vector<16x128xf32>
    %dot_general3A_50 = arith.constant dense<0.000000e+00> : vector<1000x128xf32>
    %dot_general3A_51 = tpu.matmul %add3A_33, %get3A_49, %dot_general3A_50 {dimension_numbers = #tpu.dot_dimension_numbers<[1], [0], [0], [1], [0, 0, 1, 1], [], []>, precision = #tpu.contract_precision<fp32>, transpose_lhs_hint = false} : vector<1000x16xf32>, vector<16x128xf32>, vector<1000x128xf32> -> vector<1000x128xf32>
    %add3A_52 = arith.addf %add3A_46, %dot_general3A_51 : vector<1000x128xf32>
    %get3A_53 = arith.constant 0 : index
    %get3A_54 = arith.constant 0 : index
    %get3A_55 = vector.load %arg8[%get3A_53, %get3A_54] : memref<1x128xf32, #tpu.memory_space<vmem>>, vector<1x128xf32>
    %mul3A_56 = vector.broadcast %slice3A : vector<1000x1xf32> to vector<1000x128xf32>
    %mul3A_57 = vector.broadcast %get3A_55 : vector<1x128xf32> to vector<1000x128xf32>
    %mul3A_58 = arith.mulf %mul3A_56, %mul3A_57 : vector<1000x128xf32>
    %add3A_59 = arith.addf %add3A_52, %mul3A_58 : vector<1000x128xf32>
    %get3A_60 = arith.constant 0 : index
    %get3A_61 = arith.constant 0 : index
    %get3A_62 = vector.load %arg9[%get3A_60, %get3A_61] : memref<1x128xf32, #tpu.memory_space<vmem>>, vector<1x128xf32>
    %mul3A_63 = vector.broadcast %slice3A_34 : vector<1000x1xf32> to vector<1000x128xf32>
    %mul3A_64 = vector.broadcast %get3A_62 : vector<1x128xf32> to vector<1000x128xf32>
    %mul3A_65 = arith.mulf %mul3A_63, %mul3A_64 : vector<1000x128xf32>
    %add3A_66 = arith.addf %add3A_59, %mul3A_65 : vector<1000x128xf32>
    %concatenate3A = tpu.concatenate %get3A_1, %add3A_66 in 1 : vector<1000x128xf32>, vector<1000x128xf32> -> vector<1000x256xf32>
    %convert_element_type3A_67 = arith.truncf %concatenate3A : vector<1000x256xf32> to vector<1000x256xbf16>
    %convert_element_type3A_68 = arith.extf %convert_element_type3A_67 : vector<1000x256xbf16> to vector<1000x256xf32>
    %get3A_69 = arith.constant 0 : index
    %get3A_70 = arith.constant 0 : index
    %get3A_71 = vector.load %arg10[%get3A_69, %get3A_70] : memref<256x128xf32, #tpu.memory_space<vmem>>, vector<256x128xf32>
    %dot_general3A_72 = arith.constant dense<0.000000e+00> : vector<1000x128xf32>
    %dot_general3A_73 = tpu.matmul %convert_element_type3A_68, %get3A_71, %dot_general3A_72 {dimension_numbers = #tpu.dot_dimension_numbers<[1], [0], [0], [1], [0, 0, 1, 1], [], []>, precision = #tpu.contract_precision<fp32>, transpose_lhs_hint = false} : vector<1000x256xf32>, vector<256x128xf32>, vector<1000x128xf32> -> vector<1000x128xf32>
    %add3A_74 = arith.addf %get3A_1, %dot_general3A_73 : vector<1000x128xf32>
    %get3A_75 = arith.constant 0 : index
    %get3A_76 = arith.constant 0 : index
    %get3A_77 = vector.load %arg11[%get3A_75, %get3A_76] : memref<1x128xf32, #tpu.memory_space<vmem>>, vector<1x128xf32>
    %add3A_78 = vector.broadcast %get3A_77 : vector<1x128xf32> to vector<1000x128xf32>
    %add3A_79 = arith.addf %add3A_74, %add3A_78 : vector<1000x128xf32>
    %swap3A = arith.constant 0 : index
    %swap3A_80 = arith.constant 0 : index
    %swap3A_81 = vector.load %arg12[%swap3A, %swap3A_80] : memref<1000x128xf32, #tpu.memory_space<vmem>>, vector<1000x128xf32>
    tpu.vector_store %arg12[%swap3A, %swap3A_80], %add3A_79 {strides = array<i32>} : memref<1000x128xf32, #tpu.memory_space<vmem>>, vector<1000x128xf32>,
    %convert_element_type3A_82 = arith.truncf %add3A_79 : vector<1000x128xf32> to vector<1000x128xbf16>
    %convert_element_type3A_83 = arith.extf %convert_element_type3A_82 : vector<1000x128xbf16> to vector<1000x128xf32>
    %swap3A_84 = arith.constant 0 : index
    %swap3A_85 = arith.constant 0 : index
    %swap3A_86 = vector.load %arg13[%swap3A_84, %swap3A_85] : memref<1000x128xf32, #tpu.memory_space<vmem>>, vector<1000x128xf32>
    tpu.vector_store %arg13[%swap3A_84, %swap3A_85], %convert_element_type3A_83 {strides = array<i32>} : memref<1000x128xf32, #tpu.memory_space<vmem>>, vector<1000x128xf32>,
    return
  }
  func.func @transform_0(%arg0: i32) -> (i32, i32) {
    %c0_i32 = arith.constant 0 : i32
    %c0_i32_0 = arith.constant 0 : i32
    return %arg0, %c0_i32 : i32, i32
  }
  func.func @transform_1(%arg0: i32) -> (i32, i32, i32) {
    %c0_i32 = arith.constant 0 : i32
    %c0_i32_0 = arith.constant 0 : i32
    %c0_i32_1 = arith.constant 0 : i32
    return %c0_i32, %arg0, %c0_i32_0 : i32, i32, i32
  }
  func.func @transform_2(%arg0: i32) -> (i32, i32, i32) {
    %c0_i32 = arith.constant 0 : i32
    %c0_i32_0 = arith.constant 0 : i32
    %c0_i32_1 = arith.constant 0 : i32
    return %c0_i32, %arg0, %c0_i32_0 : i32, i32, i32
  }
  func.func @transform_3(%arg0: i32) -> (i32, i32, i32) {
    %c0_i32 = arith.constant 0 : i32
    %c0_i32_0 = arith.constant 0 : i32
    %c0_i32_1 = arith.constant 0 : i32
    return %c0_i32, %arg0, %c0_i32_0 : i32, i32, i32
  }
  func.func @transform_4(%arg0: i32) -> (i32, i32) {
    %c0_i32 = arith.constant 0 : i32
    %c0_i32_0 = arith.constant 0 : i32
    %c0_i32_1 = arith.constant 0 : i32
    return %c0_i32, %c0_i32_0 : i32, i32
  }
  func.func @transform_5(%arg0: i32) -> (i32, i32) {
    %c0_i32 = arith.constant 0 : i32
    %c0_i32_0 = arith.constant 0 : i32
    %c0_i32_1 = arith.constant 0 : i32
    return %c0_i32, %c0_i32_0 : i32, i32
  }
  func.func @transform_6(%arg0: i32) -> (i32, i32) {
    %c0_i32 = arith.constant 0 : i32
    %c0_i32_0 = arith.constant 0 : i32
    %c0_i32_1 = arith.constant 0 : i32
    return %c0_i32, %c0_i32_0 : i32, i32
  }
  func.func @transform_7(%arg0: i32) -> (i32, i32) {
    %c0_i32 = arith.constant 0 : i32
    %c0_i32_0 = arith.constant 0 : i32
    %c0_i32_1 = arith.constant 0 : i32
    return %c0_i32, %c0_i32_0 : i32, i32
  }
  func.func @transform_8(%arg0: i32) -> (i32, i32) {
    %c0_i32 = arith.constant 0 : i32
    %c0_i32_0 = arith.constant 0 : i32
    %c0_i32_1 = arith.constant 0 : i32
    return %c0_i32, %c0_i32_0 : i32, i32
  }
  func.func @transform_9(%arg0: i32) -> (i32, i32) {
    %c0_i32 = arith.constant 0 : i32
    %c0_i32_0 = arith.constant 0 : i32
    %c0_i32_1 = arith.constant 0 : i32
    return %c0_i32, %c0_i32_0 : i32, i32
  }
  func.func @transform_10(%arg0: i32) -> (i32, i32) {
    %c0_i32 = arith.constant 0 : i32
    %c0_i32_0 = arith.constant 0 : i32
    %c0_i32_1 = arith.constant 0 : i32
    return %c0_i32, %c0_i32_0 : i32, i32
  }
  func.func @transform_11(%arg0: i32) -> (i32, i32) {
    %c0_i32 = arith.constant 0 : i32
    %c0_i32_0 = arith.constant 0 : i32
    return %arg0, %c0_i32 : i32, i32
  }
  func.func @transform_12(%arg0: i32) -> (i32, i32) {
    %c0_i32 = arith.constant 0 : i32
    %c0_i32_0 = arith.constant 0 : i32
    return %arg0, %c0_i32 : i32, i32
  }
}

module attributes {stable_mosaic.version = 14 : i64} {
  func.func @_tc_layer_body(%arg0: i32, %arg1: memref<1000x128xf32, #tpu.memory_space<vmem>>, %arg2: memref<2x1000x128xf32, #tpu.memory_space<vmem>>, %arg3: memref<2x1000x16xf32, #tpu.memory_space<vmem>>, %arg4: memref<2x1000x16xf32, #tpu.memory_space<vmem>>, %arg5: memref<128x128xf32, #tpu.memory_space<vmem>>, %arg6: memref<128x128xf32, #tpu.memory_space<vmem>>, %arg7: memref<16x128xf32, #tpu.memory_space<vmem>>, %arg8: memref<1x128xf32, #tpu.memory_space<vmem>>, %arg9: memref<1x128xf32, #tpu.memory_space<vmem>>, %arg10: memref<256x128xf32, #tpu.memory_space<vmem>>, %arg11: memref<1x128xf32, #tpu.memory_space<vmem>>, %arg12: memref<1000x128xf32, #tpu.memory_space<vmem>>, %arg13: memref<1000x128xf32, #tpu.memory_space<vmem>>) attributes {dimension_semantics = [#tpu.dimension_semantics<arbitrary>], iteration_bounds = array<i64: 10>, scalar_prefetch = 0 : i64, scratch_operands = 0 : i64, tpu.core_type = #tpu.core_type<tc>, window_params = [{transform_indices = @transform_0, window_bounds = array<i64: 1000, 128>}, {transform_indices = @transform_1, window_bounds = array<i64: 2, 1000, 128>}, {transform_indices = @transform_2, window_bounds = array<i64: 2, 1000, 16>}, {transform_indices = @transform_3, window_bounds = array<i64: 2, 1000, 16>}, {pipeline_mode = #tpu.pipeline_mode<synchronous>, transform_indices = @transform_4, window_bounds = array<i64: 128, 128>}, {pipeline_mode = #tpu.pipeline_mode<synchronous>, transform_indices = @transform_5, window_bounds = array<i64: 128, 128>}, {pipeline_mode = #tpu.pipeline_mode<synchronous>, transform_indices = @transform_6, window_bounds = array<i64: 16, 128>}, {pipeline_mode = #tpu.pipeline_mode<synchronous>, transform_indices = @transform_7, window_bounds = array<i64: 1, 128>}, {pipeline_mode = #tpu.pipeline_mode<synchronous>, transform_indices = @transform_8, window_bounds = array<i64: 1, 128>}, {pipeline_mode = #tpu.pipeline_mode<synchronous>, transform_indices = @transform_9, window_bounds = array<i64: 256, 128>}, {pipeline_mode = #tpu.pipeline_mode<synchronous>, transform_indices = @transform_10, window_bounds = array<i64: 1, 128>}, {transform_indices = @transform_11, window_bounds = array<i64: 1000, 128>}, {transform_indices = @transform_12, window_bounds = array<i64: 1000, 128>}]} {
    %get3A = arith.constant 0 : index
    %get3A_0 = arith.constant 0 : index
    %get3A_1 = vector.load %arg1[%get3A, %get3A_0] : memref<1000x128xf32, #tpu.memory_space<vmem>>, vector<1000x128xf32>
    %get3A_2 = arith.constant 0 : index
    %get3A_3 = arith.constant 0 : index
    %get3A_4 = arith.constant 0 : index
    %get3A_5 = vector.load %arg2[%get3A_2, %get3A_3, %get3A_4] : memref<2x1000x128xf32, #tpu.memory_space<vmem>>, vector<1x1000x128xf32>
    %get3A_6 = vector.shape_cast %get3A_5 : vector<1x1000x128xf32> to vector<1000x128xf32>
    %get3A_7 = arith.constant 1 : index
    %get3A_8 = arith.constant 0 : index
    %get3A_9 = arith.constant 0 : index
    %get3A_10 = vector.load %arg2[%get3A_7, %get3A_8, %get3A_9] : memref<2x1000x128xf32, #tpu.memory_space<vmem>>, vector<1x1000x128xf32>
    %get3A_11 = vector.shape_cast %get3A_10 : vector<1x1000x128xf32> to vector<1000x128xf32>
    %add3A = arith.addf %get3A_6, %get3A_11 : vector<1000x128xf32>
    %get3A_12 = arith.constant 0 : index
    %get3A_13 = arith.constant 0 : index
    %get3A_14 = arith.constant 0 : index
    %get3A_15 = vector.load %arg3[%get3A_12, %get3A_13, %get3A_14] : memref<2x1000x16xf32, #tpu.memory_space<vmem>>, vector<1x1000x16xf32>
    %get3A_16 = vector.shape_cast %get3A_15 : vector<1x1000x16xf32> to vector<1000x16xf32>
    %get3A_17 = arith.constant 1 : index
    %get3A_18 = arith.constant 0 : index
    %get3A_19 = arith.constant 0 : index
    %get3A_20 = vector.load %arg3[%get3A_17, %get3A_18, %get3A_19] : memref<2x1000x16xf32, #tpu.memory_space<vmem>>, vector<1x1000x16xf32>
    %get3A_21 = vector.shape_cast %get3A_20 : vector<1x1000x16xf32> to vector<1000x16xf32>
    %add3A_22 = arith.addf %get3A_16, %get3A_21 : vector<1000x16xf32>
    %get3A_23 = arith.constant 0 : index
    %get3A_24 = arith.constant 0 : index
    %get3A_25 = arith.constant 0 : index
    %get3A_26 = vector.load %arg4[%get3A_23, %get3A_24, %get3A_25] : memref<2x1000x16xf32, #tpu.memory_space<vmem>>, vector<1x1000x16xf32>
    %get3A_27 = vector.shape_cast %get3A_26 : vector<1x1000x16xf32> to vector<1000x16xf32>
    %get3A_28 = arith.constant 1 : index
    %get3A_29 = arith.constant 0 : index
    %get3A_30 = arith.constant 0 : index
    %get3A_31 = vector.load %arg4[%get3A_28, %get3A_29, %get3A_30] : memref<2x1000x16xf32, #tpu.memory_space<vmem>>, vector<1x1000x16xf32>
    %get3A_32 = vector.shape_cast %get3A_31 : vector<1x1000x16xf32> to vector<1000x16xf32>
    %add3A_33 = arith.addf %get3A_27, %get3A_32 : vector<1000x16xf32>
    %slice3A = vector.extract_strided_slice %add3A_22 {offsets = [0, 0], sizes = [1000, 1], strides = [1, 1]} : vector<1000x16xf32> to vector<1000x1xf32>
    %slice3A_34 = vector.extract_strided_slice %add3A_22 {offsets = [0, 1], sizes = [1000, 1], strides = [1, 1]} : vector<1000x16xf32> to vector<1000x1xf32>
    %get3A_35 = arith.constant 0 : index
    %get3A_36 = arith.constant 0 : index
    %get3A_37 = vector.load %arg5[%get3A_35, %get3A_36] : memref<128x128xf32, #tpu.memory_space<vmem>>, vector<128x128xf32>
    %dot_general3A = arith.constant dense<0.000000e+00> : vector<1000x128xf32>
    %dot_general3A_38 = tpu.matmul %add3A, %get3A_37, %dot_general3A {dimension_numbers = #tpu.dot_dimension_numbers<[1], [0], [0], [1], [0, 0, 1, 1], [], []>, precision = #tpu.contract_precision<fp32>, transpose_lhs_hint = false} : vector<1000x128xf32>, vector<128x128xf32>, vector<1000x128xf32> -> vector<1000x128xf32>
    %convert_element_type3A = arith.truncf %get3A_1 : vector<1000x128xf32> to vector<1000x128xbf16>
    %convert_element_type3A_39 = arith.extf %convert_element_type3A : vector<1000x128xbf16> to vector<1000x128xf32>
    %mul3A = vector.broadcast %slice3A_34 : vector<1000x1xf32> to vector<1000x128xf32>
    %mul3A_40 = arith.mulf %mul3A, %convert_element_type3A_39 : vector<1000x128xf32>
    %get3A_41 = arith.constant 0 : index
    %get3A_42 = arith.constant 0 : index
    %get3A_43 = vector.load %arg6[%get3A_41, %get3A_42] : memref<128x128xf32, #tpu.memory_space<vmem>>, vector<128x128xf32>
    %dot_general3A_44 = arith.constant dense<0.000000e+00> : vector<1000x128xf32>
    %dot_general3A_45 = tpu.matmul %mul3A_40, %get3A_43, %dot_general3A_44 {dimension_numbers = #tpu.dot_dimension_numbers<[1], [0], [0], [1], [0, 0, 1, 1], [], []>, precision = #tpu.contract_precision<fp32>, transpose_lhs_hint = false} : vector<1000x128xf32>, vector<128x128xf32>, vector<1000x128xf32> -> vector<1000x128xf32>
    %add3A_46 = arith.addf %dot_general3A_38, %dot_general3A_45 : vector<1000x128xf32>
    %get3A_47 = arith.constant 0 : index
    %get3A_48 = arith.constant 0 : index
    %get3A_49 = vector.load %arg7[%get3A_47, %get3A_48] : memref<16x128xf32, #tpu.memory_space<vmem>>, vector<16x128xf32>
    %dot_general3A_50 = arith.constant dense<0.000000e+00> : vector<1000x128xf32>
    %dot_general3A_51 = tpu.matmul %add3A_33, %get3A_49, %dot_general3A_50 {dimension_numbers = #tpu.dot_dimension_numbers<[1], [0], [0], [1], [0, 0, 1, 1], [], []>, precision = #tpu.contract_precision<fp32>, transpose_lhs_hint = false} : vector<1000x16xf32>, vector<16x128xf32>, vector<1000x128xf32> -> vector<1000x128xf32>
    %add3A_52 = arith.addf %add3A_46, %dot_general3A_51 : vector<1000x128xf32>
    %get3A_53 = arith.constant 0 : index
    %get3A_54 = arith.constant 0 : index
    %get3A_55 = vector.load %arg8[%get3A_53, %get3A_54] : memref<1x128xf32, #tpu.memory_space<vmem>>, vector<1x128xf32>
    %mul3A_56 = vector.broadcast %slice3A : vector<1000x1xf32> to vector<1000x128xf32>
    %mul3A_57 = vector.broadcast %get3A_55 : vector<1x128xf32> to vector<1000x128xf32>
    %mul3A_58 = arith.mulf %mul3A_56, %mul3A_57 : vector<1000x128xf32>
    %add3A_59 = arith.addf %add3A_52, %mul3A_58 : vector<1000x128xf32>
    %get3A_60 = arith.constant 0 : index
    %get3A_61 = arith.constant 0 : index
    %get3A_62 = vector.load %arg9[%get3A_60, %get3A_61] : memref<1x128xf32, #tpu.memory_space<vmem>>, vector<1x128xf32>
    %mul3A_63 = vector.broadcast %slice3A_34 : vector<1000x1xf32> to vector<1000x128xf32>
    %mul3A_64 = vector.broadcast %get3A_62 : vector<1x128xf32> to vector<1000x128xf32>
    %mul3A_65 = arith.mulf %mul3A_63, %mul3A_64 : vector<1000x128xf32>
    %add3A_66 = arith.addf %add3A_59, %mul3A_65 : vector<1000x128xf32>
    %concatenate3A = tpu.concatenate %get3A_1, %add3A_66 in 1 : vector<1000x128xf32>, vector<1000x128xf32> -> vector<1000x256xf32>
    %convert_element_type3A_67 = arith.truncf %concatenate3A : vector<1000x256xf32> to vector<1000x256xbf16>
    %convert_element_type3A_68 = arith.extf %convert_element_type3A_67 : vector<1000x256xbf16> to vector<1000x256xf32>
    %get3A_69 = arith.constant 0 : index
    %get3A_70 = arith.constant 0 : index
    %get3A_71 = vector.load %arg10[%get3A_69, %get3A_70] : memref<256x128xf32, #tpu.memory_space<vmem>>, vector<256x128xf32>
    %dot_general3A_72 = arith.constant dense<0.000000e+00> : vector<1000x128xf32>
    %dot_general3A_73 = tpu.matmul %convert_element_type3A_68, %get3A_71, %dot_general3A_72 {dimension_numbers = #tpu.dot_dimension_numbers<[1], [0], [0], [1], [0, 0, 1, 1], [], []>, precision = #tpu.contract_precision<fp32>, transpose_lhs_hint = false} : vector<1000x256xf32>, vector<256x128xf32>, vector<1000x128xf32> -> vector<1000x128xf32>
    %add3A_74 = arith.addf %get3A_1, %dot_general3A_73 : vector<1000x128xf32>
    %get3A_75 = arith.constant 0 : index
    %get3A_76 = arith.constant 0 : index
    %get3A_77 = vector.load %arg11[%get3A_75, %get3A_76] : memref<1x128xf32, #tpu.memory_space<vmem>>, vector<1x128xf32>
    %add3A_78 = vector.broadcast %get3A_77 : vector<1x128xf32> to vector<1000x128xf32>
    %add3A_79 = arith.addf %add3A_74, %add3A_78 : vector<1000x128xf32>
    %swap3A = arith.constant 0 : index
    %swap3A_80 = arith.constant 0 : index
    %swap3A_81 = vector.load %arg12[%swap3A, %swap3A_80] : memref<1000x128xf32, #tpu.memory_space<vmem>>, vector<1000x128xf32>
    tpu.vector_store %arg12[%swap3A, %swap3A_80], %add3A_79 {strides = array<i32>} : memref<1000x128xf32, #tpu.memory_space<vmem>>, vector<1000x128xf32>,
    %convert_element_type3A_82 = arith.truncf %add3A_79 : vector<1000x128xf32> to vector<1000x128xbf16>
    %convert_element_type3A_83 = arith.extf %convert_element_type3A_82 : vector<1000x128xbf16> to vector<1000x128xf32>
    %swap3A_84 = arith.constant 0 : index
    %swap3A_85 = arith.constant 0 : index
    %swap3A_86 = vector.load %arg13[%swap3A_84, %swap3A_85] : memref<1000x128xf32, #tpu.memory_space<vmem>>, vector<1000x128xf32>
    tpu.vector_store %arg13[%swap3A_84, %swap3A_85], %convert_element_type3A_83 {strides = array<i32>} : memref<1000x128xf32, #tpu.memory_space<vmem>>, vector<1000x128xf32>,
    return
  }
  func.func @transform_0(%arg0: i32) -> (i32, i32) {
    %c0_i32 = arith.constant 0 : i32
    %c0_i32_0 = arith.constant 0 : i32
    return %arg0, %c0_i32 : i32, i32
  }
  func.func @transform_1(%arg0: i32) -> (i32, i32, i32) {
    %c0_i32 = arith.constant 0 : i32
    %c0_i32_0 = arith.constant 0 : i32
    %c0_i32_1 = arith.constant 0 : i32
    return %c0_i32, %arg0, %c0_i32_0 : i32, i32, i32
  }
  func.func @transform_2(%arg0: i32) -> (i32, i32, i32) {
    %c0_i32 = arith.constant 0 : i32
    %c0_i32_0 = arith.constant 0 : i32
    %c0_i32_1 = arith.constant 0 : i32
    return %c0_i32, %arg0, %c0_i32_0 : i32, i32, i32
  }
  func.func @transform_3(%arg0: i32) -> (i32, i32, i32) {
    %c0_i32 = arith.constant 0 : i32
    %c0_i32_0 = arith.constant 0 : i32
    %c0_i32_1 = arith.constant 0 : i32
    return %c0_i32, %arg0, %c0_i32_0 : i32, i32, i32
  }
  func.func @transform_4(%arg0: i32) -> (i32, i32) {
    %c0_i32 = arith.constant 0 : i32
    %c0_i32_0 = arith.constant 0 : i32
    %c0_i32_1 = arith.constant 0 : i32
    return %c0_i32, %c0_i32_0 : i32, i32
  }
  func.func @transform_5(%arg0: i32) -> (i32, i32) {
    %c0_i32 = arith.constant 0 : i32
    %c0_i32_0 = arith.constant 0 : i32
    %c0_i32_1 = arith.constant 0 : i32
    return %c0_i32, %c0_i32_0 : i32, i32
  }
  func.func @transform_6(%arg0: i32) -> (i32, i32) {
    %c0_i32 = arith.constant 0 : i32
    %c0_i32_0 = arith.constant 0 : i32
    %c0_i32_1 = arith.constant 0 : i32
    return %c0_i32, %c0_i32_0 : i32, i32
  }
  func.func @transform_7(%arg0: i32) -> (i32, i32) {
    %c0_i32 = arith.constant 0 : i32
    %c0_i32_0 = arith.constant 0 : i32
    %c0_i32_1 = arith.constant 0 : i32
    return %c0_i32, %c0_i32_0 : i32, i32
  }
  func.func @transform_8(%arg0: i32) -> (i32, i32) {
    %c0_i32 = arith.constant 0 : i32
    %c0_i32_0 = arith.constant 0 : i32
    %c0_i32_1 = arith.constant 0 : i32
    return %c0_i32, %c0_i32_0 : i32, i32
  }
  func.func @transform_9(%arg0: i32) -> (i32, i32) {
    %c0_i32 = arith.constant 0 : i32
    %c0_i32_0 = arith.constant 0 : i32
    %c0_i32_1 = arith.constant 0 : i32
    return %c0_i32, %c0_i32_0 : i32, i32
  }
  func.func @transform_10(%arg0: i32) -> (i32, i32) {
    %c0_i32 = arith.constant 0 : i32
    %c0_i32_0 = arith.constant 0 : i32
    %c0_i32_1 = arith.constant 0 : i32
    return %c0_i32, %c0_i32_0 : i32, i32
  }
  func.func @transform_11(%arg0: i32) -> (i32, i32) {
    %c0_i32 = arith.constant 0 : i32
    %c0_i32_0 = arith.constant 0 : i32
    return %arg0, %c0_i32 : i32, i32
  }
  func.func @transform_12(%arg0: i32) -> (i32, i32) {
    %c0_i32 = arith.constant 0 : i32
    %c0_i32_0 = arith.constant 0 : i32
    return %arg0, %c0_i32 : i32, i32
  }
}

module attributes {stable_mosaic.version = 14 : i64} {
  func.func @_tc_readout_body(%arg0: memref<10000x128xf32, #tpu.memory_space<vmem>>, %arg1: memref<256x128xf32, #tpu.memory_space<vmem>>, %arg2: memref<1x128xf32, #tpu.memory_space<vmem>>, %arg3: memref<1x128xf32, #tpu.memory_space<vmem>>, %arg4: memref<1x1xf32, #tpu.memory_space<vmem>>, %arg5: memref<1x1xf32, #tpu.memory_space<vmem>>) attributes {dimension_semantics = [], scalar_prefetch = 0 : i64, scratch_operands = 0 : i64, tpu.core_type = #tpu.core_type<tc>} {
    %get3A = arith.constant 0 : index
    %get3A_0 = arith.constant 0 : index
    %get3A_1 = vector.load %arg0[%get3A, %get3A_0] : memref<10000x128xf32, #tpu.memory_space<vmem>>, vector<10000x128xf32>
    %reduce_sum3A = arith.constant dense<0.000000e+00> : vector<128xf32>
    %reduce_sum3A_2 = vector.multi_reduction <add>, %get3A_1, %reduce_sum3A [0] : vector<10000x128xf32> to vector<128xf32>
    %broadcast_in_dim3A = vector.shape_cast %reduce_sum3A_2 : vector<128xf32> to vector<1x128xf32>
    %div3A = arith.constant 1.000000e+04 : f32
    %div3A_3 = vector.broadcast %div3A : f32 to vector<1x128xf32>
    %div3A_4 = arith.divf %broadcast_in_dim3A, %div3A_3 : vector<1x128xf32>
    %reduce_max3A = arith.constant dense<0xFF800000> : vector<128xf32>
    %reduce_max3A_5 = vector.multi_reduction <maximumf>, %get3A_1, %reduce_max3A [0] : vector<10000x128xf32> to vector<128xf32>
    %broadcast_in_dim3A_6 = vector.shape_cast %reduce_max3A_5 : vector<128xf32> to vector<1x128xf32>
    %concatenate3A = tpu.concatenate %div3A_4, %broadcast_in_dim3A_6 in 1 : vector<1x128xf32>, vector<1x128xf32> -> vector<1x256xf32>
    %convert_element_type3A = arith.truncf %concatenate3A : vector<1x256xf32> to vector<1x256xbf16>
    %convert_element_type3A_7 = arith.extf %convert_element_type3A : vector<1x256xbf16> to vector<1x256xf32>
    %get3A_8 = arith.constant 0 : index
    %get3A_9 = arith.constant 0 : index
    %get3A_10 = vector.load %arg1[%get3A_8, %get3A_9] : memref<256x128xf32, #tpu.memory_space<vmem>>, vector<256x128xf32>
    %dot_general3A = arith.constant dense<0.000000e+00> : vector<1x128xf32>
    %dot_general3A_11 = tpu.matmul %convert_element_type3A_7, %get3A_10, %dot_general3A {dimension_numbers = #tpu.dot_dimension_numbers<[1], [0], [0], [1], [0, 0, 1, 1], [], []>, precision = #tpu.contract_precision<fp32>, transpose_lhs_hint = false} : vector<1x256xf32>, vector<256x128xf32>, vector<1x128xf32> -> vector<1x128xf32>
    %get3A_12 = arith.constant 0 : index
    %get3A_13 = arith.constant 0 : index
    %get3A_14 = vector.load %arg2[%get3A_12, %get3A_13] : memref<1x128xf32, #tpu.memory_space<vmem>>, vector<1x128xf32>
    %add3A = arith.addf %dot_general3A_11, %get3A_14 : vector<1x128xf32>
    %max3A = arith.constant 0.000000e+00 : f32
    %max3A_15 = vector.broadcast %max3A : f32 to vector<1x128xf32>
    %max3A_16 = arith.maximumf %add3A, %max3A_15 : vector<1x128xf32>
    %convert_element_type3A_17 = arith.truncf %max3A_16 : vector<1x128xf32> to vector<1x128xbf16>
    %convert_element_type3A_18 = arith.extf %convert_element_type3A_17 : vector<1x128xbf16> to vector<1x128xf32>
    %get3A_19 = arith.constant 0 : index
    %get3A_20 = arith.constant 0 : index
    %get3A_21 = vector.load %arg3[%get3A_19, %get3A_20] : memref<1x128xf32, #tpu.memory_space<vmem>>, vector<1x128xf32>
    %mul3A = arith.mulf %convert_element_type3A_18, %get3A_21 : vector<1x128xf32>
    %reduce_sum3A_22 = arith.constant dense<0.000000e+00> : vector<1xf32>
    %reduce_sum3A_23 = vector.multi_reduction <add>, %mul3A, %reduce_sum3A_22 [1] : vector<1x128xf32> to vector<1xf32>
    %broadcast_in_dim3A_24 = vector.shape_cast %reduce_sum3A_23 : vector<1xf32> to vector<1x1xf32>
    %get3A_25 = arith.constant 0 : index
    %get3A_26 = arith.constant 0 : index
    %get3A_27 = vector.load %arg4[%get3A_25, %get3A_26] : memref<1x1xf32, #tpu.memory_space<vmem>>, vector<1x1xf32>
    %add3A_28 = arith.addf %broadcast_in_dim3A_24, %get3A_27 : vector<1x1xf32>
    %swap3A = arith.constant 0 : index
    %swap3A_29 = arith.constant 0 : index
    %swap3A_30 = vector.load %arg5[%swap3A, %swap3A_29] : memref<1x1xf32, #tpu.memory_space<vmem>>, vector<1x1xf32>
    tpu.vector_store %arg5[%swap3A, %swap3A_29], %add3A_28 {strides = array<i32>} : memref<1x1xf32, #tpu.memory_space<vmem>>, vector<1x1xf32>,
    return
  }
}

</mosaic_0001>

<sc_bundles>
// kernel: kernel.15.cloned.1.call-start
scs
__scs_entry_jumppad:
0x0: {  	(pc) =	sbr.rel $0x88, $3  }
0x1: {  	(tag) =	ssettag $0x0;
	lr =	simm.s32 $0x1  }
0x2: {  	[smem:$0x3F93] =	sst lr;
	_ =	strace $0xD0000000  }
0x3: {  	_ = 	snop  }
0x4: {  	_ = 	snop  }
0x5: {  	_ = 	snop  }
0x6: {  	_ = 	snop  }
0x7: {  	_ = 	snop  }
__scs_overlays_trampoline_lowered:
0x8: {  	[smem:$0x3FA2] =	sst s0  }
0x9: {  	[smem:$0x3FA3] =	sst s1  }
0xa: {  	[smem:$0x3FA4] =	sst s2  }
0xb: {  	[smem:$0x3FA5] =	sst s3  }
0xc: {  	[smem:$0x3FA6] =	sst s4  }
0xd: {  	[smem:$0x3FA7] =	sst s5  }
0xe: {  	[smem:$0x3FA8] =	sst s6  }
0xf: {  	[smem:$0x3FA9] =	sst s7  }
0x10: {  	[smem:$0x3FAA] =	sst s8  }
0x11: {  	[smem:$0x3FAB] =	sst s9;
	s0 =	simm.s32 @!p0 $0x0  }
0x12: {  	s1 =	sld [smem:$0x3F91];
	s0 =	simm.s32 @p0 $0x1  }
0x13: {  	[smem:$0x3FAC] =	sst s0;
	s0 =	simm.s32 @!p1 $0x0  }
0x14: {  	s2 =	sld [smem:$0x3F90];
	s0 =	simm.s32 @p1 $0x1  }
0x15: {  	[smem:$0x3FAD] =	sst s0;
	s0 =	simm.s32 @!p2 $0x0  }
0x16: {  	s3 =	sld [smem:$0x3FDB];
	s0 =	simm.s32 @p2 $0x1  }
0x17: {  	s4 =	simm.s32 $0x1BF5;
	[smem:$0x3FAF] =	sst s0  }
0x18: {  	s0 =	sld [smem:$0x3F92];
	_ =	swait.ge [sflag:s4], $0x0  }
0x19: {  	s7 =	sld [smem:$0x3F93]  }
0x1a: {  	s8 =	sadd.s32 $0xFFFFE003, lr  }
0x1b: {  	s9 =	sadd.s32 $0xFFFFFEF7, lr;
	s5 =	simm.s32 $0xFFFFFFFF;
	p2 =	slt.u32 s8, $0xFFFFF086  }
0x1c: {  	p1 =	slt.u32 s9, $0xF7A;
	s5 =	simm.s32 @!p2 $0x0  }
0x1d: {  	s5 =	simm.s32 @p1 $0x1;
	p0 =	seq.s32 s7, s2  }
0x1e: {  	s7 =	smul.u32 @!p0 $0xF7A, s2;
	p2 =	seq.s32 @!p0 s5, $0x0  }
0x1f: {  	s9 =	smul.u32 $0xF7A, s1;
	s8 =	simm.s32 @!p0 $0x1BF5;
	p2 =	por !p2, p0  }
0x20: {  	[sflag:s8] =	ssyncset.s32 @!p0 $0xFFFFF086;
	s6 =	sadd.s32 @!p0 s3, s7;
	s7 =	simm.s32 @!p0 $0x108  }
0x21: {  	s3 =	sadd.s32 s3, s9;
	s6 =	sadd.s32 @!p0 $0x88, s6;
	s7 =	simm.s32 @p2 $0x1082  }
0x22: {  	[simem:s7], [sflag:s8] =	dma.local @!p0 [hbm:s6], $0xF7A  }
0x23: {  	s9 =	sor.u32 $0xD0000000, s2;
	s6 =	simm.s32 $0x108;
	_ =	swait.ge @!p0 [sflag:s8], $0x0  }
0x24: {  	s3 =	sadd.s32 $0x88, s3;
	s6 =	simm.s32 @!p1 $0x1082;
	[sflag:s4] =	ssyncset.s32 $0xFFFFF086  }
0x25: {  	[simem:s6], [sflag:s4] =	dma.local [hbm:s3], $0xF7A  }
0x26: {  	[smem:$0x3F93] =	sst s1;
	(tag) =	ssettag s2;
	_ =	strace s9  }
0x27: {  	s1 =	sld [smem:$0x3FA3]  }
0x28: {  	s2 =	sld [smem:$0x3FA4]  }
0x29: {  	s4 =	sld [smem:$0x3FA6]  }
0x2a: {  	p0 =	seq.s32 s5, $0x0;
	s5 =	sld [smem:$0x3FA7]  }
0x2b: {  	s6 =	sld [smem:$0x3FA8]  }
0x2c: {  	s7 =	sld [smem:$0x3FA9]  }
0x2d: {  	s3 =	simm.s32 $0x108;
	s8 =	sld [smem:$0x3FAA]  }
0x2e: {  	s3 =	simm.s32 @!p0 $0x1082;
	s9 =	sld [smem:$0x3FAB]  }
0x2f: {  	lr =	sadd.s32 s0, s3;
	s0 =	sld [smem:$0x3FA2]  }
0x30: {  	s3 =	sld [smem:$0x3FA5]  }
0x31: {  	[smem:$0x3FAE] =	sst s10  }
0x32: {  	s10 =	sld [smem:$0x3FAC];
	_ =	sdelay $0x3  }
0x33: {  	p0 =	seq.s32 s10, $0x1;
	s10 =	sld [smem:$0x3FAE];
	_ =	sdelay $0x3  }
0x34: {  	[smem:$0x3FAE] =	sst s10  }
0x35: {  	s10 =	sld [smem:$0x3FAD];
	_ =	sdelay $0x3  }
0x36: {  	p1 =	seq.s32 s10, $0x1;
	s10 =	sld [smem:$0x3FAE];
	_ =	sdelay $0x3  }
0x37: {  	[smem:$0x3FAE] =	sst s10  }
0x38: {  	s10 =	sld [smem:$0x3FAF]  }
0x39: {  	_ = 	snop;
	(pc) =	sbr.ind lr, $3  }
0x3a: {  	_ = 	snop  }
0x3b: {  	_ = 	snop  }
0x3c: {  	p2 =	seq.s32 s10, $0x1;
	s10 =	sld [smem:$0x3FAE]  }
0x3d: {  	_ =	shalt  }
0x3e: {  	_ =	shalt  }
0x3f: {  	_ =	shalt  }
0x40: {  	_ =	shalt  }
0x41: {  	_ =	shalt  }
0x42: {  	_ =	shalt  }
0x43: {  	_ =	shalt  }
0x44: {  	_ =	shalt  }
0x45: {  	_ =	shalt  }
0x46: {  	_ =	shalt  }
0x47: {  	_ =	shalt  }
0x48: {  	_ =	shalt  }
0x49: {  	_ =	shalt  }
0x4a: {  	_ =	shalt  }
0x4b: {  	_ =	shalt  }
0x4c: {  	_ =	shalt  }
0x4d: {  	_ =	shalt  }
0x4e: {  	_ =	shalt  }
0x4f: {  	_ =	shalt  }
0x50: {  	_ =	shalt  }
0x51: {  	_ =	shalt  }
0x52: {  	_ =	shalt  }
0x53: {  	_ =	shalt  }
0x54: {  	_ =	shalt  }
0x55: {  	_ =	shalt  }
0x56: {  	_ =	shalt  }
0x57: {  	_ =	shalt  }
0x58: {  	_ =	shalt  }
0x59: {  	_ =	shalt  }
0x5a: {  	_ =	shalt  }
0x5b: {  	_ =	shalt  }
0x5c: {  	_ =	shalt  }
0x5d: {  	_ =	shalt  }
0x5e: {  	_ =	shalt  }
0x5f: {  	_ =	shalt  }
0x60: {  	_ =	shalt  }
0x61: {  	_ =	shalt  }
0x62: {  	_ =	shalt  }
0x63: {  	_ =	shalt  }
0x64: {  	_ =	shalt  }
0x65: {  	_ =	shalt  }
0x66: {  	_ =	shalt  }
0x67: {  	_ =	shalt  }
0x68: {  	_ =	shalt  }
0x69: {  	_ =	shalt  }
0x6a: {  	_ =	shalt  }
0x6b: {  	_ =	shalt  }
0x6c: {  	_ =	shalt  }
0x6d: {  	_ =	shalt  }
0x6e: {  	_ =	shalt  }
0x6f: {  	_ =	shalt  }
0x70: {  	_ =	shalt  }
0x71: {  	_ =	shalt  }
0x72: {  	_ =	shalt  }
0x73: {  	_ =	shalt  }
0x74: {  	_ =	shalt  }
0x75: {  	_ =	shalt  }
0x76: {  	_ =	shalt  }
0x77: {  	_ =	shalt  }
0x78: {  	_ =	shalt  }
0x79: {  	_ =	shalt  }
0x7a: {  	_ =	shalt  }
0x7b: {  	_ =	shalt  }
0x7c: {  	_ =	shalt  }
0x7d: {  	_ =	shalt  }
0x7e: {  	_ =	shalt  }
0x7f: {  	_ =	shalt  }
0x80: {  	_ =	shalt  }
0x81: {  	_ =	shalt  }
0x82: {  	_ =	shalt  }
0x83: {  	_ =	shalt  }
0x84: {  	_ =	shalt  }
0x85: {  	_ =	shalt  }
0x86: {  	_ =	shalt  }
0x87: {  	_ =	shalt  }
.Lfunc_end0:
.L_simem_size_0:
called_computation_lowered:
.L_overlay_start_0:
0x88: {  	s2 =	sld [smem:$0x3FD9]  }
0x89: {  	s3 =	sld [smem:$0x3FFE];
	_ =	sdelay $0x1  }
0x8a: {  	s1 =	srdreg.scid  }
0x8b: {  	s0 =	sand.u32 $0x1, s1  }
0x8c: {  	s16 =	sshll.u32 s0, $0xA;
	s2 =	sadd.s32 s3, s2  }
0x8d: {  	s2 =	sadd.s32 s2, s16  }
0x8e: {  	[smem:$0x3FBA] =	sst s2  }
0x8f: {  	_ = 	snop  }
0x90: {  	(tm) =	ssettm $0x1  }
0x91: {  	s17 =	sld [smem:$0x3FFB];
	_ =	sdelay $0x3  }
0x92: {  	_ =	strace s17  }
0x93: {  	s2 =	sld [smem:$0x3FFC];
	_ =	sdelay $0x3  }
0x94: {  	_ =	strace s2  }
0x95: {  	s2 =	sld [smem:$0x3FFD];
	_ =	sdelay $0x3  }
0x96: {  	_ =	strace s2  }
0x97: {  	_ =	strace $0x8FFFFFFF  }
0x98: {  	s18 =	sld [smem:$0x3FDB];
	_ =	sdelay $0x1  }
0x99: {  	s19 =	simm.s32 $_scs_section_size  }
0x9a: {  	s4 =	simm.s32 $_size__tile_overlayer_lowered;
	s5 =	simm.s32 $_tile_overlayer_lowered  }
0x9b: {  	s22 =	simm.s32 $0x1BFF;
	s21 =	sshll.u32 s5, $0x1;
	s2 =	sadd.s32 s19, s18  }
0x9c: {  	s6 =	simm.s32 $0x0;
	s20 =	sshll.u32 s4, $0x1;
	s4 =	sadd.s32 s21, s2  }
0x9d: {  	[timem:s6], [sflag:s22] =	dma.local [hbm:s4], s20  }
0x9e: {  	_ =	swait.ge [sflag:s22], s20  }
0x9f: {  	s3 =	ssub.s32 $0x0, s20;
	[sflag:s22] =	ssyncset.done $0x0  }
0xa0: {  	[sflag:s22] =	ssyncadd.s32 s3;
	_ =	sdelay $0x1  }
0xa1: {  	s23 =	simm.s32 $0x1B8B  }
0xa2: {  	_ =	swait.ge [sflag:s23], $0x1  }
0xa3: {  	[sflag:s23] =	ssyncset.done $0x0  }
0xa4: {  	s25 =	simm.s32 $0x1B8E;
	s24 =	sld [smem:$0x3FFE];
	[sflag:s23] =	ssyncadd.s32 $0xFFFFFFFF  }
0xa5: {  	s26 =	simm.s32 $execute0_lowered;
	[smem:$0x3FD2] =	sst s25  }
0xa6: {  	s4 =	sshll.u32 s26, $0x1;
	_ =	strace $0x80000046;
	[dreg:$0x1] =	wrdreg $0xFFFFFFFF  }
0xa7: {  	s28 =	simm.s32 $_size_execute0_lowered;
	s2 =	sadd.s32 s2, s4;
	[dreg:$0x0] =	wrdreg $0x0  }
0xa8: {  	s4 =	sshll.u32 s28, $0x1;
	[dreg:$0x2] =	wrdreg s2  }
0xa9: {  	[dreg:$0x3] =	wrdreg s4  }
0xaa: {  	[dreg:$0x4] =	wrdreg $0xC0  }
0xab: {  	_ =	task [dreg:s6], $0x5FFFF  }
0xac: {  	[dreg:$0x1] =	wrdreg $0xFFFFFFFF  }
0xad: {  	[dreg:$0x0] =	wrdreg $0x60  }
0xae: {  	[dreg:$0x2] =	wrdreg s24  }
0xaf: {  	[dreg:$0x3] =	wrdreg $0x71200  }
0xb0: {  	[dreg:$0x4] =	wrdreg $0x99200  }
0xb1: {  	[dreg:$0x5] =	wrdreg $0x9  }
0xb2: {  	_ =	task.clear_ibuf [dreg:s6], $0x6FFFF;
	_ =	strace $0x90000046  }
0xb3: {  	s29 =	simm.s32 $0x9;
	_ =	strace $0x80000048  }
0xb4: {  	_ =	swait.ge [sflag:s29], $0x1  }
0xb5: {  	[sflag:s29] =	ssyncadd.s32 $0xFFFFFFFF  }
0xb6: {  	_ =	strace $0x90000048  }
0xb7: {  	_ =	sfence  }
0xb8: {  	s30 =	sld [smem:$0x0];
	_ =	sdelay $0x2  }
0xb9: {  	s31 =	sshll.u32 s1, $0xD;
	s1 =	sshrl.u32 s1, $0x2  }
0xba: {  	s3 =	sand.u32 $0x4000, s31;
	s1 =	sadd.s32 s1, s30  }
0xbb: {  	s0 =	sor.u32 s3, s0;
	s1 =	sshll.u32 s1, $0x11  }
0xbc: {  	s0 =	sor.u32 s1, s0  }
0xbd: {  	s0 =	sadd.s32 $0x8F2B, s0  }
0xbe: {  	[sflag:s0] =	ssyncadd.remote.s32 $0x1  }
0xbf: {  	_ =	sfence.sel $0xFFFF  }
0xc0: {  	[dreg:$0x0] =	wrdreg $0xFFFFFFFF;
	(pc) =	sbr.abs _section_cstart, $3  }
0xc1: {  	[dreg:$0x1] =	wrdreg $0xFFFFFFFF  }
0xc2: {  	_ =	task.clear_ibuf [dreg:s6], $0x2FFFF;
	_ =	strace $0x9FFFFFFF  }
0xc3: {  	(tm) =	ssettm $0x7FFFFFFF  }
tec
execute0_lowered:
.L_overlay_start_1:
0x0: {  	(tag) =	ssettag $0x1  }
0x1: {  	s0 =	srdreg.scid;
	s1 =	rddreg [dreg:$0x0]  }
0x2: {  	s2 =	rddreg [dreg:$0x1];
	s15 =	stileid.u32  }
0x3: {  	s3 =	rddreg [dreg:$0x2];
	s19 =	simm.s32 $0x7;
	s28 =	simm.s32 $0x5320  }
0x4: {  	s29 =	simm.s32 $0x5D20;
	s30 =	simm.s32 $0x6720;
	s31 =	simm.s32 $0x1  }
0x5: {  	s0 =	sand.u32 $0x1, s0;
	s5 =	sadd.s32 $0xDC600, s1;
	s12 =	smul.u32 $0x2800, s15  }
0x6: {  	s8 =	sadd.s32 $0x19000, s1;
	s11 =	sadd.s32 $0xEBA00, s1;
	s22 =	smul.u32 $0x2710, s15  }
0x7: {  	p0 =	seq.s32 s15, $0xF;
	s4 =	sshll.u32 s0, $0x4;
	s10 =	ssub.s32 $0x2, s0  }
0x8: {  	s0 =	smul.u32 $0x27100, s0;
	s7 =	sor.u32 s15, s4;
	s4 =	simm.s32 $0x0  }
0x9: {  	s13 =	sshrl.u32 s10, $0x1;
	s6 =	smul.u32 $0x2710, s7;
	[smem:$0x7FF] =	sst s4  }
0xa: {  	s13 =	ssub.s32 s10, s13;
	s7 =	smul.u32 $0x4E20, s7;
	s14 =	sadd.s32 s12, s0  }
0xb: {  	s10 =	sadd.s32 s12, s3;
	s24 =	sshrl.u32 s0, $0x3;
	s0 =	sadd.s32 s22, s0  }
0xc: {  	s22 =	simm.s32 $0x4E20;
	_ =	strace $0x80000047;
	s21 =	sshrl.u32 s14, $0x3  }
0xd: {  	s0 =	sshll.u32 s0, $0x1;
	s25 =	smax.u32 s13, $0x1;
	s13 =	simm.s32 $0x4DD0  }
0xe: {  	s14 =	simm.s32 $0x0;
	s6 =	sshrl.u32 s6, $0x3;
	s7 =	sadd.s32 s8, s7  }
0xf: {  	s23 =	sadd.s32 s11, s21;
	s0 =	sadd.s32 s8, s0;
	[dreg:$0xb] =	wrdreg s25  }
0x10: {  	s8 =	simm.s32 $0x2;
	s9 =	sadd.s32 s6, s1;
	[dreg:$0x6] =	wrdreg s7  }
0x11: {  	s6 =	sadd.s32 $0xE1600, s1;
	[dreg:$0x7] =	wrdreg s23;
	s26 =	sadd.s32 $0x140, s0  }
0x12: {  	s1 =	sadd.s32 $0xE1C00, s1;
	s0 =	sadd.s32 $0xA0, s0;
	[dreg:$0xc] =	wrdreg s26  }
0x13: {  	s7 =	sadd.s32 $0x4B00, s24;
	s20 =	sadd.s32 $0xF200, s9;
	[dreg:$0xd] =	wrdreg s0  }
0x14: {  	v0 =	vlaneseq.u32;
	s23 =	simm.s32 $0x5820;
	s9 =	sadd.s32 $0x5400, s9;
	[dreg:$0x4] =	wrdreg s20  }
0x15: {  	v0 =	vmul.u32 $0x10, v0;
	s11 =	sadd.s32 s11, s7;
	s26 =	simm.s32 $0x6220;
	[dreg:$0x5] =	wrdreg s9  }
0x16: {  	v1 =	vimm.f32 $0.0e+00;
	vm0 =	vcmask $0x704;
	s9 =	sadd.s32 s12, s2;
	s12 =	sadd.s32 s1, s21;
	[dreg:$0x9] =	wrdreg s11  }
0x17: {  	v1 =	vsel vm0, $0x3F800000, v1;
	v2 =	vor.u32 $0x1, v0;
	v3 =	vor.u32 $0x2, v0;
	s11 =	sadd.s32 $0x25800, s2;
	s1 =	sadd.s32 s1, s7;
	[dreg:$0x8] =	wrdreg s12  }
0x18: {  	v4 =	vor.u32 $0x100, v0;
	v5 =	vor.u32 $0x101, v0;
	v6 =	vor.u32 $0x102, v0;
	s21 =	simm.s32 $0x50;
	s7 =	simm.s32 $0x6C20;
	[dreg:$0xa] =	wrdreg s1  }
0x19: {  	v7 =	vor.u32 $0x200, v0;
	v8 =	vor.u32 $0x201, v0;
	v9 =	vor.u32 $0x202, v0;
	s1 =	sadd.s32 $0x25800, s3;
	s0 =	sshrl.u32 @p0 s11, $0x3;
	s11 =	simm.s32 $0x4  }
0x1a: {  	v10 =	vor.u32 $0x300, v0;
	v11 =	vor.u32 $0x301, v0;
	v12 =	vor.u32 $0x302, v0;
	s12 =	simm.s32 $0x6;
	[dreg:$0xe] =	wrdreg s0;
	s0 =	sshrl.u32 @p0 s1, $0x3  }
0x1b: {  	v13 =	vor.u32 $0x400, v0;
	v14 =	vor.u32 $0x401, v0;
	v15 =	vor.u32 $0x402, v0;
	s1 =	simm.s32 $0x3;
	[dreg:$0xf] =	wrdreg s0;
	s0 =	simm.s32 $0x5  }
.LBB2_1:
0x1c: {  	s15 =	rddreg [dreg:$0x4]  }
0x1d: {  	[tilespmem:s4], [sflag:$0x7] =	stream.linear.gather [hbm4b:s15+s4], $0x2710, $0x38;
	[tilespmem:$0xC120] =	vst v63  }
0x1e: {  	_ =	swait.ge [sflag:s19], $0x2710  }
0x1f: {  	[sflag:s19] =	ssyncset.done $0x0  }
0x20: {  	s16 =	simm.s32 $0x2710;
	s25 =	rddreg [dreg:$0x5];
	[sflag:s19] =	ssyncadd.s32 $0xFFFFD8F0  }
0x21: {  	[tilespmem:s16], [sflag:$0x7] =	stream.linear.gather [hbm4b:s25+s4], $0x2710, $0x38;
	[tilespmem:$0xC120] =	vst v63  }
0x22: {  	s17 =	stileid.u32;
	_ =	swait.ge [sflag:s19], $0x2710  }
0x23: {  	s15 =	sshll.u32 s17, $0x6;
	[sflag:s19] =	ssyncset.done $0x0  }
0x24: {  	s18 =	sshrl.u32 s9, $0x3;
	s20 =	sor.u32 $0x1C07, s15;
	[sflag:s19] =	ssyncadd.s32 $0xFFFFD8F0  }
0x25: {  	[spmem:s18], [sflag:s20] =	dma.local [hbm:s6], $0x500  }
0x26: {  	_ =	swait.ge [sflag:s19], $0x500  }
0x27: {  	[sflag:s19] =	ssyncset.done $0x0  }
0x28: {  	s24 =	sshrl.u32 s10, $0x3;
	[sflag:s19] =	ssyncadd.s32 $0xFFFFFB00  }
0x29: {  	[spmem:s24], [sflag:s20] =	dma.local [hbm:s6], $0x500  }
0x2a: {  	_ =	swait.ge [sflag:s19], $0x500  }
0x2b: {  	[sflag:s19] =	ssyncset.done $0x0  }
0x2c: {  	[sflag:s19] =	ssyncadd.s32 $0xFFFFFB00  }
0x2d: {  	[tilespmem:$0x6C20] =	vst v1  }
0x2e: {  	[tilespmem:$0x6C30] =	vst v1  }
0x2f: {  	[tilespmem:$0x6C40] =	vst v1  }
0x30: {  	[tilespmem:$0x6C50] =	vst v1  }
0x31: {  	[tilespmem:$0x6C60] =	vst v1  }
0x32: {  	[tilespmem:$0x6C70] =	vst v1  }
0x33: {  	[tilespmem:$0x6C80] =	vst v1  }
0x34: {  	[tilespmem:$0x6C90] =	vst v1  }
0x35: {  	[tilespmem:$0x6CA0] =	vst v1  }
0x36: {  	[tilespmem:$0x6CB0] =	vst v1  }
0x37: {  	[tilespmem:$0x6CC0] =	vst v1  }
0x38: {  	[tilespmem:$0x6CD0] =	vst v1  }
0x39: {  	[tilespmem:$0x6CE0] =	vst v1  }
0x3a: {  	[tilespmem:$0x6CF0] =	vst v1  }
0x3b: {  	[tilespmem:$0x6D00] =	vst v1  }
0x3c: {  	[tilespmem:$0x6D10] =	vst v1  }
0x3d: {  	[tilespmem:$0x6D20] =	vst v1  }
0x3e: {  	[tilespmem:$0x6D30] =	vst v1  }
0x3f: {  	[tilespmem:$0x6D40] =	vst v1  }
0x40: {  	[tilespmem:$0x6D50] =	vst v1  }
0x41: {  	[tilespmem:$0x6D60] =	vst v1  }
0x42: {  	[tilespmem:$0x6D70] =	vst v1  }
0x43: {  	[tilespmem:$0x6D80] =	vst v1  }
0x44: {  	[tilespmem:$0x6D90] =	vst v1  }
0x45: {  	[tilespmem:$0x6DA0] =	vst v1  }
0x46: {  	[tilespmem:$0x6DB0] =	vst v1  }
0x47: {  	[tilespmem:$0x6DC0] =	vst v1  }
0x48: {  	[tilespmem:$0x6DD0] =	vst v1  }
0x49: {  	[tilespmem:$0x6DE0] =	vst v1  }
0x4a: {  	[tilespmem:$0x6DF0] =	vst v1  }
0x4b: {  	[tilespmem:$0x6E00] =	vst v1  }
0x4c: {  	[tilespmem:$0x6E10] =	vst v1  }
0x4d: {  	[tilespmem:$0x6E20] =	vst v1  }
0x4e: {  	[tilespmem:$0x6E30] =	vst v1  }
0x4f: {  	[tilespmem:$0x6E40] =	vst v1  }
0x50: {  	[tilespmem:$0x6E50] =	vst v1  }
0x51: {  	[tilespmem:$0x6E60] =	vst v1  }
0x52: {  	[tilespmem:$0x6E70] =	vst v1  }
0x53: {  	[tilespmem:$0x6E80] =	vst v1  }
0x54: {  	[tilespmem:$0x6E90] =	vst v1  }
0x55: {  	[tilespmem:$0x6EA0] =	vst v1  }
0x56: {  	[tilespmem:$0x6EB0] =	vst v1  }
0x57: {  	[tilespmem:$0x6EC0] =	vst v1  }
0x58: {  	[tilespmem:$0x6ED0] =	vst v1  }
0x59: {  	[tilespmem:$0x6EE0] =	vst v1  }
0x5a: {  	[tilespmem:$0x6EF0] =	vst v1  }
0x5b: {  	[tilespmem:$0x6F00] =	vst v1  }
0x5c: {  	[tilespmem:$0x6F10] =	vst v1  }
0x5d: {  	[tilespmem:$0x6F20] =	vst v1  }
0x5e: {  	[tilespmem:$0x6F30] =	vst v1  }
0x5f: {  	[tilespmem:$0x6F40] =	vst v1  }
0x60: {  	[tilespmem:$0x6F50] =	vst v1  }
0x61: {  	[tilespmem:$0x6F60] =	vst v1  }
0x62: {  	[tilespmem:$0x6F70] =	vst v1  }
0x63: {  	[tilespmem:$0x6F80] =	vst v1  }
0x64: {  	[tilespmem:$0x6F90] =	vst v1  }
0x65: {  	[tilespmem:$0x6FA0] =	vst v1  }
0x66: {  	[tilespmem:$0x6FB0] =	vst v1  }
0x67: {  	[tilespmem:$0x6FC0] =	vst v1  }
0x68: {  	[tilespmem:$0x6FD0] =	vst v1  }
0x69: {  	[tilespmem:$0x6FE0] =	vst v1  }
0x6a: {  	[tilespmem:$0x6FF0] =	vst v1  }
0x6b: {  	[tilespmem:$0x7000] =	vst v1  }
0x6c: {  	[tilespmem:$0x7010] =	vst v1  }
0x6d: {  	[tilespmem:$0x7020] =	vst v1  }
0x6e: {  	[tilespmem:$0x7030] =	vst v1  }
0x6f: {  	[tilespmem:$0x7040] =	vst v1  }
0x70: {  	[tilespmem:$0x7050] =	vst v1  }
0x71: {  	[tilespmem:$0x7060] =	vst v1  }
0x72: {  	[tilespmem:$0x7070] =	vst v1  }
0x73: {  	[tilespmem:$0x7080] =	vst v1  }
0x74: {  	[tilespmem:$0x7090] =	vst v1  }
0x75: {  	[tilespmem:$0x70A0] =	vst v1  }
0x76: {  	[tilespmem:$0x70B0] =	vst v1  }
0x77: {  	[tilespmem:$0x70C0] =	vst v1  }
0x78: {  	[tilespmem:$0x70D0] =	vst v1  }
0x79: {  	[tilespmem:$0x70E0] =	vst v1  }
0x7a: {  	[tilespmem:$0x70F0] =	vst v1  }
0x7b: {  	[tilespmem:$0x7100] =	vst v1  }
0x7c: {  	[tilespmem:$0x7110] =	vst v1  }
0x7d: {  	[bflag:$0x0] =	sbarrier.arrive $0xFFFF  }
0x7e: {  	[tilespmem:s22], [sflag:$0x1] =	stream.indirect.gather [hbm4b:s5+s21], $0x10, s4, s21, $0xb8;
	[tilespmem:$0xC120] =	vst v63  }
0x7f: {  	s25 =	rddreg [dreg:$0x6]  }
0x80: {  	s18 =	rddreg [dreg:$0xd]  }
0x81: {  	[tilespmem:s23], [sflag:$0x3] =	stream.indirect.gather [hbm4b:s5+s21], $0x10, s16, s21, $0xb8;
	[tilespmem:$0xC120] =	vst v63  }
0x82: {  	s17 =	rddreg [dreg:$0xc];
	s16 =	simm.s32 $0x0  }
0x83: {  	[tilespmem:s26], [sflag:$0x5] =	stream.linear.gather [hbm4b:s25+s4], $0x500, $0x38;
	[tilespmem:$0xC120] =	vst v63  }
.LBB2_2:
0x84: {  	s24 =	sshra.s32 s16, $0x2  }
0x85: {  	s15 =	sadd.s32 $0x50, s24  }
0x86: {  	[tilespmem:s28], [sflag:$0x2] =	stream.indirect.gather [hbm4b:s5+s21], $0x10, s15, s21, $0xb8;
	[tilespmem:$0xC120] =	vst v63  }
0x87: {  	s15 =	sadd.s32 $0x2760, s24  }
0x88: {  	[tilespmem:s29], [sflag:$0x4] =	stream.indirect.gather [hbm4b:s5+s21], $0x10, s15, s21, $0xb8;
	[tilespmem:$0xC120] =	vst v63  }
0x89: {  	_ = 	snop  }
0x8a: {  	[tilespmem:s30], [sflag:$0x6] =	stream.linear.gather [hbm4b:s18+s4], $0x500, $0x38;
	[tilespmem:$0xC120] =	vst v63  }
0x8b: {  	_ =	swait.ge [sflag:s31], $0x500  }
0x8c: {  	[sflag:s31] =	ssyncset.done $0x0  }
0x8d: {  	[sflag:s31] =	ssyncadd.s32 $0xFFFFFB00  }
0x8e: {  	_ =	swait.ge [sflag:s1], $0x500  }
0x8f: {  	[sflag:s1] =	ssyncset.done $0x0  }
0x90: {  	[sflag:s1] =	ssyncadd.s32 $0xFFFFFB00  }
0x91: {  	_ =	swait.ge [sflag:s0], $0x500  }
0x92: {  	[sflag:s0] =	ssyncset.done $0x0  }
0x93: {  	[sflag:s0] =	ssyncadd.s32 $0xFFFFFB00  }
0x94: {  	v16 =	vld.idx.msk [tilespmem:v0+s22+$0x0], $0xffff  }
0x95: {  	v17 =	vld.idx.msk [tilespmem:v0+s23+$0x0], $0xffff  }
0x96: {  	v18 =	vld.idx.msk [tilespmem:v2+s22+$0x0], $0xffff  }
0x97: {  	v19 =	vld.idx.msk [tilespmem:v2+s23+$0x0], $0xffff  }
0x98: {  	v20 =	vld.idx.msk [tilespmem:v3+s22+$0x0], $0xffff  }
0x99: {  	v21 =	vld.idx.msk [tilespmem:v3+s23+$0x0], $0xffff;
	_ =	sdelay $0x2  }
0x9a: {  	v16 =	vsub.f32 v16, v17;
	v17 =	vsub.f32 v18, v19;
	_ =	sdelay $0x1  }
0x9b: {  	v59 =	vsub.f32 v20, v21;
	v16 =	vmul.f32 v16, v16;
	v17 =	vmul.f32 v17, v17;
	_ =	sdelay $0x1  }
0x9c: {  	v16 =	vadd.f32 v17, v16;
	v17 =	vmul.f32 v59, v59;
	_ =	sdelay $0x1  }
0x9d: {  	v16 =	vadd.f32 v17, v16;
	_ =	sdelay $0x1  }
0x9e: {  	v17 =	vshrl.u32 v16, $0x10  }
0x9f: {  	v17 =	vand.u32 $0x1, v17  }
0xa0: {  	v16 =	vadd.s32 v17, v16  }
0xa1: {  	v16 =	vadd.s32 $0x7FFF, v16  }
0xa2: {  	v16 =	vand.u32 $0xFFFF0000, v16  }
0xa3: {  	[tilespmem:v0+s7+$0x0] =	vst.idx.msk $0xffff, v16  }
0xa4: {  	v16 =	vld.idx.msk [tilespmem:v4+s22+$0x0], $0xffff  }
0xa5: {  	v17 =	vld.idx.msk [tilespmem:v4+s23+$0x0], $0xffff  }
0xa6: {  	v60 =	vld.idx.msk [tilespmem:v5+s22+$0x0], $0xffff  }
0xa7: {  	v61 =	vld.idx.msk [tilespmem:v5+s23+$0x0], $0xffff  }
0xa8: {  	v62 =	vld.idx.msk [tilespmem:v6+s22+$0x0], $0xffff  }
0xa9: {  	v63 =	vld.idx.msk [tilespmem:v6+s23+$0x0], $0xffff;
	_ =	sdelay $0x2  }
0xaa: {  	v16 =	vsub.f32 v16, v17;
	v17 =	vsub.f32 v60, v61;
	_ =	sdelay $0x1  }
0xab: {  	v23 =	vsub.f32 v62, v63;
	v16 =	vmul.f32 v16, v16;
	v17 =	vmul.f32 v17, v17;
	_ =	sdelay $0x1  }
0xac: {  	v16 =	vadd.f32 v17, v16;
	v17 =	vmul.f32 v23, v23;
	_ =	sdelay $0x1  }
0xad: {  	v16 =	vadd.f32 v17, v16;
	_ =	sdelay $0x1  }
0xae: {  	v17 =	vshrl.u32 v16, $0x10  }
0xaf: {  	v17 =	vand.u32 $0x1, v17  }
0xb0: {  	v16 =	vadd.s32 v17, v16  }
0xb1: {  	v16 =	vadd.s32 $0x7FFF, v16  }
0xb2: {  	v16 =	vand.u32 $0xFFFF0000, v16  }
0xb3: {  	[tilespmem:v4+s7+$0x0] =	vst.idx.msk $0xffff, v16  }
0xb4: {  	v16 =	vld.idx.msk [tilespmem:v7+s22+$0x0], $0xffff  }
0xb5: {  	v17 =	vld.idx.msk [tilespmem:v7+s23+$0x0], $0xffff  }
0xb6: {  	v24 =	vld.idx.msk [tilespmem:v8+s22+$0x0], $0xffff  }
0xb7: {  	v25 =	vld.idx.msk [tilespmem:v8+s23+$0x0], $0xffff  }
0xb8: {  	v26 =	vld.idx.msk [tilespmem:v9+s22+$0x0], $0xffff  }
0xb9: {  	v27 =	vld.idx.msk [tilespmem:v9+s23+$0x0], $0xffff;
	_ =	sdelay $0x2  }
0xba: {  	v16 =	vsub.f32 v16, v17;
	v17 =	vsub.f32 v24, v25;
	_ =	sdelay $0x1  }
0xbb: {  	v28 =	vsub.f32 v26, v27;
	v16 =	vmul.f32 v16, v16;
	v17 =	vmul.f32 v17, v17;
	_ =	sdelay $0x1  }
0xbc: {  	v16 =	vadd.f32 v17, v16;
	v17 =	vmul.f32 v28, v28;
	_ =	sdelay $0x1  }
0xbd: {  	v16 =	vadd.f32 v17, v16;
	_ =	sdelay $0x1  }
0xbe: {  	v17 =	vshrl.u32 v16, $0x10  }
0xbf: {  	v17 =	vand.u32 $0x1, v17  }
0xc0: {  	v16 =	vadd.s32 v17, v16  }
0xc1: {  	v16 =	vadd.s32 $0x7FFF, v16  }
0xc2: {  	v16 =	vand.u32 $0xFFFF0000, v16  }
0xc3: {  	[tilespmem:v7+s7+$0x0] =	vst.idx.msk $0xffff, v16  }
0xc4: {  	v16 =	vld.idx.msk [tilespmem:v10+s22+$0x0], $0xffff  }
0xc5: {  	v17 =	vld.idx.msk [tilespmem:v10+s23+$0x0], $0xffff  }
0xc6: {  	v29 =	vld.idx.msk [tilespmem:v11+s22+$0x0], $0xffff  }
0xc7: {  	v30 =	vld.idx.msk [tilespmem:v11+s23+$0x0], $0xffff  }
0xc8: {  	v31 =	vld.idx.msk [tilespmem:v12+s22+$0x0], $0xffff  }
0xc9: {  	v32 =	vld.idx.msk [tilespmem:v12+s23+$0x0], $0xffff;
	_ =	sdelay $0x2  }
0xca: {  	v16 =	vsub.f32 v16, v17;
	v17 =	vsub.f32 v29, v30;
	_ =	sdelay $0x1  }
0xcb: {  	v33 =	vsub.f32 v31, v32;
	v16 =	vmul.f32 v16, v16;
	v17 =	vmul.f32 v17, v17;
	_ =	sdelay $0x1  }
0xcc: {  	v16 =	vadd.f32 v17, v16;
	v17 =	vmul.f32 v33, v33;
	_ =	sdelay $0x1  }
0xcd: {  	v16 =	vadd.f32 v17, v16;
	_ =	sdelay $0x1  }
0xce: {  	v17 =	vshrl.u32 v16, $0x10  }
0xcf: {  	v17 =	vand.u32 $0x1, v17  }
0xd0: {  	v16 =	vadd.s32 v17, v16  }
0xd1: {  	v16 =	vadd.s32 $0x7FFF, v16  }
0xd2: {  	v16 =	vand.u32 $0xFFFF0000, v16  }
0xd3: {  	[tilespmem:v10+s7+$0x0] =	vst.idx.msk $0xffff, v16  }
0xd4: {  	v16 =	vld.idx.msk [tilespmem:v13+s22+$0x0], $0xffff  }
0xd5: {  	v17 =	vld.idx.msk [tilespmem:v13+s23+$0x0], $0xffff  }
0xd6: {  	v34 =	vld.idx.msk [tilespmem:v14+s22+$0x0], $0xffff  }
0xd7: {  	v35 =	vld.idx.msk [tilespmem:v14+s23+$0x0], $0xffff  }
0xd8: {  	v36 =	vld.idx.msk [tilespmem:v15+s22+$0x0], $0xffff  }
0xd9: {  	v37 =	vld.idx.msk [tilespmem:v15+s23+$0x0], $0xffff;
	_ =	sdelay $0x2  }
0xda: {  	v16 =	vsub.f32 v16, v17;
	v17 =	vsub.f32 v34, v35;
	_ =	sdelay $0x1  }
0xdb: {  	v38 =	vsub.f32 v36, v37;
	v16 =	vmul.f32 v16, v16;
	v17 =	vmul.f32 v17, v17;
	_ =	sdelay $0x1  }
0xdc: {  	v16 =	vadd.f32 v17, v16;
	v17 =	vmul.f32 v38, v38;
	_ =	sdelay $0x1  }
0xdd: {  	v16 =	vadd.f32 v17, v16;
	_ =	sdelay $0x1  }
0xde: {  	v17 =	vshrl.u32 v16, $0x10  }
0xdf: {  	v17 =	vand.u32 $0x1, v17  }
0xe0: {  	v16 =	vadd.s32 v17, v16  }
0xe1: {  	v16 =	vadd.s32 $0x7FFF, v16  }
0xe2: {  	v16 =	vand.u32 $0xFFFF0000, v16  }
0xe3: {  	s25 =	sadd.s32 $0x2710, s24;
	[tilespmem:v13+s7+$0x0] =	vst.idx.msk $0xffff, v16  }
0xe4: {  	[spmem:s2] =	stream.indirect.scatter.add.f32 [tilespmem:s7], [sflag:$0x7], $0x10, s25, s21, $0xb8;
	[tilespmem:$0xC120] =	vst v63  }
0xe5: {  	_ =	swait.ge [sflag:s19], $0x500  }
0xe6: {  	[sflag:s19] =	ssyncset.done $0x0  }
0xe7: {  	[sflag:s19] =	ssyncadd.s32 $0xFFFFFB00  }
0xe8: {  	[spmem:s3] =	stream.indirect.scatter.add.f32 [tilespmem:s26], [sflag:$0x7], $0x10, s25, s21, $0xb8;
	[tilespmem:$0xC120] =	vst v63  }
0xe9: {  	_ =	swait.ge [sflag:s19], $0x500  }
0xea: {  	[sflag:s19] =	ssyncset.done $0x0  }
0xeb: {  	s25 =	sadd.s32 $0xA0, s24;
	[sflag:s19] =	ssyncadd.s32 $0xFFFFFB00  }
0xec: {  	[tilespmem:s22], [sflag:$0x1] =	stream.indirect.gather [hbm4b:s5+s21], $0x10, s25, s21, $0xb8;
	[tilespmem:$0xC120] =	vst v63  }
0xed: {  	s24 =	sadd.s32 $0x27B0, s24  }
0xee: {  	[tilespmem:s23], [sflag:$0x3] =	stream.indirect.gather [hbm4b:s5+s21], $0x10, s24, s21, $0xb8;
	[tilespmem:$0xC120] =	vst v63  }
0xef: {  	_ = 	snop  }
0xf0: {  	[tilespmem:s26], [sflag:$0x5] =	stream.linear.gather [hbm4b:s17+s4], $0x500, $0x38;
	[tilespmem:$0xC120] =	vst v63  }
0xf1: {  	_ =	swait.ge [sflag:s8], $0x500  }
0xf2: {  	[sflag:s8] =	ssyncset.done $0x0  }
0xf3: {  	[sflag:s8] =	ssyncadd.s32 $0xFFFFFB00  }
0xf4: {  	_ =	swait.ge [sflag:s11], $0x500  }
0xf5: {  	[sflag:s11] =	ssyncset.done $0x0  }
0xf6: {  	[sflag:s11] =	ssyncadd.s32 $0xFFFFFB00  }
0xf7: {  	_ =	swait.ge [sflag:s12], $0x500  }
0xf8: {  	[sflag:s12] =	ssyncset.done $0x0  }
0xf9: {  	[sflag:s12] =	ssyncadd.s32 $0xFFFFFB00  }
0xfa: {  	v16 =	vld.idx.msk [tilespmem:v0+s28+$0x0], $0xffff  }
0xfb: {  	v17 =	vld.idx.msk [tilespmem:v0+s29+$0x0], $0xffff  }
0xfc: {  	v39 =	vld.idx.msk [tilespmem:v2+s28+$0x0], $0xffff  }
0xfd: {  	v40 =	vld.idx.msk [tilespmem:v2+s29+$0x0], $0xffff  }
0xfe: {  	v41 =	vld.idx.msk [tilespmem:v3+s28+$0x0], $0xffff  }
0xff: {  	v42 =	vld.idx.msk [tilespmem:v3+s29+$0x0], $0xffff;
	_ =	sdelay $0x2  }
0x100: {  	v16 =	vsub.f32 v16, v17;
	v17 =	vsub.f32 v39, v40;
	_ =	sdelay $0x1  }
0x101: {  	v43 =	vsub.f32 v41, v42;
	v16 =	vmul.f32 v16, v16;
	v17 =	vmul.f32 v17, v17;
	_ =	sdelay $0x1  }
0x102: {  	v16 =	vadd.f32 v17, v16;
	v17 =	vmul.f32 v43, v43;
	_ =	sdelay $0x1  }
0x103: {  	v16 =	vadd.f32 v17, v16;
	_ =	sdelay $0x1  }
0x104: {  	v17 =	vshrl.u32 v16, $0x10  }
0x105: {  	v17 =	vand.u32 $0x1, v17  }
0x106: {  	v16 =	vadd.s32 v17, v16  }
0x107: {  	v16 =	vadd.s32 $0x7FFF, v16  }
0x108: {  	v16 =	vand.u32 $0xFFFF0000, v16  }
0x109: {  	[tilespmem:v0+s7+$0x0] =	vst.idx.msk $0xffff, v16  }
0x10a: {  	v16 =	vld.idx.msk [tilespmem:v4+s28+$0x0], $0xffff  }
0x10b: {  	v17 =	vld.idx.msk [tilespmem:v4+s29+$0x0], $0xffff  }
0x10c: {  	v44 =	vld.idx.msk [tilespmem:v5+s28+$0x0], $0xffff  }
0x10d: {  	v45 =	vld.idx.msk [tilespmem:v5+s29+$0x0], $0xffff  }
0x10e: {  	v46 =	vld.idx.msk [tilespmem:v6+s28+$0x0], $0xffff  }
0x10f: {  	v47 =	vld.idx.msk [tilespmem:v6+s29+$0x0], $0xffff;
	_ =	sdelay $0x2  }
0x110: {  	v16 =	vsub.f32 v16, v17;
	v17 =	vsub.f32 v44, v45;
	_ =	sdelay $0x1  }
0x111: {  	v48 =	vsub.f32 v46, v47;
	v16 =	vmul.f32 v16, v16;
	v17 =	vmul.f32 v17, v17;
	_ =	sdelay $0x1  }
0x112: {  	v16 =	vadd.f32 v17, v16;
	v17 =	vmul.f32 v48, v48;
	_ =	sdelay $0x1  }
0x113: {  	v16 =	vadd.f32 v17, v16;
	_ =	sdelay $0x1  }
0x114: {  	v17 =	vshrl.u32 v16, $0x10  }
0x115: {  	v17 =	vand.u32 $0x1, v17  }
0x116: {  	v16 =	vadd.s32 v17, v16  }
0x117: {  	v16 =	vadd.s32 $0x7FFF, v16  }
0x118: {  	v16 =	vand.u32 $0xFFFF0000, v16  }
0x119: {  	[tilespmem:v4+s7+$0x0] =	vst.idx.msk $0xffff, v16  }
0x11a: {  	v16 =	vld.idx.msk [tilespmem:v7+s28+$0x0], $0xffff  }
0x11b: {  	v17 =	vld.idx.msk [tilespmem:v7+s29+$0x0], $0xffff  }
0x11c: {  	v49 =	vld.idx.msk [tilespmem:v8+s28+$0x0], $0xffff  }
0x11d: {  	v50 =	vld.idx.msk [tilespmem:v8+s29+$0x0], $0xffff  }
0x11e: {  	v51 =	vld.idx.msk [tilespmem:v9+s28+$0x0], $0xffff  }
0x11f: {  	v52 =	vld.idx.msk [tilespmem:v9+s29+$0x0], $0xffff;
	_ =	sdelay $0x2  }
0x120: {  	v16 =	vsub.f32 v16, v17;
	v17 =	vsub.f32 v49, v50;
	_ =	sdelay $0x1  }
0x121: {  	v53 =	vsub.f32 v51, v52;
	v16 =	vmul.f32 v16, v16;
	v17 =	vmul.f32 v17, v17;
	_ =	sdelay $0x1  }
0x122: {  	v16 =	vadd.f32 v17, v16;
	v17 =	vmul.f32 v53, v53;
	_ =	sdelay $0x1  }
0x123: {  	v16 =	vadd.f32 v17, v16;
	_ =	sdelay $0x1  }
0x124: {  	v17 =	vshrl.u32 v16, $0x10  }
0x125: {  	v17 =	vand.u32 $0x1, v17  }
0x126: {  	v16 =	vadd.s32 v17, v16  }
0x127: {  	v16 =	vadd.s32 $0x7FFF, v16  }
0x128: {  	v16 =	vand.u32 $0xFFFF0000, v16  }
0x129: {  	[tilespmem:v7+s7+$0x0] =	vst.idx.msk $0xffff, v16  }
0x12a: {  	v16 =	vld.idx.msk [tilespmem:v10+s28+$0x0], $0xffff  }
0x12b: {  	v17 =	vld.idx.msk [tilespmem:v10+s29+$0x0], $0xffff  }
0x12c: {  	v54 =	vld.idx.msk [tilespmem:v11+s28+$0x0], $0xffff  }
0x12d: {  	v55 =	vld.idx.msk [tilespmem:v11+s29+$0x0], $0xffff  }
0x12e: {  	v56 =	vld.idx.msk [tilespmem:v12+s28+$0x0], $0xffff  }
0x12f: {  	v57 =	vld.idx.msk [tilespmem:v12+s29+$0x0], $0xffff;
	_ =	sdelay $0x2  }
0x130: {  	v16 =	vsub.f32 v16, v17;
	v17 =	vsub.f32 v54, v55;
	_ =	sdelay $0x1  }
0x131: {  	v58 =	vsub.f32 v56, v57;
	v16 =	vmul.f32 v16, v16;
	v17 =	vmul.f32 v17, v17;
	_ =	sdelay $0x1  }
0x132: {  	v16 =	vadd.f32 v17, v16;
	v17 =	vmul.f32 v58, v58;
	_ =	sdelay $0x1  }
0x133: {  	v16 =	vadd.f32 v17, v16;
	_ =	sdelay $0x1  }
0x134: {  	v17 =	vshrl.u32 v16, $0x10  }
0x135: {  	v17 =	vand.u32 $0x1, v17  }
0x136: {  	v16 =	vadd.s32 v17, v16  }
0x137: {  	v16 =	vadd.s32 $0x7FFF, v16  }
0x138: {  	v16 =	vand.u32 $0xFFFF0000, v16  }
0x139: {  	[tilespmem:v10+s7+$0x0] =	vst.idx.msk $0xffff, v16  }
0x13a: {  	v16 =	vld.idx.msk [tilespmem:v13+s28+$0x0], $0xffff  }
0x13b: {  	v17 =	vld.idx.msk [tilespmem:v13+s29+$0x0], $0xffff  }
0x13c: {  	v59 =	vld.idx.msk [tilespmem:v14+s28+$0x0], $0xffff  }
0x13d: {  	v60 =	vld.idx.msk [tilespmem:v14+s29+$0x0], $0xffff  }
0x13e: {  	v61 =	vld.idx.msk [tilespmem:v15+s28+$0x0], $0xffff  }
0x13f: {  	v62 =	vld.idx.msk [tilespmem:v15+s29+$0x0], $0xffff;
	_ =	sdelay $0x2  }
0x140: {  	v16 =	vsub.f32 v16, v17;
	v17 =	vsub.f32 v59, v60;
	_ =	sdelay $0x1  }
0x141: {  	v63 =	vsub.f32 v61, v62;
	v16 =	vmul.f32 v16, v16;
	v17 =	vmul.f32 v17, v17;
	_ =	sdelay $0x1  }
0x142: {  	v16 =	vadd.f32 v17, v16;
	v17 =	vmul.f32 v63, v63;
	_ =	sdelay $0x1  }
0x143: {  	v16 =	vadd.f32 v17, v16;
	_ =	sdelay $0x1  }
0x144: {  	v17 =	vshrl.u32 v16, $0x10  }
0x145: {  	v17 =	vand.u32 $0x1, v17  }
0x146: {  	v16 =	vadd.s32 v17, v16  }
0x147: {  	v16 =	vadd.s32 $0x7FFF, v16  }
0x148: {  	v16 =	vand.u32 $0xFFFF0000, v16  }
0x149: {  	[tilespmem:v13+s7+$0x0] =	vst.idx.msk $0xffff, v16  }
0x14a: {  	[spmem:s2] =	stream.indirect.scatter.add.f32 [tilespmem:s7], [sflag:$0x7], $0x10, s15, s21, $0xb8;
	[tilespmem:$0xC120] =	vst v63  }
0x14b: {  	_ =	swait.ge [sflag:s19], $0x500  }
0x14c: {  	p1 =	sne.s32 s16, $0x9880;
	[sflag:s19] =	ssyncset.done $0x0  }
.Ltmp0:
0x14d: {  	[sflag:s19] =	ssyncadd.s32 $0xFFFFFB00;
	(pc) =	sbr.rel @p1 .LBB2_2-.Ltmp0, $4  }
0x14e: {  	[spmem:s3] =	stream.indirect.scatter.add.f32 [tilespmem:s30], [sflag:$0x7], $0x10, s15, s21, $0xb8;
	[tilespmem:$0xC120] =	vst v63  }
0x14f: {  	_ =	swait.ge [sflag:s19], $0x500  }
0x150: {  	s16 =	sadd.s32 $0x280, s16;
	[sflag:s19] =	ssyncset.done $0x0  }
0x151: {  	s18 =	sadd.s32 $0x140, s18;
	s17 =	sadd.s32 $0x140, s17;
	[sflag:s19] =	ssyncadd.s32 $0xFFFFFB00  }
0x152: {  	_ =	swait.ge [sflag:s31], $0x500  }
0x153: {  	[sflag:s31] =	ssyncset.done $0x0  }
0x154: {  	[sflag:s31] =	ssyncadd.s32 $0xFFFFFB00  }
0x155: {  	_ =	swait.ge [sflag:s1], $0x500  }
0x156: {  	[sflag:s1] =	ssyncset.done $0x0  }
0x157: {  	[sflag:s1] =	ssyncadd.s32 $0xFFFFFB00  }
0x158: {  	_ =	swait.ge [sflag:s0], $0x500  }
0x159: {  	[sflag:s0] =	ssyncset.done $0x0  }
0x15a: {  	[sflag:s0] =	ssyncadd.s32 $0xFFFFFB00  }
0x15b: {  	v16 =	vld.idx.msk [tilespmem:v0+s22+$0x0], $0xffff  }
0x15c: {  	v17 =	vld.idx.msk [tilespmem:v0+s23+$0x0], $0xffff  }
0x15d: {  	v18 =	vld.idx.msk [tilespmem:v2+s22+$0x0], $0xffff  }
0x15e: {  	v19 =	vld.idx.msk [tilespmem:v2+s23+$0x0], $0xffff  }
0x15f: {  	v20 =	vld.idx.msk [tilespmem:v3+s22+$0x0], $0xffff  }
0x160: {  	v21 =	vld.idx.msk [tilespmem:v3+s23+$0x0], $0xffff;
	_ =	sdelay $0x2  }
0x161: {  	v16 =	vsub.f32 v16, v17;
	v17 =	vsub.f32 v18, v19;
	_ =	sdelay $0x1  }
0x162: {  	v43 =	vsub.f32 v20, v21;
	v16 =	vmul.f32 v16, v16;
	v17 =	vmul.f32 v17, v17;
	_ =	sdelay $0x1  }
0x163: {  	v16 =	vadd.f32 v17, v16;
	v17 =	vmul.f32 v43, v43;
	_ =	sdelay $0x1  }
0x164: {  	v16 =	vadd.f32 v17, v16;
	_ =	sdelay $0x1  }
0x165: {  	v17 =	vshrl.u32 v16, $0x10  }
0x166: {  	v17 =	vand.u32 $0x1, v17  }
0x167: {  	v16 =	vadd.s32 v17, v16  }
0x168: {  	v16 =	vadd.s32 $0x7FFF, v16  }
0x169: {  	v16 =	vand.u32 $0xFFFF0000, v16  }
0x16a: {  	[tilespmem:v0+s7+$0x0] =	vst.idx.msk $0xffff, v16  }
0x16b: {  	v16 =	vld.idx.msk [tilespmem:v4+s22+$0x0], $0xffff  }
0x16c: {  	v17 =	vld.idx.msk [tilespmem:v4+s23+$0x0], $0xffff  }
0x16d: {  	v44 =	vld.idx.msk [tilespmem:v5+s22+$0x0], $0xffff  }
0x16e: {  	v45 =	vld.idx.msk [tilespmem:v5+s23+$0x0], $0xffff  }
0x16f: {  	v46 =	vld.idx.msk [tilespmem:v6+s22+$0x0], $0xffff  }
0x170: {  	v47 =	vld.idx.msk [tilespmem:v6+s23+$0x0], $0xffff;
	_ =	sdelay $0x2  }
0x171: {  	v16 =	vsub.f32 v16, v17;
	v17 =	vsub.f32 v44, v45;
	_ =	sdelay $0x1  }
0x172: {  	v48 =	vsub.f32 v46, v47;
	v16 =	vmul.f32 v16, v16;
	v17 =	vmul.f32 v17, v17;
	_ =	sdelay $0x1  }
0x173: {  	v16 =	vadd.f32 v17, v16;
	v17 =	vmul.f32 v48, v48;
	_ =	sdelay $0x1  }
0x174: {  	v16 =	vadd.f32 v17, v16;
	_ =	sdelay $0x1  }
0x175: {  	v17 =	vshrl.u32 v16, $0x10  }
0x176: {  	v17 =	vand.u32 $0x1, v17  }
0x177: {  	v16 =	vadd.s32 v17, v16  }
0x178: {  	v16 =	vadd.s32 $0x7FFF, v16  }
0x179: {  	v16 =	vand.u32 $0xFFFF0000, v16  }
0x17a: {  	[tilespmem:v4+s7+$0x0] =	vst.idx.msk $0xffff, v16  }
0x17b: {  	v16 =	vld.idx.msk [tilespmem:v7+s22+$0x0], $0xffff  }
0x17c: {  	v17 =	vld.idx.msk [tilespmem:v7+s23+$0x0], $0xffff  }
0x17d: {  	v49 =	vld.idx.msk [tilespmem:v8+s22+$0x0], $0xffff  }
0x17e: {  	v50 =	vld.idx.msk [tilespmem:v8+s23+$0x0], $0xffff  }
0x17f: {  	v51 =	vld.idx.msk [tilespmem:v9+s22+$0x0], $0xffff  }
0x180: {  	v52 =	vld.idx.msk [tilespmem:v9+s23+$0x0], $0xffff;
	_ =	sdelay $0x2  }
0x181: {  	v16 =	vsub.f32 v16, v17;
	v17 =	vsub.f32 v49, v50;
	_ =	sdelay $0x1  }
0x182: {  	v53 =	vsub.f32 v51, v52;
	v16 =	vmul.f32 v16, v16;
	v17 =	vmul.f32 v17, v17;
	_ =	sdelay $0x1  }
0x183: {  	v16 =	vadd.f32 v17, v16;
	v17 =	vmul.f32 v53, v53;
	_ =	sdelay $0x1  }
0x184: {  	v16 =	vadd.f32 v17, v16;
	_ =	sdelay $0x1  }
0x185: {  	v17 =	vshrl.u32 v16, $0x10  }
0x186: {  	v17 =	vand.u32 $0x1, v17  }
0x187: {  	v16 =	vadd.s32 v17, v16  }
0x188: {  	v16 =	vadd.s32 $0x7FFF, v16  }
0x189: {  	v16 =	vand.u32 $0xFFFF0000, v16  }
0x18a: {  	[tilespmem:v7+s7+$0x0] =	vst.idx.msk $0xffff, v16  }
0x18b: {  	v16 =	vld.idx.msk [tilespmem:v10+s22+$0x0], $0xffff  }
0x18c: {  	v17 =	vld.idx.msk [tilespmem:v10+s23+$0x0], $0xffff  }
0x18d: {  	v54 =	vld.idx.msk [tilespmem:v11+s22+$0x0], $0xffff  }
0x18e: {  	v55 =	vld.idx.msk [tilespmem:v11+s23+$0x0], $0xffff  }
0x18f: {  	v56 =	vld.idx.msk [tilespmem:v12+s22+$0x0], $0xffff  }
0x190: {  	v57 =	vld.idx.msk [tilespmem:v12+s23+$0x0], $0xffff;
	_ =	sdelay $0x2  }
0x191: {  	v16 =	vsub.f32 v16, v17;
	v17 =	vsub.f32 v54, v55;
	_ =	sdelay $0x1  }
0x192: {  	v58 =	vsub.f32 v56, v57;
	v16 =	vmul.f32 v16, v16;
	v17 =	vmul.f32 v17, v17;
	_ =	sdelay $0x1  }
0x193: {  	v16 =	vadd.f32 v17, v16;
	v17 =	vmul.f32 v58, v58;
	_ =	sdelay $0x1  }
0x194: {  	v16 =	vadd.f32 v17, v16;
	_ =	sdelay $0x1  }
0x195: {  	v17 =	vshrl.u32 v16, $0x10  }
0x196: {  	v17 =	vand.u32 $0x1, v17  }
0x197: {  	v16 =	vadd.s32 v17, v16  }
0x198: {  	v16 =	vadd.s32 $0x7FFF, v16  }
0x199: {  	v16 =	vand.u32 $0xFFFF0000, v16  }
0x19a: {  	[tilespmem:v10+s7+$0x0] =	vst.idx.msk $0xffff, v16  }
0x19b: {  	v16 =	vld.idx.msk [tilespmem:v13+s22+$0x0], $0xffff  }
0x19c: {  	v17 =	vld.idx.msk [tilespmem:v13+s23+$0x0], $0xffff  }
0x19d: {  	v59 =	vld.idx.msk [tilespmem:v14+s22+$0x0], $0xffff  }
0x19e: {  	v60 =	vld.idx.msk [tilespmem:v14+s23+$0x0], $0xffff  }
0x19f: {  	v61 =	vld.idx.msk [tilespmem:v15+s22+$0x0], $0xffff  }
0x1a0: {  	v62 =	vld.idx.msk [tilespmem:v15+s23+$0x0], $0xffff;
	_ =	sdelay $0x2  }
0x1a1: {  	v16 =	vsub.f32 v16, v17;
	v17 =	vsub.f32 v59, v60;
	_ =	sdelay $0x1  }
0x1a2: {  	v63 =	vsub.f32 v61, v62;
	v16 =	vmul.f32 v16, v16;
	v17 =	vmul.f32 v17, v17;
	_ =	sdelay $0x1  }
0x1a3: {  	v16 =	vadd.f32 v17, v16;
	v17 =	vmul.f32 v63, v63;
	_ =	sdelay $0x1  }
0x1a4: {  	v16 =	vadd.f32 v17, v16;
	_ =	sdelay $0x1  }
0x1a5: {  	v17 =	vshrl.u32 v16, $0x10  }
0x1a6: {  	v17 =	vand.u32 $0x1, v17  }
0x1a7: {  	v16 =	vadd.s32 v17, v16  }
0x1a8: {  	v16 =	vadd.s32 $0x7FFF, v16  }
0x1a9: {  	v16 =	vand.u32 $0xFFFF0000, v16  }
0x1aa: {  	[tilespmem:v13+s7+$0x0] =	vst.idx.msk $0xffff, v16  }
0x1ab: {  	[spmem:s2] =	stream.indirect.scatter.add.f32 [tilespmem:s7], [sflag:$0x7], $0x10, s13, s21, $0xb8;
	[tilespmem:$0xC120] =	vst v63  }
0x1ac: {  	_ =	swait.ge [sflag:s19], $0x500  }
0x1ad: {  	[sflag:s19] =	ssyncset.done $0x0  }
0x1ae: {  	[sflag:s19] =	ssyncadd.s32 $0xFFFFFB00  }
0x1af: {  	[spmem:s3] =	stream.indirect.scatter.add.f32 [tilespmem:s26], [sflag:$0x7], $0x10, s13, s21, $0xb8;
	[tilespmem:$0xC120] =	vst v63  }
0x1b0: {  	_ =	swait.ge [sflag:s19], $0x500  }
0x1b1: {  	[sflag:s19] =	ssyncset.done $0x0  }
0x1b2: {  	[sflag:s19] =	ssyncadd.s32 $0xFFFFFB00  }
0x1b3: {  	[bflag:$0x0] =	sbarrier.arrive $0xFFFF  }
0x1b4: {  	s15 =	rddreg [dreg:$0x9]  }
0x1b5: {  	s16 =	rddreg [dreg:$0xe]  }
0x1b6: {  	[hbm:s15], [sflag:s20] =	dma.local @p0 [spmem:s16], $0x320  }
0x1b7: {  	s15 =	simm.s32 @p0 $0x7  }
0x1b8: {  	_ =	swait.ge @p0 [sflag:s15], $0x320  }
0x1b9: {  	[sflag:s15] =	ssyncset.done @p0 $0x0;
	s16 =	rddreg [dreg:$0xa]  }
0x1ba: {  	s17 =	rddreg [dreg:$0xf];
	[sflag:s15] =	ssyncadd.s32 @p0 $0xFFFFFCE0  }
0x1bb: {  	[hbm:s16], [sflag:s20] =	dma.local @p0 [spmem:s17], $0x320  }
0x1bc: {  	_ =	swait.ge @p0 [sflag:s15], $0x320  }
0x1bd: {  	[sflag:s15] =	ssyncset.done @p0 $0x0  }
0x1be: {  	s16 =	rddreg [dreg:$0x7];
	[sflag:s15] =	ssyncadd.s32 @p0 $0xFFFFFCE0;
	s15 =	sshrl.u32 @!p0 s9, $0x3  }
0x1bf: {  	[hbm:s16], [sflag:s20] =	dma.local @!p0 [spmem:s15], $0x500  }
0x1c0: {  	s15 =	simm.s32 @!p0 $0x7  }
0x1c1: {  	_ =	swait.ge @!p0 [sflag:s15], $0x500  }
0x1c2: {  	[sflag:s15] =	ssyncset.done @!p0 $0x0  }
0x1c3: {  	s16 =	sshrl.u32 @!p0 s10, $0x3;
	s17 =	rddreg [dreg:$0x8];
	[sflag:s15] =	ssyncadd.s32 @!p0 $0xFFFFFB00  }
0x1c4: {  	[hbm:s17], [sflag:s20] =	dma.local @!p0 [spmem:s16], $0x500  }
0x1c5: {  	_ =	swait.ge @!p0 [sflag:s15], $0x500  }
0x1c6: {  	s14 =	sadd.s32 $0x1, s14;
	s25 =	rddreg [dreg:$0xb]  }
0x1c7: {  	p1 =	sne.s32 s14, s25  }
.Ltmp1:
0x1c8: {  	_ = 	snop;
	(pc) =	sbr.rel @p1 .LBB2_1-.Ltmp1, $3  }
0x1c9: {  	_ =	sdelay $0x1  }
0x1ca: {  	[sflag:s15] =	ssyncset.done @!p0 $0x0  }
0x1cb: {  	[sflag:s15] =	ssyncadd.s32 @!p0 $0xFFFFFB00  }
0x1cc: {  	_ =	sfence.sel $0x180000  }
0x1cd: {  	[bflag:$0x0] =	sbarrier.arrive $0xFFFF  }
0x1ce: {  	_ =	strace $0x90000047  }
0x1cf: {  	s0 =	stileid.u32;
	[bflag:$0x2] =	sbarrier.arrive $0xFFFF  }
0x1d0: {  	p0 =	sne.s32 s0, $0x0;
	s0 =	rddreg [dreg:$0x3]  }
0x1d1: {  	s0 =	sadd.s32 @!p0 $0x100000, s0  }
0x1d2: {  	[sflag:s0] =	ssyncadd.tile.s32 @!p0 $0x1;
	_ =	shalt  }
.Lfunc_end2:
_tile_overlayer_lowered:
.L_overlay_start_2:
0x1d3: {  	(tag) =	ssettag $0x2  }
0x1d4: {  	s0 =	rddreg [dreg:$0x0];
	s2 =	stileid.u32  }
0x1d5: {  	s1 =	rddreg [dreg:$0x1];
	p0 =	sne.s32 s2, $0x0  }
0x1d6: {  	s3 =	rddreg [dreg:$0x2];
	[bflag:$0x3] =	sbarrier.arrive $0xFFFF;
	s2 =	simm.s32 @!p0 $0x1C07  }
0x1d7: {  	[timem:s3], [sflag:s2] =	dma.local @!p0 [hbm:s0], s1  }
0x1d8: {  	s0 =	simm.s32 @!p0 $0x7  }
0x1d9: {  	_ =	swait.ge @!p0 [sflag:s0], s1  }
0x1da: {  	s1 =	ssub.s32 @!p0 $0x0, s1;
	[sflag:s0] =	ssyncset.done @!p0 $0x0  }
0x1db: {  	[sflag:s0] =	ssyncadd.s32 @!p0 s1  }
0x1dc: {  	[bflag:$0x3] =	sbarrier.arrive $0xFFFF  }
0x1dd: {  	_ =	shalt  }

// kernel: kernel.18.cloned.1.call-start
scs
__scs_entry_jumppad:
0x0: {  	(pc) =	sbr.rel $0x88, $3  }
0x1: {  	(tag) =	ssettag $0x0;
	lr =	simm.s32 $0x1  }
0x2: {  	[smem:$0x3F93] =	sst lr;
	_ =	strace $0xD0000000  }
0x3: {  	_ = 	snop  }
0x4: {  	_ = 	snop  }
0x5: {  	_ = 	snop  }
0x6: {  	_ = 	snop  }
0x7: {  	_ = 	snop  }
__scs_overlays_trampoline_lowered:
0x8: {  	[smem:$0x3FA2] =	sst s0  }
0x9: {  	[smem:$0x3FA3] =	sst s1  }
0xa: {  	[smem:$0x3FA4] =	sst s2  }
0xb: {  	[smem:$0x3FA5] =	sst s3  }
0xc: {  	[smem:$0x3FA6] =	sst s4  }
0xd: {  	[smem:$0x3FA7] =	sst s5  }
0xe: {  	[smem:$0x3FA8] =	sst s6  }
0xf: {  	[smem:$0x3FA9] =	sst s7  }
0x10: {  	[smem:$0x3FAA] =	sst s8  }
0x11: {  	[smem:$0x3FAB] =	sst s9;
	s0 =	simm.s32 @!p0 $0x0  }
0x12: {  	s1 =	sld [smem:$0x3F91];
	s0 =	simm.s32 @p0 $0x1  }
0x13: {  	[smem:$0x3FAC] =	sst s0;
	s0 =	simm.s32 @!p1 $0x0  }
0x14: {  	s2 =	sld [smem:$0x3F90];
	s0 =	simm.s32 @p1 $0x1  }
0x15: {  	[smem:$0x3FAD] =	sst s0;
	s0 =	simm.s32 @!p2 $0x0  }
0x16: {  	s3 =	sld [smem:$0x3FDB];
	s0 =	simm.s32 @p2 $0x1  }
0x17: {  	s4 =	simm.s32 $0x1BF5;
	[smem:$0x3FAF] =	sst s0  }
0x18: {  	s0 =	sld [smem:$0x3F92];
	_ =	swait.ge [sflag:s4], $0x0  }
0x19: {  	s7 =	sld [smem:$0x3F93]  }
0x1a: {  	s8 =	sadd.s32 $0xFFFFE003, lr  }
0x1b: {  	s9 =	sadd.s32 $0xFFFFFEF7, lr;
	s5 =	simm.s32 $0xFFFFFFFF;
	p2 =	slt.u32 s8, $0xFFFFF086  }
0x1c: {  	p1 =	slt.u32 s9, $0xF7A;
	s5 =	simm.s32 @!p2 $0x0  }
0x1d: {  	s5 =	simm.s32 @p1 $0x1;
	p0 =	seq.s32 s7, s2  }
0x1e: {  	s7 =	smul.u32 @!p0 $0xF7A, s2;
	p2 =	seq.s32 @!p0 s5, $0x0  }
0x1f: {  	s9 =	smul.u32 $0xF7A, s1;
	s8 =	simm.s32 @!p0 $0x1BF5;
	p2 =	por !p2, p0  }
0x20: {  	[sflag:s8] =	ssyncset.s32 @!p0 $0xFFFFF086;
	s6 =	sadd.s32 @!p0 s3, s7;
	s7 =	simm.s32 @!p0 $0x108  }
0x21: {  	s3 =	sadd.s32 s3, s9;
	s6 =	sadd.s32 @!p0 $0x88, s6;
	s7 =	simm.s32 @p2 $0x1082  }
0x22: {  	[simem:s7], [sflag:s8] =	dma.local @!p0 [hbm:s6], $0xF7A  }
0x23: {  	s9 =	sor.u32 $0xD0000000, s2;
	s6 =	simm.s32 $0x108;
	_ =	swait.ge @!p0 [sflag:s8], $0x0  }
0x24: {  	s3 =	sadd.s32 $0x88, s3;
	s6 =	simm.s32 @!p1 $0x1082;
	[sflag:s4] =	ssyncset.s32 $0xFFFFF086  }
0x25: {  	[simem:s6], [sflag:s4] =	dma.local [hbm:s3], $0xF7A  }
0x26: {  	[smem:$0x3F93] =	sst s1;
	(tag) =	ssettag s2;
	_ =	strace s9  }
0x27: {  	s1 =	sld [smem:$0x3FA3]  }
0x28: {  	s2 =	sld [smem:$0x3FA4]  }
0x29: {  	s4 =	sld [smem:$0x3FA6]  }
0x2a: {  	p0 =	seq.s32 s5, $0x0;
	s5 =	sld [smem:$0x3FA7]  }
0x2b: {  	s6 =	sld [smem:$0x3FA8]  }
0x2c: {  	s7 =	sld [smem:$0x3FA9]  }
0x2d: {  	s3 =	simm.s32 $0x108;
	s8 =	sld [smem:$0x3FAA]  }
0x2e: {  	s3 =	simm.s32 @!p0 $0x1082;
	s9 =	sld [smem:$0x3FAB]  }
0x2f: {  	lr =	sadd.s32 s0, s3;
	s0 =	sld [smem:$0x3FA2]  }
0x30: {  	s3 =	sld [smem:$0x3FA5]  }
0x31: {  	[smem:$0x3FAE] =	sst s10  }
0x32: {  	s10 =	sld [smem:$0x3FAC];
	_ =	sdelay $0x3  }
0x33: {  	p0 =	seq.s32 s10, $0x1;
	s10 =	sld [smem:$0x3FAE];
	_ =	sdelay $0x3  }
0x34: {  	[smem:$0x3FAE] =	sst s10  }
0x35: {  	s10 =	sld [smem:$0x3FAD];
	_ =	sdelay $0x3  }
0x36: {  	p1 =	seq.s32 s10, $0x1;
	s10 =	sld [smem:$0x3FAE];
	_ =	sdelay $0x3  }
0x37: {  	[smem:$0x3FAE] =	sst s10  }
0x38: {  	s10 =	sld [smem:$0x3FAF]  }
0x39: {  	_ = 	snop;
	(pc) =	sbr.ind lr, $3  }
0x3a: {  	_ = 	snop  }
0x3b: {  	_ = 	snop  }
0x3c: {  	p2 =	seq.s32 s10, $0x1;
	s10 =	sld [smem:$0x3FAE]  }
0x3d: {  	_ =	shalt  }
0x3e: {  	_ =	shalt  }
0x3f: {  	_ =	shalt  }
0x40: {  	_ =	shalt  }
0x41: {  	_ =	shalt  }
0x42: {  	_ =	shalt  }
0x43: {  	_ =	shalt  }
0x44: {  	_ =	shalt  }
0x45: {  	_ =	shalt  }
0x46: {  	_ =	shalt  }
0x47: {  	_ =	shalt  }
0x48: {  	_ =	shalt  }
0x49: {  	_ =	shalt  }
0x4a: {  	_ =	shalt  }
0x4b: {  	_ =	shalt  }
0x4c: {  	_ =	shalt  }
0x4d: {  	_ =	shalt  }
0x4e: {  	_ =	shalt  }
0x4f: {  	_ =	shalt  }
0x50: {  	_ =	shalt  }
0x51: {  	_ =	shalt  }
0x52: {  	_ =	shalt  }
0x53: {  	_ =	shalt  }
0x54: {  	_ =	shalt  }
0x55: {  	_ =	shalt  }
0x56: {  	_ =	shalt  }
0x57: {  	_ =	shalt  }
0x58: {  	_ =	shalt  }
0x59: {  	_ =	shalt  }
0x5a: {  	_ =	shalt  }
0x5b: {  	_ =	shalt  }
0x5c: {  	_ =	shalt  }
0x5d: {  	_ =	shalt  }
0x5e: {  	_ =	shalt  }
0x5f: {  	_ =	shalt  }
0x60: {  	_ =	shalt  }
0x61: {  	_ =	shalt  }
0x62: {  	_ =	shalt  }
0x63: {  	_ =	shalt  }
0x64: {  	_ =	shalt  }
0x65: {  	_ =	shalt  }
0x66: {  	_ =	shalt  }
0x67: {  	_ =	shalt  }
0x68: {  	_ =	shalt  }
0x69: {  	_ =	shalt  }
0x6a: {  	_ =	shalt  }
0x6b: {  	_ =	shalt  }
0x6c: {  	_ =	shalt  }
0x6d: {  	_ =	shalt  }
0x6e: {  	_ =	shalt  }
0x6f: {  	_ =	shalt  }
0x70: {  	_ =	shalt  }
0x71: {  	_ =	shalt  }
0x72: {  	_ =	shalt  }
0x73: {  	_ =	shalt  }
0x74: {  	_ =	shalt  }
0x75: {  	_ =	shalt  }
0x76: {  	_ =	shalt  }
0x77: {  	_ =	shalt  }
0x78: {  	_ =	shalt  }
0x79: {  	_ =	shalt  }
0x7a: {  	_ =	shalt  }
0x7b: {  	_ =	shalt  }
0x7c: {  	_ =	shalt  }
0x7d: {  	_ =	shalt  }
0x7e: {  	_ =	shalt  }
0x7f: {  	_ =	shalt  }
0x80: {  	_ =	shalt  }
0x81: {  	_ =	shalt  }
0x82: {  	_ =	shalt  }
0x83: {  	_ =	shalt  }
0x84: {  	_ =	shalt  }
0x85: {  	_ =	shalt  }
0x86: {  	_ =	shalt  }
0x87: {  	_ =	shalt  }
.Lfunc_end0:
.L_simem_size_0:
called_computation.1_lowered:
.L_overlay_start_0:
0x88: {  	s2 =	sld [smem:$0x3FD9]  }
0x89: {  	s3 =	sld [smem:$0x3FFE];
	_ =	sdelay $0x1  }
0x8a: {  	s1 =	srdreg.scid  }
0x8b: {  	s0 =	sand.u32 $0x1, s1  }
0x8c: {  	s17 =	sshll.u32 s0, $0xA;
	s2 =	sadd.s32 s3, s2  }
0x8d: {  	s2 =	sadd.s32 s2, s17  }
0x8e: {  	[smem:$0x3FBA] =	sst s2  }
0x8f: {  	_ = 	snop  }
0x90: {  	(tm) =	ssettm $0x1  }
0x91: {  	s18 =	sld [smem:$0x3FFB];
	_ =	sdelay $0x3  }
0x92: {  	_ =	strace s18  }
0x93: {  	s2 =	sld [smem:$0x3FFC];
	_ =	sdelay $0x3  }
0x94: {  	_ =	strace s2  }
0x95: {  	s2 =	sld [smem:$0x3FFD];
	_ =	sdelay $0x3  }
0x96: {  	_ =	strace s2  }
0x97: {  	_ =	strace $0x8FFFFFFF  }
0x98: {  	s19 =	sld [smem:$0x3FDB];
	_ =	sdelay $0x1  }
0x99: {  	s20 =	simm.s32 $_scs_section_size  }
0x9a: {  	s4 =	simm.s32 $_size__tile_overlayer_lowered;
	s5 =	simm.s32 $_tile_overlayer_lowered  }
0x9b: {  	s6 =	simm.s32 $0x1BFF;
	s21 =	sshll.u32 s5, $0x1;
	s3 =	sadd.s32 s20, s19  }
0x9c: {  	s22 =	simm.s32 $0x0;
	s4 =	sshll.u32 s4, $0x1;
	s5 =	sadd.s32 s21, s3  }
0x9d: {  	[timem:s22], [sflag:s6] =	dma.local [hbm:s5], s4  }
0x9e: {  	_ =	swait.ge [sflag:s6], s4  }
0x9f: {  	s4 =	ssub.s32 $0x0, s4;
	[sflag:s6] =	ssyncset.done $0x0  }
0xa0: {  	[sflag:s6] =	ssyncadd.s32 s4;
	_ =	sdelay $0x1  }
0xa1: {  	s23 =	simm.s32 $0x1B8B  }
0xa2: {  	_ =	swait.ge [sflag:s23], $0x1  }
0xa3: {  	[sflag:s23] =	ssyncset.done $0x0  }
0xa4: {  	[sflag:s23] =	ssyncadd.s32 $0xFFFFFFFF  }
0xa5: {  	s4 =	sld [smem:$0x0]  }
0xa6: {  	s5 =	sand.u32 $0xFFFFFFFE, s1  }
0xa7: {  	p0 =	sne.s32 s1, s5  }
0xa8: {  	s5 =	sshll.u32 @p0 s5, $0xE  }
0xa9: {  	s5 =	sadd.s32 @p0 $0x11B8D, s5;
	s6 =	sshll.u32 @p0 s4, $0x11  }
0xaa: {  	s5 =	sor.u32 @p0 s6, s5  }
0xab: {  	[sflag:s5] =	ssyncadd.remote.s32 @p0 $0x1;
	_ =	sdelay $0x1  }
0xac: {  	s5 =	simm.s32 @p0 $0x1B8D  }
0xad: {  	_ =	swait.eq @p0 [sflag:s5], $0x1  }
0xae: {  	[sflag:s5] =	ssyncadd.s32 @p0 $0xFFFFFFFF  }
0xaf: {  	s6 =	sshll.u32 @!p0 s1, $0xE  }
0xb0: {  	s6 =	sor.u32 @!p0 $0x4000, s6;
	s5 =	simm.s32 @!p0 $0x1B8D  }
0xb1: {  	s4 =	sshll.u32 @!p0 s4, $0x11;
	s6 =	sadd.s32 @!p0 $0x11B8D, s6;
	_ =	swait.eq @!p0 [sflag:s5], $0x1  }
0xb2: {  	s4 =	sor.u32 @!p0 s4, s6;
	[sflag:s5] =	ssyncadd.s32 @!p0 $0xFFFFFFFF  }
0xb3: {  	s25 =	simm.s32 $0x1B8E;
	s24 =	sld [smem:$0x3FFE];
	[sflag:s4] =	ssyncadd.remote.s32 @!p0 $0x1  }
0xb4: {  	s26 =	simm.s32 $execute0_lowered;
	[smem:$0x3FD2] =	sst s25  }
0xb5: {  	s5 =	sshll.u32 s26, $0x1;
	_ =	strace $0x80000049;
	[dreg:$0x1] =	wrdreg $0xFFFFFFFF  }
0xb6: {  	s28 =	simm.s32 $_size_execute0_lowered;
	s3 =	sadd.s32 s3, s5;
	[dreg:$0x0] =	wrdreg $0x0  }
0xb7: {  	s5 =	sshll.u32 s28, $0x1;
	[dreg:$0x2] =	wrdreg s3  }
0xb8: {  	[dreg:$0x3] =	wrdreg s5  }
0xb9: {  	[dreg:$0x4] =	wrdreg $0xC0  }
0xba: {  	_ =	task [dreg:s22], $0x5FFFF  }
0xbb: {  	[dreg:$0x1] =	wrdreg $0xFFFFFFFF  }
0xbc: {  	[dreg:$0x0] =	wrdreg $0x60  }
0xbd: {  	[dreg:$0x2] =	wrdreg s24  }
0xbe: {  	[dreg:$0x3] =	wrdreg $0x9F000  }
0xbf: {  	[dreg:$0x4] =	wrdreg $0xA  }
0xc0: {  	_ =	task.clear_ibuf [dreg:s22], $0x5FFFF;
	_ =	strace $0x90000049  }
0xc1: {  	s29 =	simm.s32 $0xA;
	_ =	strace $0x8000004B  }
0xc2: {  	_ =	swait.ge [sflag:s29], $0x1  }
0xc3: {  	[sflag:s29] =	ssyncadd.s32 $0xFFFFFFFF  }
0xc4: {  	_ =	strace $0x9000004B  }
0xc5: {  	_ =	sfence  }
0xc6: {  	s30 =	sld [smem:$0x0];
	_ =	sdelay $0x2  }
0xc7: {  	s31 =	sshll.u32 s1, $0xD;
	s1 =	sshrl.u32 s1, $0x2  }
0xc8: {  	s4 =	sand.u32 $0x4000, s31;
	s1 =	sadd.s32 s1, s30  }
0xc9: {  	s0 =	sor.u32 s4, s0;
	s1 =	sshll.u32 s1, $0x11  }
0xca: {  	s0 =	sor.u32 s1, s0  }
0xcb: {  	s0 =	sadd.s32 $0x8F2B, s0  }
0xcc: {  	[sflag:s0] =	ssyncadd.remote.s32 $0x1  }
0xcd: {  	_ =	sfence.sel $0xFFFF  }
0xce: {  	[dreg:$0x0] =	wrdreg $0xFFFFFFFF;
	(pc) =	sbr.abs _section_cstart, $3  }
0xcf: {  	[dreg:$0x1] =	wrdreg $0xFFFFFFFF  }
0xd0: {  	_ =	task.clear_ibuf [dreg:s22], $0x2FFFF;
	_ =	strace $0x9FFFFFFF  }
0xd1: {  	(tm) =	ssettm $0x7FFFFFFF  }
tec
execute0_lowered:
.L_overlay_start_1:
0x0: {  	(tag) =	ssettag $0x1  }
0x1: {  	s0 =	srdreg.scid;
	s6 =	rddreg [dreg:$0x0]  }
0x2: {  	s2 =	rddreg [dreg:$0x1];
	s1 =	stileid.u32  }
0x3: {  	s3 =	simm.s32 $0x0;
	s15 =	simm.s32 $0x50;
	s16 =	simm.s32 $0x4F00  }
0x4: {  	s17 =	simm.s32 $0x7700;
	s18 =	simm.s32 $0x1;
	s19 =	simm.s32 $0x2  }
0x5: {  	s20 =	simm.s32 $0x4E40;
	s5 =	sand.u32 $0x1, s0;
	s0 =	rddreg [dreg:$0x2]  }
0x6: {  	s23 =	simm.s32 $0x0;
	[smem:$0x7FF] =	sst s3;
	s11 =	smul.u32 $0x14000, s1  }
0x7: {  	s12 =	sadd.s32 $0xF8000, s6;
	s31 =	smul.u32 $0x50000, s1;
	s21 =	sadd.s32 $0x12C000, s2  }
0x8: {  	s13 =	sshll.u32 s1, $0x6;
	p0 =	seq.s32 s1, $0xF;
	s4 =	sshll.u32 s5, $0x4  }
0x9: {  	_ =	strace $0x8000004A;
	s8 =	ssub.s32 $0x2, s5;
	s9 =	smul.u32 $0x138800, s5  }
0xa: {  	s5 =	sadd.s32 $0xF5800, s6;
	s13 =	sor.u32 $0x1C03, s13;
	s4 =	sor.u32 s1, s4  }
0xb: {  	s21 =	sshrl.u32 @p0 s21, $0x3;
	s10 =	sshrl.u32 s8, $0x1;
	s7 =	smul.u32 $0x4E2, s4  }
0xc: {  	s4 =	sadd.s32 $0xB5400, s6;
	s10 =	ssub.s32 s8, s10;
	s11 =	sadd.s32 s11, s9  }
0xd: {  	s8 =	sshrl.u32 s31, $0x2;
	s9 =	sshrl.u32 s9, $0x3;
	s11 =	sshrl.u32 s11, $0x3  }
0xe: {  	s22 =	sadd.s32 s8, s2;
	s9 =	sadd.s32 s12, s9;
	s10 =	smax.u32 s10, $0x1  }
0xf: {  	s7 =	sadd.s32 s7, s6;
	s8 =	sadd.s32 s12, s11;
	s9 =	sadd.s32 $0x25800, s9  }
0x10: {  	s11 =	simm.s32 $0x3;
	s12 =	simm.s32 $0x2780;
	s14 =	sshrl.u32 s22, $0x3  }
0x11: {  	s22 =	sshrl.u32 @!p0 s22, $0x3;
	s6 =	sadd.s32 $0xF200, s7;
	s7 =	sadd.s32 $0x5400, s7  }
.LBB2_1:
0x12: {  	[tilespmem:s3], [sflag:$0x3] =	stream.linear.gather [hbm4b:s6+s3], $0x2710, $0x38;
	[tilespmem:$0x1DF00] =	vst v63  }
0x13: {  	_ =	swait.ge [sflag:s11], $0x2710  }
0x14: {  	[sflag:s11] =	ssyncset.done $0x0  }
0x15: {  	[sflag:s11] =	ssyncadd.s32 $0xFFFFD8F0  }
0x16: {  	[tilespmem:s12], [sflag:$0x3] =	stream.linear.gather [hbm4b:s7+s3], $0x2710, $0x38;
	[tilespmem:$0x1DF00] =	vst v63  }
0x17: {  	_ =	swait.ge [sflag:s11], $0x2710  }
0x18: {  	[sflag:s11] =	ssyncset.done $0x0  }
0x19: {  	[sflag:s11] =	ssyncadd.s32 $0xFFFFD8F0  }
0x1a: {  	[spmem:s14], [sflag:s13] =	dma.local [hbm:s5], $0x2800  }
0x1b: {  	_ =	swait.ge [sflag:s11], $0x2800  }
0x1c: {  	[sflag:s11] =	ssyncset.done $0x0  }
0x1d: {  	[sflag:s11] =	ssyncadd.s32 $0xFFFFD800  }
0x1e: {  	[bflag:$0x0] =	sbarrier.arrive $0xFFFF  }
0x1f: {  	[tilespmem:s16], [sflag:$0x1] =	stream.indirect.gather [hbm4b:s4+s15], $0x80, s3, s15, $0xb8;
	[tilespmem:$0x1DF00] =	vst v63  }
0x20: {  	s24 =	simm.s32 $0x50  }
0x21: {  	[tilespmem:s17], [sflag:$0x2] =	stream.indirect.gather [hbm4b:s4+s15], $0x80, s24, s15, $0xb8;
	[tilespmem:$0x1DF00] =	vst v63  }
0x22: {  	_ =	swait.ge [sflag:s18], $0x2800  }
0x23: {  	[sflag:s18] =	ssyncset.done $0x0  }
0x24: {  	s29 =	simm.s32 $0x2780;
	[sflag:s18] =	ssyncadd.s32 $0xFFFFD800  }
0x25: {  	[spmem:s2] =	stream.indirect.scatter.add.f32 [tilespmem:s16], [sflag:$0x3], $0x80, s29, s15, $0xb8;
	[tilespmem:$0x1DF00] =	vst v63  }
0x26: {  	_ =	swait.ge [sflag:s11], $0x2800  }
0x27: {  	[sflag:s11] =	ssyncset.done $0x0  }
0x28: {  	s30 =	simm.s32 $0xA0;
	[sflag:s11] =	ssyncadd.s32 $0xFFFFD800  }
0x29: {  	[tilespmem:s16], [sflag:$0x1] =	stream.indirect.gather [hbm4b:s4+s15], $0x80, s30, s15, $0xb8;
	[tilespmem:$0x1DF00] =	vst v63  }
0x2a: {  	_ =	swait.ge [sflag:s19], $0x2800  }
0x2b: {  	[sflag:s19] =	ssyncset.done $0x0  }
0x2c: {  	s31 =	simm.s32 $0x27D0;
	[sflag:s19] =	ssyncadd.s32 $0xFFFFD800  }
0x2d: {  	[spmem:s2] =	stream.indirect.scatter.add.f32 [tilespmem:s17], [sflag:$0x3], $0x80, s31, s15, $0xb8;
	[tilespmem:$0x1DF00] =	vst v63  }
0x2e: {  	_ =	swait.ge [sflag:s11], $0x2800  }
0x2f: {  	s25 =	simm.s32 $0x500;
	s24 =	simm.s32 $0xA0;
	[sflag:s11] =	ssyncset.done $0x0  }
.LBB2_2:
0x30: {  	s26 =	sadd.s32 $0x50, s24  }
0x31: {  	[sflag:s11] =	ssyncadd.s32 $0xFFFFD800;
	s28 =	smov.u32 s25;
	s29 =	sadd.s32 $0x280, s25  }
0x32: {  	[tilespmem:s17], [sflag:$0x2] =	stream.indirect.gather [hbm4b:s4+s15], $0x80, s26, s15, $0xb8;
	[tilespmem:$0x1DF00] =	vst v63  }
0x33: {  	p1 =	sne.s32 s25, $0x9880;
	_ =	swait.ge [sflag:s18], $0x2800  }
0x34: {  	[sflag:s18] =	ssyncset.done $0x0  }
0x35: {  	s25 =	sadd.s32 $0x2780, s24;
	[sflag:s18] =	ssyncadd.s32 $0xFFFFD800  }
0x36: {  	[spmem:s2] =	stream.indirect.scatter.add.f32 [tilespmem:s16], [sflag:$0x3], $0x80, s25, s15, $0xb8;
	[tilespmem:$0x1DF00] =	vst v63  }
0x37: {  	_ =	swait.ge [sflag:s11], $0x2800  }
0x38: {  	[sflag:s11] =	ssyncset.done $0x0  }
0x39: {  	s25 =	sadd.s32 $0xA0, s24;
	[sflag:s11] =	ssyncadd.s32 $0xFFFFD800  }
0x3a: {  	[tilespmem:s16], [sflag:$0x1] =	stream.indirect.gather [hbm4b:s4+s15], $0x80, s25, s15, $0xb8;
	[tilespmem:$0x1DF00] =	vst v63  }
0x3b: {  	_ =	swait.ge [sflag:s19], $0x2800  }
.Ltmp0:
0x3c: {  	[sflag:s19] =	ssyncset.done $0x0;
	(pc) =	sbr.rel @p1 .LBB2_2-.Ltmp0, $4  }
0x3d: {  	s24 =	sadd.s32 $0x27D0, s24;
	[sflag:s19] =	ssyncadd.s32 $0xFFFFD800  }
0x3e: {  	[spmem:s2] =	stream.indirect.scatter.add.f32 [tilespmem:s17], [sflag:$0x3], $0x80, s24, s15, $0xb8;
	[tilespmem:$0x1DF00] =	vst v63  }
0x3f: {  	_ =	swait.ge [sflag:s11], $0x2800  }
0x40: {  	s25 =	smov.u32 s29;
	s24 =	sshra.s32 s28, $0x2;
	[sflag:s11] =	ssyncset.done $0x0  }
0x41: {  	s25 =	sadd.s32 $0x50, s24;
	[sflag:s11] =	ssyncadd.s32 $0xFFFFD800  }
0x42: {  	[tilespmem:s17], [sflag:$0x2] =	stream.indirect.gather [hbm4b:s4+s15], $0x80, s25, s15, $0xb8;
	[tilespmem:$0x1DF00] =	vst v63  }
0x43: {  	_ =	swait.ge [sflag:s18], $0x2800  }
0x44: {  	[sflag:s18] =	ssyncset.done $0x0  }
0x45: {  	s29 =	sadd.s32 $0x2780, s24;
	[sflag:s18] =	ssyncadd.s32 $0xFFFFD800  }
0x46: {  	[spmem:s2] =	stream.indirect.scatter.add.f32 [tilespmem:s16], [sflag:$0x3], $0x80, s29, s15, $0xb8;
	[tilespmem:$0x1DF00] =	vst v63  }
0x47: {  	_ =	swait.ge [sflag:s11], $0x2800  }
0x48: {  	[sflag:s11] =	ssyncset.done $0x0  }
0x49: {  	s30 =	sadd.s32 $0xA0, s24;
	[sflag:s11] =	ssyncadd.s32 $0xFFFFD800  }
0x4a: {  	[tilespmem:s16], [sflag:$0x1] =	stream.indirect.gather [hbm4b:s4+s15], $0x80, s30, s15, $0xb8;
	[tilespmem:$0x1DF00] =	vst v63  }
0x4b: {  	_ =	swait.ge [sflag:s19], $0x2800  }
0x4c: {  	[sflag:s19] =	ssyncset.done $0x0  }
0x4d: {  	s31 =	sadd.s32 $0x27D0, s24;
	[sflag:s19] =	ssyncadd.s32 $0xFFFFD800  }
0x4e: {  	[spmem:s2] =	stream.indirect.scatter.add.f32 [tilespmem:s17], [sflag:$0x3], $0x80, s31, s15, $0xb8;
	[tilespmem:$0x1DF00] =	vst v63  }
0x4f: {  	_ =	swait.ge [sflag:s11], $0x2800  }
0x50: {  	[sflag:s11] =	ssyncset.done $0x0  }
0x51: {  	[sflag:s11] =	ssyncadd.s32 $0xFFFFD800  }
0x52: {  	_ =	swait.ge [sflag:s18], $0x2800  }
0x53: {  	[sflag:s18] =	ssyncset.done $0x0  }
0x54: {  	[sflag:s18] =	ssyncadd.s32 $0xFFFFD800  }
0x55: {  	[spmem:s2] =	stream.indirect.scatter.add.f32 [tilespmem:s16], [sflag:$0x3], $0x80, s20, s15, $0xb8;
	[tilespmem:$0x1DF00] =	vst v63  }
0x56: {  	_ =	swait.ge [sflag:s11], $0x2800  }
0x57: {  	[sflag:s11] =	ssyncset.done $0x0  }
0x58: {  	[sflag:s11] =	ssyncadd.s32 $0xFFFFD800  }
0x59: {  	s24 =	simm.s32 @p0 $0x3;
	[bflag:$0x0] =	sbarrier.arrive $0xFFFF  }
0x5a: {  	[hbm:s9], [sflag:s13] =	dma.local @p0 [spmem:s21], $0x1900  }
0x5b: {  	s23 =	sadd.s32 $0x1, s23;
	_ =	swait.ge @p0 [sflag:s24], $0x1900  }
0x5c: {  	p1 =	sne.s32 s23, s10;
	[sflag:s24] =	ssyncset.done @p0 $0x0  }
.Ltmp1:
0x5d: {  	[sflag:s24] =	ssyncadd.s32 @p0 $0xFFFFE700;
	s24 =	simm.s32 @!p0 $0x3;
	(pc) =	sbr.rel @p1 .LBB2_1-.Ltmp1, $4  }
0x5e: {  	[hbm:s8], [sflag:s13] =	dma.local @!p0 [spmem:s22], $0x2800  }
0x5f: {  	_ =	swait.ge @!p0 [sflag:s24], $0x2800  }
0x60: {  	[sflag:s24] =	ssyncset.done @!p0 $0x0  }
0x61: {  	[sflag:s24] =	ssyncadd.s32 @!p0 $0xFFFFD800  }
0x62: {  	_ =	sfence.sel $0x180000  }
0x63: {  	[bflag:$0x0] =	sbarrier.arrive $0xFFFF  }
0x64: {  	p0 =	sne.s32 s1, $0x0;
	_ =	strace $0x9000004A  }
0x65: {  	s0 =	sadd.s32 @!p0 $0x100000, s0;
	[bflag:$0x2] =	sbarrier.arrive $0xFFFF  }
0x66: {  	[sflag:s0] =	ssyncadd.tile.s32 @!p0 $0x1;
	_ =	shalt  }
.Lfunc_end2:
_tile_overlayer_lowered:
.L_overlay_start_2:
0x67: {  	(tag) =	ssettag $0x2  }
0x68: {  	s0 =	rddreg [dreg:$0x0];
	s2 =	stileid.u32  }
0x69: {  	s1 =	rddreg [dreg:$0x1];
	p0 =	sne.s32 s2, $0x0  }
0x6a: {  	s3 =	rddreg [dreg:$0x2];
	[bflag:$0x3] =	sbarrier.arrive $0xFFFF;
	s2 =	simm.s32 @!p0 $0x1C03  }
0x6b: {  	[timem:s3], [sflag:s2] =	dma.local @!p0 [hbm:s0], s1  }
0x6c: {  	s0 =	simm.s32 @!p0 $0x3  }
0x6d: {  	_ =	swait.ge @!p0 [sflag:s0], s1  }
0x6e: {  	s1 =	ssub.s32 @!p0 $0x0, s1;
	[sflag:s0] =	ssyncset.done @!p0 $0x0  }
0x6f: {  	[sflag:s0] =	ssyncadd.s32 @!p0 s1  }
0x70: {  	[bflag:$0x3] =	sbarrier.arrive $0xFFFF  }
0x71: {  	_ =	shalt  }

// kernel: kernel.21.cloned.1.call-start
scs
__scs_entry_jumppad:
0x0: {  	(pc) =	sbr.rel $0x88, $3  }
0x1: {  	(tag) =	ssettag $0x0;
	lr =	simm.s32 $0x1  }
0x2: {  	[smem:$0x3F93] =	sst lr;
	_ =	strace $0xD0000000  }
0x3: {  	_ = 	snop  }
0x4: {  	_ = 	snop  }
0x5: {  	_ = 	snop  }
0x6: {  	_ = 	snop  }
0x7: {  	_ = 	snop  }
__scs_overlays_trampoline_lowered:
0x8: {  	[smem:$0x3FA2] =	sst s0  }
0x9: {  	[smem:$0x3FA3] =	sst s1  }
0xa: {  	[smem:$0x3FA4] =	sst s2  }
0xb: {  	[smem:$0x3FA5] =	sst s3  }
0xc: {  	[smem:$0x3FA6] =	sst s4  }
0xd: {  	[smem:$0x3FA7] =	sst s5  }
0xe: {  	[smem:$0x3FA8] =	sst s6  }
0xf: {  	[smem:$0x3FA9] =	sst s7  }
0x10: {  	[smem:$0x3FAA] =	sst s8  }
0x11: {  	[smem:$0x3FAB] =	sst s9;
	s0 =	simm.s32 @!p0 $0x0  }
0x12: {  	s1 =	sld [smem:$0x3F91];
	s0 =	simm.s32 @p0 $0x1  }
0x13: {  	[smem:$0x3FAC] =	sst s0;
	s0 =	simm.s32 @!p1 $0x0  }
0x14: {  	s2 =	sld [smem:$0x3F90];
	s0 =	simm.s32 @p1 $0x1  }
0x15: {  	[smem:$0x3FAD] =	sst s0;
	s0 =	simm.s32 @!p2 $0x0  }
0x16: {  	s3 =	sld [smem:$0x3FDB];
	s0 =	simm.s32 @p2 $0x1  }
0x17: {  	s4 =	simm.s32 $0x1BF5;
	[smem:$0x3FAF] =	sst s0  }
0x18: {  	s0 =	sld [smem:$0x3F92];
	_ =	swait.ge [sflag:s4], $0x0  }
0x19: {  	s7 =	sld [smem:$0x3F93]  }
0x1a: {  	s8 =	sadd.s32 $0xFFFFE003, lr  }
0x1b: {  	s9 =	sadd.s32 $0xFFFFFEF7, lr;
	s5 =	simm.s32 $0xFFFFFFFF;
	p2 =	slt.u32 s8, $0xFFFFF086  }
0x1c: {  	p1 =	slt.u32 s9, $0xF7A;
	s5 =	simm.s32 @!p2 $0x0  }
0x1d: {  	s5 =	simm.s32 @p1 $0x1;
	p0 =	seq.s32 s7, s2  }
0x1e: {  	s7 =	smul.u32 @!p0 $0xF7A, s2;
	p2 =	seq.s32 @!p0 s5, $0x0  }
0x1f: {  	s9 =	smul.u32 $0xF7A, s1;
	s8 =	simm.s32 @!p0 $0x1BF5;
	p2 =	por !p2, p0  }
0x20: {  	[sflag:s8] =	ssyncset.s32 @!p0 $0xFFFFF086;
	s6 =	sadd.s32 @!p0 s3, s7;
	s7 =	simm.s32 @!p0 $0x108  }
0x21: {  	s3 =	sadd.s32 s3, s9;
	s6 =	sadd.s32 @!p0 $0x88, s6;
	s7 =	simm.s32 @p2 $0x1082  }
0x22: {  	[simem:s7], [sflag:s8] =	dma.local @!p0 [hbm:s6], $0xF7A  }
0x23: {  	s9 =	sor.u32 $0xD0000000, s2;
	s6 =	simm.s32 $0x108;
	_ =	swait.ge @!p0 [sflag:s8], $0x0  }
0x24: {  	s3 =	sadd.s32 $0x88, s3;
	s6 =	simm.s32 @!p1 $0x1082;
	[sflag:s4] =	ssyncset.s32 $0xFFFFF086  }
0x25: {  	[simem:s6], [sflag:s4] =	dma.local [hbm:s3], $0xF7A  }
0x26: {  	[smem:$0x3F93] =	sst s1;
	(tag) =	ssettag s2;
	_ =	strace s9  }
0x27: {  	s1 =	sld [smem:$0x3FA3]  }
0x28: {  	s2 =	sld [smem:$0x3FA4]  }
0x29: {  	s4 =	sld [smem:$0x3FA6]  }
0x2a: {  	p0 =	seq.s32 s5, $0x0;
	s5 =	sld [smem:$0x3FA7]  }
0x2b: {  	s6 =	sld [smem:$0x3FA8]  }
0x2c: {  	s7 =	sld [smem:$0x3FA9]  }
0x2d: {  	s3 =	simm.s32 $0x108;
	s8 =	sld [smem:$0x3FAA]  }
0x2e: {  	s3 =	simm.s32 @!p0 $0x1082;
	s9 =	sld [smem:$0x3FAB]  }
0x2f: {  	lr =	sadd.s32 s0, s3;
	s0 =	sld [smem:$0x3FA2]  }
0x30: {  	s3 =	sld [smem:$0x3FA5]  }
0x31: {  	[smem:$0x3FAE] =	sst s10  }
0x32: {  	s10 =	sld [smem:$0x3FAC];
	_ =	sdelay $0x3  }
0x33: {  	p0 =	seq.s32 s10, $0x1;
	s10 =	sld [smem:$0x3FAE];
	_ =	sdelay $0x3  }
0x34: {  	[smem:$0x3FAE] =	sst s10  }
0x35: {  	s10 =	sld [smem:$0x3FAD];
	_ =	sdelay $0x3  }
0x36: {  	p1 =	seq.s32 s10, $0x1;
	s10 =	sld [smem:$0x3FAE];
	_ =	sdelay $0x3  }
0x37: {  	[smem:$0x3FAE] =	sst s10  }
0x38: {  	s10 =	sld [smem:$0x3FAF]  }
0x39: {  	_ = 	snop;
	(pc) =	sbr.ind lr, $3  }
0x3a: {  	_ = 	snop  }
0x3b: {  	_ = 	snop  }
0x3c: {  	p2 =	seq.s32 s10, $0x1;
	s10 =	sld [smem:$0x3FAE]  }
0x3d: {  	_ =	shalt  }
0x3e: {  	_ =	shalt  }
0x3f: {  	_ =	shalt  }
0x40: {  	_ =	shalt  }
0x41: {  	_ =	shalt  }
0x42: {  	_ =	shalt  }
0x43: {  	_ =	shalt  }
0x44: {  	_ =	shalt  }
0x45: {  	_ =	shalt  }
0x46: {  	_ =	shalt  }
0x47: {  	_ =	shalt  }
0x48: {  	_ =	shalt  }
0x49: {  	_ =	shalt  }
0x4a: {  	_ =	shalt  }
0x4b: {  	_ =	shalt  }
0x4c: {  	_ =	shalt  }
0x4d: {  	_ =	shalt  }
0x4e: {  	_ =	shalt  }
0x4f: {  	_ =	shalt  }
0x50: {  	_ =	shalt  }
0x51: {  	_ =	shalt  }
0x52: {  	_ =	shalt  }
0x53: {  	_ =	shalt  }
0x54: {  	_ =	shalt  }
0x55: {  	_ =	shalt  }
0x56: {  	_ =	shalt  }
0x57: {  	_ =	shalt  }
0x58: {  	_ =	shalt  }
0x59: {  	_ =	shalt  }
0x5a: {  	_ =	shalt  }
0x5b: {  	_ =	shalt  }
0x5c: {  	_ =	shalt  }
0x5d: {  	_ =	shalt  }
0x5e: {  	_ =	shalt  }
0x5f: {  	_ =	shalt  }
0x60: {  	_ =	shalt  }
0x61: {  	_ =	shalt  }
0x62: {  	_ =	shalt  }
0x63: {  	_ =	shalt  }
0x64: {  	_ =	shalt  }
0x65: {  	_ =	shalt  }
0x66: {  	_ =	shalt  }
0x67: {  	_ =	shalt  }
0x68: {  	_ =	shalt  }
0x69: {  	_ =	shalt  }
0x6a: {  	_ =	shalt  }
0x6b: {  	_ =	shalt  }
0x6c: {  	_ =	shalt  }
0x6d: {  	_ =	shalt  }
0x6e: {  	_ =	shalt  }
0x6f: {  	_ =	shalt  }
0x70: {  	_ =	shalt  }
0x71: {  	_ =	shalt  }
0x72: {  	_ =	shalt  }
0x73: {  	_ =	shalt  }
0x74: {  	_ =	shalt  }
0x75: {  	_ =	shalt  }
0x76: {  	_ =	shalt  }
0x77: {  	_ =	shalt  }
0x78: {  	_ =	shalt  }
0x79: {  	_ =	shalt  }
0x7a: {  	_ =	shalt  }
0x7b: {  	_ =	shalt  }
0x7c: {  	_ =	shalt  }
0x7d: {  	_ =	shalt  }
0x7e: {  	_ =	shalt  }
0x7f: {  	_ =	shalt  }
0x80: {  	_ =	shalt  }
0x81: {  	_ =	shalt  }
0x82: {  	_ =	shalt  }
0x83: {  	_ =	shalt  }
0x84: {  	_ =	shalt  }
0x85: {  	_ =	shalt  }
0x86: {  	_ =	shalt  }
0x87: {  	_ =	shalt  }
.Lfunc_end0:
.L_simem_size_0:
called_computation.2_lowered:
.L_overlay_start_0:
0x88: {  	s2 =	sld [smem:$0x3FD9]  }
0x89: {  	s3 =	sld [smem:$0x3FFE];
	_ =	sdelay $0x1  }
0x8a: {  	s1 =	srdreg.scid  }
0x8b: {  	s0 =	sand.u32 $0x1, s1  }
0x8c: {  	s16 =	sshll.u32 s0, $0xA;
	s2 =	sadd.s32 s3, s2  }
0x8d: {  	s2 =	sadd.s32 s2, s16  }
0x8e: {  	[smem:$0x3FBA] =	sst s2  }
0x8f: {  	_ = 	snop  }
0x90: {  	(tm) =	ssettm $0x1  }
0x91: {  	s17 =	sld [smem:$0x3FFB];
	_ =	sdelay $0x3  }
0x92: {  	_ =	strace s17  }
0x93: {  	s2 =	sld [smem:$0x3FFC];
	_ =	sdelay $0x3  }
0x94: {  	_ =	strace s2  }
0x95: {  	s2 =	sld [smem:$0x3FFD];
	_ =	sdelay $0x3  }
0x96: {  	_ =	strace s2  }
0x97: {  	_ =	strace $0x8FFFFFFF  }
0x98: {  	s18 =	sld [smem:$0x3FDB];
	_ =	sdelay $0x1  }
0x99: {  	s19 =	simm.s32 $_scs_section_size  }
0x9a: {  	s4 =	simm.s32 $_size__tile_overlayer_lowered;
	s5 =	simm.s32 $_tile_overlayer_lowered  }
0x9b: {  	s22 =	simm.s32 $0x1BFF;
	s21 =	sshll.u32 s5, $0x1;
	s2 =	sadd.s32 s19, s18  }
0x9c: {  	s6 =	simm.s32 $0x0;
	s20 =	sshll.u32 s4, $0x1;
	s4 =	sadd.s32 s21, s2  }
0x9d: {  	[timem:s6], [sflag:s22] =	dma.local [hbm:s4], s20  }
0x9e: {  	_ =	swait.ge [sflag:s22], s20  }
0x9f: {  	s3 =	ssub.s32 $0x0, s20;
	[sflag:s22] =	ssyncset.done $0x0  }
0xa0: {  	[sflag:s22] =	ssyncadd.s32 s3;
	_ =	sdelay $0x1  }
0xa1: {  	s23 =	simm.s32 $0x1B8B  }
0xa2: {  	_ =	swait.ge [sflag:s23], $0x1  }
0xa3: {  	[sflag:s23] =	ssyncset.done $0x0  }
0xa4: {  	s25 =	simm.s32 $0x1B8E;
	s24 =	sld [smem:$0x3FFE];
	[sflag:s23] =	ssyncadd.s32 $0xFFFFFFFF  }
0xa5: {  	s26 =	simm.s32 $execute0_lowered;
	[smem:$0x3FD2] =	sst s25  }
0xa6: {  	s4 =	sshll.u32 s26, $0x1;
	_ =	strace $0x8000004C;
	[dreg:$0x1] =	wrdreg $0xFFFFFFFF  }
0xa7: {  	s28 =	simm.s32 $_size_execute0_lowered;
	s2 =	sadd.s32 s2, s4;
	[dreg:$0x0] =	wrdreg $0x0  }
0xa8: {  	s4 =	sshll.u32 s28, $0x1;
	[dreg:$0x2] =	wrdreg s2  }
0xa9: {  	[dreg:$0x3] =	wrdreg s4  }
0xaa: {  	[dreg:$0x4] =	wrdreg $0xC0  }
0xab: {  	_ =	task [dreg:s6], $0x5FFFF  }
0xac: {  	[dreg:$0x1] =	wrdreg $0xFFFFFFFF  }
0xad: {  	[dreg:$0x0] =	wrdreg $0x60  }
0xae: {  	[dreg:$0x2] =	wrdreg s24  }
0xaf: {  	[dreg:$0x3] =	wrdreg $0x9F000  }
0xb0: {  	[dreg:$0x4] =	wrdreg $0x9  }
0xb1: {  	_ =	task.clear_ibuf [dreg:s6], $0x5FFFF;
	_ =	strace $0x9000004C  }
0xb2: {  	s29 =	simm.s32 $0x9;
	_ =	strace $0x8000004E  }
0xb3: {  	_ =	swait.ge [sflag:s29], $0x1  }
0xb4: {  	[sflag:s29] =	ssyncadd.s32 $0xFFFFFFFF  }
0xb5: {  	_ =	strace $0x9000004E  }
0xb6: {  	_ =	sfence  }
0xb7: {  	s30 =	sld [smem:$0x0];
	_ =	sdelay $0x2  }
0xb8: {  	s31 =	sshll.u32 s1, $0xD;
	s1 =	sshrl.u32 s1, $0x2  }
0xb9: {  	s3 =	sand.u32 $0x4000, s31;
	s1 =	sadd.s32 s1, s30  }
0xba: {  	s0 =	sor.u32 s3, s0;
	s1 =	sshll.u32 s1, $0x11  }
0xbb: {  	s0 =	sor.u32 s1, s0  }
0xbc: {  	s0 =	sadd.s32 $0x8F2B, s0  }
0xbd: {  	[sflag:s0] =	ssyncadd.remote.s32 $0x1  }
0xbe: {  	_ =	sfence.sel $0xFFFF  }
0xbf: {  	[dreg:$0x0] =	wrdreg $0xFFFFFFFF;
	(pc) =	sbr.abs _section_cstart, $3  }
0xc0: {  	[dreg:$0x1] =	wrdreg $0xFFFFFFFF  }
0xc1: {  	_ =	task.clear_ibuf [dreg:s6], $0x2FFFF;
	_ =	strace $0x9FFFFFFF  }
0xc2: {  	(tm) =	ssettm $0x7FFFFFFF  }
0xc3: {  	_ =	shalt  }
tec
execute0_lowered:
.L_overlay_start_1:
0x0: {  	(tag) =	ssettag $0x1  }
0x1: {  	s0 =	srdreg.scid;
	s6 =	rddreg [dreg:$0x0]  }
0x2: {  	s2 =	rddreg [dreg:$0x1];
	s1 =	stileid.u32  }
0x3: {  	s3 =	simm.s32 $0x0;
	s15 =	simm.s32 $0x50;
	s16 =	simm.s32 $0x4F00  }
0x4: {  	s17 =	simm.s32 $0x7700;
	s18 =	simm.s32 $0x1;
	s19 =	simm.s32 $0x2  }
0x5: {  	s20 =	simm.s32 $0x4E40;
	s5 =	sand.u32 $0x1, s0;
	s0 =	rddreg [dreg:$0x2]  }
0x6: {  	s23 =	simm.s32 $0x0;
	[smem:$0x7FF] =	sst s3;
	s11 =	smul.u32 $0x14000, s1  }
0x7: {  	s12 =	sadd.s32 $0xF8000, s6;
	s31 =	smul.u32 $0x50000, s1;
	s21 =	sadd.s32 $0x12C000, s2  }
0x8: {  	s13 =	sshll.u32 s1, $0x6;
	p0 =	seq.s32 s1, $0xF;
	s4 =	sshll.u32 s5, $0x4  }
0x9: {  	_ =	strace $0x8000004D;
	s8 =	ssub.s32 $0x2, s5;
	s9 =	smul.u32 $0x138800, s5  }
0xa: {  	s5 =	sadd.s32 $0xF5800, s6;
	s13 =	sor.u32 $0x1C03, s13;
	s4 =	sor.u32 s1, s4  }
0xb: {  	s21 =	sshrl.u32 @p0 s21, $0x3;
	s10 =	sshrl.u32 s8, $0x1;
	s7 =	smul.u32 $0x4E2, s4  }
0xc: {  	s4 =	sadd.s32 $0xB5400, s6;
	s10 =	ssub.s32 s8, s10;
	s11 =	sadd.s32 s11, s9  }
0xd: {  	s8 =	sshrl.u32 s31, $0x2;
	s9 =	sshrl.u32 s9, $0x3;
	s11 =	sshrl.u32 s11, $0x3  }
0xe: {  	s22 =	sadd.s32 s8, s2;
	s9 =	sadd.s32 s12, s9;
	s10 =	smax.u32 s10, $0x1  }
0xf: {  	s7 =	sadd.s32 s7, s6;
	s8 =	sadd.s32 s12, s11;
	s9 =	sadd.s32 $0x25800, s9  }
0x10: {  	s11 =	simm.s32 $0x3;
	s12 =	simm.s32 $0x2780;
	s14 =	sshrl.u32 s22, $0x3  }
0x11: {  	s22 =	sshrl.u32 @!p0 s22, $0x3;
	s6 =	sadd.s32 $0xF200, s7;
	s7 =	sadd.s32 $0x5400, s7  }
.LBB2_1:
0x12: {  	[tilespmem:s3], [sflag:$0x3] =	stream.linear.gather [hbm4b:s6+s3], $0x2710, $0x38;
	[tilespmem:$0x1DF00] =	vst v63  }
0x13: {  	_ =	swait.ge [sflag:s11], $0x2710  }
0x14: {  	[sflag:s11] =	ssyncset.done $0x0  }
0x15: {  	[sflag:s11] =	ssyncadd.s32 $0xFFFFD8F0  }
0x16: {  	[tilespmem:s12], [sflag:$0x3] =	stream.linear.gather [hbm4b:s7+s3], $0x2710, $0x38;
	[tilespmem:$0x1DF00] =	vst v63  }
0x17: {  	_ =	swait.ge [sflag:s11], $0x2710  }
0x18: {  	[sflag:s11] =	ssyncset.done $0x0  }
0x19: {  	[sflag:s11] =	ssyncadd.s32 $0xFFFFD8F0  }
0x1a: {  	[spmem:s14], [sflag:s13] =	dma.local [hbm:s5], $0x2800  }
0x1b: {  	_ =	swait.ge [sflag:s11], $0x2800  }
0x1c: {  	[sflag:s11] =	ssyncset.done $0x0  }
0x1d: {  	[sflag:s11] =	ssyncadd.s32 $0xFFFFD800  }
0x1e: {  	[bflag:$0x0] =	sbarrier.arrive $0xFFFF  }
0x1f: {  	[tilespmem:s16], [sflag:$0x1] =	stream.indirect.gather [hbm4b:s4+s15], $0x80, s3, s15, $0xb8;
	[tilespmem:$0x1DF00] =	vst v63  }
0x20: {  	s24 =	simm.s32 $0x50  }
0x21: {  	[tilespmem:s17], [sflag:$0x2] =	stream.indirect.gather [hbm4b:s4+s15], $0x80, s24, s15, $0xb8;
	[tilespmem:$0x1DF00] =	vst v63  }
0x22: {  	_ =	swait.ge [sflag:s18], $0x2800  }
0x23: {  	[sflag:s18] =	ssyncset.done $0x0  }
0x24: {  	s29 =	simm.s32 $0x2780;
	[sflag:s18] =	ssyncadd.s32 $0xFFFFD800  }
0x25: {  	[spmem:s2] =	stream.indirect.scatter.add.f32 [tilespmem:s16], [sflag:$0x3], $0x80, s29, s15, $0xb8;
	[tilespmem:$0x1DF00] =	vst v63  }
0x26: {  	_ =	swait.ge [sflag:s11], $0x2800  }
0x27: {  	[sflag:s11] =	ssyncset.done $0x0  }
0x28: {  	s30 =	simm.s32 $0xA0;
	[sflag:s11] =	ssyncadd.s32 $0xFFFFD800  }
0x29: {  	[tilespmem:s16], [sflag:$0x1] =	stream.indirect.gather [hbm4b:s4+s15], $0x80, s30, s15, $0xb8;
	[tilespmem:$0x1DF00] =	vst v63  }
0x2a: {  	_ =	swait.ge [sflag:s19], $0x2800  }
0x2b: {  	[sflag:s19] =	ssyncset.done $0x0  }
0x2c: {  	s31 =	simm.s32 $0x27D0;
	[sflag:s19] =	ssyncadd.s32 $0xFFFFD800  }
0x2d: {  	[spmem:s2] =	stream.indirect.scatter.add.f32 [tilespmem:s17], [sflag:$0x3], $0x80, s31, s15, $0xb8;
	[tilespmem:$0x1DF00] =	vst v63  }
0x2e: {  	_ =	swait.ge [sflag:s11], $0x2800  }
0x2f: {  	s25 =	simm.s32 $0x500;
	s24 =	simm.s32 $0xA0;
	[sflag:s11] =	ssyncset.done $0x0  }
.LBB2_2:
0x30: {  	s26 =	sadd.s32 $0x50, s24  }
0x31: {  	[sflag:s11] =	ssyncadd.s32 $0xFFFFD800;
	s28 =	smov.u32 s25;
	s29 =	sadd.s32 $0x280, s25  }
0x32: {  	[tilespmem:s17], [sflag:$0x2] =	stream.indirect.gather [hbm4b:s4+s15], $0x80, s26, s15, $0xb8;
	[tilespmem:$0x1DF00] =	vst v63  }
0x33: {  	p1 =	sne.s32 s25, $0x9880;
	_ =	swait.ge [sflag:s18], $0x2800  }
0x34: {  	[sflag:s18] =	ssyncset.done $0x0  }
0x35: {  	s25 =	sadd.s32 $0x2780, s24;
	[sflag:s18] =	ssyncadd.s32 $0xFFFFD800  }
0x36: {  	[spmem:s2] =	stream.indirect.scatter.add.f32 [tilespmem:s16], [sflag:$0x3], $0x80, s25, s15, $0xb8;
	[tilespmem:$0x1DF00] =	vst v63  }
0x37: {  	_ =	swait.ge [sflag:s11], $0x2800  }
0x38: {  	[sflag:s11] =	ssyncset.done $0x0  }
0x39: {  	s25 =	sadd.s32 $0xA0, s24;
	[sflag:s11] =	ssyncadd.s32 $0xFFFFD800  }
0x3a: {  	[tilespmem:s16], [sflag:$0x1] =	stream.indirect.gather [hbm4b:s4+s15], $0x80, s25, s15, $0xb8;
	[tilespmem:$0x1DF00] =	vst v63  }
0x3b: {  	_ =	swait.ge [sflag:s19], $0x2800  }
.Ltmp0:
0x3c: {  	[sflag:s19] =	ssyncset.done $0x0;
	(pc) =	sbr.rel @p1 .LBB2_2-.Ltmp0, $4  }
0x3d: {  	s24 =	sadd.s32 $0x27D0, s24;
	[sflag:s19] =	ssyncadd.s32 $0xFFFFD800  }
0x3e: {  	[spmem:s2] =	stream.indirect.scatter.add.f32 [tilespmem:s17], [sflag:$0x3], $0x80, s24, s15, $0xb8;
	[tilespmem:$0x1DF00] =	vst v63  }
0x3f: {  	_ =	swait.ge [sflag:s11], $0x2800  }
0x40: {  	s25 =	smov.u32 s29;
	s24 =	sshra.s32 s28, $0x2;
	[sflag:s11] =	ssyncset.done $0x0  }
0x41: {  	s25 =	sadd.s32 $0x50, s24;
	[sflag:s11] =	ssyncadd.s32 $0xFFFFD800  }
0x42: {  	[tilespmem:s17], [sflag:$0x2] =	stream.indirect.gather [hbm4b:s4+s15], $0x80, s25, s15, $0xb8;
	[tilespmem:$0x1DF00] =	vst v63  }
0x43: {  	_ =	swait.ge [sflag:s18], $0x2800  }
0x44: {  	[sflag:s18] =	ssyncset.done $0x0  }
0x45: {  	s29 =	sadd.s32 $0x2780, s24;
	[sflag:s18] =	ssyncadd.s32 $0xFFFFD800  }
0x46: {  	[spmem:s2] =	stream.indirect.scatter.add.f32 [tilespmem:s16], [sflag:$0x3], $0x80, s29, s15, $0xb8;
	[tilespmem:$0x1DF00] =	vst v63  }
0x47: {  	_ =	swait.ge [sflag:s11], $0x2800  }
0x48: {  	[sflag:s11] =	ssyncset.done $0x0  }
0x49: {  	s30 =	sadd.s32 $0xA0, s24;
	[sflag:s11] =	ssyncadd.s32 $0xFFFFD800  }
0x4a: {  	[tilespmem:s16], [sflag:$0x1] =	stream.indirect.gather [hbm4b:s4+s15], $0x80, s30, s15, $0xb8;
	[tilespmem:$0x1DF00] =	vst v63  }
0x4b: {  	_ =	swait.ge [sflag:s19], $0x2800  }
0x4c: {  	[sflag:s19] =	ssyncset.done $0x0  }
0x4d: {  	s31 =	sadd.s32 $0x27D0, s24;
	[sflag:s19] =	ssyncadd.s32 $0xFFFFD800  }
0x4e: {  	[spmem:s2] =	stream.indirect.scatter.add.f32 [tilespmem:s17], [sflag:$0x3], $0x80, s31, s15, $0xb8;
	[tilespmem:$0x1DF00] =	vst v63  }
0x4f: {  	_ =	swait.ge [sflag:s11], $0x2800  }
0x50: {  	[sflag:s11] =	ssyncset.done $0x0  }
0x51: {  	[sflag:s11] =	ssyncadd.s32 $0xFFFFD800  }
0x52: {  	_ =	swait.ge [sflag:s18], $0x2800  }
0x53: {  	[sflag:s18] =	ssyncset.done $0x0  }
0x54: {  	[sflag:s18] =	ssyncadd.s32 $0xFFFFD800  }
0x55: {  	[spmem:s2] =	stream.indirect.scatter.add.f32 [tilespmem:s16], [sflag:$0x3], $0x80, s20, s15, $0xb8;
	[tilespmem:$0x1DF00] =	vst v63  }
0x56: {  	_ =	swait.ge [sflag:s11], $0x2800  }
0x57: {  	[sflag:s11] =	ssyncset.done $0x0  }
0x58: {  	[sflag:s11] =	ssyncadd.s32 $0xFFFFD800  }
0x59: {  	s24 =	simm.s32 @p0 $0x3;
	[bflag:$0x0] =	sbarrier.arrive $0xFFFF  }
0x5a: {  	[hbm:s9], [sflag:s13] =	dma.local @p0 [spmem:s21], $0x1900  }
0x5b: {  	s23 =	sadd.s32 $0x1, s23;
	_ =	swait.ge @p0 [sflag:s24], $0x1900  }
0x5c: {  	p1 =	sne.s32 s23, s10;
	[sflag:s24] =	ssyncset.done @p0 $0x0  }
.Ltmp1:
0x5d: {  	[sflag:s24] =	ssyncadd.s32 @p0 $0xFFFFE700;
	s24 =	simm.s32 @!p0 $0x3;
	(pc) =	sbr.rel @p1 .LBB2_1-.Ltmp1, $4  }
0x5e: {  	[hbm:s8], [sflag:s13] =	dma.local @!p0 [spmem:s22], $0x2800  }
0x5f: {  	_ =	swait.ge @!p0 [sflag:s24], $0x2800  }
0x60: {  	[sflag:s24] =	ssyncset.done @!p0 $0x0  }
0x61: {  	[sflag:s24] =	ssyncadd.s32 @!p0 $0xFFFFD800  }
0x62: {  	_ =	sfence.sel $0x180000  }
0x63: {  	[bflag:$0x0] =	sbarrier.arrive $0xFFFF  }
0x64: {  	p0 =	sne.s32 s1, $0x0;
	_ =	strace $0x9000004D  }
0x65: {  	s0 =	sadd.s32 @!p0 $0x100000, s0;
	[bflag:$0x2] =	sbarrier.arrive $0xFFFF  }
0x66: {  	[sflag:s0] =	ssyncadd.tile.s32 @!p0 $0x1;
	_ =	shalt  }
.Lfunc_end2:
_tile_overlayer_lowered:
.L_overlay_start_2:
0x67: {  	(tag) =	ssettag $0x2  }
0x68: {  	s0 =	rddreg [dreg:$0x0];
	s2 =	stileid.u32  }
0x69: {  	s1 =	rddreg [dreg:$0x1];
	p0 =	sne.s32 s2, $0x0  }
0x6a: {  	s3 =	rddreg [dreg:$0x2];
	[bflag:$0x3] =	sbarrier.arrive $0xFFFF;
	s2 =	simm.s32 @!p0 $0x1C03  }
0x6b: {  	[timem:s3], [sflag:s2] =	dma.local @!p0 [hbm:s0], s1  }
0x6c: {  	s0 =	simm.s32 @!p0 $0x3  }
0x6d: {  	_ =	swait.ge @!p0 [sflag:s0], s1  }
0x6e: {  	s1 =	ssub.s32 @!p0 $0x0, s1;
	[sflag:s0] =	ssyncset.done @!p0 $0x0  }
0x6f: {  	[sflag:s0] =	ssyncadd.s32 @!p0 s1  }
0x70: {  	[bflag:$0x3] =	sbarrier.arrive $0xFFFF  }
0x71: {  	_ =	shalt  }

// kernel: kernel.24.cloned.1.call-start
scs
__scs_entry_jumppad:
0x0: {  	(pc) =	sbr.rel $0x88, $3  }
0x1: {  	(tag) =	ssettag $0x0;
	lr =	simm.s32 $0x1  }
0x2: {  	[smem:$0x3F93] =	sst lr;
	_ =	strace $0xD0000000  }
0x3: {  	_ = 	snop  }
0x4: {  	_ = 	snop  }
0x5: {  	_ = 	snop  }
0x6: {  	_ = 	snop  }
0x7: {  	_ = 	snop  }
__scs_overlays_trampoline_lowered:
0x8: {  	[smem:$0x3FA2] =	sst s0  }
0x9: {  	[smem:$0x3FA3] =	sst s1  }
0xa: {  	[smem:$0x3FA4] =	sst s2  }
0xb: {  	[smem:$0x3FA5] =	sst s3  }
0xc: {  	[smem:$0x3FA6] =	sst s4  }
0xd: {  	[smem:$0x3FA7] =	sst s5  }
0xe: {  	[smem:$0x3FA8] =	sst s6  }
0xf: {  	[smem:$0x3FA9] =	sst s7  }
0x10: {  	[smem:$0x3FAA] =	sst s8  }
0x11: {  	[smem:$0x3FAB] =	sst s9;
	s0 =	simm.s32 @!p0 $0x0  }
0x12: {  	s1 =	sld [smem:$0x3F91];
	s0 =	simm.s32 @p0 $0x1  }
0x13: {  	[smem:$0x3FAC] =	sst s0;
	s0 =	simm.s32 @!p1 $0x0  }
0x14: {  	s2 =	sld [smem:$0x3F90];
	s0 =	simm.s32 @p1 $0x1  }
0x15: {  	[smem:$0x3FAD] =	sst s0;
	s0 =	simm.s32 @!p2 $0x0  }
0x16: {  	s3 =	sld [smem:$0x3FDB];
	s0 =	simm.s32 @p2 $0x1  }
0x17: {  	s4 =	simm.s32 $0x1BF5;
	[smem:$0x3FAF] =	sst s0  }
0x18: {  	s0 =	sld [smem:$0x3F92];
	_ =	swait.ge [sflag:s4], $0x0  }
0x19: {  	s7 =	sld [smem:$0x3F93]  }
0x1a: {  	s8 =	sadd.s32 $0xFFFFE003, lr  }
0x1b: {  	s9 =	sadd.s32 $0xFFFFFEF7, lr;
	s5 =	simm.s32 $0xFFFFFFFF;
	p2 =	slt.u32 s8, $0xFFFFF086  }
0x1c: {  	p1 =	slt.u32 s9, $0xF7A;
	s5 =	simm.s32 @!p2 $0x0  }
0x1d: {  	s5 =	simm.s32 @p1 $0x1;
	p0 =	seq.s32 s7, s2  }
0x1e: {  	s7 =	smul.u32 @!p0 $0xF7A, s2;
	p2 =	seq.s32 @!p0 s5, $0x0  }
0x1f: {  	s9 =	smul.u32 $0xF7A, s1;
	s8 =	simm.s32 @!p0 $0x1BF5;
	p2 =	por !p2, p0  }
0x20: {  	[sflag:s8] =	ssyncset.s32 @!p0 $0xFFFFF086;
	s6 =	sadd.s32 @!p0 s3, s7;
	s7 =	simm.s32 @!p0 $0x108  }
0x21: {  	s3 =	sadd.s32 s3, s9;
	s6 =	sadd.s32 @!p0 $0x88, s6;
	s7 =	simm.s32 @p2 $0x1082  }
0x22: {  	[simem:s7], [sflag:s8] =	dma.local @!p0 [hbm:s6], $0xF7A  }
0x23: {  	s9 =	sor.u32 $0xD0000000, s2;
	s6 =	simm.s32 $0x108;
	_ =	swait.ge @!p0 [sflag:s8], $0x0  }
0x24: {  	s3 =	sadd.s32 $0x88, s3;
	s6 =	simm.s32 @!p1 $0x1082;
	[sflag:s4] =	ssyncset.s32 $0xFFFFF086  }
0x25: {  	[simem:s6], [sflag:s4] =	dma.local [hbm:s3], $0xF7A  }
0x26: {  	[smem:$0x3F93] =	sst s1;
	(tag) =	ssettag s2;
	_ =	strace s9  }
0x27: {  	s1 =	sld [smem:$0x3FA3]  }
0x28: {  	s2 =	sld [smem:$0x3FA4]  }
0x29: {  	s4 =	sld [smem:$0x3FA6]  }
0x2a: {  	p0 =	seq.s32 s5, $0x0;
	s5 =	sld [smem:$0x3FA7]  }
0x2b: {  	s6 =	sld [smem:$0x3FA8]  }
0x2c: {  	s7 =	sld [smem:$0x3FA9]  }
0x2d: {  	s3 =	simm.s32 $0x108;
	s8 =	sld [smem:$0x3FAA]  }
0x2e: {  	s3 =	simm.s32 @!p0 $0x1082;
	s9 =	sld [smem:$0x3FAB]  }
0x2f: {  	lr =	sadd.s32 s0, s3;
	s0 =	sld [smem:$0x3FA2]  }
0x30: {  	s3 =	sld [smem:$0x3FA5]  }
0x31: {  	[smem:$0x3FAE] =	sst s10  }
0x32: {  	s10 =	sld [smem:$0x3FAC];
	_ =	sdelay $0x3  }
0x33: {  	p0 =	seq.s32 s10, $0x1;
	s10 =	sld [smem:$0x3FAE];
	_ =	sdelay $0x3  }
0x34: {  	[smem:$0x3FAE] =	sst s10  }
0x35: {  	s10 =	sld [smem:$0x3FAD];
	_ =	sdelay $0x3  }
0x36: {  	p1 =	seq.s32 s10, $0x1;
	s10 =	sld [smem:$0x3FAE];
	_ =	sdelay $0x3  }
0x37: {  	[smem:$0x3FAE] =	sst s10  }
0x38: {  	s10 =	sld [smem:$0x3FAF]  }
0x39: {  	_ = 	snop;
	(pc) =	sbr.ind lr, $3  }
0x3a: {  	_ = 	snop  }
0x3b: {  	_ = 	snop  }
0x3c: {  	p2 =	seq.s32 s10, $0x1;
	s10 =	sld [smem:$0x3FAE]  }
0x3d: {  	_ =	shalt  }
0x3e: {  	_ =	shalt  }
0x3f: {  	_ =	shalt  }
0x40: {  	_ =	shalt  }
0x41: {  	_ =	shalt  }
0x42: {  	_ =	shalt  }
0x43: {  	_ =	shalt  }
0x44: {  	_ =	shalt  }
0x45: {  	_ =	shalt  }
0x46: {  	_ =	shalt  }
0x47: {  	_ =	shalt  }
0x48: {  	_ =	shalt  }
0x49: {  	_ =	shalt  }
0x4a: {  	_ =	shalt  }
0x4b: {  	_ =	shalt  }
0x4c: {  	_ =	shalt  }
0x4d: {  	_ =	shalt  }
0x4e: {  	_ =	shalt  }
0x4f: {  	_ =	shalt  }
0x50: {  	_ =	shalt  }
0x51: {  	_ =	shalt  }
0x52: {  	_ =	shalt  }
0x53: {  	_ =	shalt  }
0x54: {  	_ =	shalt  }
0x55: {  	_ =	shalt  }
0x56: {  	_ =	shalt  }
0x57: {  	_ =	shalt  }
0x58: {  	_ =	shalt  }
0x59: {  	_ =	shalt  }
0x5a: {  	_ =	shalt  }
0x5b: {  	_ =	shalt  }
0x5c: {  	_ =	shalt  }
0x5d: {  	_ =	shalt  }
0x5e: {  	_ =	shalt  }
0x5f: {  	_ =	shalt  }
0x60: {  	_ =	shalt  }
0x61: {  	_ =	shalt  }
0x62: {  	_ =	shalt  }
0x63: {  	_ =	shalt  }
0x64: {  	_ =	shalt  }
0x65: {  	_ =	shalt  }
0x66: {  	_ =	shalt  }
0x67: {  	_ =	shalt  }
0x68: {  	_ =	shalt  }
0x69: {  	_ =	shalt  }
0x6a: {  	_ =	shalt  }
0x6b: {  	_ =	shalt  }
0x6c: {  	_ =	shalt  }
0x6d: {  	_ =	shalt  }
0x6e: {  	_ =	shalt  }
0x6f: {  	_ =	shalt  }
0x70: {  	_ =	shalt  }
0x71: {  	_ =	shalt  }
0x72: {  	_ =	shalt  }
0x73: {  	_ =	shalt  }
0x74: {  	_ =	shalt  }
0x75: {  	_ =	shalt  }
0x76: {  	_ =	shalt  }
0x77: {  	_ =	shalt  }
0x78: {  	_ =	shalt  }
0x79: {  	_ =	shalt  }
0x7a: {  	_ =	shalt  }
0x7b: {  	_ =	shalt  }
0x7c: {  	_ =	shalt  }
0x7d: {  	_ =	shalt  }
0x7e: {  	_ =	shalt  }
0x7f: {  	_ =	shalt  }
0x80: {  	_ =	shalt  }
0x81: {  	_ =	shalt  }
0x82: {  	_ =	shalt  }
0x83: {  	_ =	shalt  }
0x84: {  	_ =	shalt  }
0x85: {  	_ =	shalt  }
0x86: {  	_ =	shalt  }
0x87: {  	_ =	shalt  }
.Lfunc_end0:
.L_simem_size_0:
called_computation.3_lowered:
.L_overlay_start_0:
0x88: {  	s2 =	sld [smem:$0x3FD9]  }
0x89: {  	s3 =	sld [smem:$0x3FFE];
	_ =	sdelay $0x1  }
0x8a: {  	s1 =	srdreg.scid  }
0x8b: {  	s0 =	sand.u32 $0x1, s1  }
0x8c: {  	s16 =	sshll.u32 s0, $0xA;
	s2 =	sadd.s32 s3, s2  }
0x8d: {  	s2 =	sadd.s32 s2, s16  }
0x8e: {  	[smem:$0x3FBA] =	sst s2  }
0x8f: {  	_ = 	snop  }
0x90: {  	(tm) =	ssettm $0x1  }
0x91: {  	s17 =	sld [smem:$0x3FFB];
	_ =	sdelay $0x3  }
0x92: {  	_ =	strace s17  }
0x93: {  	s2 =	sld [smem:$0x3FFC];
	_ =	sdelay $0x3  }
0x94: {  	_ =	strace s2  }
0x95: {  	s2 =	sld [smem:$0x3FFD];
	_ =	sdelay $0x3  }
0x96: {  	_ =	strace s2  }
0x97: {  	_ =	strace $0x8FFFFFFF  }
0x98: {  	s18 =	sld [smem:$0x3FDB];
	_ =	sdelay $0x1  }
0x99: {  	s19 =	simm.s32 $_scs_section_size  }
0x9a: {  	s4 =	simm.s32 $_size__tile_overlayer_lowered;
	s5 =	simm.s32 $_tile_overlayer_lowered  }
0x9b: {  	s22 =	simm.s32 $0x1BFF;
	s21 =	sshll.u32 s5, $0x1;
	s2 =	sadd.s32 s19, s18  }
0x9c: {  	s6 =	simm.s32 $0x0;
	s20 =	sshll.u32 s4, $0x1;
	s4 =	sadd.s32 s21, s2  }
0x9d: {  	[timem:s6], [sflag:s22] =	dma.local [hbm:s4], s20  }
0x9e: {  	_ =	swait.ge [sflag:s22], s20  }
0x9f: {  	s3 =	ssub.s32 $0x0, s20;
	[sflag:s22] =	ssyncset.done $0x0  }
0xa0: {  	[sflag:s22] =	ssyncadd.s32 s3;
	_ =	sdelay $0x1  }
0xa1: {  	s23 =	simm.s32 $0x1B8B  }
0xa2: {  	_ =	swait.ge [sflag:s23], $0x1  }
0xa3: {  	[sflag:s23] =	ssyncset.done $0x0  }
0xa4: {  	s25 =	simm.s32 $0x1B8E;
	s24 =	sld [smem:$0x3FFE];
	[sflag:s23] =	ssyncadd.s32 $0xFFFFFFFF  }
0xa5: {  	s26 =	simm.s32 $execute0_lowered;
	[smem:$0x3FD2] =	sst s25  }
0xa6: {  	s4 =	sshll.u32 s26, $0x1;
	_ =	strace $0x8000004F;
	[dreg:$0x1] =	wrdreg $0xFFFFFFFF  }
0xa7: {  	s28 =	simm.s32 $_size_execute0_lowered;
	s2 =	sadd.s32 s2, s4;
	[dreg:$0x0] =	wrdreg $0x0  }
0xa8: {  	s4 =	sshll.u32 s28, $0x1;
	[dreg:$0x2] =	wrdreg s2  }
0xa9: {  	[dreg:$0x3] =	wrdreg s4  }
0xaa: {  	[dreg:$0x4] =	wrdreg $0xC0  }
0xab: {  	_ =	task [dreg:s6], $0x5FFFF  }
0xac: {  	[dreg:$0x1] =	wrdreg $0xFFFFFFFF  }
0xad: {  	[dreg:$0x0] =	wrdreg $0x60  }
0xae: {  	[dreg:$0x2] =	wrdreg s24  }
0xaf: {  	[dreg:$0x3] =	wrdreg $0x9F000  }
0xb0: {  	[dreg:$0x4] =	wrdreg $0x9  }
0xb1: {  	_ =	task.clear_ibuf [dreg:s6], $0x5FFFF;
	_ =	strace $0x9000004F  }
0xb2: {  	s29 =	simm.s32 $0x9;
	_ =	strace $0x80000051  }
0xb3: {  	_ =	swait.ge [sflag:s29], $0x1  }
0xb4: {  	[sflag:s29] =	ssyncadd.s32 $0xFFFFFFFF  }
0xb5: {  	_ =	strace $0x90000051  }
0xb6: {  	_ =	sfence  }
0xb7: {  	s30 =	sld [smem:$0x0];
	_ =	sdelay $0x2  }
0xb8: {  	s31 =	sshll.u32 s1, $0xD;
	s1 =	sshrl.u32 s1, $0x2  }
0xb9: {  	s3 =	sand.u32 $0x4000, s31;
	s1 =	sadd.s32 s1, s30  }
0xba: {  	s0 =	sor.u32 s3, s0;
	s1 =	sshll.u32 s1, $0x11  }
0xbb: {  	s0 =	sor.u32 s1, s0  }
0xbc: {  	s0 =	sadd.s32 $0x8F2B, s0  }
0xbd: {  	[sflag:s0] =	ssyncadd.remote.s32 $0x1  }
0xbe: {  	_ =	sfence.sel $0xFFFF  }
0xbf: {  	[dreg:$0x0] =	wrdreg $0xFFFFFFFF;
	(pc) =	sbr.abs _section_cstart, $3  }
0xc0: {  	[dreg:$0x1] =	wrdreg $0xFFFFFFFF  }
0xc1: {  	_ =	task.clear_ibuf [dreg:s6], $0x2FFFF;
	_ =	strace $0x9FFFFFFF  }
0xc2: {  	(tm) =	ssettm $0x7FFFFFFF  }
0xc3: {  	_ =	shalt  }
tec
execute0_lowered:
.L_overlay_start_1:
0x0: {  	(tag) =	ssettag $0x1  }
0x1: {  	s0 =	srdreg.scid;
	s6 =	rddreg [dreg:$0x0]  }
0x2: {  	s2 =	rddreg [dreg:$0x1];
	s1 =	stileid.u32  }
0x3: {  	s3 =	simm.s32 $0x0;
	s15 =	simm.s32 $0x50;
	s16 =	simm.s32 $0x4F00  }
0x4: {  	s17 =	simm.s32 $0x7700;
	s18 =	simm.s32 $0x1;
	s19 =	simm.s32 $0x2  }
0x5: {  	s20 =	simm.s32 $0x4E40;
	s5 =	sand.u32 $0x1, s0;
	s0 =	rddreg [dreg:$0x2]  }
0x6: {  	s23 =	simm.s32 $0x0;
	[smem:$0x7FF] =	sst s3;
	s11 =	smul.u32 $0x14000, s1  }
0x7: {  	s12 =	sadd.s32 $0xF8000, s6;
	s31 =	smul.u32 $0x50000, s1;
	s21 =	sadd.s32 $0x12C000, s2  }
0x8: {  	s13 =	sshll.u32 s1, $0x6;
	p0 =	seq.s32 s1, $0xF;
	s4 =	sshll.u32 s5, $0x4  }
0x9: {  	_ =	strace $0x80000050;
	s8 =	ssub.s32 $0x2, s5;
	s9 =	smul.u32 $0x138800, s5  }
0xa: {  	s5 =	sadd.s32 $0xF5800, s6;
	s13 =	sor.u32 $0x1C03, s13;
	s4 =	sor.u32 s1, s4  }
0xb: {  	s21 =	sshrl.u32 @p0 s21, $0x3;
	s10 =	sshrl.u32 s8, $0x1;
	s7 =	smul.u32 $0x4E2, s4  }
0xc: {  	s4 =	sadd.s32 $0xB5400, s6;
	s10 =	ssub.s32 s8, s10;
	s11 =	sadd.s32 s11, s9  }
0xd: {  	s8 =	sshrl.u32 s31, $0x2;
	s9 =	sshrl.u32 s9, $0x3;
	s11 =	sshrl.u32 s11, $0x3  }
0xe: {  	s22 =	sadd.s32 s8, s2;
	s9 =	sadd.s32 s12, s9;
	s10 =	smax.u32 s10, $0x1  }
0xf: {  	s7 =	sadd.s32 s7, s6;
	s8 =	sadd.s32 s12, s11;
	s9 =	sadd.s32 $0x25800, s9  }
0x10: {  	s11 =	simm.s32 $0x3;
	s12 =	simm.s32 $0x2780;
	s14 =	sshrl.u32 s22, $0x3  }
0x11: {  	s22 =	sshrl.u32 @!p0 s22, $0x3;
	s6 =	sadd.s32 $0xF200, s7;
	s7 =	sadd.s32 $0x5400, s7  }
.LBB2_1:
0x12: {  	[tilespmem:s3], [sflag:$0x3] =	stream.linear.gather [hbm4b:s6+s3], $0x2710, $0x38;
	[tilespmem:$0x1DF00] =	vst v63  }
0x13: {  	_ =	swait.ge [sflag:s11], $0x2710  }
0x14: {  	[sflag:s11] =	ssyncset.done $0x0  }
0x15: {  	[sflag:s11] =	ssyncadd.s32 $0xFFFFD8F0  }
0x16: {  	[tilespmem:s12], [sflag:$0x3] =	stream.linear.gather [hbm4b:s7+s3], $0x2710, $0x38;
	[tilespmem:$0x1DF00] =	vst v63  }
0x17: {  	_ =	swait.ge [sflag:s11], $0x2710  }
0x18: {  	[sflag:s11] =	ssyncset.done $0x0  }
0x19: {  	[sflag:s11] =	ssyncadd.s32 $0xFFFFD8F0  }
0x1a: {  	[spmem:s14], [sflag:s13] =	dma.local [hbm:s5], $0x2800  }
0x1b: {  	_ =	swait.ge [sflag:s11], $0x2800  }
0x1c: {  	[sflag:s11] =	ssyncset.done $0x0  }
0x1d: {  	[sflag:s11] =	ssyncadd.s32 $0xFFFFD800  }
0x1e: {  	[bflag:$0x0] =	sbarrier.arrive $0xFFFF  }
0x1f: {  	[tilespmem:s16], [sflag:$0x1] =	stream.indirect.gather [hbm4b:s4+s15], $0x80, s3, s15, $0xb8;
	[tilespmem:$0x1DF00] =	vst v63  }
0x20: {  	s24 =	simm.s32 $0x50  }
0x21: {  	[tilespmem:s17], [sflag:$0x2] =	stream.indirect.gather [hbm4b:s4+s15], $0x80, s24, s15, $0xb8;
	[tilespmem:$0x1DF00] =	vst v63  }
0x22: {  	_ =	swait.ge [sflag:s18], $0x2800  }
0x23: {  	[sflag:s18] =	ssyncset.done $0x0  }
0x24: {  	s29 =	simm.s32 $0x2780;
	[sflag:s18] =	ssyncadd.s32 $0xFFFFD800  }
0x25: {  	[spmem:s2] =	stream.indirect.scatter.add.f32 [tilespmem:s16], [sflag:$0x3], $0x80, s29, s15, $0xb8;
	[tilespmem:$0x1DF00] =	vst v63  }
0x26: {  	_ =	swait.ge [sflag:s11], $0x2800  }
0x27: {  	[sflag:s11] =	ssyncset.done $0x0  }
0x28: {  	s30 =	simm.s32 $0xA0;
	[sflag:s11] =	ssyncadd.s32 $0xFFFFD800  }
0x29: {  	[tilespmem:s16], [sflag:$0x1] =	stream.indirect.gather [hbm4b:s4+s15], $0x80, s30, s15, $0xb8;
	[tilespmem:$0x1DF00] =	vst v63  }
0x2a: {  	_ =	swait.ge [sflag:s19], $0x2800  }
0x2b: {  	[sflag:s19] =	ssyncset.done $0x0  }
0x2c: {  	s31 =	simm.s32 $0x27D0;
	[sflag:s19] =	ssyncadd.s32 $0xFFFFD800  }
0x2d: {  	[spmem:s2] =	stream.indirect.scatter.add.f32 [tilespmem:s17], [sflag:$0x3], $0x80, s31, s15, $0xb8;
	[tilespmem:$0x1DF00] =	vst v63  }
0x2e: {  	_ =	swait.ge [sflag:s11], $0x2800  }
0x2f: {  	s25 =	simm.s32 $0x500;
	s24 =	simm.s32 $0xA0;
	[sflag:s11] =	ssyncset.done $0x0  }
.LBB2_2:
0x30: {  	s26 =	sadd.s32 $0x50, s24  }
0x31: {  	[sflag:s11] =	ssyncadd.s32 $0xFFFFD800;
	s28 =	smov.u32 s25;
	s29 =	sadd.s32 $0x280, s25  }
0x32: {  	[tilespmem:s17], [sflag:$0x2] =	stream.indirect.gather [hbm4b:s4+s15], $0x80, s26, s15, $0xb8;
	[tilespmem:$0x1DF00] =	vst v63  }
0x33: {  	p1 =	sne.s32 s25, $0x9880;
	_ =	swait.ge [sflag:s18], $0x2800  }
0x34: {  	[sflag:s18] =	ssyncset.done $0x0  }
0x35: {  	s25 =	sadd.s32 $0x2780, s24;
	[sflag:s18] =	ssyncadd.s32 $0xFFFFD800  }
0x36: {  	[spmem:s2] =	stream.indirect.scatter.add.f32 [tilespmem:s16], [sflag:$0x3], $0x80, s25, s15, $0xb8;
	[tilespmem:$0x1DF00] =	vst v63  }
0x37: {  	_ =	swait.ge [sflag:s11], $0x2800  }
0x38: {  	[sflag:s11] =	ssyncset.done $0x0  }
0x39: {  	s25 =	sadd.s32 $0xA0, s24;
	[sflag:s11] =	ssyncadd.s32 $0xFFFFD800  }
0x3a: {  	[tilespmem:s16], [sflag:$0x1] =	stream.indirect.gather [hbm4b:s4+s15], $0x80, s25, s15, $0xb8;
	[tilespmem:$0x1DF00] =	vst v63  }
0x3b: {  	_ =	swait.ge [sflag:s19], $0x2800  }
.Ltmp0:
0x3c: {  	[sflag:s19] =	ssyncset.done $0x0;
	(pc) =	sbr.rel @p1 .LBB2_2-.Ltmp0, $4  }
0x3d: {  	s24 =	sadd.s32 $0x27D0, s24;
	[sflag:s19] =	ssyncadd.s32 $0xFFFFD800  }
0x3e: {  	[spmem:s2] =	stream.indirect.scatter.add.f32 [tilespmem:s17], [sflag:$0x3], $0x80, s24, s15, $0xb8;
	[tilespmem:$0x1DF00] =	vst v63  }
0x3f: {  	_ =	swait.ge [sflag:s11], $0x2800  }
0x40: {  	s25 =	smov.u32 s29;
	s24 =	sshra.s32 s28, $0x2;
	[sflag:s11] =	ssyncset.done $0x0  }
0x41: {  	s25 =	sadd.s32 $0x50, s24;
	[sflag:s11] =	ssyncadd.s32 $0xFFFFD800  }
0x42: {  	[tilespmem:s17], [sflag:$0x2] =	stream.indirect.gather [hbm4b:s4+s15], $0x80, s25, s15, $0xb8;
	[tilespmem:$0x1DF00] =	vst v63  }
0x43: {  	_ =	swait.ge [sflag:s18], $0x2800  }
0x44: {  	[sflag:s18] =	ssyncset.done $0x0  }
0x45: {  	s29 =	sadd.s32 $0x2780, s24;
	[sflag:s18] =	ssyncadd.s32 $0xFFFFD800  }
0x46: {  	[spmem:s2] =	stream.indirect.scatter.add.f32 [tilespmem:s16], [sflag:$0x3], $0x80, s29, s15, $0xb8;
	[tilespmem:$0x1DF00] =	vst v63  }
0x47: {  	_ =	swait.ge [sflag:s11], $0x2800  }
0x48: {  	[sflag:s11] =	ssyncset.done $0x0  }
0x49: {  	s30 =	sadd.s32 $0xA0, s24;
	[sflag:s11] =	ssyncadd.s32 $0xFFFFD800  }
0x4a: {  	[tilespmem:s16], [sflag:$0x1] =	stream.indirect.gather [hbm4b:s4+s15], $0x80, s30, s15, $0xb8;
	[tilespmem:$0x1DF00] =	vst v63  }
0x4b: {  	_ =	swait.ge [sflag:s19], $0x2800  }
0x4c: {  	[sflag:s19] =	ssyncset.done $0x0  }
0x4d: {  	s31 =	sadd.s32 $0x27D0, s24;
	[sflag:s19] =	ssyncadd.s32 $0xFFFFD800  }
0x4e: {  	[spmem:s2] =	stream.indirect.scatter.add.f32 [tilespmem:s17], [sflag:$0x3], $0x80, s31, s15, $0xb8;
	[tilespmem:$0x1DF00] =	vst v63  }
0x4f: {  	_ =	swait.ge [sflag:s11], $0x2800  }
0x50: {  	[sflag:s11] =	ssyncset.done $0x0  }
0x51: {  	[sflag:s11] =	ssyncadd.s32 $0xFFFFD800  }
0x52: {  	_ =	swait.ge [sflag:s18], $0x2800  }
0x53: {  	[sflag:s18] =	ssyncset.done $0x0  }
0x54: {  	[sflag:s18] =	ssyncadd.s32 $0xFFFFD800  }
0x55: {  	[spmem:s2] =	stream.indirect.scatter.add.f32 [tilespmem:s16], [sflag:$0x3], $0x80, s20, s15, $0xb8;
	[tilespmem:$0x1DF00] =	vst v63  }
0x56: {  	_ =	swait.ge [sflag:s11], $0x2800  }
0x57: {  	[sflag:s11] =	ssyncset.done $0x0  }
0x58: {  	[sflag:s11] =	ssyncadd.s32 $0xFFFFD800  }
0x59: {  	s24 =	simm.s32 @p0 $0x3;
	[bflag:$0x0] =	sbarrier.arrive $0xFFFF  }
0x5a: {  	[hbm:s9], [sflag:s13] =	dma.local @p0 [spmem:s21], $0x1900  }
0x5b: {  	s23 =	sadd.s32 $0x1, s23;
	_ =	swait.ge @p0 [sflag:s24], $0x1900  }
0x5c: {  	p1 =	sne.s32 s23, s10;
	[sflag:s24] =	ssyncset.done @p0 $0x0  }
.Ltmp1:
0x5d: {  	[sflag:s24] =	ssyncadd.s32 @p0 $0xFFFFE700;
	s24 =	simm.s32 @!p0 $0x3;
	(pc) =	sbr.rel @p1 .LBB2_1-.Ltmp1, $4  }
0x5e: {  	[hbm:s8], [sflag:s13] =	dma.local @!p0 [spmem:s22], $0x2800  }
0x5f: {  	_ =	swait.ge @!p0 [sflag:s24], $0x2800  }
0x60: {  	[sflag:s24] =	ssyncset.done @!p0 $0x0  }
0x61: {  	[sflag:s24] =	ssyncadd.s32 @!p0 $0xFFFFD800  }
0x62: {  	_ =	sfence.sel $0x180000  }
0x63: {  	[bflag:$0x0] =	sbarrier.arrive $0xFFFF  }
0x64: {  	p0 =	sne.s32 s1, $0x0;
	_ =	strace $0x90000050  }
0x65: {  	s0 =	sadd.s32 @!p0 $0x100000, s0;
	[bflag:$0x2] =	sbarrier.arrive $0xFFFF  }
0x66: {  	[sflag:s0] =	ssyncadd.tile.s32 @!p0 $0x1;
	_ =	shalt  }
.Lfunc_end2:
_tile_overlayer_lowered:
.L_overlay_start_2:
0x67: {  	(tag) =	ssettag $0x2  }
0x68: {  	s0 =	rddreg [dreg:$0x0];
	s2 =	stileid.u32  }
0x69: {  	s1 =	rddreg [dreg:$0x1];
	p0 =	sne.s32 s2, $0x0  }
0x6a: {  	s3 =	rddreg [dreg:$0x2];
	[bflag:$0x3] =	sbarrier.arrive $0xFFFF;
	s2 =	simm.s32 @!p0 $0x1C03  }
0x6b: {  	[timem:s3], [sflag:s2] =	dma.local @!p0 [hbm:s0], s1  }
0x6c: {  	s0 =	simm.s32 @!p0 $0x3  }
0x6d: {  	_ =	swait.ge @!p0 [sflag:s0], s1  }
0x6e: {  	s1 =	ssub.s32 @!p0 $0x0, s1;
	[sflag:s0] =	ssyncset.done @!p0 $0x0  }
0x6f: {  	[sflag:s0] =	ssyncadd.s32 @!p0 s1  }
0x70: {  	[bflag:$0x3] =	sbarrier.arrive $0xFFFF  }
0x71: {  	_ =	shalt  }

// kernel: kernel.27.cloned.1.call-start
scs
__scs_entry_jumppad:
0x0: {  	(pc) =	sbr.rel $0x88, $3  }
0x1: {  	(tag) =	ssettag $0x0;
	lr =	simm.s32 $0x1  }
0x2: {  	[smem:$0x3F93] =	sst lr;
	_ =	strace $0xD0000000  }
0x3: {  	_ = 	snop  }
0x4: {  	_ = 	snop  }
0x5: {  	_ = 	snop  }
0x6: {  	_ = 	snop  }
0x7: {  	_ = 	snop  }
__scs_overlays_trampoline_lowered:
0x8: {  	[smem:$0x3FA2] =	sst s0  }
0x9: {  	[smem:$0x3FA3] =	sst s1  }
0xa: {  	[smem:$0x3FA4] =	sst s2  }
0xb: {  	[smem:$0x3FA5] =	sst s3  }
0xc: {  	[smem:$0x3FA6] =	sst s4  }
0xd: {  	[smem:$0x3FA7] =	sst s5  }
0xe: {  	[smem:$0x3FA8] =	sst s6  }
0xf: {  	[smem:$0x3FA9] =	sst s7  }
0x10: {  	[smem:$0x3FAA] =	sst s8  }
0x11: {  	[smem:$0x3FAB] =	sst s9;
	s0 =	simm.s32 @!p0 $0x0  }
0x12: {  	s1 =	sld [smem:$0x3F91];
	s0 =	simm.s32 @p0 $0x1  }
0x13: {  	[smem:$0x3FAC] =	sst s0;
	s0 =	simm.s32 @!p1 $0x0  }
0x14: {  	s2 =	sld [smem:$0x3F90];
	s0 =	simm.s32 @p1 $0x1  }
0x15: {  	[smem:$0x3FAD] =	sst s0;
	s0 =	simm.s32 @!p2 $0x0  }
0x16: {  	s3 =	sld [smem:$0x3FDB];
	s0 =	simm.s32 @p2 $0x1  }
0x17: {  	s4 =	simm.s32 $0x1BF5;
	[smem:$0x3FAF] =	sst s0  }
0x18: {  	s0 =	sld [smem:$0x3F92];
	_ =	swait.ge [sflag:s4], $0x0  }
0x19: {  	s7 =	sld [smem:$0x3F93]  }
0x1a: {  	s8 =	sadd.s32 $0xFFFFE003, lr  }
0x1b: {  	s9 =	sadd.s32 $0xFFFFFEF7, lr;
	s5 =	simm.s32 $0xFFFFFFFF;
	p2 =	slt.u32 s8, $0xFFFFF086  }
0x1c: {  	p1 =	slt.u32 s9, $0xF7A;
	s5 =	simm.s32 @!p2 $0x0  }
0x1d: {  	s5 =	simm.s32 @p1 $0x1;
	p0 =	seq.s32 s7, s2  }
0x1e: {  	s7 =	smul.u32 @!p0 $0xF7A, s2;
	p2 =	seq.s32 @!p0 s5, $0x0  }
0x1f: {  	s9 =	smul.u32 $0xF7A, s1;
	s8 =	simm.s32 @!p0 $0x1BF5;
	p2 =	por !p2, p0  }
0x20: {  	[sflag:s8] =	ssyncset.s32 @!p0 $0xFFFFF086;
	s6 =	sadd.s32 @!p0 s3, s7;
	s7 =	simm.s32 @!p0 $0x108  }
0x21: {  	s3 =	sadd.s32 s3, s9;
	s6 =	sadd.s32 @!p0 $0x88, s6;
	s7 =	simm.s32 @p2 $0x1082  }
0x22: {  	[simem:s7], [sflag:s8] =	dma.local @!p0 [hbm:s6], $0xF7A  }
0x23: {  	s9 =	sor.u32 $0xD0000000, s2;
	s6 =	simm.s32 $0x108;
	_ =	swait.ge @!p0 [sflag:s8], $0x0  }
0x24: {  	s3 =	sadd.s32 $0x88, s3;
	s6 =	simm.s32 @!p1 $0x1082;
	[sflag:s4] =	ssyncset.s32 $0xFFFFF086  }
0x25: {  	[simem:s6], [sflag:s4] =	dma.local [hbm:s3], $0xF7A  }
0x26: {  	[smem:$0x3F93] =	sst s1;
	(tag) =	ssettag s2;
	_ =	strace s9  }
0x27: {  	s1 =	sld [smem:$0x3FA3]  }
0x28: {  	s2 =	sld [smem:$0x3FA4]  }
0x29: {  	s4 =	sld [smem:$0x3FA6]  }
0x2a: {  	p0 =	seq.s32 s5, $0x0;
	s5 =	sld [smem:$0x3FA7]  }
0x2b: {  	s6 =	sld [smem:$0x3FA8]  }
0x2c: {  	s7 =	sld [smem:$0x3FA9]  }
0x2d: {  	s3 =	simm.s32 $0x108;
	s8 =	sld [smem:$0x3FAA]  }
0x2e: {  	s3 =	simm.s32 @!p0 $0x1082;
	s9 =	sld [smem:$0x3FAB]  }
0x2f: {  	lr =	sadd.s32 s0, s3;
	s0 =	sld [smem:$0x3FA2]  }
0x30: {  	s3 =	sld [smem:$0x3FA5]  }
0x31: {  	[smem:$0x3FAE] =	sst s10  }
0x32: {  	s10 =	sld [smem:$0x3FAC];
	_ =	sdelay $0x3  }
0x33: {  	p0 =	seq.s32 s10, $0x1;
	s10 =	sld [smem:$0x3FAE];
	_ =	sdelay $0x3  }
0x34: {  	[smem:$0x3FAE] =	sst s10  }
0x35: {  	s10 =	sld [smem:$0x3FAD];
	_ =	sdelay $0x3  }
0x36: {  	p1 =	seq.s32 s10, $0x1;
	s10 =	sld [smem:$0x3FAE];
	_ =	sdelay $0x3  }
0x37: {  	[smem:$0x3FAE] =	sst s10  }
0x38: {  	s10 =	sld [smem:$0x3FAF]  }
0x39: {  	_ = 	snop;
	(pc) =	sbr.ind lr, $3  }
0x3a: {  	_ = 	snop  }
0x3b: {  	_ = 	snop  }
0x3c: {  	p2 =	seq.s32 s10, $0x1;
	s10 =	sld [smem:$0x3FAE]  }
0x3d: {  	_ =	shalt  }
0x3e: {  	_ =	shalt  }
0x3f: {  	_ =	shalt  }
0x40: {  	_ =	shalt  }
0x41: {  	_ =	shalt  }
0x42: {  	_ =	shalt  }
0x43: {  	_ =	shalt  }
0x44: {  	_ =	shalt  }
0x45: {  	_ =	shalt  }
0x46: {  	_ =	shalt  }
0x47: {  	_ =	shalt  }
0x48: {  	_ =	shalt  }
0x49: {  	_ =	shalt  }
0x4a: {  	_ =	shalt  }
0x4b: {  	_ =	shalt  }
0x4c: {  	_ =	shalt  }
0x4d: {  	_ =	shalt  }
0x4e: {  	_ =	shalt  }
0x4f: {  	_ =	shalt  }
0x50: {  	_ =	shalt  }
0x51: {  	_ =	shalt  }
0x52: {  	_ =	shalt  }
0x53: {  	_ =	shalt  }
0x54: {  	_ =	shalt  }
0x55: {  	_ =	shalt  }
0x56: {  	_ =	shalt  }
0x57: {  	_ =	shalt  }
0x58: {  	_ =	shalt  }
0x59: {  	_ =	shalt  }
0x5a: {  	_ =	shalt  }
0x5b: {  	_ =	shalt  }
0x5c: {  	_ =	shalt  }
0x5d: {  	_ =	shalt  }
0x5e: {  	_ =	shalt  }
0x5f: {  	_ =	shalt  }
0x60: {  	_ =	shalt  }
0x61: {  	_ =	shalt  }
0x62: {  	_ =	shalt  }
0x63: {  	_ =	shalt  }
0x64: {  	_ =	shalt  }
0x65: {  	_ =	shalt  }
0x66: {  	_ =	shalt  }
0x67: {  	_ =	shalt  }
0x68: {  	_ =	shalt  }
0x69: {  	_ =	shalt  }
0x6a: {  	_ =	shalt  }
0x6b: {  	_ =	shalt  }
0x6c: {  	_ =	shalt  }
0x6d: {  	_ =	shalt  }
0x6e: {  	_ =	shalt  }
0x6f: {  	_ =	shalt  }
0x70: {  	_ =	shalt  }
0x71: {  	_ =	shalt  }
0x72: {  	_ =	shalt  }
0x73: {  	_ =	shalt  }
0x74: {  	_ =	shalt  }
0x75: {  	_ =	shalt  }
0x76: {  	_ =	shalt  }
0x77: {  	_ =	shalt  }
0x78: {  	_ =	shalt  }
0x79: {  	_ =	shalt  }
0x7a: {  	_ =	shalt  }
0x7b: {  	_ =	shalt  }
0x7c: {  	_ =	shalt  }
0x7d: {  	_ =	shalt  }
0x7e: {  	_ =	shalt  }
0x7f: {  	_ =	shalt  }
0x80: {  	_ =	shalt  }
0x81: {  	_ =	shalt  }
0x82: {  	_ =	shalt  }
0x83: {  	_ =	shalt  }
0x84: {  	_ =	shalt  }
0x85: {  	_ =	shalt  }
0x86: {  	_ =	shalt  }
0x87: {  	_ =	shalt  }
.Lfunc_end0:
.L_simem_size_0:
called_computation.4_lowered:
.L_overlay_start_0:
0x88: {  	s2 =	sld [smem:$0x3FD9]  }
0x89: {  	s3 =	sld [smem:$0x3FFE];
	_ =	sdelay $0x1  }
0x8a: {  	s1 =	srdreg.scid  }
0x8b: {  	s0 =	sand.u32 $0x1, s1  }
0x8c: {  	s16 =	sshll.u32 s0, $0xA;
	s2 =	sadd.s32 s3, s2  }
0x8d: {  	s2 =	sadd.s32 s2, s16  }
0x8e: {  	[smem:$0x3FBA] =	sst s2  }
0x8f: {  	_ = 	snop  }
0x90: {  	(tm) =	ssettm $0x1  }
0x91: {  	s17 =	sld [smem:$0x3FFB];
	_ =	sdelay $0x3  }
0x92: {  	_ =	strace s17  }
0x93: {  	s2 =	sld [smem:$0x3FFC];
	_ =	sdelay $0x3  }
0x94: {  	_ =	strace s2  }
0x95: {  	s2 =	sld [smem:$0x3FFD];
	_ =	sdelay $0x3  }
0x96: {  	_ =	strace s2  }
0x97: {  	_ =	strace $0x8FFFFFFF  }
0x98: {  	s18 =	sld [smem:$0x3FDB];
	_ =	sdelay $0x1  }
0x99: {  	s19 =	simm.s32 $_scs_section_size  }
0x9a: {  	s4 =	simm.s32 $_size__tile_overlayer_lowered;
	s5 =	simm.s32 $_tile_overlayer_lowered  }
0x9b: {  	s22 =	simm.s32 $0x1BFF;
	s21 =	sshll.u32 s5, $0x1;
	s2 =	sadd.s32 s19, s18  }
0x9c: {  	s6 =	simm.s32 $0x0;
	s20 =	sshll.u32 s4, $0x1;
	s4 =	sadd.s32 s21, s2  }
0x9d: {  	[timem:s6], [sflag:s22] =	dma.local [hbm:s4], s20  }
0x9e: {  	_ =	swait.ge [sflag:s22], s20  }
0x9f: {  	s3 =	ssub.s32 $0x0, s20;
	[sflag:s22] =	ssyncset.done $0x0  }
0xa0: {  	[sflag:s22] =	ssyncadd.s32 s3;
	_ =	sdelay $0x1  }
0xa1: {  	s23 =	simm.s32 $0x1B8B  }
0xa2: {  	_ =	swait.ge [sflag:s23], $0x1  }
0xa3: {  	[sflag:s23] =	ssyncset.done $0x0  }
0xa4: {  	s25 =	simm.s32 $0x1B8E;
	s24 =	sld [smem:$0x3FFE];
	[sflag:s23] =	ssyncadd.s32 $0xFFFFFFFF  }
0xa5: {  	s26 =	simm.s32 $execute0_lowered;
	[smem:$0x3FD2] =	sst s25  }
0xa6: {  	s4 =	sshll.u32 s26, $0x1;
	_ =	strace $0x80000052;
	[dreg:$0x1] =	wrdreg $0xFFFFFFFF  }
0xa7: {  	s28 =	simm.s32 $_size_execute0_lowered;
	s2 =	sadd.s32 s2, s4;
	[dreg:$0x0] =	wrdreg $0x0  }
0xa8: {  	s4 =	sshll.u32 s28, $0x1;
	[dreg:$0x2] =	wrdreg s2  }
0xa9: {  	[dreg:$0x3] =	wrdreg s4  }
0xaa: {  	[dreg:$0x4] =	wrdreg $0xC0  }
0xab: {  	_ =	task [dreg:s6], $0x5FFFF  }
0xac: {  	[dreg:$0x1] =	wrdreg $0xFFFFFFFF  }
0xad: {  	[dreg:$0x0] =	wrdreg $0x60  }
0xae: {  	[dreg:$0x2] =	wrdreg s24  }
0xaf: {  	[dreg:$0x3] =	wrdreg $0x9F000  }
0xb0: {  	[dreg:$0x4] =	wrdreg $0x9  }
0xb1: {  	_ =	task.clear_ibuf [dreg:s6], $0x5FFFF;
	_ =	strace $0x90000052  }
0xb2: {  	s29 =	simm.s32 $0x9;
	_ =	strace $0x80000054  }
0xb3: {  	_ =	swait.ge [sflag:s29], $0x1  }
0xb4: {  	[sflag:s29] =	ssyncadd.s32 $0xFFFFFFFF  }
0xb5: {  	_ =	strace $0x90000054  }
0xb6: {  	_ =	sfence  }
0xb7: {  	s30 =	sld [smem:$0x0];
	_ =	sdelay $0x2  }
0xb8: {  	s31 =	sshll.u32 s1, $0xD;
	s1 =	sshrl.u32 s1, $0x2  }
0xb9: {  	s3 =	sand.u32 $0x4000, s31;
	s1 =	sadd.s32 s1, s30  }
0xba: {  	s0 =	sor.u32 s3, s0;
	s1 =	sshll.u32 s1, $0x11  }
0xbb: {  	s0 =	sor.u32 s1, s0  }
0xbc: {  	s0 =	sadd.s32 $0x8F2B, s0  }
0xbd: {  	[sflag:s0] =	ssyncadd.remote.s32 $0x1  }
0xbe: {  	_ =	sfence.sel $0xFFFF  }
0xbf: {  	[dreg:$0x0] =	wrdreg $0xFFFFFFFF;
	(pc) =	sbr.abs _section_cstart, $3  }
0xc0: {  	[dreg:$0x1] =	wrdreg $0xFFFFFFFF  }
0xc1: {  	_ =	task.clear_ibuf [dreg:s6], $0x2FFFF;
	_ =	strace $0x9FFFFFFF  }
0xc2: {  	(tm) =	ssettm $0x7FFFFFFF  }
0xc3: {  	_ =	shalt  }
tec
execute0_lowered:
.L_overlay_start_1:
0x0: {  	(tag) =	ssettag $0x1  }
0x1: {  	s0 =	srdreg.scid;
	s6 =	rddreg [dreg:$0x0]  }
0x2: {  	s2 =	rddreg [dreg:$0x1];
	s1 =	stileid.u32  }
0x3: {  	s3 =	simm.s32 $0x0;
	s15 =	simm.s32 $0x50;
	s16 =	simm.s32 $0x4F00  }
0x4: {  	s17 =	simm.s32 $0x7700;
	s18 =	simm.s32 $0x1;
	s19 =	simm.s32 $0x2  }
0x5: {  	s20 =	simm.s32 $0x4E40;
	s5 =	sand.u32 $0x1, s0;
	s0 =	rddreg [dreg:$0x2]  }
0x6: {  	s23 =	simm.s32 $0x0;
	[smem:$0x7FF] =	sst s3;
	s11 =	smul.u32 $0x14000, s1  }
0x7: {  	s12 =	sadd.s32 $0xF8000, s6;
	s31 =	smul.u32 $0x50000, s1;
	s21 =	sadd.s32 $0x12C000, s2  }
0x8: {  	s13 =	sshll.u32 s1, $0x6;
	p0 =	seq.s32 s1, $0xF;
	s4 =	sshll.u32 s5, $0x4  }
0x9: {  	_ =	strace $0x80000053;
	s8 =	ssub.s32 $0x2, s5;
	s9 =	smul.u32 $0x138800, s5  }
0xa: {  	s5 =	sadd.s32 $0xF5800, s6;
	s13 =	sor.u32 $0x1C03, s13;
	s4 =	sor.u32 s1, s4  }
0xb: {  	s21 =	sshrl.u32 @p0 s21, $0x3;
	s10 =	sshrl.u32 s8, $0x1;
	s7 =	smul.u32 $0x4E2, s4  }
0xc: {  	s4 =	sadd.s32 $0xB5400, s6;
	s10 =	ssub.s32 s8, s10;
	s11 =	sadd.s32 s11, s9  }
0xd: {  	s8 =	sshrl.u32 s31, $0x2;
	s9 =	sshrl.u32 s9, $0x3;
	s11 =	sshrl.u32 s11, $0x3  }
0xe: {  	s22 =	sadd.s32 s8, s2;
	s9 =	sadd.s32 s12, s9;
	s10 =	smax.u32 s10, $0x1  }
0xf: {  	s7 =	sadd.s32 s7, s6;
	s8 =	sadd.s32 s12, s11;
	s9 =	sadd.s32 $0x25800, s9  }
0x10: {  	s11 =	simm.s32 $0x3;
	s12 =	simm.s32 $0x2780;
	s14 =	sshrl.u32 s22, $0x3  }
0x11: {  	s22 =	sshrl.u32 @!p0 s22, $0x3;
	s6 =	sadd.s32 $0xF200, s7;
	s7 =	sadd.s32 $0x5400, s7  }
.LBB2_1:
0x12: {  	[tilespmem:s3], [sflag:$0x3] =	stream.linear.gather [hbm4b:s6+s3], $0x2710, $0x38;
	[tilespmem:$0x1DF00] =	vst v63  }
0x13: {  	_ =	swait.ge [sflag:s11], $0x2710  }
0x14: {  	[sflag:s11] =	ssyncset.done $0x0  }
0x15: {  	[sflag:s11] =	ssyncadd.s32 $0xFFFFD8F0  }
0x16: {  	[tilespmem:s12], [sflag:$0x3] =	stream.linear.gather [hbm4b:s7+s3], $0x2710, $0x38;
	[tilespmem:$0x1DF00] =	vst v63  }
0x17: {  	_ =	swait.ge [sflag:s11], $0x2710  }
0x18: {  	[sflag:s11] =	ssyncset.done $0x0  }
0x19: {  	[sflag:s11] =	ssyncadd.s32 $0xFFFFD8F0  }
0x1a: {  	[spmem:s14], [sflag:s13] =	dma.local [hbm:s5], $0x2800  }
0x1b: {  	_ =	swait.ge [sflag:s11], $0x2800  }
0x1c: {  	[sflag:s11] =	ssyncset.done $0x0  }
0x1d: {  	[sflag:s11] =	ssyncadd.s32 $0xFFFFD800  }
0x1e: {  	[bflag:$0x0] =	sbarrier.arrive $0xFFFF  }
0x1f: {  	[tilespmem:s16], [sflag:$0x1] =	stream.indirect.gather [hbm4b:s4+s15], $0x80, s3, s15, $0xb8;
	[tilespmem:$0x1DF00] =	vst v63  }
0x20: {  	s24 =	simm.s32 $0x50  }
0x21: {  	[tilespmem:s17], [sflag:$0x2] =	stream.indirect.gather [hbm4b:s4+s15], $0x80, s24, s15, $0xb8;
	[tilespmem:$0x1DF00] =	vst v63  }
0x22: {  	_ =	swait.ge [sflag:s18], $0x2800  }
0x23: {  	[sflag:s18] =	ssyncset.done $0x0  }
0x24: {  	s29 =	simm.s32 $0x2780;
	[sflag:s18] =	ssyncadd.s32 $0xFFFFD800  }
0x25: {  	[spmem:s2] =	stream.indirect.scatter.add.f32 [tilespmem:s16], [sflag:$0x3], $0x80, s29, s15, $0xb8;
	[tilespmem:$0x1DF00] =	vst v63  }
0x26: {  	_ =	swait.ge [sflag:s11], $0x2800  }
0x27: {  	[sflag:s11] =	ssyncset.done $0x0  }
0x28: {  	s30 =	simm.s32 $0xA0;
	[sflag:s11] =	ssyncadd.s32 $0xFFFFD800  }
0x29: {  	[tilespmem:s16], [sflag:$0x1] =	stream.indirect.gather [hbm4b:s4+s15], $0x80, s30, s15, $0xb8;
	[tilespmem:$0x1DF00] =	vst v63  }
0x2a: {  	_ =	swait.ge [sflag:s19], $0x2800  }
0x2b: {  	[sflag:s19] =	ssyncset.done $0x0  }
0x2c: {  	s31 =	simm.s32 $0x27D0;
	[sflag:s19] =	ssyncadd.s32 $0xFFFFD800  }
0x2d: {  	[spmem:s2] =	stream.indirect.scatter.add.f32 [tilespmem:s17], [sflag:$0x3], $0x80, s31, s15, $0xb8;
	[tilespmem:$0x1DF00] =	vst v63  }
0x2e: {  	_ =	swait.ge [sflag:s11], $0x2800  }
0x2f: {  	s25 =	simm.s32 $0x500;
	s24 =	simm.s32 $0xA0;
	[sflag:s11] =	ssyncset.done $0x0  }
.LBB2_2:
0x30: {  	s26 =	sadd.s32 $0x50, s24  }
0x31: {  	[sflag:s11] =	ssyncadd.s32 $0xFFFFD800;
	s28 =	smov.u32 s25;
	s29 =	sadd.s32 $0x280, s25  }
0x32: {  	[tilespmem:s17], [sflag:$0x2] =	stream.indirect.gather [hbm4b:s4+s15], $0x80, s26, s15, $0xb8;
	[tilespmem:$0x1DF00] =	vst v63  }
0x33: {  	p1 =	sne.s32 s25, $0x9880;
	_ =	swait.ge [sflag:s18], $0x2800  }
0x34: {  	[sflag:s18] =	ssyncset.done $0x0  }
0x35: {  	s25 =	sadd.s32 $0x2780, s24;
	[sflag:s18] =	ssyncadd.s32 $0xFFFFD800  }
0x36: {  	[spmem:s2] =	stream.indirect.scatter.add.f32 [tilespmem:s16], [sflag:$0x3], $0x80, s25, s15, $0xb8;
	[tilespmem:$0x1DF00] =	vst v63  }
0x37: {  	_ =	swait.ge [sflag:s11], $0x2800  }
0x38: {  	[sflag:s11] =	ssyncset.done $0x0  }
0x39: {  	s25 =	sadd.s32 $0xA0, s24;
	[sflag:s11] =	ssyncadd.s32 $0xFFFFD800  }
0x3a: {  	[tilespmem:s16], [sflag:$0x1] =	stream.indirect.gather [hbm4b:s4+s15], $0x80, s25, s15, $0xb8;
	[tilespmem:$0x1DF00] =	vst v63  }
0x3b: {  	_ =	swait.ge [sflag:s19], $0x2800  }
.Ltmp0:
0x3c: {  	[sflag:s19] =	ssyncset.done $0x0;
	(pc) =	sbr.rel @p1 .LBB2_2-.Ltmp0, $4  }
0x3d: {  	s24 =	sadd.s32 $0x27D0, s24;
	[sflag:s19] =	ssyncadd.s32 $0xFFFFD800  }
0x3e: {  	[spmem:s2] =	stream.indirect.scatter.add.f32 [tilespmem:s17], [sflag:$0x3], $0x80, s24, s15, $0xb8;
	[tilespmem:$0x1DF00] =	vst v63  }
0x3f: {  	_ =	swait.ge [sflag:s11], $0x2800  }
0x40: {  	s25 =	smov.u32 s29;
	s24 =	sshra.s32 s28, $0x2;
	[sflag:s11] =	ssyncset.done $0x0  }
0x41: {  	s25 =	sadd.s32 $0x50, s24;
	[sflag:s11] =	ssyncadd.s32 $0xFFFFD800  }
0x42: {  	[tilespmem:s17], [sflag:$0x2] =	stream.indirect.gather [hbm4b:s4+s15], $0x80, s25, s15, $0xb8;
	[tilespmem:$0x1DF00] =	vst v63  }
0x43: {  	_ =	swait.ge [sflag:s18], $0x2800  }
0x44: {  	[sflag:s18] =	ssyncset.done $0x0  }
0x45: {  	s29 =	sadd.s32 $0x2780, s24;
	[sflag:s18] =	ssyncadd.s32 $0xFFFFD800  }
0x46: {  	[spmem:s2] =	stream.indirect.scatter.add.f32 [tilespmem:s16], [sflag:$0x3], $0x80, s29, s15, $0xb8;
	[tilespmem:$0x1DF00] =	vst v63  }
0x47: {  	_ =	swait.ge [sflag:s11], $0x2800  }
0x48: {  	[sflag:s11] =	ssyncset.done $0x0  }
0x49: {  	s30 =	sadd.s32 $0xA0, s24;
	[sflag:s11] =	ssyncadd.s32 $0xFFFFD800  }
0x4a: {  	[tilespmem:s16], [sflag:$0x1] =	stream.indirect.gather [hbm4b:s4+s15], $0x80, s30, s15, $0xb8;
	[tilespmem:$0x1DF00] =	vst v63  }
0x4b: {  	_ =	swait.ge [sflag:s19], $0x2800  }
0x4c: {  	[sflag:s19] =	ssyncset.done $0x0  }
0x4d: {  	s31 =	sadd.s32 $0x27D0, s24;
	[sflag:s19] =	ssyncadd.s32 $0xFFFFD800  }
0x4e: {  	[spmem:s2] =	stream.indirect.scatter.add.f32 [tilespmem:s17], [sflag:$0x3], $0x80, s31, s15, $0xb8;
	[tilespmem:$0x1DF00] =	vst v63  }
0x4f: {  	_ =	swait.ge [sflag:s11], $0x2800  }
0x50: {  	[sflag:s11] =	ssyncset.done $0x0  }
0x51: {  	[sflag:s11] =	ssyncadd.s32 $0xFFFFD800  }
0x52: {  	_ =	swait.ge [sflag:s18], $0x2800  }
0x53: {  	[sflag:s18] =	ssyncset.done $0x0  }
0x54: {  	[sflag:s18] =	ssyncadd.s32 $0xFFFFD800  }
0x55: {  	[spmem:s2] =	stream.indirect.scatter.add.f32 [tilespmem:s16], [sflag:$0x3], $0x80, s20, s15, $0xb8;
	[tilespmem:$0x1DF00] =	vst v63  }
0x56: {  	_ =	swait.ge [sflag:s11], $0x2800  }
0x57: {  	[sflag:s11] =	ssyncset.done $0x0  }
0x58: {  	[sflag:s11] =	ssyncadd.s32 $0xFFFFD800  }
0x59: {  	s24 =	simm.s32 @p0 $0x3;
	[bflag:$0x0] =	sbarrier.arrive $0xFFFF  }
0x5a: {  	[hbm:s9], [sflag:s13] =	dma.local @p0 [spmem:s21], $0x1900  }
0x5b: {  	s23 =	sadd.s32 $0x1, s23;
	_ =	swait.ge @p0 [sflag:s24], $0x1900  }
0x5c: {  	p1 =	sne.s32 s23, s10;
	[sflag:s24] =	ssyncset.done @p0 $0x0  }
.Ltmp1:
0x5d: {  	[sflag:s24] =	ssyncadd.s32 @p0 $0xFFFFE700;
	s24 =	simm.s32 @!p0 $0x3;
	(pc) =	sbr.rel @p1 .LBB2_1-.Ltmp1, $4  }
0x5e: {  	[hbm:s8], [sflag:s13] =	dma.local @!p0 [spmem:s22], $0x2800  }
0x5f: {  	_ =	swait.ge @!p0 [sflag:s24], $0x2800  }
0x60: {  	[sflag:s24] =	ssyncset.done @!p0 $0x0  }
0x61: {  	[sflag:s24] =	ssyncadd.s32 @!p0 $0xFFFFD800  }
0x62: {  	_ =	sfence.sel $0x180000  }
0x63: {  	[bflag:$0x0] =	sbarrier.arrive $0xFFFF  }
0x64: {  	p0 =	sne.s32 s1, $0x0;
	_ =	strace $0x90000053  }
0x65: {  	s0 =	sadd.s32 @!p0 $0x100000, s0;
	[bflag:$0x2] =	sbarrier.arrive $0xFFFF  }
0x66: {  	[sflag:s0] =	ssyncadd.tile.s32 @!p0 $0x1;
	_ =	shalt  }
.Lfunc_end2:
_tile_overlayer_lowered:
.L_overlay_start_2:
0x67: {  	(tag) =	ssettag $0x2  }
0x68: {  	s0 =	rddreg [dreg:$0x0];
	s2 =	stileid.u32  }
0x69: {  	s1 =	rddreg [dreg:$0x1];
	p0 =	sne.s32 s2, $0x0  }
0x6a: {  	s3 =	rddreg [dreg:$0x2];
	[bflag:$0x3] =	sbarrier.arrive $0xFFFF;
	s2 =	simm.s32 @!p0 $0x1C03  }
0x6b: {  	[timem:s3], [sflag:s2] =	dma.local @!p0 [hbm:s0], s1  }
0x6c: {  	s0 =	simm.s32 @!p0 $0x3  }
0x6d: {  	_ =	swait.ge @!p0 [sflag:s0], s1  }
0x6e: {  	s1 =	ssub.s32 @!p0 $0x0, s1;
	[sflag:s0] =	ssyncset.done @!p0 $0x0  }
0x6f: {  	[sflag:s0] =	ssyncadd.s32 @!p0 s1  }
0x70: {  	[bflag:$0x3] =	sbarrier.arrive $0xFFFF  }
0x71: {  	_ =	shalt  }

// kernel: kernel.30.cloned.1.call-start
scs
__scs_entry_jumppad:
0x0: {  	(pc) =	sbr.rel $0x88, $3  }
0x1: {  	(tag) =	ssettag $0x0;
	lr =	simm.s32 $0x1  }
0x2: {  	[smem:$0x3F93] =	sst lr;
	_ =	strace $0xD0000000  }
0x3: {  	_ = 	snop  }
0x4: {  	_ = 	snop  }
0x5: {  	_ = 	snop  }
0x6: {  	_ = 	snop  }
0x7: {  	_ = 	snop  }
__scs_overlays_trampoline_lowered:
0x8: {  	[smem:$0x3FA2] =	sst s0  }
0x9: {  	[smem:$0x3FA3] =	sst s1  }
0xa: {  	[smem:$0x3FA4] =	sst s2  }
0xb: {  	[smem:$0x3FA5] =	sst s3  }
0xc: {  	[smem:$0x3FA6] =	sst s4  }
0xd: {  	[smem:$0x3FA7] =	sst s5  }
0xe: {  	[smem:$0x3FA8] =	sst s6  }
0xf: {  	[smem:$0x3FA9] =	sst s7  }
0x10: {  	[smem:$0x3FAA] =	sst s8  }
0x11: {  	[smem:$0x3FAB] =	sst s9;
	s0 =	simm.s32 @!p0 $0x0  }
0x12: {  	s1 =	sld [smem:$0x3F91];
	s0 =	simm.s32 @p0 $0x1  }
0x13: {  	[smem:$0x3FAC] =	sst s0;
	s0 =	simm.s32 @!p1 $0x0  }
0x14: {  	s2 =	sld [smem:$0x3F90];
	s0 =	simm.s32 @p1 $0x1  }
0x15: {  	[smem:$0x3FAD] =	sst s0;
	s0 =	simm.s32 @!p2 $0x0  }
0x16: {  	s3 =	sld [smem:$0x3FDB];
	s0 =	simm.s32 @p2 $0x1  }
0x17: {  	s4 =	simm.s32 $0x1BF5;
	[smem:$0x3FAF] =	sst s0  }
0x18: {  	s0 =	sld [smem:$0x3F92];
	_ =	swait.ge [sflag:s4], $0x0  }
0x19: {  	s7 =	sld [smem:$0x3F93]  }
0x1a: {  	s8 =	sadd.s32 $0xFFFFE003, lr  }
0x1b: {  	s9 =	sadd.s32 $0xFFFFFEF7, lr;
	s5 =	simm.s32 $0xFFFFFFFF;
	p2 =	slt.u32 s8, $0xFFFFF086  }
0x1c: {  	p1 =	slt.u32 s9, $0xF7A;
	s5 =	simm.s32 @!p2 $0x0  }
0x1d: {  	s5 =	simm.s32 @p1 $0x1;
	p0 =	seq.s32 s7, s2  }
0x1e: {  	s7 =	smul.u32 @!p0 $0xF7A, s2;
	p2 =	seq.s32 @!p0 s5, $0x0  }
0x1f: {  	s9 =	smul.u32 $0xF7A, s1;
	s8 =	simm.s32 @!p0 $0x1BF5;
	p2 =	por !p2, p0  }
0x20: {  	[sflag:s8] =	ssyncset.s32 @!p0 $0xFFFFF086;
	s6 =	sadd.s32 @!p0 s3, s7;
	s7 =	simm.s32 @!p0 $0x108  }
0x21: {  	s3 =	sadd.s32 s3, s9;
	s6 =	sadd.s32 @!p0 $0x88, s6;
	s7 =	simm.s32 @p2 $0x1082  }
0x22: {  	[simem:s7], [sflag:s8] =	dma.local @!p0 [hbm:s6], $0xF7A  }
0x23: {  	s9 =	sor.u32 $0xD0000000, s2;
	s6 =	simm.s32 $0x108;
	_ =	swait.ge @!p0 [sflag:s8], $0x0  }
0x24: {  	s3 =	sadd.s32 $0x88, s3;
	s6 =	simm.s32 @!p1 $0x1082;
	[sflag:s4] =	ssyncset.s32 $0xFFFFF086  }
0x25: {  	[simem:s6], [sflag:s4] =	dma.local [hbm:s3], $0xF7A  }
0x26: {  	[smem:$0x3F93] =	sst s1;
	(tag) =	ssettag s2;
	_ =	strace s9  }
0x27: {  	s1 =	sld [smem:$0x3FA3]  }
0x28: {  	s2 =	sld [smem:$0x3FA4]  }
0x29: {  	s4 =	sld [smem:$0x3FA6]  }
0x2a: {  	p0 =	seq.s32 s5, $0x0;
	s5 =	sld [smem:$0x3FA7]  }
0x2b: {  	s6 =	sld [smem:$0x3FA8]  }
0x2c: {  	s7 =	sld [smem:$0x3FA9]  }
0x2d: {  	s3 =	simm.s32 $0x108;
	s8 =	sld [smem:$0x3FAA]  }
0x2e: {  	s3 =	simm.s32 @!p0 $0x1082;
	s9 =	sld [smem:$0x3FAB]  }
0x2f: {  	lr =	sadd.s32 s0, s3;
	s0 =	sld [smem:$0x3FA2]  }
0x30: {  	s3 =	sld [smem:$0x3FA5]  }
0x31: {  	[smem:$0x3FAE] =	sst s10  }
0x32: {  	s10 =	sld [smem:$0x3FAC];
	_ =	sdelay $0x3  }
0x33: {  	p0 =	seq.s32 s10, $0x1;
	s10 =	sld [smem:$0x3FAE];
	_ =	sdelay $0x3  }
0x34: {  	[smem:$0x3FAE] =	sst s10  }
0x35: {  	s10 =	sld [smem:$0x3FAD];
	_ =	sdelay $0x3  }
0x36: {  	p1 =	seq.s32 s10, $0x1;
	s10 =	sld [smem:$0x3FAE];
	_ =	sdelay $0x3  }
0x37: {  	[smem:$0x3FAE] =	sst s10  }
0x38: {  	s10 =	sld [smem:$0x3FAF]  }
0x39: {  	_ = 	snop;
	(pc) =	sbr.ind lr, $3  }
0x3a: {  	_ = 	snop  }
0x3b: {  	_ = 	snop  }
0x3c: {  	p2 =	seq.s32 s10, $0x1;
	s10 =	sld [smem:$0x3FAE]  }
0x3d: {  	_ =	shalt  }
0x3e: {  	_ =	shalt  }
0x3f: {  	_ =	shalt  }
0x40: {  	_ =	shalt  }
0x41: {  	_ =	shalt  }
0x42: {  	_ =	shalt  }
0x43: {  	_ =	shalt  }
0x44: {  	_ =	shalt  }
0x45: {  	_ =	shalt  }
0x46: {  	_ =	shalt  }
0x47: {  	_ =	shalt  }
0x48: {  	_ =	shalt  }
0x49: {  	_ =	shalt  }
0x4a: {  	_ =	shalt  }
0x4b: {  	_ =	shalt  }
0x4c: {  	_ =	shalt  }
0x4d: {  	_ =	shalt  }
0x4e: {  	_ =	shalt  }
0x4f: {  	_ =	shalt  }
0x50: {  	_ =	shalt  }
0x51: {  	_ =	shalt  }
0x52: {  	_ =	shalt  }
0x53: {  	_ =	shalt  }
0x54: {  	_ =	shalt  }
0x55: {  	_ =	shalt  }
0x56: {  	_ =	shalt  }
0x57: {  	_ =	shalt  }
0x58: {  	_ =	shalt  }
0x59: {  	_ =	shalt  }
0x5a: {  	_ =	shalt  }
0x5b: {  	_ =	shalt  }
0x5c: {  	_ =	shalt  }
0x5d: {  	_ =	shalt  }
0x5e: {  	_ =	shalt  }
0x5f: {  	_ =	shalt  }
0x60: {  	_ =	shalt  }
0x61: {  	_ =	shalt  }
0x62: {  	_ =	shalt  }
0x63: {  	_ =	shalt  }
0x64: {  	_ =	shalt  }
0x65: {  	_ =	shalt  }
0x66: {  	_ =	shalt  }
0x67: {  	_ =	shalt  }
0x68: {  	_ =	shalt  }
0x69: {  	_ =	shalt  }
0x6a: {  	_ =	shalt  }
0x6b: {  	_ =	shalt  }
0x6c: {  	_ =	shalt  }
0x6d: {  	_ =	shalt  }
0x6e: {  	_ =	shalt  }
0x6f: {  	_ =	shalt  }
0x70: {  	_ =	shalt  }
0x71: {  	_ =	shalt  }
0x72: {  	_ =	shalt  }
0x73: {  	_ =	shalt  }
0x74: {  	_ =	shalt  }
0x75: {  	_ =	shalt  }
0x76: {  	_ =	shalt  }
0x77: {  	_ =	shalt  }
0x78: {  	_ =	shalt  }
0x79: {  	_ =	shalt  }
0x7a: {  	_ =	shalt  }
0x7b: {  	_ =	shalt  }
0x7c: {  	_ =	shalt  }
0x7d: {  	_ =	shalt  }
0x7e: {  	_ =	shalt  }
0x7f: {  	_ =	shalt  }
0x80: {  	_ =	shalt  }
0x81: {  	_ =	shalt  }
0x82: {  	_ =	shalt  }
0x83: {  	_ =	shalt  }
0x84: {  	_ =	shalt  }
0x85: {  	_ =	shalt  }
0x86: {  	_ =	shalt  }
0x87: {  	_ =	shalt  }
.Lfunc_end0:
.L_simem_size_0:
called_computation.5_lowered:
.L_overlay_start_0:
0x88: {  	s2 =	sld [smem:$0x3FD9]  }
0x89: {  	s3 =	sld [smem:$0x3FFE];
	_ =	sdelay $0x1  }
0x8a: {  	s1 =	srdreg.scid  }
0x8b: {  	s0 =	sand.u32 $0x1, s1  }
0x8c: {  	s16 =	sshll.u32 s0, $0xA;
	s2 =	sadd.s32 s3, s2  }
0x8d: {  	s2 =	sadd.s32 s2, s16  }
0x8e: {  	[smem:$0x3FBA] =	sst s2  }
0x8f: {  	_ = 	snop  }
0x90: {  	(tm) =	ssettm $0x1  }
0x91: {  	s17 =	sld [smem:$0x3FFB];
	_ =	sdelay $0x3  }
0x92: {  	_ =	strace s17  }
0x93: {  	s2 =	sld [smem:$0x3FFC];
	_ =	sdelay $0x3  }
0x94: {  	_ =	strace s2  }
0x95: {  	s2 =	sld [smem:$0x3FFD];
	_ =	sdelay $0x3  }
0x96: {  	_ =	strace s2  }
0x97: {  	_ =	strace $0x8FFFFFFF  }
0x98: {  	s18 =	sld [smem:$0x3FDB];
	_ =	sdelay $0x1  }
0x99: {  	s19 =	simm.s32 $_scs_section_size  }
0x9a: {  	s4 =	simm.s32 $_size__tile_overlayer_lowered;
	s5 =	simm.s32 $_tile_overlayer_lowered  }
0x9b: {  	s22 =	simm.s32 $0x1BFF;
	s21 =	sshll.u32 s5, $0x1;
	s2 =	sadd.s32 s19, s18  }
0x9c: {  	s6 =	simm.s32 $0x0;
	s20 =	sshll.u32 s4, $0x1;
	s4 =	sadd.s32 s21, s2  }
0x9d: {  	[timem:s6], [sflag:s22] =	dma.local [hbm:s4], s20  }
0x9e: {  	_ =	swait.ge [sflag:s22], s20  }
0x9f: {  	s3 =	ssub.s32 $0x0, s20;
	[sflag:s22] =	ssyncset.done $0x0  }
0xa0: {  	[sflag:s22] =	ssyncadd.s32 s3;
	_ =	sdelay $0x1  }
0xa1: {  	s23 =	simm.s32 $0x1B8B  }
0xa2: {  	_ =	swait.ge [sflag:s23], $0x1  }
0xa3: {  	[sflag:s23] =	ssyncset.done $0x0  }
0xa4: {  	s25 =	simm.s32 $0x1B8E;
	s24 =	sld [smem:$0x3FFE];
	[sflag:s23] =	ssyncadd.s32 $0xFFFFFFFF  }
0xa5: {  	s26 =	simm.s32 $execute0_lowered;
	[smem:$0x3FD2] =	sst s25  }
0xa6: {  	s4 =	sshll.u32 s26, $0x1;
	_ =	strace $0x80000055;
	[dreg:$0x1] =	wrdreg $0xFFFFFFFF  }
0xa7: {  	s28 =	simm.s32 $_size_execute0_lowered;
	s2 =	sadd.s32 s2, s4;
	[dreg:$0x0] =	wrdreg $0x0  }
0xa8: {  	s4 =	sshll.u32 s28, $0x1;
	[dreg:$0x2] =	wrdreg s2  }
0xa9: {  	[dreg:$0x3] =	wrdreg s4  }
0xaa: {  	[dreg:$0x4] =	wrdreg $0xC0  }
0xab: {  	_ =	task [dreg:s6], $0x5FFFF  }
0xac: {  	[dreg:$0x1] =	wrdreg $0xFFFFFFFF  }
0xad: {  	[dreg:$0x0] =	wrdreg $0x60  }
0xae: {  	[dreg:$0x2] =	wrdreg s24  }
0xaf: {  	[dreg:$0x3] =	wrdreg $0x9F000  }
0xb0: {  	[dreg:$0x4] =	wrdreg $0x9  }
0xb1: {  	_ =	task.clear_ibuf [dreg:s6], $0x5FFFF;
	_ =	strace $0x90000055  }
0xb2: {  	s29 =	simm.s32 $0x9;
	_ =	strace $0x80000057  }
0xb3: {  	_ =	swait.ge [sflag:s29], $0x1  }
0xb4: {  	[sflag:s29] =	ssyncadd.s32 $0xFFFFFFFF  }
0xb5: {  	_ =	strace $0x90000057  }
0xb6: {  	_ =	sfence  }
0xb7: {  	s30 =	sld [smem:$0x0];
	_ =	sdelay $0x2  }
0xb8: {  	s31 =	sshll.u32 s1, $0xD;
	s1 =	sshrl.u32 s1, $0x2  }
0xb9: {  	s3 =	sand.u32 $0x4000, s31;
	s1 =	sadd.s32 s1, s30  }
0xba: {  	s0 =	sor.u32 s3, s0;
	s1 =	sshll.u32 s1, $0x11  }
0xbb: {  	s0 =	sor.u32 s1, s0  }
0xbc: {  	s0 =	sadd.s32 $0x8F2B, s0  }
0xbd: {  	[sflag:s0] =	ssyncadd.remote.s32 $0x1  }
0xbe: {  	_ =	sfence.sel $0xFFFF  }
0xbf: {  	[dreg:$0x0] =	wrdreg $0xFFFFFFFF;
	(pc) =	sbr.abs _section_cstart, $3  }
0xc0: {  	[dreg:$0x1] =	wrdreg $0xFFFFFFFF  }
0xc1: {  	_ =	task.clear_ibuf [dreg:s6], $0x2FFFF;
	_ =	strace $0x9FFFFFFF  }
0xc2: {  	(tm) =	ssettm $0x7FFFFFFF  }
0xc3: {  	_ =	shalt  }
tec
execute0_lowered:
.L_overlay_start_1:
0x0: {  	(tag) =	ssettag $0x1  }
0x1: {  	s0 =	srdreg.scid;
	s6 =	rddreg [dreg:$0x0]  }
0x2: {  	s2 =	rddreg [dreg:$0x1];
	s1 =	stileid.u32  }
0x3: {  	s3 =	simm.s32 $0x0;
	s15 =	simm.s32 $0x50;
	s16 =	simm.s32 $0x4F00  }
0x4: {  	s17 =	simm.s32 $0x7700;
	s18 =	simm.s32 $0x1;
	s19 =	simm.s32 $0x2  }
0x5: {  	s20 =	simm.s32 $0x4E40;
	s5 =	sand.u32 $0x1, s0;
	s0 =	rddreg [dreg:$0x2]  }
0x6: {  	s23 =	simm.s32 $0x0;
	[smem:$0x7FF] =	sst s3;
	s11 =	smul.u32 $0x14000, s1  }
0x7: {  	s12 =	sadd.s32 $0xF8000, s6;
	s31 =	smul.u32 $0x50000, s1;
	s21 =	sadd.s32 $0x12C000, s2  }
0x8: {  	s13 =	sshll.u32 s1, $0x6;
	p0 =	seq.s32 s1, $0xF;
	s4 =	sshll.u32 s5, $0x4  }
0x9: {  	_ =	strace $0x80000056;
	s8 =	ssub.s32 $0x2, s5;
	s9 =	smul.u32 $0x138800, s5  }
0xa: {  	s5 =	sadd.s32 $0xF5800, s6;
	s13 =	sor.u32 $0x1C03, s13;
	s4 =	sor.u32 s1, s4  }
0xb: {  	s21 =	sshrl.u32 @p0 s21, $0x3;
	s10 =	sshrl.u32 s8, $0x1;
	s7 =	smul.u32 $0x4E2, s4  }
0xc: {  	s4 =	sadd.s32 $0xB5400, s6;
	s10 =	ssub.s32 s8, s10;
	s11 =	sadd.s32 s11, s9  }
0xd: {  	s8 =	sshrl.u32 s31, $0x2;
	s9 =	sshrl.u32 s9, $0x3;
	s11 =	sshrl.u32 s11, $0x3  }
0xe: {  	s22 =	sadd.s32 s8, s2;
	s9 =	sadd.s32 s12, s9;
	s10 =	smax.u32 s10, $0x1  }
0xf: {  	s7 =	sadd.s32 s7, s6;
	s8 =	sadd.s32 s12, s11;
	s9 =	sadd.s32 $0x25800, s9  }
0x10: {  	s11 =	simm.s32 $0x3;
	s12 =	simm.s32 $0x2780;
	s14 =	sshrl.u32 s22, $0x3  }
0x11: {  	s22 =	sshrl.u32 @!p0 s22, $0x3;
	s6 =	sadd.s32 $0xF200, s7;
	s7 =	sadd.s32 $0x5400, s7  }
.LBB2_1:
0x12: {  	[tilespmem:s3], [sflag:$0x3] =	stream.linear.gather [hbm4b:s6+s3], $0x2710, $0x38;
	[tilespmem:$0x1DF00] =	vst v63  }
0x13: {  	_ =	swait.ge [sflag:s11], $0x2710  }
0x14: {  	[sflag:s11] =	ssyncset.done $0x0  }
0x15: {  	[sflag:s11] =	ssyncadd.s32 $0xFFFFD8F0  }
0x16: {  	[tilespmem:s12], [sflag:$0x3] =	stream.linear.gather [hbm4b:s7+s3], $0x2710, $0x38;
	[tilespmem:$0x1DF00] =	vst v63  }
0x17: {  	_ =	swait.ge [sflag:s11], $0x2710  }
0x18: {  	[sflag:s11] =	ssyncset.done $0x0  }
0x19: {  	[sflag:s11] =	ssyncadd.s32 $0xFFFFD8F0  }
0x1a: {  	[spmem:s14], [sflag:s13] =	dma.local [hbm:s5], $0x2800  }
0x1b: {  	_ =	swait.ge [sflag:s11], $0x2800  }
0x1c: {  	[sflag:s11] =	ssyncset.done $0x0  }
0x1d: {  	[sflag:s11] =	ssyncadd.s32 $0xFFFFD800  }
0x1e: {  	[bflag:$0x0] =	sbarrier.arrive $0xFFFF  }
0x1f: {  	[tilespmem:s16], [sflag:$0x1] =	stream.indirect.gather [hbm4b:s4+s15], $0x80, s3, s15, $0xb8;
	[tilespmem:$0x1DF00] =	vst v63  }
0x20: {  	s24 =	simm.s32 $0x50  }
0x21: {  	[tilespmem:s17], [sflag:$0x2] =	stream.indirect.gather [hbm4b:s4+s15], $0x80, s24, s15, $0xb8;
	[tilespmem:$0x1DF00] =	vst v63  }
0x22: {  	_ =	swait.ge [sflag:s18], $0x2800  }
0x23: {  	[sflag:s18] =	ssyncset.done $0x0  }
0x24: {  	s29 =	simm.s32 $0x2780;
	[sflag:s18] =	ssyncadd.s32 $0xFFFFD800  }
0x25: {  	[spmem:s2] =	stream.indirect.scatter.add.f32 [tilespmem:s16], [sflag:$0x3], $0x80, s29, s15, $0xb8;
	[tilespmem:$0x1DF00] =	vst v63  }
0x26: {  	_ =	swait.ge [sflag:s11], $0x2800  }
0x27: {  	[sflag:s11] =	ssyncset.done $0x0  }
0x28: {  	s30 =	simm.s32 $0xA0;
	[sflag:s11] =	ssyncadd.s32 $0xFFFFD800  }
0x29: {  	[tilespmem:s16], [sflag:$0x1] =	stream.indirect.gather [hbm4b:s4+s15], $0x80, s30, s15, $0xb8;
	[tilespmem:$0x1DF00] =	vst v63  }
0x2a: {  	_ =	swait.ge [sflag:s19], $0x2800  }
0x2b: {  	[sflag:s19] =	ssyncset.done $0x0  }
0x2c: {  	s31 =	simm.s32 $0x27D0;
	[sflag:s19] =	ssyncadd.s32 $0xFFFFD800  }
0x2d: {  	[spmem:s2] =	stream.indirect.scatter.add.f32 [tilespmem:s17], [sflag:$0x3], $0x80, s31, s15, $0xb8;
	[tilespmem:$0x1DF00] =	vst v63  }
0x2e: {  	_ =	swait.ge [sflag:s11], $0x2800  }
0x2f: {  	s25 =	simm.s32 $0x500;
	s24 =	simm.s32 $0xA0;
	[sflag:s11] =	ssyncset.done $0x0  }
.LBB2_2:
0x30: {  	s26 =	sadd.s32 $0x50, s24  }
0x31: {  	[sflag:s11] =	ssyncadd.s32 $0xFFFFD800;
	s28 =	smov.u32 s25;
	s29 =	sadd.s32 $0x280, s25  }
0x32: {  	[tilespmem:s17], [sflag:$0x2] =	stream.indirect.gather [hbm4b:s4+s15], $0x80, s26, s15, $0xb8;
	[tilespmem:$0x1DF00] =	vst v63  }
0x33: {  	p1 =	sne.s32 s25, $0x9880;
	_ =	swait.ge [sflag:s18], $0x2800  }
0x34: {  	[sflag:s18] =	ssyncset.done $0x0  }
0x35: {  	s25 =	sadd.s32 $0x2780, s24;
	[sflag:s18] =	ssyncadd.s32 $0xFFFFD800  }
0x36: {  	[spmem:s2] =	stream.indirect.scatter.add.f32 [tilespmem:s16], [sflag:$0x3], $0x80, s25, s15, $0xb8;
	[tilespmem:$0x1DF00] =	vst v63  }
0x37: {  	_ =	swait.ge [sflag:s11], $0x2800  }
0x38: {  	[sflag:s11] =	ssyncset.done $0x0  }
0x39: {  	s25 =	sadd.s32 $0xA0, s24;
	[sflag:s11] =	ssyncadd.s32 $0xFFFFD800  }
0x3a: {  	[tilespmem:s16], [sflag:$0x1] =	stream.indirect.gather [hbm4b:s4+s15], $0x80, s25, s15, $0xb8;
	[tilespmem:$0x1DF00] =	vst v63  }
0x3b: {  	_ =	swait.ge [sflag:s19], $0x2800  }
.Ltmp0:
0x3c: {  	[sflag:s19] =	ssyncset.done $0x0;
	(pc) =	sbr.rel @p1 .LBB2_2-.Ltmp0, $4  }
0x3d: {  	s24 =	sadd.s32 $0x27D0, s24;
	[sflag:s19] =	ssyncadd.s32 $0xFFFFD800  }
0x3e: {  	[spmem:s2] =	stream.indirect.scatter.add.f32 [tilespmem:s17], [sflag:$0x3], $0x80, s24, s15, $0xb8;
	[tilespmem:$0x1DF00] =	vst v63  }
0x3f: {  	_ =	swait.ge [sflag:s11], $0x2800  }
0x40: {  	s25 =	smov.u32 s29;
	s24 =	sshra.s32 s28, $0x2;
	[sflag:s11] =	ssyncset.done $0x0  }
0x41: {  	s25 =	sadd.s32 $0x50, s24;
	[sflag:s11] =	ssyncadd.s32 $0xFFFFD800  }
0x42: {  	[tilespmem:s17], [sflag:$0x2] =	stream.indirect.gather [hbm4b:s4+s15], $0x80, s25, s15, $0xb8;
	[tilespmem:$0x1DF00] =	vst v63  }
0x43: {  	_ =	swait.ge [sflag:s18], $0x2800  }
0x44: {  	[sflag:s18] =	ssyncset.done $0x0  }
0x45: {  	s29 =	sadd.s32 $0x2780, s24;
	[sflag:s18] =	ssyncadd.s32 $0xFFFFD800  }
0x46: {  	[spmem:s2] =	stream.indirect.scatter.add.f32 [tilespmem:s16], [sflag:$0x3], $0x80, s29, s15, $0xb8;
	[tilespmem:$0x1DF00] =	vst v63  }
0x47: {  	_ =	swait.ge [sflag:s11], $0x2800  }
0x48: {  	[sflag:s11] =	ssyncset.done $0x0  }
0x49: {  	s30 =	sadd.s32 $0xA0, s24;
	[sflag:s11] =	ssyncadd.s32 $0xFFFFD800  }
0x4a: {  	[tilespmem:s16], [sflag:$0x1] =	stream.indirect.gather [hbm4b:s4+s15], $0x80, s30, s15, $0xb8;
	[tilespmem:$0x1DF00] =	vst v63  }
0x4b: {  	_ =	swait.ge [sflag:s19], $0x2800  }
0x4c: {  	[sflag:s19] =	ssyncset.done $0x0  }
0x4d: {  	s31 =	sadd.s32 $0x27D0, s24;
	[sflag:s19] =	ssyncadd.s32 $0xFFFFD800  }
0x4e: {  	[spmem:s2] =	stream.indirect.scatter.add.f32 [tilespmem:s17], [sflag:$0x3], $0x80, s31, s15, $0xb8;
	[tilespmem:$0x1DF00] =	vst v63  }
0x4f: {  	_ =	swait.ge [sflag:s11], $0x2800  }
0x50: {  	[sflag:s11] =	ssyncset.done $0x0  }
0x51: {  	[sflag:s11] =	ssyncadd.s32 $0xFFFFD800  }
0x52: {  	_ =	swait.ge [sflag:s18], $0x2800  }
0x53: {  	[sflag:s18] =	ssyncset.done $0x0  }
0x54: {  	[sflag:s18] =	ssyncadd.s32 $0xFFFFD800  }
0x55: {  	[spmem:s2] =	stream.indirect.scatter.add.f32 [tilespmem:s16], [sflag:$0x3], $0x80, s20, s15, $0xb8;
	[tilespmem:$0x1DF00] =	vst v63  }
0x56: {  	_ =	swait.ge [sflag:s11], $0x2800  }
0x57: {  	[sflag:s11] =	ssyncset.done $0x0  }
0x58: {  	[sflag:s11] =	ssyncadd.s32 $0xFFFFD800  }
0x59: {  	s24 =	simm.s32 @p0 $0x3;
	[bflag:$0x0] =	sbarrier.arrive $0xFFFF  }
0x5a: {  	[hbm:s9], [sflag:s13] =	dma.local @p0 [spmem:s21], $0x1900  }
0x5b: {  	s23 =	sadd.s32 $0x1, s23;
	_ =	swait.ge @p0 [sflag:s24], $0x1900  }
0x5c: {  	p1 =	sne.s32 s23, s10;
	[sflag:s24] =	ssyncset.done @p0 $0x0  }
.Ltmp1:
0x5d: {  	[sflag:s24] =	ssyncadd.s32 @p0 $0xFFFFE700;
	s24 =	simm.s32 @!p0 $0x3;
	(pc) =	sbr.rel @p1 .LBB2_1-.Ltmp1, $4  }
0x5e: {  	[hbm:s8], [sflag:s13] =	dma.local @!p0 [spmem:s22], $0x2800  }
0x5f: {  	_ =	swait.ge @!p0 [sflag:s24], $0x2800  }
0x60: {  	[sflag:s24] =	ssyncset.done @!p0 $0x0  }
0x61: {  	[sflag:s24] =	ssyncadd.s32 @!p0 $0xFFFFD800  }
0x62: {  	_ =	sfence.sel $0x180000  }
0x63: {  	[bflag:$0x0] =	sbarrier.arrive $0xFFFF  }
0x64: {  	p0 =	sne.s32 s1, $0x0;
	_ =	strace $0x90000056  }
0x65: {  	s0 =	sadd.s32 @!p0 $0x100000, s0;
	[bflag:$0x2] =	sbarrier.arrive $0xFFFF  }
0x66: {  	[sflag:s0] =	ssyncadd.tile.s32 @!p0 $0x1;
	_ =	shalt  }
.Lfunc_end2:
_tile_overlayer_lowered:
.L_overlay_start_2:
0x67: {  	(tag) =	ssettag $0x2  }
0x68: {  	s0 =	rddreg [dreg:$0x0];
	s2 =	stileid.u32  }
0x69: {  	s1 =	rddreg [dreg:$0x1];
	p0 =	sne.s32 s2, $0x0  }
0x6a: {  	s3 =	rddreg [dreg:$0x2];
	[bflag:$0x3] =	sbarrier.arrive $0xFFFF;
	s2 =	simm.s32 @!p0 $0x1C03  }
0x6b: {  	[timem:s3], [sflag:s2] =	dma.local @!p0 [hbm:s0], s1  }
0x6c: {  	s0 =	simm.s32 @!p0 $0x3  }
0x6d: {  	_ =	swait.ge @!p0 [sflag:s0], s1  }
0x6e: {  	s1 =	ssub.s32 @!p0 $0x0, s1;
	[sflag:s0] =	ssyncset.done @!p0 $0x0  }
0x6f: {  	[sflag:s0] =	ssyncadd.s32 @!p0 s1  }
0x70: {  	[bflag:$0x3] =	sbarrier.arrive $0xFFFF  }
0x71: {  	_ =	shalt  }

</sc_bundles>
